<compile_context>
chip_gen: v7x
topology: tpu7x:2x2x1
jax: 0.10.2.dev20260603
libtpu: 0.0.44.dev20260713+nightly
codegen_flags: <defaults>
</compile_context>

<pallas_src>
import functools
import jax
import jax.numpy as jnp
from jax import lax
from jax.experimental import pallas as pl
from jax.experimental.pallas import tpu as pltpu
from jax.experimental.pallas import tpu_sc as plsc

N_NODES = 10000
N_EDGES = 320000
D_FEAT = 128
D_HID = 16
N_CLASSES = 40

NC, NS, LANES = 2, 16, 16
NW = NC * NS
CHUNK = 128
E_TILE = N_EDGES // NW
NFULL = E_TILE // CHUNK
TAIL = E_TILE - NFULL * CHUNK
ACC_ROWS = ((N_NODES + NS * CHUNK - 1) // (NS * CHUNK)) * (NS * CHUNK)

NBUF = 6
KLAG = 3
NDEG = 8

_ZROWS = ACC_ROWS // NS
_OUT_ROWS = N_NODES // NS

_mesh = plsc.VectorSubcoreMesh(
    core_axis_name="c", subcore_axis_name="s", num_cores=NC, num_subcores=NS
)


def _rsqrt16(x):
    i = plsc.bitcast(x, jnp.int32)
    i = 0x5F3759DF - lax.shift_right_logical(i, 1)
    y = plsc.bitcast(i, jnp.float32)
    for _ in range(2):
        y = y * (1.5 - 0.5 * x * y * y)
    return y


def _fill_zero_bufs(zbuf, zbuf1):
    def zrow(i, _):
        zbuf[i] = jnp.zeros((LANES,), jnp.float32)
        return 0

    lax.fori_loop(0, CHUNK, zrow, 0)
    for i in range(CHUNK // LANES):
        zbuf1[pl.ds(i * LANES, LANES)] = jnp.zeros((LANES,), jnp.float32)


def _fill_ones(obuf1):
    for i in range(CHUNK // LANES):
        obuf1[pl.ds(i * LANES, LANES)] = jnp.ones((LANES,), jnp.float32)


def _deg_phase(dacc, idx_d, idx_dm, obuf1, dsem):

    def s_start(buf, c, n=CHUNK):
        b = c % NDEG
        pltpu.async_copy(obuf1.at[pl.ds(0, n)],
                         dacc.at[buf.at[pl.ds(c * CHUNK, n)]],
                         dsem.at[b], add=True)

    def s_wait(buf, c, n=CHUNK):
        b = c % NDEG
        pltpu.make_async_copy(obuf1.at[pl.ds(0, n)],
                              dacc.at[buf.at[pl.ds(c * CHUNK, n)]],
                              dsem.at[b]).wait()

    for buf in (idx_d, idx_dm):
        for j in range(NDEG):
            s_start(buf, j)

        def step(j, _):
            s_wait(buf, j - NDEG)
            s_start(buf, j)
            return 0

        lax.fori_loop(NDEG, NFULL, step, 0)
        for c in range(NFULL - NDEG, NFULL):
            s_wait(buf, c)
        s_start(buf, NFULL, TAIL)
        s_wait(buf, NFULL, TAIL)


def _edge_pipeline(table, acc, idx_s, idx_d, rbuf, gsem, ssem):

    def g_start(c, n=CHUNK):
        b = c % NBUF
        pltpu.async_copy(table.at[idx_s.at[pl.ds(c * CHUNK, n)]],
                         rbuf.at[b].at[pl.ds(0, n)], gsem.at[b])

    def g_wait(c, n=CHUNK):
        b = c % NBUF
        pltpu.make_async_copy(table.at[idx_s.at[pl.ds(c * CHUNK, n)]],
                              rbuf.at[b].at[pl.ds(0, n)], gsem.at[b]).wait()

    def s_start(c, n=CHUNK):
        b = c % NBUF
        pltpu.async_copy(rbuf.at[b].at[pl.ds(0, n)],
                         acc.at[idx_d.at[pl.ds(c * CHUNK, n)]],
                         ssem.at[b], add=True)

    def s_wait(c, n=CHUNK):
        b = c % NBUF
        pltpu.make_async_copy(rbuf.at[b].at[pl.ds(0, n)],
                              acc.at[idx_d.at[pl.ds(c * CHUNK, n)]],
                              ssem.at[b]).wait()

    for j in range(KLAG):
        g_start(j)
    for j in range(KLAG, NBUF):
        g_start(j)
        g_wait(j - KLAG)
        s_start(j - KLAG)

    def steady(j, _):
        s_wait(j - NBUF)
        g_start(j)
        g_wait(j - KLAG)
        s_start(j - KLAG)
        return 0

    lax.fori_loop(NBUF, NFULL, steady, 0)
    for c in range(NFULL - KLAG, NFULL):
        g_wait(c)
        s_start(c)
    for c in range(NFULL - NBUF, NFULL):
        s_wait(c)
    g_start(NFULL, TAIL)
    g_wait(NFULL, TAIL)
    s_start(NFULL, TAIL)
    s_wait(NFULL, TAIL)


def _common_prologue(ei_hbm, idx_s, idx_d, idx_dm,
                     zbuf, zbuf1, obuf1, dacc, acc, dsem):
    cid = lax.axis_index("c")
    sid = lax.axis_index("s")
    t = cid * NS + sid
    tm = (1 - cid) * NS + sid
    pltpu.sync_copy(ei_hbm.at[0].at[pl.ds(t * E_TILE, E_TILE)], idx_s)
    pltpu.sync_copy(ei_hbm.at[1].at[pl.ds(t * E_TILE, E_TILE)], idx_d)
    pltpu.sync_copy(ei_hbm.at[1].at[pl.ds(tm * E_TILE, E_TILE)], idx_dm)
    _fill_zero_bufs(zbuf, zbuf1)
    _fill_ones(obuf1)
    base = sid * _ZROWS
    for k in range(_ZROWS // CHUNK):
        pltpu.sync_copy(zbuf, acc.at[pl.ds(base + k * CHUNK, CHUNK)])
        pltpu.sync_copy(zbuf1, dacc.at[pl.ds(base + k * CHUNK, CHUNK)])
    plsc.subcore_barrier()
    _deg_phase(dacc, idx_d, idx_dm, obuf1, dsem)
    plsc.subcore_barrier()
    return cid, sid


def _load_deg_slice(dacc, dbuf, sid):
    base = sid * _OUT_ROWS
    abase = (base // 8) * 8
    pltpu.sync_copy(dacc.at[pl.ds(abase, _ZROWS)], dbuf.at[pl.ds(0, _ZROWS)])
    return base - abase


def _deg_bcast(dbuf, r):
    v = dbuf[pl.ds(r, LANES)]
    return jnp.broadcast_to(v[0] + 1.0, (LANES,))


_SC_SCRATCH = [
    pltpu.VMEM((E_TILE,), jnp.int32),
    pltpu.VMEM((E_TILE,), jnp.int32),
    pltpu.VMEM((E_TILE,), jnp.int32),
    pltpu.VMEM((NBUF, CHUNK, D_HID), jnp.float32),
    pltpu.VMEM((CHUNK, D_HID), jnp.float32),
    pltpu.VMEM((CHUNK,), jnp.float32),
    pltpu.VMEM((CHUNK,), jnp.float32),
    pltpu.VMEM((_ZROWS + LANES,), jnp.float32),
    pltpu.VMEM((_OUT_ROWS, D_HID), jnp.float32),
    pltpu.VMEM_SHARED((ACC_ROWS, D_HID), jnp.float32),
    pltpu.VMEM_SHARED((ACC_ROWS, D_HID), jnp.float32),
    pltpu.VMEM_SHARED((ACC_ROWS,), jnp.float32),
    pltpu.SemaphoreType.DMA((NBUF,)),
    pltpu.SemaphoreType.DMA((NBUF,)),
    pltpu.SemaphoreType.DMA((NDEG,)),
]


@functools.partial(
    pl.kernel,
    out_type=jax.ShapeDtypeStruct((NC, N_NODES, D_HID), jnp.float32),
    mesh=_mesh,
    scratch_types=_SC_SCRATCH,
    compiler_params=pltpu.CompilerParams(
        use_tc_tiling_on_sc=False, needs_layout_passes=False
    ),
)
def _sc_layer1(ei_hbm, h1_hbm, out_hbm,
               idx_s, idx_d, idx_dm, rbuf, zbuf, zbuf1, obuf1, dbuf, fbuf,
               table, acc, dacc, gsem, ssem, dsem):
    cid, sid = _common_prologue(ei_hbm, idx_s, idx_d, idx_dm,
                                zbuf, zbuf1, obuf1, dacc, acc, dsem)
    base = sid * _OUT_ROWS
    off = _load_deg_slice(dacc, dbuf, sid)
    pltpu.sync_copy(h1_hbm.at[pl.ds(base, _OUT_ROWS)], fbuf)

    def prep_row(r, _):
        dinv = _rsqrt16(_deg_bcast(dbuf, r + off))
        fbuf[r] = fbuf[r] * dinv
        return 0

    lax.fori_loop(0, _OUT_ROWS, prep_row, 0)
    pltpu.sync_copy(fbuf, table.at[pl.ds(base, _OUT_ROWS)])
    plsc.subcore_barrier()
    _edge_pipeline(table, acc, idx_s, idx_d, rbuf, gsem, ssem)
    plsc.subcore_barrier()
    pltpu.sync_copy(
        acc.at[pl.ds(base, _OUT_ROWS)],
        out_hbm.at[cid].at[pl.ds(base, _OUT_ROWS)],
    )


@functools.partial(
    pl.kernel,
    out_type=jax.ShapeDtypeStruct((NC, N_NODES, D_HID), jnp.float32),
    mesh=_mesh,
    scratch_types=_SC_SCRATCH + [
        pltpu.VMEM((_OUT_ROWS, D_HID), jnp.float32),
        pltpu.VMEM((_OUT_ROWS, D_HID), jnp.float32),
        pltpu.VMEM((_OUT_ROWS, D_HID), jnp.float32),
        pltpu.VMEM((_OUT_ROWS, D_HID), jnp.float32),
        pltpu.VMEM((LANES,), jnp.float32),
    ],
    compiler_params=pltpu.CompilerParams(
        use_tc_tiling_on_sc=False, needs_layout_passes=False
    ),
)
def _sc_layer2(ei_hbm, h1_hbm, p1_hbm, b1_hbm, out_hbm,
               idx_s, idx_d, idx_dm, rbuf, zbuf, zbuf1, obuf1, dbuf, fbuf,
               table, acc, dacc, gsem, ssem, dsem,
               p0buf, p1buf, s2buf, dvbuf, b1buf):
    cid, sid = _common_prologue(ei_hbm, idx_s, idx_d, idx_dm,
                                zbuf, zbuf1, obuf1, dacc, acc, dsem)
    base = sid * _OUT_ROWS
    off = _load_deg_slice(dacc, dbuf, sid)
    pltpu.sync_copy(h1_hbm.at[pl.ds(base, _OUT_ROWS)], fbuf)
    pltpu.sync_copy(p1_hbm.at[0].at[pl.ds(base, _OUT_ROWS)], p0buf)
    pltpu.sync_copy(p1_hbm.at[1].at[pl.ds(base, _OUT_ROWS)], p1buf)
    pltpu.sync_copy(b1_hbm, b1buf)
    b1v = b1buf[...]

    def prep_row(r, _):
        dinv = _rsqrt16(_deg_bcast(dbuf, r + off))
        h = dinv * (p0buf[r] + p1buf[r]) + dinv * dinv * fbuf[r] + b1v
        h = jnp.maximum(h, 0.0)
        fbuf[r] = h * dinv
        s2buf[r] = h * dinv * dinv
        dvbuf[r] = dinv
        return 0

    lax.fori_loop(0, _OUT_ROWS, prep_row, 0)
    pltpu.sync_copy(fbuf, table.at[pl.ds(base, _OUT_ROWS)])
    plsc.subcore_barrier()
    _edge_pipeline(table, acc, idx_s, idx_d, rbuf, gsem, ssem)
    plsc.subcore_barrier()
    pltpu.sync_copy(acc.at[pl.ds(base, _OUT_ROWS)], p0buf)
    f = jnp.broadcast_to(
        jnp.where(cid == 0, 1.0, 0.0).astype(jnp.float32), (LANES,)
    )

    def z_row(r, _):
        p0buf[r] = dvbuf[r] * p0buf[r] + f * s2buf[r]
        return 0

    lax.fori_loop(0, _OUT_ROWS, z_row, 0)
    pltpu.sync_copy(p0buf, out_hbm.at[cid].at[pl.ds(base, _OUT_ROWS)])


def _tc_matmul1(x_ref, w_ref, o_ref):
    o_ref[...] = jnp.dot(x_ref[...], w_ref[...], preferred_element_type=jnp.float32)


def _tc_final(zp_ref, w2_ref, b2_ref, o_ref):
    z = zp_ref[0] + zp_ref[1]
    logits = jnp.dot(z, w2_ref[...], preferred_element_type=jnp.float32) + b2_ref[...]
    m = jnp.max(logits, axis=1, keepdims=True)
    e = jnp.exp(logits - m)
    o_ref[...] = logits - m - jnp.log(jnp.sum(e, axis=1, keepdims=True))


def _f32(shape):
    return jax.ShapeDtypeStruct(shape, jnp.float32)


@jax.jit
def kernel(x, edge_index, W1, b1, W2, b2):
    ei = edge_index.astype(jnp.int32)
    h1 = pl.pallas_call(_tc_matmul1, out_shape=_f32((N_NODES, D_HID)))(x, W1)
    agg1 = _sc_layer1(ei, h1)
    zp = _sc_layer2(ei, h1, agg1, b1)
    out = pl.pallas_call(
        _tc_final,
        out_shape=_f32((N_NODES, N_CLASSES)),
    )(zp, W2, b2.reshape(1, N_CLASSES))
    return out

# --- scband reference (transcript-rebuilt; emitter-appended) ---
"""Pipeline reference for scband-gcn-18760417148941 (READ-ONLY COPY).

The authoritative reference and input builder live on the scoring server;
editing this copy changes nothing except your own understanding.
"""

import jax, jax.numpy as jnp
import numpy as np

N_NODES = 10000
N_EDGES = 320000
D_FEAT = 128
D_HID = 16
N_CLASSES = 40


def gcn_conv(x, edge_index, W, b, num_nodes):
    # PyG GCNConv: linear transform, add self-loops, symmetric normalization, scatter-add aggregate, bias
    x = x @ W
    src = edge_index[0]
    dst = edge_index[1]
    loop = jnp.arange(num_nodes, dtype=edge_index.dtype)
    src = jnp.concatenate([src, loop])
    dst = jnp.concatenate([dst, loop])
    deg = jnp.zeros((num_nodes,), dtype=x.dtype).at[dst].add(1.0)
    deg_inv_sqrt = jnp.where(deg > 0, deg ** -0.5, 0.0)
    norm = deg_inv_sqrt[src] * deg_inv_sqrt[dst]
    msg = x[src] * norm[:, None]
    out = jnp.zeros_like(x).at[dst].add(msg)
    return out + b


def setup_inputs(seed: int = 0) -> dict:
    key = jax.random.key(seed)
    k1, k2, k3, k4, k5, k6 = jax.random.split(key, 6)
    x = jax.random.normal(k1, (N_NODES, D_FEAT), dtype=jnp.float32)
    edge_index = jax.random.randint(k2, (2, N_EDGES), 0, N_NODES, dtype=jnp.int64)
    s1 = 1.0 / np.sqrt(D_FEAT)
    s2 = 1.0 / np.sqrt(D_HID)
    W1 = jax.random.uniform(k3, (D_FEAT, D_HID), dtype=jnp.float32, minval=-s1, maxval=s1)
    b1 = jnp.zeros((D_HID,), dtype=jnp.float32)
    W2 = jax.random.uniform(k4, (D_HID, N_CLASSES), dtype=jnp.float32, minval=-s2, maxval=s2)
    b2 = jnp.zeros((N_CLASSES,), dtype=jnp.float32)
    return {"x": x, "edge_index": edge_index, "W1": W1, "b1": b1, "W2": W2, "b2": b2}


def reference(x, edge_index, W1, b1, W2, b2):
    h = gcn_conv(x, edge_index, W1, b1, N_NODES)
    h = jax.nn.relu(h)
    h = gcn_conv(h, edge_index, W2, b2, N_NODES)
    return jax.nn.log_softmax(h, axis=1)

if __name__ == "__main__":
    import jax
    _d = setup_inputs()
    print(jax.jit(kernel)(*tuple(_d.values())))

</pallas_src>

<mosaic_0001>
#map = affine_map<(d0, d1) -> (0, 0)>
#map1 = affine_map<(d0, d1) -> (0, 0, 0)>
module attributes {stable_mosaic.version = 14 : i64} {
  func.func @_sc_layer1(%arg0: i32, %arg1: i32, %arg2: memref<2x320000xi32, #tpu.memory_space<hbm>>, %arg3: memref<10000x16xf32, #tpu.memory_space<hbm>>, %arg4: memref<2x10000x16xf32, #tpu.memory_space<hbm>>, %arg5: memref<10000xi32, #tpu.memory_space<vmem>>, %arg6: memref<10000xi32, #tpu.memory_space<vmem>>, %arg7: memref<10000xi32, #tpu.memory_space<vmem>>, %arg8: memref<6x128x16xf32, #tpu.memory_space<vmem>>, %arg9: memref<128x16xf32, #tpu.memory_space<vmem>>, %arg10: memref<128xf32, #tpu.memory_space<vmem>>, %arg11: memref<128xf32, #tpu.memory_space<vmem>>, %arg12: memref<656xf32, #tpu.memory_space<vmem>>, %arg13: memref<625x16xf32, #tpu.memory_space<vmem>>, %arg14: memref<10240x16xf32, #tpu.memory_space<vmem_shared>>, %arg15: memref<10240x16xf32, #tpu.memory_space<vmem_shared>>, %arg16: memref<10240xf32, #tpu.memory_space<vmem_shared>>, %arg17: memref<6x!tpu.dma_semaphore, #tpu.memory_space<semaphore_mem>>, %arg18: memref<6x!tpu.dma_semaphore, #tpu.memory_space<semaphore_mem>>, %arg19: memref<8x!tpu.dma_semaphore, #tpu.memory_space<semaphore_mem>>) attributes {dimension_semantics = [#tpu.dimension_semantics<core_parallel>, #tpu.dimension_semantics<subcore_parallel>], iteration_bounds = array<i64: 2, 16>, scalar_prefetch = 0 : i64, scratch_operands = 15 : i64, tpu.core_type = #tpu.core_type<sc_vector_subcore>, window_params = [{transform_indices = #map}, {transform_indices = #map}, {transform_indices = #map1}]} {
    %mul3A = arith.constant 16 : i32
    %mul3A_0 = arith.muli %arg0, %mul3A : i32
    %add3A = arith.addi %mul3A_0, %arg1 : i32
    %sub3A = arith.constant 1 : i32
    %sub3A_1 = arith.subi %sub3A, %arg0 : i32
    %mul3A_2 = arith.constant 16 : i32
    %mul3A_3 = arith.muli %sub3A_1, %mul3A_2 : i32
    %add3A_4 = arith.addi %mul3A_3, %arg1 : i32
    %mul3A_5 = arith.constant 10000 : i32
    %mul3A_6 = arith.muli %add3A, %mul3A_5 : i32
    %run_scoped3A = arith.constant 0 : i32
    "tpu.region"() ({
      %run_scoped3A_928 = tpu.sem_alloc : memref<!tpu.dma_semaphore, #tpu.memory_space<semaphore_mem>>
      %dma_start3A_929 = arith.constant 0 : i32
      %dma_start3A_930 = tpu.memref_slice %arg2[%run_scoped3A, %dma_start3A_929] : memref<2x320000xi32, #tpu.memory_space<hbm>> -> memref<1x320000xi32, #tpu.memory_space<hbm>>
      %dma_start3A_931 = tpu.memref_squeeze %dma_start3A_930 : memref<1x320000xi32, #tpu.memory_space<hbm>> -> memref<320000xi32, #tpu.memory_space<hbm>>
      %dma_start3A_932 = tpu.memref_slice %dma_start3A_931[%mul3A_6] : memref<320000xi32, #tpu.memory_space<hbm>> -> memref<10000xi32, #tpu.memory_space<hbm>>
      %dma_start3A_933 = arith.constant 0 : i32
      %dma_start3A_934 = tpu.memref_slice %arg2[%run_scoped3A, %dma_start3A_933] : memref<2x320000xi32, #tpu.memory_space<hbm>> -> memref<1x320000xi32, #tpu.memory_space<hbm>>
      %dma_start3A_935 = tpu.memref_squeeze %dma_start3A_934 : memref<1x320000xi32, #tpu.memory_space<hbm>> -> memref<320000xi32, #tpu.memory_space<hbm>>
      %dma_start3A_936 = tpu.memref_slice %dma_start3A_935[%mul3A_6] : memref<320000xi32, #tpu.memory_space<hbm>> -> memref<10000xi32, #tpu.memory_space<hbm>>
      tpu.enqueue_dma source(%dma_start3A_936 : memref<10000xi32, #tpu.memory_space<hbm>>) target(%arg5 : memref<10000xi32, #tpu.memory_space<vmem>>) target_semaphore(%run_scoped3A_928 : memref<!tpu.dma_semaphore, #tpu.memory_space<semaphore_mem>>)
      %dma_wait3A_937 = arith.constant 0 : i32
      %dma_wait3A_938 = tpu.memref_slice %arg2[%run_scoped3A, %dma_wait3A_937] : memref<2x320000xi32, #tpu.memory_space<hbm>> -> memref<1x320000xi32, #tpu.memory_space<hbm>>
      %dma_wait3A_939 = tpu.memref_squeeze %dma_wait3A_938 : memref<1x320000xi32, #tpu.memory_space<hbm>> -> memref<320000xi32, #tpu.memory_space<hbm>>
      %dma_wait3A_940 = tpu.memref_slice %dma_wait3A_939[%mul3A_6] : memref<320000xi32, #tpu.memory_space<hbm>> -> memref<10000xi32, #tpu.memory_space<hbm>>
      %dma_wait3A_941 = arith.constant 0 : i32
      %dma_wait3A_942 = tpu.memref_slice %arg2[%run_scoped3A, %dma_wait3A_941] : memref<2x320000xi32, #tpu.memory_space<hbm>> -> memref<1x320000xi32, #tpu.memory_space<hbm>>
      %dma_wait3A_943 = tpu.memref_squeeze %dma_wait3A_942 : memref<1x320000xi32, #tpu.memory_space<hbm>> -> memref<320000xi32, #tpu.memory_space<hbm>>
      %dma_wait3A_944 = tpu.memref_slice %dma_wait3A_943[%mul3A_6] : memref<320000xi32, #tpu.memory_space<hbm>> -> memref<10000xi32, #tpu.memory_space<hbm>>
      tpu.wait_dma2 semaphore(%run_scoped3A_928 : memref<!tpu.dma_semaphore, #tpu.memory_space<semaphore_mem>>) src(%dma_wait3A_944 : memref<10000xi32, #tpu.memory_space<hbm>>) dst(%arg5 : memref<10000xi32, #tpu.memory_space<vmem>>)
      tpu.yield
    }) : () -> ()
    %mul3A_7 = arith.constant 10000 : i32
    %mul3A_8 = arith.muli %add3A, %mul3A_7 : i32
    %run_scoped3A_9 = arith.constant 1 : i32
    "tpu.region"() ({
      %run_scoped3A_928 = tpu.sem_alloc : memref<!tpu.dma_semaphore, #tpu.memory_space<semaphore_mem>>
      %dma_start3A_929 = arith.constant 0 : i32
      %dma_start3A_930 = tpu.memref_slice %arg2[%run_scoped3A_9, %dma_start3A_929] : memref<2x320000xi32, #tpu.memory_space<hbm>> -> memref<1x320000xi32, #tpu.memory_space<hbm>>
      %dma_start3A_931 = tpu.memref_squeeze %dma_start3A_930 : memref<1x320000xi32, #tpu.memory_space<hbm>> -> memref<320000xi32, #tpu.memory_space<hbm>>
      %dma_start3A_932 = tpu.memref_slice %dma_start3A_931[%mul3A_8] : memref<320000xi32, #tpu.memory_space<hbm>> -> memref<10000xi32, #tpu.memory_space<hbm>>
      %dma_start3A_933 = arith.constant 0 : i32
      %dma_start3A_934 = tpu.memref_slice %arg2[%run_scoped3A_9, %dma_start3A_933] : memref<2x320000xi32, #tpu.memory_space<hbm>> -> memref<1x320000xi32, #tpu.memory_space<hbm>>
      %dma_start3A_935 = tpu.memref_squeeze %dma_start3A_934 : memref<1x320000xi32, #tpu.memory_space<hbm>> -> memref<320000xi32, #tpu.memory_space<hbm>>
      %dma_start3A_936 = tpu.memref_slice %dma_start3A_935[%mul3A_8] : memref<320000xi32, #tpu.memory_space<hbm>> -> memref<10000xi32, #tpu.memory_space<hbm>>
      tpu.enqueue_dma source(%dma_start3A_936 : memref<10000xi32, #tpu.memory_space<hbm>>) target(%arg6 : memref<10000xi32, #tpu.memory_space<vmem>>) target_semaphore(%run_scoped3A_928 : memref<!tpu.dma_semaphore, #tpu.memory_space<semaphore_mem>>)
      %dma_wait3A_937 = arith.constant 0 : i32
      %dma_wait3A_938 = tpu.memref_slice %arg2[%run_scoped3A_9, %dma_wait3A_937] : memref<2x320000xi32, #tpu.memory_space<hbm>> -> memref<1x320000xi32, #tpu.memory_space<hbm>>
      %dma_wait3A_939 = tpu.memref_squeeze %dma_wait3A_938 : memref<1x320000xi32, #tpu.memory_space<hbm>> -> memref<320000xi32, #tpu.memory_space<hbm>>
      %dma_wait3A_940 = tpu.memref_slice %dma_wait3A_939[%mul3A_8] : memref<320000xi32, #tpu.memory_space<hbm>> -> memref<10000xi32, #tpu.memory_space<hbm>>
      %dma_wait3A_941 = arith.constant 0 : i32
      %dma_wait3A_942 = tpu.memref_slice %arg2[%run_scoped3A_9, %dma_wait3A_941] : memref<2x320000xi32, #tpu.memory_space<hbm>> -> memref<1x320000xi32, #tpu.memory_space<hbm>>
      %dma_wait3A_943 = tpu.memref_squeeze %dma_wait3A_942 : memref<1x320000xi32, #tpu.memory_space<hbm>> -> memref<320000xi32, #tpu.memory_space<hbm>>
      %dma_wait3A_944 = tpu.memref_slice %dma_wait3A_943[%mul3A_8] : memref<320000xi32, #tpu.memory_space<hbm>> -> memref<10000xi32, #tpu.memory_space<hbm>>
      tpu.wait_dma2 semaphore(%run_scoped3A_928 : memref<!tpu.dma_semaphore, #tpu.memory_space<semaphore_mem>>) src(%dma_wait3A_944 : memref<10000xi32, #tpu.memory_space<hbm>>) dst(%arg6 : memref<10000xi32, #tpu.memory_space<vmem>>)
      tpu.yield
    }) : () -> ()
    %mul3A_10 = arith.constant 10000 : i32
    %mul3A_11 = arith.muli %add3A_4, %mul3A_10 : i32
    %run_scoped3A_12 = arith.constant 1 : i32
    "tpu.region"() ({
      %run_scoped3A_928 = tpu.sem_alloc : memref<!tpu.dma_semaphore, #tpu.memory_space<semaphore_mem>>
      %dma_start3A_929 = arith.constant 0 : i32
      %dma_start3A_930 = tpu.memref_slice %arg2[%run_scoped3A_12, %dma_start3A_929] : memref<2x320000xi32, #tpu.memory_space<hbm>> -> memref<1x320000xi32, #tpu.memory_space<hbm>>
      %dma_start3A_931 = tpu.memref_squeeze %dma_start3A_930 : memref<1x320000xi32, #tpu.memory_space<hbm>> -> memref<320000xi32, #tpu.memory_space<hbm>>
      %dma_start3A_932 = tpu.memref_slice %dma_start3A_931[%mul3A_11] : memref<320000xi32, #tpu.memory_space<hbm>> -> memref<10000xi32, #tpu.memory_space<hbm>>
      %dma_start3A_933 = arith.constant 0 : i32
      %dma_start3A_934 = tpu.memref_slice %arg2[%run_scoped3A_12, %dma_start3A_933] : memref<2x320000xi32, #tpu.memory_space<hbm>> -> memref<1x320000xi32, #tpu.memory_space<hbm>>
      %dma_start3A_935 = tpu.memref_squeeze %dma_start3A_934 : memref<1x320000xi32, #tpu.memory_space<hbm>> -> memref<320000xi32, #tpu.memory_space<hbm>>
      %dma_start3A_936 = tpu.memref_slice %dma_start3A_935[%mul3A_11] : memref<320000xi32, #tpu.memory_space<hbm>> -> memref<10000xi32, #tpu.memory_space<hbm>>
      tpu.enqueue_dma source(%dma_start3A_936 : memref<10000xi32, #tpu.memory_space<hbm>>) target(%arg7 : memref<10000xi32, #tpu.memory_space<vmem>>) target_semaphore(%run_scoped3A_928 : memref<!tpu.dma_semaphore, #tpu.memory_space<semaphore_mem>>)
      %dma_wait3A_937 = arith.constant 0 : i32
      %dma_wait3A_938 = tpu.memref_slice %arg2[%run_scoped3A_12, %dma_wait3A_937] : memref<2x320000xi32, #tpu.memory_space<hbm>> -> memref<1x320000xi32, #tpu.memory_space<hbm>>
      %dma_wait3A_939 = tpu.memref_squeeze %dma_wait3A_938 : memref<1x320000xi32, #tpu.memory_space<hbm>> -> memref<320000xi32, #tpu.memory_space<hbm>>
      %dma_wait3A_940 = tpu.memref_slice %dma_wait3A_939[%mul3A_11] : memref<320000xi32, #tpu.memory_space<hbm>> -> memref<10000xi32, #tpu.memory_space<hbm>>
      %dma_wait3A_941 = arith.constant 0 : i32
      %dma_wait3A_942 = tpu.memref_slice %arg2[%run_scoped3A_12, %dma_wait3A_941] : memref<2x320000xi32, #tpu.memory_space<hbm>> -> memref<1x320000xi32, #tpu.memory_space<hbm>>
      %dma_wait3A_943 = tpu.memref_squeeze %dma_wait3A_942 : memref<1x320000xi32, #tpu.memory_space<hbm>> -> memref<320000xi32, #tpu.memory_space<hbm>>
      %dma_wait3A_944 = tpu.memref_slice %dma_wait3A_943[%mul3A_11] : memref<320000xi32, #tpu.memory_space<hbm>> -> memref<10000xi32, #tpu.memory_space<hbm>>
      tpu.wait_dma2 semaphore(%run_scoped3A_928 : memref<!tpu.dma_semaphore, #tpu.memory_space<semaphore_mem>>) src(%dma_wait3A_944 : memref<10000xi32, #tpu.memory_space<hbm>>) dst(%arg7 : memref<10000xi32, #tpu.memory_space<vmem>>)
      tpu.yield
    }) : () -> ()
    %scan3A = arith.constant 0 : i32
    %scan3A_13 = arith.constant 0 : i32
    %scan3A_14 = arith.constant 128 : i32
    %scan3A_15 = arith.addi %scan3A_13, %scan3A_14 : i32
    %scan3A_16 = arith.constant 1 : i32
    %scan3A_17 = scf.for %scan3A_928 = %scan3A_13 to %scan3A_15 step %scan3A_16 iter_args(%scan3A_929 = %scan3A) -> (i32)  : i32 {
      %broadcast_in_dim3A_930 = arith.constant 0.000000e+00 : f32
      %broadcast_in_dim3A_931 = vector.broadcast %broadcast_in_dim3A_930 : f32 to vector<16xf32>
      %swap3A_932 = arith.index_cast %scan3A_928 : i32 to index
      %swap3A_933 = arith.constant 0 : index
      %swap3A_934 = tpu.vector_load %arg9[%swap3A_932, %swap3A_933] {strides = array<i32>} : memref<128x16xf32, #tpu.memory_space<vmem>>, vector<16xf32>,
      tpu.vector_store %arg9[%swap3A_932, %swap3A_933], %broadcast_in_dim3A_931 {strides = array<i32>} : memref<128x16xf32, #tpu.memory_space<vmem>>, vector<16xf32>,
      %scan3A_935 = arith.constant 0 : i32
      scf.yield %scan3A_935 : i32
    }
    %scan3A_18 = arith.constant 128 : i32
    %broadcast_in_dim3A = arith.constant 0.000000e+00 : f32
    %broadcast_in_dim3A_19 = vector.broadcast %broadcast_in_dim3A : f32 to vector<16xf32>
    %swap3A = arith.constant 0 : index
    %swap3A_20 = tpu.vector_load %arg10[%swap3A] {strides = array<i32>} : memref<128xf32, #tpu.memory_space<vmem>>, vector<16xf32>,
    tpu.vector_store %arg10[%swap3A], %broadcast_in_dim3A_19 {strides = array<i32>} : memref<128xf32, #tpu.memory_space<vmem>>, vector<16xf32>,
    %broadcast_in_dim3A_21 = arith.constant 0.000000e+00 : f32
    %broadcast_in_dim3A_22 = vector.broadcast %broadcast_in_dim3A_21 : f32 to vector<16xf32>
    %swap3A_23 = arith.constant 16 : index
    %swap3A_24 = tpu.vector_load %arg10[%swap3A_23] {strides = array<i32>} : memref<128xf32, #tpu.memory_space<vmem>>, vector<16xf32>,
    tpu.vector_store %arg10[%swap3A_23], %broadcast_in_dim3A_22 {strides = array<i32>} : memref<128xf32, #tpu.memory_space<vmem>>, vector<16xf32>,
    %broadcast_in_dim3A_25 = arith.constant 0.000000e+00 : f32
    %broadcast_in_dim3A_26 = vector.broadcast %broadcast_in_dim3A_25 : f32 to vector<16xf32>
    %swap3A_27 = arith.constant 32 : index
    %swap3A_28 = tpu.vector_load %arg10[%swap3A_27] {strides = array<i32>} : memref<128xf32, #tpu.memory_space<vmem>>, vector<16xf32>,
    tpu.vector_store %arg10[%swap3A_27], %broadcast_in_dim3A_26 {strides = array<i32>} : memref<128xf32, #tpu.memory_space<vmem>>, vector<16xf32>,
    %broadcast_in_dim3A_29 = arith.constant 0.000000e+00 : f32
    %broadcast_in_dim3A_30 = vector.broadcast %broadcast_in_dim3A_29 : f32 to vector<16xf32>
    %swap3A_31 = arith.constant 48 : index
    %swap3A_32 = tpu.vector_load %arg10[%swap3A_31] {strides = array<i32>} : memref<128xf32, #tpu.memory_space<vmem>>, vector<16xf32>,
    tpu.vector_store %arg10[%swap3A_31], %broadcast_in_dim3A_30 {strides = array<i32>} : memref<128xf32, #tpu.memory_space<vmem>>, vector<16xf32>,
    %broadcast_in_dim3A_33 = arith.constant 0.000000e+00 : f32
    %broadcast_in_dim3A_34 = vector.broadcast %broadcast_in_dim3A_33 : f32 to vector<16xf32>
    %swap3A_35 = arith.constant 64 : index
    %swap3A_36 = tpu.vector_load %arg10[%swap3A_35] {strides = array<i32>} : memref<128xf32, #tpu.memory_space<vmem>>, vector<16xf32>,
    tpu.vector_store %arg10[%swap3A_35], %broadcast_in_dim3A_34 {strides = array<i32>} : memref<128xf32, #tpu.memory_space<vmem>>, vector<16xf32>,
    %broadcast_in_dim3A_37 = arith.constant 0.000000e+00 : f32
    %broadcast_in_dim3A_38 = vector.broadcast %broadcast_in_dim3A_37 : f32 to vector<16xf32>
    %swap3A_39 = arith.constant 80 : index
    %swap3A_40 = tpu.vector_load %arg10[%swap3A_39] {strides = array<i32>} : memref<128xf32, #tpu.memory_space<vmem>>, vector<16xf32>,
    tpu.vector_store %arg10[%swap3A_39], %broadcast_in_dim3A_38 {strides = array<i32>} : memref<128xf32, #tpu.memory_space<vmem>>, vector<16xf32>,
    %broadcast_in_dim3A_41 = arith.constant 0.000000e+00 : f32
    %broadcast_in_dim3A_42 = vector.broadcast %broadcast_in_dim3A_41 : f32 to vector<16xf32>
    %swap3A_43 = arith.constant 96 : index
    %swap3A_44 = tpu.vector_load %arg10[%swap3A_43] {strides = array<i32>} : memref<128xf32, #tpu.memory_space<vmem>>, vector<16xf32>,
    tpu.vector_store %arg10[%swap3A_43], %broadcast_in_dim3A_42 {strides = array<i32>} : memref<128xf32, #tpu.memory_space<vmem>>, vector<16xf32>,
    %broadcast_in_dim3A_45 = arith.constant 0.000000e+00 : f32
    %broadcast_in_dim3A_46 = vector.broadcast %broadcast_in_dim3A_45 : f32 to vector<16xf32>
    %swap3A_47 = arith.constant 112 : index
    %swap3A_48 = tpu.vector_load %arg10[%swap3A_47] {strides = array<i32>} : memref<128xf32, #tpu.memory_space<vmem>>, vector<16xf32>,
    tpu.vector_store %arg10[%swap3A_47], %broadcast_in_dim3A_46 {strides = array<i32>} : memref<128xf32, #tpu.memory_space<vmem>>, vector<16xf32>,
    %broadcast_in_dim3A_49 = arith.constant 1.000000e+00 : f32
    %broadcast_in_dim3A_50 = vector.broadcast %broadcast_in_dim3A_49 : f32 to vector<16xf32>
    %swap3A_51 = arith.constant 0 : index
    %swap3A_52 = tpu.vector_load %arg11[%swap3A_51] {strides = array<i32>} : memref<128xf32, #tpu.memory_space<vmem>>, vector<16xf32>,
    tpu.vector_store %arg11[%swap3A_51], %broadcast_in_dim3A_50 {strides = array<i32>} : memref<128xf32, #tpu.memory_space<vmem>>, vector<16xf32>,
    %broadcast_in_dim3A_53 = arith.constant 1.000000e+00 : f32
    %broadcast_in_dim3A_54 = vector.broadcast %broadcast_in_dim3A_53 : f32 to vector<16xf32>
    %swap3A_55 = arith.constant 16 : index
    %swap3A_56 = tpu.vector_load %arg11[%swap3A_55] {strides = array<i32>} : memref<128xf32, #tpu.memory_space<vmem>>, vector<16xf32>,
    tpu.vector_store %arg11[%swap3A_55], %broadcast_in_dim3A_54 {strides = array<i32>} : memref<128xf32, #tpu.memory_space<vmem>>, vector<16xf32>,
    %broadcast_in_dim3A_57 = arith.constant 1.000000e+00 : f32
    %broadcast_in_dim3A_58 = vector.broadcast %broadcast_in_dim3A_57 : f32 to vector<16xf32>
    %swap3A_59 = arith.constant 32 : index
    %swap3A_60 = tpu.vector_load %arg11[%swap3A_59] {strides = array<i32>} : memref<128xf32, #tpu.memory_space<vmem>>, vector<16xf32>,
    tpu.vector_store %arg11[%swap3A_59], %broadcast_in_dim3A_58 {strides = array<i32>} : memref<128xf32, #tpu.memory_space<vmem>>, vector<16xf32>,
    %broadcast_in_dim3A_61 = arith.constant 1.000000e+00 : f32
    %broadcast_in_dim3A_62 = vector.broadcast %broadcast_in_dim3A_61 : f32 to vector<16xf32>
    %swap3A_63 = arith.constant 48 : index
    %swap3A_64 = tpu.vector_load %arg11[%swap3A_63] {strides = array<i32>} : memref<128xf32, #tpu.memory_space<vmem>>, vector<16xf32>,
    tpu.vector_store %arg11[%swap3A_63], %broadcast_in_dim3A_62 {strides = array<i32>} : memref<128xf32, #tpu.memory_space<vmem>>, vector<16xf32>,
    %broadcast_in_dim3A_65 = arith.constant 1.000000e+00 : f32
    %broadcast_in_dim3A_66 = vector.broadcast %broadcast_in_dim3A_65 : f32 to vector<16xf32>
    %swap3A_67 = arith.constant 64 : index
    %swap3A_68 = tpu.vector_load %arg11[%swap3A_67] {strides = array<i32>} : memref<128xf32, #tpu.memory_space<vmem>>, vector<16xf32>,
    tpu.vector_store %arg11[%swap3A_67], %broadcast_in_dim3A_66 {strides = array<i32>} : memref<128xf32, #tpu.memory_space<vmem>>, vector<16xf32>,
    %broadcast_in_dim3A_69 = arith.constant 1.000000e+00 : f32
    %broadcast_in_dim3A_70 = vector.broadcast %broadcast_in_dim3A_69 : f32 to vector<16xf32>
    %swap3A_71 = arith.constant 80 : index
    %swap3A_72 = tpu.vector_load %arg11[%swap3A_71] {strides = array<i32>} : memref<128xf32, #tpu.memory_space<vmem>>, vector<16xf32>,
    tpu.vector_store %arg11[%swap3A_71], %broadcast_in_dim3A_70 {strides = array<i32>} : memref<128xf32, #tpu.memory_space<vmem>>, vector<16xf32>,
    %broadcast_in_dim3A_73 = arith.constant 1.000000e+00 : f32
    %broadcast_in_dim3A_74 = vector.broadcast %broadcast_in_dim3A_73 : f32 to vector<16xf32>
    %swap3A_75 = arith.constant 96 : index
    %swap3A_76 = tpu.vector_load %arg11[%swap3A_75] {strides = array<i32>} : memref<128xf32, #tpu.memory_space<vmem>>, vector<16xf32>,
    tpu.vector_store %arg11[%swap3A_75], %broadcast_in_dim3A_74 {strides = array<i32>} : memref<128xf32, #tpu.memory_space<vmem>>, vector<16xf32>,
    %broadcast_in_dim3A_77 = arith.constant 1.000000e+00 : f32
    %broadcast_in_dim3A_78 = vector.broadcast %broadcast_in_dim3A_77 : f32 to vector<16xf32>
    %swap3A_79 = arith.constant 112 : index
    %swap3A_80 = tpu.vector_load %arg11[%swap3A_79] {strides = array<i32>} : memref<128xf32, #tpu.memory_space<vmem>>, vector<16xf32>,
    tpu.vector_store %arg11[%swap3A_79], %broadcast_in_dim3A_78 {strides = array<i32>} : memref<128xf32, #tpu.memory_space<vmem>>, vector<16xf32>,
    %mul3A_81 = arith.constant 640 : i32
    %mul3A_82 = arith.muli %arg1, %mul3A_81 : i32
    %add3A_83 = arith.constant 0 : i32
    %add3A_84 = arith.addi %mul3A_82, %add3A_83 : i32
    "tpu.region"() ({
      %run_scoped3A_928 = tpu.sem_alloc : memref<!tpu.dma_semaphore, #tpu.memory_space<semaphore_mem>>
      %dma_start3A_929 = arith.constant 0 : i32
      %dma_start3A_930 = tpu.memref_slice %arg15[%add3A_84, %dma_start3A_929] : memref<10240x16xf32, #tpu.memory_space<vmem_shared>> -> memref<128x16xf32, #tpu.memory_space<vmem_shared>>
      %dma_start3A_931 = arith.constant 0 : i32
      %dma_start3A_932 = tpu.memref_slice %arg15[%add3A_84, %dma_start3A_931] : memref<10240x16xf32, #tpu.memory_space<vmem_shared>> -> memref<128x16xf32, #tpu.memory_space<vmem_shared>>
      tpu.enqueue_dma source(%arg9 : memref<128x16xf32, #tpu.memory_space<vmem>>) target(%dma_start3A_932 : memref<128x16xf32, #tpu.memory_space<vmem_shared>>) target_semaphore(%run_scoped3A_928 : memref<!tpu.dma_semaphore, #tpu.memory_space<semaphore_mem>>)
      %dma_wait3A_933 = arith.constant 0 : i32
      %dma_wait3A_934 = tpu.memref_slice %arg15[%add3A_84, %dma_wait3A_933] : memref<10240x16xf32, #tpu.memory_space<vmem_shared>> -> memref<128x16xf32, #tpu.memory_space<vmem_shared>>
      %dma_wait3A_935 = arith.constant 0 : i32
      %dma_wait3A_936 = tpu.memref_slice %arg15[%add3A_84, %dma_wait3A_935] : memref<10240x16xf32, #tpu.memory_space<vmem_shared>> -> memref<128x16xf32, #tpu.memory_space<vmem_shared>>
      tpu.wait_dma2 semaphore(%run_scoped3A_928 : memref<!tpu.dma_semaphore, #tpu.memory_space<semaphore_mem>>) src(%arg9 : memref<128x16xf32, #tpu.memory_space<vmem>>) dst(%dma_wait3A_936 : memref<128x16xf32, #tpu.memory_space<vmem_shared>>)
      tpu.yield
    }) : () -> ()
    %add3A_85 = arith.constant 0 : i32
    %add3A_86 = arith.addi %mul3A_82, %add3A_85 : i32
    "tpu.region"() ({
      %run_scoped3A_928 = tpu.sem_alloc : memref<!tpu.dma_semaphore, #tpu.memory_space<semaphore_mem>>
      %dma_start3A_929 = tpu.memref_slice %arg16[%add3A_86] : memref<10240xf32, #tpu.memory_space<vmem_shared>> -> memref<128xf32, #tpu.memory_space<vmem_shared>>
      %dma_start3A_930 = tpu.memref_slice %arg16[%add3A_86] : memref<10240xf32, #tpu.memory_space<vmem_shared>> -> memref<128xf32, #tpu.memory_space<vmem_shared>>
      tpu.enqueue_dma source(%arg10 : memref<128xf32, #tpu.memory_space<vmem>>) target(%dma_start3A_930 : memref<128xf32, #tpu.memory_space<vmem_shared>>) target_semaphore(%run_scoped3A_928 : memref<!tpu.dma_semaphore, #tpu.memory_space<semaphore_mem>>)
      %dma_wait3A_931 = tpu.memref_slice %arg16[%add3A_86] : memref<10240xf32, #tpu.memory_space<vmem_shared>> -> memref<128xf32, #tpu.memory_space<vmem_shared>>
      %dma_wait3A_932 = tpu.memref_slice %arg16[%add3A_86] : memref<10240xf32, #tpu.memory_space<vmem_shared>> -> memref<128xf32, #tpu.memory_space<vmem_shared>>
      tpu.wait_dma2 semaphore(%run_scoped3A_928 : memref<!tpu.dma_semaphore, #tpu.memory_space<semaphore_mem>>) src(%arg10 : memref<128xf32, #tpu.memory_space<vmem>>) dst(%dma_wait3A_932 : memref<128xf32, #tpu.memory_space<vmem_shared>>)
      tpu.yield
    }) : () -> ()
    %add3A_87 = arith.constant 128 : i32
    %add3A_88 = arith.addi %mul3A_82, %add3A_87 : i32
    "tpu.region"() ({
      %run_scoped3A_928 = tpu.sem_alloc : memref<!tpu.dma_semaphore, #tpu.memory_space<semaphore_mem>>
      %dma_start3A_929 = arith.constant 0 : i32
      %dma_start3A_930 = tpu.memref_slice %arg15[%add3A_88, %dma_start3A_929] : memref<10240x16xf32, #tpu.memory_space<vmem_shared>> -> memref<128x16xf32, #tpu.memory_space<vmem_shared>>
      %dma_start3A_931 = arith.constant 0 : i32
      %dma_start3A_932 = tpu.memref_slice %arg15[%add3A_88, %dma_start3A_931] : memref<10240x16xf32, #tpu.memory_space<vmem_shared>> -> memref<128x16xf32, #tpu.memory_space<vmem_shared>>
      tpu.enqueue_dma source(%arg9 : memref<128x16xf32, #tpu.memory_space<vmem>>) target(%dma_start3A_932 : memref<128x16xf32, #tpu.memory_space<vmem_shared>>) target_semaphore(%run_scoped3A_928 : memref<!tpu.dma_semaphore, #tpu.memory_space<semaphore_mem>>)
      %dma_wait3A_933 = arith.constant 0 : i32
      %dma_wait3A_934 = tpu.memref_slice %arg15[%add3A_88, %dma_wait3A_933] : memref<10240x16xf32, #tpu.memory_space<vmem_shared>> -> memref<128x16xf32, #tpu.memory_space<vmem_shared>>
      %dma_wait3A_935 = arith.constant 0 : i32
      %dma_wait3A_936 = tpu.memref_slice %arg15[%add3A_88, %dma_wait3A_935] : memref<10240x16xf32, #tpu.memory_space<vmem_shared>> -> memref<128x16xf32, #tpu.memory_space<vmem_shared>>
      tpu.wait_dma2 semaphore(%run_scoped3A_928 : memref<!tpu.dma_semaphore, #tpu.memory_space<semaphore_mem>>) src(%arg9 : memref<128x16xf32, #tpu.memory_space<vmem>>) dst(%dma_wait3A_936 : memref<128x16xf32, #tpu.memory_space<vmem_shared>>)
      tpu.yield
    }) : () -> ()
    %add3A_89 = arith.constant 128 : i32
    %add3A_90 = arith.addi %mul3A_82, %add3A_89 : i32
    "tpu.region"() ({
      %run_scoped3A_928 = tpu.sem_alloc : memref<!tpu.dma_semaphore, #tpu.memory_space<semaphore_mem>>
      %dma_start3A_929 = tpu.memref_slice %arg16[%add3A_90] : memref<10240xf32, #tpu.memory_space<vmem_shared>> -> memref<128xf32, #tpu.memory_space<vmem_shared>>
      %dma_start3A_930 = tpu.memref_slice %arg16[%add3A_90] : memref<10240xf32, #tpu.memory_space<vmem_shared>> -> memref<128xf32, #tpu.memory_space<vmem_shared>>
      tpu.enqueue_dma source(%arg10 : memref<128xf32, #tpu.memory_space<vmem>>) target(%dma_start3A_930 : memref<128xf32, #tpu.memory_space<vmem_shared>>) target_semaphore(%run_scoped3A_928 : memref<!tpu.dma_semaphore, #tpu.memory_space<semaphore_mem>>)
      %dma_wait3A_931 = tpu.memref_slice %arg16[%add3A_90] : memref<10240xf32, #tpu.memory_space<vmem_shared>> -> memref<128xf32, #tpu.memory_space<vmem_shared>>
      %dma_wait3A_932 = tpu.memref_slice %arg16[%add3A_90] : memref<10240xf32, #tpu.memory_space<vmem_shared>> -> memref<128xf32, #tpu.memory_space<vmem_shared>>
      tpu.wait_dma2 semaphore(%run_scoped3A_928 : memref<!tpu.dma_semaphore, #tpu.memory_space<semaphore_mem>>) src(%arg10 : memref<128xf32, #tpu.memory_space<vmem>>) dst(%dma_wait3A_932 : memref<128xf32, #tpu.memory_space<vmem_shared>>)
      tpu.yield
    }) : () -> ()
    %add3A_91 = arith.constant 256 : i32
    %add3A_92 = arith.addi %mul3A_82, %add3A_91 : i32
    "tpu.region"() ({
      %run_scoped3A_928 = tpu.sem_alloc : memref<!tpu.dma_semaphore, #tpu.memory_space<semaphore_mem>>
      %dma_start3A_929 = arith.constant 0 : i32
      %dma_start3A_930 = tpu.memref_slice %arg15[%add3A_92, %dma_start3A_929] : memref<10240x16xf32, #tpu.memory_space<vmem_shared>> -> memref<128x16xf32, #tpu.memory_space<vmem_shared>>
      %dma_start3A_931 = arith.constant 0 : i32
      %dma_start3A_932 = tpu.memref_slice %arg15[%add3A_92, %dma_start3A_931] : memref<10240x16xf32, #tpu.memory_space<vmem_shared>> -> memref<128x16xf32, #tpu.memory_space<vmem_shared>>
      tpu.enqueue_dma source(%arg9 : memref<128x16xf32, #tpu.memory_space<vmem>>) target(%dma_start3A_932 : memref<128x16xf32, #tpu.memory_space<vmem_shared>>) target_semaphore(%run_scoped3A_928 : memref<!tpu.dma_semaphore, #tpu.memory_space<semaphore_mem>>)
      %dma_wait3A_933 = arith.constant 0 : i32
      %dma_wait3A_934 = tpu.memref_slice %arg15[%add3A_92, %dma_wait3A_933] : memref<10240x16xf32, #tpu.memory_space<vmem_shared>> -> memref<128x16xf32, #tpu.memory_space<vmem_shared>>
      %dma_wait3A_935 = arith.constant 0 : i32
      %dma_wait3A_936 = tpu.memref_slice %arg15[%add3A_92, %dma_wait3A_935] : memref<10240x16xf32, #tpu.memory_space<vmem_shared>> -> memref<128x16xf32, #tpu.memory_space<vmem_shared>>
      tpu.wait_dma2 semaphore(%run_scoped3A_928 : memref<!tpu.dma_semaphore, #tpu.memory_space<semaphore_mem>>) src(%arg9 : memref<128x16xf32, #tpu.memory_space<vmem>>) dst(%dma_wait3A_936 : memref<128x16xf32, #tpu.memory_space<vmem_shared>>)
      tpu.yield
    }) : () -> ()
    %add3A_93 = arith.constant 256 : i32
    %add3A_94 = arith.addi %mul3A_82, %add3A_93 : i32
    "tpu.region"() ({
      %run_scoped3A_928 = tpu.sem_alloc : memref<!tpu.dma_semaphore, #tpu.memory_space<semaphore_mem>>
      %dma_start3A_929 = tpu.memref_slice %arg16[%add3A_94] : memref<10240xf32, #tpu.memory_space<vmem_shared>> -> memref<128xf32, #tpu.memory_space<vmem_shared>>
      %dma_start3A_930 = tpu.memref_slice %arg16[%add3A_94] : memref<10240xf32, #tpu.memory_space<vmem_shared>> -> memref<128xf32, #tpu.memory_space<vmem_shared>>
      tpu.enqueue_dma source(%arg10 : memref<128xf32, #tpu.memory_space<vmem>>) target(%dma_start3A_930 : memref<128xf32, #tpu.memory_space<vmem_shared>>) target_semaphore(%run_scoped3A_928 : memref<!tpu.dma_semaphore, #tpu.memory_space<semaphore_mem>>)
      %dma_wait3A_931 = tpu.memref_slice %arg16[%add3A_94] : memref<10240xf32, #tpu.memory_space<vmem_shared>> -> memref<128xf32, #tpu.memory_space<vmem_shared>>
      %dma_wait3A_932 = tpu.memref_slice %arg16[%add3A_94] : memref<10240xf32, #tpu.memory_space<vmem_shared>> -> memref<128xf32, #tpu.memory_space<vmem_shared>>
      tpu.wait_dma2 semaphore(%run_scoped3A_928 : memref<!tpu.dma_semaphore, #tpu.memory_space<semaphore_mem>>) src(%arg10 : memref<128xf32, #tpu.memory_space<vmem>>) dst(%dma_wait3A_932 : memref<128xf32, #tpu.memory_space<vmem_shared>>)
      tpu.yield
    }) : () -> ()
    %add3A_95 = arith.constant 384 : i32
    %add3A_96 = arith.addi %mul3A_82, %add3A_95 : i32
    "tpu.region"() ({
      %run_scoped3A_928 = tpu.sem_alloc : memref<!tpu.dma_semaphore, #tpu.memory_space<semaphore_mem>>
      %dma_start3A_929 = arith.constant 0 : i32
      %dma_start3A_930 = tpu.memref_slice %arg15[%add3A_96, %dma_start3A_929] : memref<10240x16xf32, #tpu.memory_space<vmem_shared>> -> memref<128x16xf32, #tpu.memory_space<vmem_shared>>
      %dma_start3A_931 = arith.constant 0 : i32
      %dma_start3A_932 = tpu.memref_slice %arg15[%add3A_96, %dma_start3A_931] : memref<10240x16xf32, #tpu.memory_space<vmem_shared>> -> memref<128x16xf32, #tpu.memory_space<vmem_shared>>
      tpu.enqueue_dma source(%arg9 : memref<128x16xf32, #tpu.memory_space<vmem>>) target(%dma_start3A_932 : memref<128x16xf32, #tpu.memory_space<vmem_shared>>) target_semaphore(%run_scoped3A_928 : memref<!tpu.dma_semaphore, #tpu.memory_space<semaphore_mem>>)
      %dma_wait3A_933 = arith.constant 0 : i32
      %dma_wait3A_934 = tpu.memref_slice %arg15[%add3A_96, %dma_wait3A_933] : memref<10240x16xf32, #tpu.memory_space<vmem_shared>> -> memref<128x16xf32, #tpu.memory_space<vmem_shared>>
      %dma_wait3A_935 = arith.constant 0 : i32
      %dma_wait3A_936 = tpu.memref_slice %arg15[%add3A_96, %dma_wait3A_935] : memref<10240x16xf32, #tpu.memory_space<vmem_shared>> -> memref<128x16xf32, #tpu.memory_space<vmem_shared>>
      tpu.wait_dma2 semaphore(%run_scoped3A_928 : memref<!tpu.dma_semaphore, #tpu.memory_space<semaphore_mem>>) src(%arg9 : memref<128x16xf32, #tpu.memory_space<vmem>>) dst(%dma_wait3A_936 : memref<128x16xf32, #tpu.memory_space<vmem_shared>>)
      tpu.yield
    }) : () -> ()
    %add3A_97 = arith.constant 384 : i32
    %add3A_98 = arith.addi %mul3A_82, %add3A_97 : i32
    "tpu.region"() ({
      %run_scoped3A_928 = tpu.sem_alloc : memref<!tpu.dma_semaphore, #tpu.memory_space<semaphore_mem>>
      %dma_start3A_929 = tpu.memref_slice %arg16[%add3A_98] : memref<10240xf32, #tpu.memory_space<vmem_shared>> -> memref<128xf32, #tpu.memory_space<vmem_shared>>
      %dma_start3A_930 = tpu.memref_slice %arg16[%add3A_98] : memref<10240xf32, #tpu.memory_space<vmem_shared>> -> memref<128xf32, #tpu.memory_space<vmem_shared>>
      tpu.enqueue_dma source(%arg10 : memref<128xf32, #tpu.memory_space<vmem>>) target(%dma_start3A_930 : memref<128xf32, #tpu.memory_space<vmem_shared>>) target_semaphore(%run_scoped3A_928 : memref<!tpu.dma_semaphore, #tpu.memory_space<semaphore_mem>>)
      %dma_wait3A_931 = tpu.memref_slice %arg16[%add3A_98] : memref<10240xf32, #tpu.memory_space<vmem_shared>> -> memref<128xf32, #tpu.memory_space<vmem_shared>>
      %dma_wait3A_932 = tpu.memref_slice %arg16[%add3A_98] : memref<10240xf32, #tpu.memory_space<vmem_shared>> -> memref<128xf32, #tpu.memory_space<vmem_shared>>
      tpu.wait_dma2 semaphore(%run_scoped3A_928 : memref<!tpu.dma_semaphore, #tpu.memory_space<semaphore_mem>>) src(%arg10 : memref<128xf32, #tpu.memory_space<vmem>>) dst(%dma_wait3A_932 : memref<128xf32, #tpu.memory_space<vmem_shared>>)
      tpu.yield
    }) : () -> ()
    %add3A_99 = arith.constant 512 : i32
    %add3A_100 = arith.addi %mul3A_82, %add3A_99 : i32
    "tpu.region"() ({
      %run_scoped3A_928 = tpu.sem_alloc : memref<!tpu.dma_semaphore, #tpu.memory_space<semaphore_mem>>
      %dma_start3A_929 = arith.constant 0 : i32
      %dma_start3A_930 = tpu.memref_slice %arg15[%add3A_100, %dma_start3A_929] : memref<10240x16xf32, #tpu.memory_space<vmem_shared>> -> memref<128x16xf32, #tpu.memory_space<vmem_shared>>
      %dma_start3A_931 = arith.constant 0 : i32
      %dma_start3A_932 = tpu.memref_slice %arg15[%add3A_100, %dma_start3A_931] : memref<10240x16xf32, #tpu.memory_space<vmem_shared>> -> memref<128x16xf32, #tpu.memory_space<vmem_shared>>
      tpu.enqueue_dma source(%arg9 : memref<128x16xf32, #tpu.memory_space<vmem>>) target(%dma_start3A_932 : memref<128x16xf32, #tpu.memory_space<vmem_shared>>) target_semaphore(%run_scoped3A_928 : memref<!tpu.dma_semaphore, #tpu.memory_space<semaphore_mem>>)
      %dma_wait3A_933 = arith.constant 0 : i32
      %dma_wait3A_934 = tpu.memref_slice %arg15[%add3A_100, %dma_wait3A_933] : memref<10240x16xf32, #tpu.memory_space<vmem_shared>> -> memref<128x16xf32, #tpu.memory_space<vmem_shared>>
      %dma_wait3A_935 = arith.constant 0 : i32
      %dma_wait3A_936 = tpu.memref_slice %arg15[%add3A_100, %dma_wait3A_935] : memref<10240x16xf32, #tpu.memory_space<vmem_shared>> -> memref<128x16xf32, #tpu.memory_space<vmem_shared>>
      tpu.wait_dma2 semaphore(%run_scoped3A_928 : memref<!tpu.dma_semaphore, #tpu.memory_space<semaphore_mem>>) src(%arg9 : memref<128x16xf32, #tpu.memory_space<vmem>>) dst(%dma_wait3A_936 : memref<128x16xf32, #tpu.memory_space<vmem_shared>>)
      tpu.yield
    }) : () -> ()
    %add3A_101 = arith.constant 512 : i32
    %add3A_102 = arith.addi %mul3A_82, %add3A_101 : i32
    "tpu.region"() ({
      %run_scoped3A_928 = tpu.sem_alloc : memref<!tpu.dma_semaphore, #tpu.memory_space<semaphore_mem>>
      %dma_start3A_929 = tpu.memref_slice %arg16[%add3A_102] : memref<10240xf32, #tpu.memory_space<vmem_shared>> -> memref<128xf32, #tpu.memory_space<vmem_shared>>
      %dma_start3A_930 = tpu.memref_slice %arg16[%add3A_102] : memref<10240xf32, #tpu.memory_space<vmem_shared>> -> memref<128xf32, #tpu.memory_space<vmem_shared>>
      tpu.enqueue_dma source(%arg10 : memref<128xf32, #tpu.memory_space<vmem>>) target(%dma_start3A_930 : memref<128xf32, #tpu.memory_space<vmem_shared>>) target_semaphore(%run_scoped3A_928 : memref<!tpu.dma_semaphore, #tpu.memory_space<semaphore_mem>>)
      %dma_wait3A_931 = tpu.memref_slice %arg16[%add3A_102] : memref<10240xf32, #tpu.memory_space<vmem_shared>> -> memref<128xf32, #tpu.memory_space<vmem_shared>>
      %dma_wait3A_932 = tpu.memref_slice %arg16[%add3A_102] : memref<10240xf32, #tpu.memory_space<vmem_shared>> -> memref<128xf32, #tpu.memory_space<vmem_shared>>
      tpu.wait_dma2 semaphore(%run_scoped3A_928 : memref<!tpu.dma_semaphore, #tpu.memory_space<semaphore_mem>>) src(%arg10 : memref<128xf32, #tpu.memory_space<vmem>>) dst(%dma_wait3A_932 : memref<128xf32, #tpu.memory_space<vmem_shared>>)
      tpu.yield
    }) : () -> ()
    %barrier3A = arith.constant 0 : index
    tpu.barrier barrier_id(%barrier3A)
    %dma_start3A = arith.constant 0 : i32
    %dma_start3A_103 = arith.constant 0 : i32
    %dma_start3A_104 = tpu.memref_slice %arg11[%dma_start3A_103] : memref<128xf32, #tpu.memory_space<vmem>> -> memref<128xf32, #tpu.memory_space<vmem>>
    %dma_start3A_105 = arith.constant 0 : i32
    %dma_start3A_106 = tpu.memref_slice %arg6[%dma_start3A_105] : memref<10000xi32, #tpu.memory_space<vmem>> -> memref<128xi32, #tpu.memory_space<vmem>>
    %dma_start3A_107 = arith.constant 0 : i32
    %dma_start3A_108 = tpu.memref_slice %arg16[%dma_start3A_107] : memref<10240xf32, #tpu.memory_space<vmem_shared>> -> memref<10240xf32, #tpu.memory_space<vmem_shared>>
    %dma_start3A_109 = tpu.memref_slice %arg19[%dma_start3A] : memref<8x!tpu.dma_semaphore, #tpu.memory_space<semaphore_mem>> -> memref<1x!tpu.dma_semaphore, #tpu.memory_space<semaphore_mem>>
    %dma_start3A_110 = tpu.memref_squeeze %dma_start3A_109 : memref<1x!tpu.dma_semaphore, #tpu.memory_space<semaphore_mem>> -> memref<!tpu.dma_semaphore, #tpu.memory_space<semaphore_mem>>
    tpu.enqueue_indirect_dma source(%dma_start3A_104 : memref<128xf32, #tpu.memory_space<vmem>>) target(%dma_start3A_108 : memref<10240xf32, #tpu.memory_space<vmem_shared>>) offsets(%dma_start3A_106 : memref<128xi32, #tpu.memory_space<vmem>>) semaphore(%dma_start3A_110 : memref<!tpu.dma_semaphore, #tpu.memory_space<semaphore_mem>>) {add = true}
    %dma_start3A_111 = arith.constant 1 : i32
    %dma_start3A_112 = arith.constant 0 : i32
    %dma_start3A_113 = tpu.memref_slice %arg11[%dma_start3A_112] : memref<128xf32, #tpu.memory_space<vmem>> -> memref<128xf32, #tpu.memory_space<vmem>>
    %dma_start3A_114 = arith.constant 128 : i32
    %dma_start3A_115 = tpu.memref_slice %arg6[%dma_start3A_114] : memref<10000xi32, #tpu.memory_space<vmem>> -> memref<128xi32, #tpu.memory_space<vmem>>
    %dma_start3A_116 = arith.constant 0 : i32
    %dma_start3A_117 = tpu.memref_slice %arg16[%dma_start3A_116] : memref<10240xf32, #tpu.memory_space<vmem_shared>> -> memref<10240xf32, #tpu.memory_space<vmem_shared>>
    %dma_start3A_118 = tpu.memref_slice %arg19[%dma_start3A_111] : memref<8x!tpu.dma_semaphore, #tpu.memory_space<semaphore_mem>> -> memref<1x!tpu.dma_semaphore, #tpu.memory_space<semaphore_mem>>
    %dma_start3A_119 = tpu.memref_squeeze %dma_start3A_118 : memref<1x!tpu.dma_semaphore, #tpu.memory_space<semaphore_mem>> -> memref<!tpu.dma_semaphore, #tpu.memory_space<semaphore_mem>>
    tpu.enqueue_indirect_dma source(%dma_start3A_113 : memref<128xf32, #tpu.memory_space<vmem>>) target(%dma_start3A_117 : memref<10240xf32, #tpu.memory_space<vmem_shared>>) offsets(%dma_start3A_115 : memref<128xi32, #tpu.memory_space<vmem>>) semaphore(%dma_start3A_119 : memref<!tpu.dma_semaphore, #tpu.memory_space<semaphore_mem>>) {add = true}
    %dma_start3A_120 = arith.constant 2 : i32
    %dma_start3A_121 = arith.constant 0 : i32
    %dma_start3A_122 = tpu.memref_slice %arg11[%dma_start3A_121] : memref<128xf32, #tpu.memory_space<vmem>> -> memref<128xf32, #tpu.memory_space<vmem>>
    %dma_start3A_123 = arith.constant 256 : i32
    %dma_start3A_124 = tpu.memref_slice %arg6[%dma_start3A_123] : memref<10000xi32, #tpu.memory_space<vmem>> -> memref<128xi32, #tpu.memory_space<vmem>>
    %dma_start3A_125 = arith.constant 0 : i32
    %dma_start3A_126 = tpu.memref_slice %arg16[%dma_start3A_125] : memref<10240xf32, #tpu.memory_space<vmem_shared>> -> memref<10240xf32, #tpu.memory_space<vmem_shared>>
    %dma_start3A_127 = tpu.memref_slice %arg19[%dma_start3A_120] : memref<8x!tpu.dma_semaphore, #tpu.memory_space<semaphore_mem>> -> memref<1x!tpu.dma_semaphore, #tpu.memory_space<semaphore_mem>>
    %dma_start3A_128 = tpu.memref_squeeze %dma_start3A_127 : memref<1x!tpu.dma_semaphore, #tpu.memory_space<semaphore_mem>> -> memref<!tpu.dma_semaphore, #tpu.memory_space<semaphore_mem>>
    tpu.enqueue_indirect_dma source(%dma_start3A_122 : memref<128xf32, #tpu.memory_space<vmem>>) target(%dma_start3A_126 : memref<10240xf32, #tpu.memory_space<vmem_shared>>) offsets(%dma_start3A_124 : memref<128xi32, #tpu.memory_space<vmem>>) semaphore(%dma_start3A_128 : memref<!tpu.dma_semaphore, #tpu.memory_space<semaphore_mem>>) {add = true}
    %dma_start3A_129 = arith.constant 3 : i32
    %dma_start3A_130 = arith.constant 0 : i32
    %dma_start3A_131 = tpu.memref_slice %arg11[%dma_start3A_130] : memref<128xf32, #tpu.memory_space<vmem>> -> memref<128xf32, #tpu.memory_space<vmem>>
    %dma_start3A_132 = arith.constant 384 : i32
    %dma_start3A_133 = tpu.memref_slice %arg6[%dma_start3A_132] : memref<10000xi32, #tpu.memory_space<vmem>> -> memref<128xi32, #tpu.memory_space<vmem>>
    %dma_start3A_134 = arith.constant 0 : i32
    %dma_start3A_135 = tpu.memref_slice %arg16[%dma_start3A_134] : memref<10240xf32, #tpu.memory_space<vmem_shared>> -> memref<10240xf32, #tpu.memory_space<vmem_shared>>
    %dma_start3A_136 = tpu.memref_slice %arg19[%dma_start3A_129] : memref<8x!tpu.dma_semaphore, #tpu.memory_space<semaphore_mem>> -> memref<1x!tpu.dma_semaphore, #tpu.memory_space<semaphore_mem>>
    %dma_start3A_137 = tpu.memref_squeeze %dma_start3A_136 : memref<1x!tpu.dma_semaphore, #tpu.memory_space<semaphore_mem>> -> memref<!tpu.dma_semaphore, #tpu.memory_space<semaphore_mem>>
    tpu.enqueue_indirect_dma source(%dma_start3A_131 : memref<128xf32, #tpu.memory_space<vmem>>) target(%dma_start3A_135 : memref<10240xf32, #tpu.memory_space<vmem_shared>>) offsets(%dma_start3A_133 : memref<128xi32, #tpu.memory_space<vmem>>) semaphore(%dma_start3A_137 : memref<!tpu.dma_semaphore, #tpu.memory_space<semaphore_mem>>) {add = true}
    %dma_start3A_138 = arith.constant 4 : i32
    %dma_start3A_139 = arith.constant 0 : i32
    %dma_start3A_140 = tpu.memref_slice %arg11[%dma_start3A_139] : memref<128xf32, #tpu.memory_space<vmem>> -> memref<128xf32, #tpu.memory_space<vmem>>
    %dma_start3A_141 = arith.constant 512 : i32
    %dma_start3A_142 = tpu.memref_slice %arg6[%dma_start3A_141] : memref<10000xi32, #tpu.memory_space<vmem>> -> memref<128xi32, #tpu.memory_space<vmem>>
    %dma_start3A_143 = arith.constant 0 : i32
    %dma_start3A_144 = tpu.memref_slice %arg16[%dma_start3A_143] : memref<10240xf32, #tpu.memory_space<vmem_shared>> -> memref<10240xf32, #tpu.memory_space<vmem_shared>>
    %dma_start3A_145 = tpu.memref_slice %arg19[%dma_start3A_138] : memref<8x!tpu.dma_semaphore, #tpu.memory_space<semaphore_mem>> -> memref<1x!tpu.dma_semaphore, #tpu.memory_space<semaphore_mem>>
    %dma_start3A_146 = tpu.memref_squeeze %dma_start3A_145 : memref<1x!tpu.dma_semaphore, #tpu.memory_space<semaphore_mem>> -> memref<!tpu.dma_semaphore, #tpu.memory_space<semaphore_mem>>
    tpu.enqueue_indirect_dma source(%dma_start3A_140 : memref<128xf32, #tpu.memory_space<vmem>>) target(%dma_start3A_144 : memref<10240xf32, #tpu.memory_space<vmem_shared>>) offsets(%dma_start3A_142 : memref<128xi32, #tpu.memory_space<vmem>>) semaphore(%dma_start3A_146 : memref<!tpu.dma_semaphore, #tpu.memory_space<semaphore_mem>>) {add = true}
    %dma_start3A_147 = arith.constant 5 : i32
    %dma_start3A_148 = arith.constant 0 : i32
    %dma_start3A_149 = tpu.memref_slice %arg11[%dma_start3A_148] : memref<128xf32, #tpu.memory_space<vmem>> -> memref<128xf32, #tpu.memory_space<vmem>>
    %dma_start3A_150 = arith.constant 640 : i32
    %dma_start3A_151 = tpu.memref_slice %arg6[%dma_start3A_150] : memref<10000xi32, #tpu.memory_space<vmem>> -> memref<128xi32, #tpu.memory_space<vmem>>
    %dma_start3A_152 = arith.constant 0 : i32
    %dma_start3A_153 = tpu.memref_slice %arg16[%dma_start3A_152] : memref<10240xf32, #tpu.memory_space<vmem_shared>> -> memref<10240xf32, #tpu.memory_space<vmem_shared>>
    %dma_start3A_154 = tpu.memref_slice %arg19[%dma_start3A_147] : memref<8x!tpu.dma_semaphore, #tpu.memory_space<semaphore_mem>> -> memref<1x!tpu.dma_semaphore, #tpu.memory_space<semaphore_mem>>
    %dma_start3A_155 = tpu.memref_squeeze %dma_start3A_154 : memref<1x!tpu.dma_semaphore, #tpu.memory_space<semaphore_mem>> -> memref<!tpu.dma_semaphore, #tpu.memory_space<semaphore_mem>>
    tpu.enqueue_indirect_dma source(%dma_start3A_149 : memref<128xf32, #tpu.memory_space<vmem>>) target(%dma_start3A_153 : memref<10240xf32, #tpu.memory_space<vmem_shared>>) offsets(%dma_start3A_151 : memref<128xi32, #tpu.memory_space<vmem>>) semaphore(%dma_start3A_155 : memref<!tpu.dma_semaphore, #tpu.memory_space<semaphore_mem>>) {add = true}
    %dma_start3A_156 = arith.constant 6 : i32
    %dma_start3A_157 = arith.constant 0 : i32
    %dma_start3A_158 = tpu.memref_slice %arg11[%dma_start3A_157] : memref<128xf32, #tpu.memory_space<vmem>> -> memref<128xf32, #tpu.memory_space<vmem>>
    %dma_start3A_159 = arith.constant 768 : i32
    %dma_start3A_160 = tpu.memref_slice %arg6[%dma_start3A_159] : memref<10000xi32, #tpu.memory_space<vmem>> -> memref<128xi32, #tpu.memory_space<vmem>>
    %dma_start3A_161 = arith.constant 0 : i32
    %dma_start3A_162 = tpu.memref_slice %arg16[%dma_start3A_161] : memref<10240xf32, #tpu.memory_space<vmem_shared>> -> memref<10240xf32, #tpu.memory_space<vmem_shared>>
    %dma_start3A_163 = tpu.memref_slice %arg19[%dma_start3A_156] : memref<8x!tpu.dma_semaphore, #tpu.memory_space<semaphore_mem>> -> memref<1x!tpu.dma_semaphore, #tpu.memory_space<semaphore_mem>>
    %dma_start3A_164 = tpu.memref_squeeze %dma_start3A_163 : memref<1x!tpu.dma_semaphore, #tpu.memory_space<semaphore_mem>> -> memref<!tpu.dma_semaphore, #tpu.memory_space<semaphore_mem>>
    tpu.enqueue_indirect_dma source(%dma_start3A_158 : memref<128xf32, #tpu.memory_space<vmem>>) target(%dma_start3A_162 : memref<10240xf32, #tpu.memory_space<vmem_shared>>) offsets(%dma_start3A_160 : memref<128xi32, #tpu.memory_space<vmem>>) semaphore(%dma_start3A_164 : memref<!tpu.dma_semaphore, #tpu.memory_space<semaphore_mem>>) {add = true}
    %dma_start3A_165 = arith.constant 7 : i32
    %dma_start3A_166 = arith.constant 0 : i32
    %dma_start3A_167 = tpu.memref_slice %arg11[%dma_start3A_166] : memref<128xf32, #tpu.memory_space<vmem>> -> memref<128xf32, #tpu.memory_space<vmem>>
    %dma_start3A_168 = arith.constant 896 : i32
    %dma_start3A_169 = tpu.memref_slice %arg6[%dma_start3A_168] : memref<10000xi32, #tpu.memory_space<vmem>> -> memref<128xi32, #tpu.memory_space<vmem>>
    %dma_start3A_170 = arith.constant 0 : i32
    %dma_start3A_171 = tpu.memref_slice %arg16[%dma_start3A_170] : memref<10240xf32, #tpu.memory_space<vmem_shared>> -> memref<10240xf32, #tpu.memory_space<vmem_shared>>
    %dma_start3A_172 = tpu.memref_slice %arg19[%dma_start3A_165] : memref<8x!tpu.dma_semaphore, #tpu.memory_space<semaphore_mem>> -> memref<1x!tpu.dma_semaphore, #tpu.memory_space<semaphore_mem>>
    %dma_start3A_173 = tpu.memref_squeeze %dma_start3A_172 : memref<1x!tpu.dma_semaphore, #tpu.memory_space<semaphore_mem>> -> memref<!tpu.dma_semaphore, #tpu.memory_space<semaphore_mem>>
    tpu.enqueue_indirect_dma source(%dma_start3A_167 : memref<128xf32, #tpu.memory_space<vmem>>) target(%dma_start3A_171 : memref<10240xf32, #tpu.memory_space<vmem_shared>>) offsets(%dma_start3A_169 : memref<128xi32, #tpu.memory_space<vmem>>) semaphore(%dma_start3A_173 : memref<!tpu.dma_semaphore, #tpu.memory_space<semaphore_mem>>) {add = true}
    %scan3A_174 = arith.constant 0 : i32
    %scan3A_175 = arith.constant 8 : i32
    %scan3A_176 = arith.constant 70 : i32
    %scan3A_177 = arith.addi %scan3A_175, %scan3A_176 : i32
    %scan3A_178 = arith.constant 1 : i32
    %scan3A_179 = scf.for %scan3A_928 = %scan3A_175 to %scan3A_177 step %scan3A_178 iter_args(%scan3A_929 = %scan3A_174) -> (i32)  : i32 {
      %sub3A_930 = arith.constant 8 : i32
      %sub3A_931 = arith.subi %scan3A_928, %sub3A_930 : i32
      %jit3A_932 = arith.constant 8 : i32
      %eq3A = arith.constant 0 : i32
      %eq3A_933 = arith.cmpi eq, %jit3A_932, %eq3A : i32
      %jit3A_934 = arith.constant 1 : i32
      %select_n3A_935 = arith.select %eq3A_933, %jit3A_934, %jit3A_932 : i32
      %rem3A_936 = arith.remsi %sub3A_931, %select_n3A_935 : i32
      %ne3A_937 = arith.constant 0 : i32
      %ne3A_938 = arith.cmpi ne, %rem3A_936, %ne3A_937 : i32
      %lt3A = arith.constant 0 : i32
      %lt3A_939 = arith.cmpi slt, %rem3A_936, %lt3A : i32
      %lt3A_940 = arith.constant 0 : i32
      %lt3A_941 = arith.cmpi slt, %select_n3A_935, %lt3A_940 : i32
      %ne3A_942 = arith.xori %lt3A_939, %lt3A_941 : i1
      %and3A_943 = arith.andi %ne3A_942, %ne3A_938 : i1
      %add3A_944 = arith.addi %rem3A_936, %select_n3A_935 : i32
      %select_n3A_945 = arith.select %and3A_943, %add3A_944, %rem3A_936 : i32
      %mul3A_946 = arith.constant 128 : i32
      %mul3A_947 = arith.muli %sub3A_931, %mul3A_946 : i32
      %dma_wait3A_948 = arith.constant 0 : i32
      %dma_wait3A_949 = tpu.memref_slice %arg11[%dma_wait3A_948] : memref<128xf32, #tpu.memory_space<vmem>> -> memref<128xf32, #tpu.memory_space<vmem>>
      %dma_wait3A_950 = tpu.memref_slice %arg6[%mul3A_947] : memref<10000xi32, #tpu.memory_space<vmem>> -> memref<128xi32, #tpu.memory_space<vmem>>
      %dma_wait3A_951 = arith.constant 0 : i32
      %dma_wait3A_952 = tpu.memref_slice %arg16[%dma_wait3A_951] : memref<10240xf32, #tpu.memory_space<vmem_shared>> -> memref<10240xf32, #tpu.memory_space<vmem_shared>>
      %dma_wait3A_953 = tpu.memref_slice %arg19[%select_n3A_945] : memref<8x!tpu.dma_semaphore, #tpu.memory_space<semaphore_mem>> -> memref<1x!tpu.dma_semaphore, #tpu.memory_space<semaphore_mem>>
      %dma_wait3A_954 = tpu.memref_squeeze %dma_wait3A_953 : memref<1x!tpu.dma_semaphore, #tpu.memory_space<semaphore_mem>> -> memref<!tpu.dma_semaphore, #tpu.memory_space<semaphore_mem>>
      tpu.wait_indirect_dma semaphore(%dma_wait3A_954 : memref<!tpu.dma_semaphore, #tpu.memory_space<semaphore_mem>>) src(%dma_wait3A_949 : memref<128xf32, #tpu.memory_space<vmem>>) dst(%dma_wait3A_952 : memref<10240xf32, #tpu.memory_space<vmem_shared>>)
      %jit3A_955 = arith.constant 8 : i32
      %eq3A_956 = arith.constant 0 : i32
      %eq3A_957 = arith.cmpi eq, %jit3A_955, %eq3A_956 : i32
      %jit3A_958 = arith.constant 1 : i32
      %select_n3A_959 = arith.select %eq3A_957, %jit3A_958, %jit3A_955 : i32
      %rem3A_960 = arith.remsi %scan3A_928, %select_n3A_959 : i32
      %ne3A_961 = arith.constant 0 : i32
      %ne3A_962 = arith.cmpi ne, %rem3A_960, %ne3A_961 : i32
      %lt3A_963 = arith.constant 0 : i32
      %lt3A_964 = arith.cmpi slt, %rem3A_960, %lt3A_963 : i32
      %lt3A_965 = arith.constant 0 : i32
      %lt3A_966 = arith.cmpi slt, %select_n3A_959, %lt3A_965 : i32
      %ne3A_967 = arith.xori %lt3A_964, %lt3A_966 : i1
      %and3A_968 = arith.andi %ne3A_967, %ne3A_962 : i1
      %add3A_969 = arith.addi %rem3A_960, %select_n3A_959 : i32
      %select_n3A_970 = arith.select %and3A_968, %add3A_969, %rem3A_960 : i32
      %mul3A_971 = arith.constant 128 : i32
      %mul3A_972 = arith.muli %scan3A_928, %mul3A_971 : i32
      %dma_start3A_973 = arith.constant 0 : i32
      %dma_start3A_974 = tpu.memref_slice %arg11[%dma_start3A_973] : memref<128xf32, #tpu.memory_space<vmem>> -> memref<128xf32, #tpu.memory_space<vmem>>
      %dma_start3A_975 = tpu.memref_slice %arg6[%mul3A_972] : memref<10000xi32, #tpu.memory_space<vmem>> -> memref<128xi32, #tpu.memory_space<vmem>>
      %dma_start3A_976 = arith.constant 0 : i32
      %dma_start3A_977 = tpu.memref_slice %arg16[%dma_start3A_976] : memref<10240xf32, #tpu.memory_space<vmem_shared>> -> memref<10240xf32, #tpu.memory_space<vmem_shared>>
      %dma_start3A_978 = tpu.memref_slice %arg19[%select_n3A_970] : memref<8x!tpu.dma_semaphore, #tpu.memory_space<semaphore_mem>> -> memref<1x!tpu.dma_semaphore, #tpu.memory_space<semaphore_mem>>
      %dma_start3A_979 = tpu.memref_squeeze %dma_start3A_978 : memref<1x!tpu.dma_semaphore, #tpu.memory_space<semaphore_mem>> -> memref<!tpu.dma_semaphore, #tpu.memory_space<semaphore_mem>>
      tpu.enqueue_indirect_dma source(%dma_start3A_974 : memref<128xf32, #tpu.memory_space<vmem>>) target(%dma_start3A_977 : memref<10240xf32, #tpu.memory_space<vmem_shared>>) offsets(%dma_start3A_975 : memref<128xi32, #tpu.memory_space<vmem>>) semaphore(%dma_start3A_979 : memref<!tpu.dma_semaphore, #tpu.memory_space<semaphore_mem>>) {add = true}
      %scan3A_980 = arith.constant 0 : i32
      scf.yield %scan3A_980 : i32
    }
    %scan3A_180 = arith.constant 70 : i32
    %dma_wait3A = arith.constant 6 : i32
    %dma_wait3A_181 = arith.constant 0 : i32
    %dma_wait3A_182 = tpu.memref_slice %arg11[%dma_wait3A_181] : memref<128xf32, #tpu.memory_space<vmem>> -> memref<128xf32, #tpu.memory_space<vmem>>
    %dma_wait3A_183 = arith.constant 8960 : i32
    %dma_wait3A_184 = tpu.memref_slice %arg6[%dma_wait3A_183] : memref<10000xi32, #tpu.memory_space<vmem>> -> memref<128xi32, #tpu.memory_space<vmem>>
    %dma_wait3A_185 = arith.constant 0 : i32
    %dma_wait3A_186 = tpu.memref_slice %arg16[%dma_wait3A_185] : memref<10240xf32, #tpu.memory_space<vmem_shared>> -> memref<10240xf32, #tpu.memory_space<vmem_shared>>
    %dma_wait3A_187 = tpu.memref_slice %arg19[%dma_wait3A] : memref<8x!tpu.dma_semaphore, #tpu.memory_space<semaphore_mem>> -> memref<1x!tpu.dma_semaphore, #tpu.memory_space<semaphore_mem>>
    %dma_wait3A_188 = tpu.memref_squeeze %dma_wait3A_187 : memref<1x!tpu.dma_semaphore, #tpu.memory_space<semaphore_mem>> -> memref<!tpu.dma_semaphore, #tpu.memory_space<semaphore_mem>>
    tpu.wait_indirect_dma semaphore(%dma_wait3A_188 : memref<!tpu.dma_semaphore, #tpu.memory_space<semaphore_mem>>) src(%dma_wait3A_182 : memref<128xf32, #tpu.memory_space<vmem>>) dst(%dma_wait3A_186 : memref<10240xf32, #tpu.memory_space<vmem_shared>>)
    %dma_wait3A_189 = arith.constant 7 : i32
    %dma_wait3A_190 = arith.constant 0 : i32
    %dma_wait3A_191 = tpu.memref_slice %arg11[%dma_wait3A_190] : memref<128xf32, #tpu.memory_space<vmem>> -> memref<128xf32, #tpu.memory_space<vmem>>
    %dma_wait3A_192 = arith.constant 9088 : i32
    %dma_wait3A_193 = tpu.memref_slice %arg6[%dma_wait3A_192] : memref<10000xi32, #tpu.memory_space<vmem>> -> memref<128xi32, #tpu.memory_space<vmem>>
    %dma_wait3A_194 = arith.constant 0 : i32
    %dma_wait3A_195 = tpu.memref_slice %arg16[%dma_wait3A_194] : memref<10240xf32, #tpu.memory_space<vmem_shared>> -> memref<10240xf32, #tpu.memory_space<vmem_shared>>
    %dma_wait3A_196 = tpu.memref_slice %arg19[%dma_wait3A_189] : memref<8x!tpu.dma_semaphore, #tpu.memory_space<semaphore_mem>> -> memref<1x!tpu.dma_semaphore, #tpu.memory_space<semaphore_mem>>
    %dma_wait3A_197 = tpu.memref_squeeze %dma_wait3A_196 : memref<1x!tpu.dma_semaphore, #tpu.memory_space<semaphore_mem>> -> memref<!tpu.dma_semaphore, #tpu.memory_space<semaphore_mem>>
    tpu.wait_indirect_dma semaphore(%dma_wait3A_197 : memref<!tpu.dma_semaphore, #tpu.memory_space<semaphore_mem>>) src(%dma_wait3A_191 : memref<128xf32, #tpu.memory_space<vmem>>) dst(%dma_wait3A_195 : memref<10240xf32, #tpu.memory_space<vmem_shared>>)
    %dma_wait3A_198 = arith.constant 0 : i32
    %dma_wait3A_199 = arith.constant 0 : i32
    %dma_wait3A_200 = tpu.memref_slice %arg11[%dma_wait3A_199] : memref<128xf32, #tpu.memory_space<vmem>> -> memref<128xf32, #tpu.memory_space<vmem>>
    %dma_wait3A_201 = arith.constant 9216 : i32
    %dma_wait3A_202 = tpu.memref_slice %arg6[%dma_wait3A_201] : memref<10000xi32, #tpu.memory_space<vmem>> -> memref<128xi32, #tpu.memory_space<vmem>>
    %dma_wait3A_203 = arith.constant 0 : i32
    %dma_wait3A_204 = tpu.memref_slice %arg16[%dma_wait3A_203] : memref<10240xf32, #tpu.memory_space<vmem_shared>> -> memref<10240xf32, #tpu.memory_space<vmem_shared>>
    %dma_wait3A_205 = tpu.memref_slice %arg19[%dma_wait3A_198] : memref<8x!tpu.dma_semaphore, #tpu.memory_space<semaphore_mem>> -> memref<1x!tpu.dma_semaphore, #tpu.memory_space<semaphore_mem>>
    %dma_wait3A_206 = tpu.memref_squeeze %dma_wait3A_205 : memref<1x!tpu.dma_semaphore, #tpu.memory_space<semaphore_mem>> -> memref<!tpu.dma_semaphore, #tpu.memory_space<semaphore_mem>>
    tpu.wait_indirect_dma semaphore(%dma_wait3A_206 : memref<!tpu.dma_semaphore, #tpu.memory_space<semaphore_mem>>) src(%dma_wait3A_200 : memref<128xf32, #tpu.memory_space<vmem>>) dst(%dma_wait3A_204 : memref<10240xf32, #tpu.memory_space<vmem_shared>>)
    %dma_wait3A_207 = arith.constant 1 : i32
    %dma_wait3A_208 = arith.constant 0 : i32
    %dma_wait3A_209 = tpu.memref_slice %arg11[%dma_wait3A_208] : memref<128xf32, #tpu.memory_space<vmem>> -> memref<128xf32, #tpu.memory_space<vmem>>
    %dma_wait3A_210 = arith.constant 9344 : i32
    %dma_wait3A_211 = tpu.memref_slice %arg6[%dma_wait3A_210] : memref<10000xi32, #tpu.memory_space<vmem>> -> memref<128xi32, #tpu.memory_space<vmem>>
    %dma_wait3A_212 = arith.constant 0 : i32
    %dma_wait3A_213 = tpu.memref_slice %arg16[%dma_wait3A_212] : memref<10240xf32, #tpu.memory_space<vmem_shared>> -> memref<10240xf32, #tpu.memory_space<vmem_shared>>
    %dma_wait3A_214 = tpu.memref_slice %arg19[%dma_wait3A_207] : memref<8x!tpu.dma_semaphore, #tpu.memory_space<semaphore_mem>> -> memref<1x!tpu.dma_semaphore, #tpu.memory_space<semaphore_mem>>
    %dma_wait3A_215 = tpu.memref_squeeze %dma_wait3A_214 : memref<1x!tpu.dma_semaphore, #tpu.memory_space<semaphore_mem>> -> memref<!tpu.dma_semaphore, #tpu.memory_space<semaphore_mem>>
    tpu.wait_indirect_dma semaphore(%dma_wait3A_215 : memref<!tpu.dma_semaphore, #tpu.memory_space<semaphore_mem>>) src(%dma_wait3A_209 : memref<128xf32, #tpu.memory_space<vmem>>) dst(%dma_wait3A_213 : memref<10240xf32, #tpu.memory_space<vmem_shared>>)
    %dma_wait3A_216 = arith.constant 2 : i32
    %dma_wait3A_217 = arith.constant 0 : i32
    %dma_wait3A_218 = tpu.memref_slice %arg11[%dma_wait3A_217] : memref<128xf32, #tpu.memory_space<vmem>> -> memref<128xf32, #tpu.memory_space<vmem>>
    %dma_wait3A_219 = arith.constant 9472 : i32
    %dma_wait3A_220 = tpu.memref_slice %arg6[%dma_wait3A_219] : memref<10000xi32, #tpu.memory_space<vmem>> -> memref<128xi32, #tpu.memory_space<vmem>>
    %dma_wait3A_221 = arith.constant 0 : i32
    %dma_wait3A_222 = tpu.memref_slice %arg16[%dma_wait3A_221] : memref<10240xf32, #tpu.memory_space<vmem_shared>> -> memref<10240xf32, #tpu.memory_space<vmem_shared>>
    %dma_wait3A_223 = tpu.memref_slice %arg19[%dma_wait3A_216] : memref<8x!tpu.dma_semaphore, #tpu.memory_space<semaphore_mem>> -> memref<1x!tpu.dma_semaphore, #tpu.memory_space<semaphore_mem>>
    %dma_wait3A_224 = tpu.memref_squeeze %dma_wait3A_223 : memref<1x!tpu.dma_semaphore, #tpu.memory_space<semaphore_mem>> -> memref<!tpu.dma_semaphore, #tpu.memory_space<semaphore_mem>>
    tpu.wait_indirect_dma semaphore(%dma_wait3A_224 : memref<!tpu.dma_semaphore, #tpu.memory_space<semaphore_mem>>) src(%dma_wait3A_218 : memref<128xf32, #tpu.memory_space<vmem>>) dst(%dma_wait3A_222 : memref<10240xf32, #tpu.memory_space<vmem_shared>>)
    %dma_wait3A_225 = arith.constant 3 : i32
    %dma_wait3A_226 = arith.constant 0 : i32
    %dma_wait3A_227 = tpu.memref_slice %arg11[%dma_wait3A_226] : memref<128xf32, #tpu.memory_space<vmem>> -> memref<128xf32, #tpu.memory_space<vmem>>
    %dma_wait3A_228 = arith.constant 9600 : i32
    %dma_wait3A_229 = tpu.memref_slice %arg6[%dma_wait3A_228] : memref<10000xi32, #tpu.memory_space<vmem>> -> memref<128xi32, #tpu.memory_space<vmem>>
    %dma_wait3A_230 = arith.constant 0 : i32
    %dma_wait3A_231 = tpu.memref_slice %arg16[%dma_wait3A_230] : memref<10240xf32, #tpu.memory_space<vmem_shared>> -> memref<10240xf32, #tpu.memory_space<vmem_shared>>
    %dma_wait3A_232 = tpu.memref_slice %arg19[%dma_wait3A_225] : memref<8x!tpu.dma_semaphore, #tpu.memory_space<semaphore_mem>> -> memref<1x!tpu.dma_semaphore, #tpu.memory_space<semaphore_mem>>
    %dma_wait3A_233 = tpu.memref_squeeze %dma_wait3A_232 : memref<1x!tpu.dma_semaphore, #tpu.memory_space<semaphore_mem>> -> memref<!tpu.dma_semaphore, #tpu.memory_space<semaphore_mem>>
    tpu.wait_indirect_dma semaphore(%dma_wait3A_233 : memref<!tpu.dma_semaphore, #tpu.memory_space<semaphore_mem>>) src(%dma_wait3A_227 : memref<128xf32, #tpu.memory_space<vmem>>) dst(%dma_wait3A_231 : memref<10240xf32, #tpu.memory_space<vmem_shared>>)
    %dma_wait3A_234 = arith.constant 4 : i32
    %dma_wait3A_235 = arith.constant 0 : i32
    %dma_wait3A_236 = tpu.memref_slice %arg11[%dma_wait3A_235] : memref<128xf32, #tpu.memory_space<vmem>> -> memref<128xf32, #tpu.memory_space<vmem>>
    %dma_wait3A_237 = arith.constant 9728 : i32
    %dma_wait3A_238 = tpu.memref_slice %arg6[%dma_wait3A_237] : memref<10000xi32, #tpu.memory_space<vmem>> -> memref<128xi32, #tpu.memory_space<vmem>>
    %dma_wait3A_239 = arith.constant 0 : i32
    %dma_wait3A_240 = tpu.memref_slice %arg16[%dma_wait3A_239] : memref<10240xf32, #tpu.memory_space<vmem_shared>> -> memref<10240xf32, #tpu.memory_space<vmem_shared>>
    %dma_wait3A_241 = tpu.memref_slice %arg19[%dma_wait3A_234] : memref<8x!tpu.dma_semaphore, #tpu.memory_space<semaphore_mem>> -> memref<1x!tpu.dma_semaphore, #tpu.memory_space<semaphore_mem>>
    %dma_wait3A_242 = tpu.memref_squeeze %dma_wait3A_241 : memref<1x!tpu.dma_semaphore, #tpu.memory_space<semaphore_mem>> -> memref<!tpu.dma_semaphore, #tpu.memory_space<semaphore_mem>>
    tpu.wait_indirect_dma semaphore(%dma_wait3A_242 : memref<!tpu.dma_semaphore, #tpu.memory_space<semaphore_mem>>) src(%dma_wait3A_236 : memref<128xf32, #tpu.memory_space<vmem>>) dst(%dma_wait3A_240 : memref<10240xf32, #tpu.memory_space<vmem_shared>>)
    %dma_wait3A_243 = arith.constant 5 : i32
    %dma_wait3A_244 = arith.constant 0 : i32
    %dma_wait3A_245 = tpu.memref_slice %arg11[%dma_wait3A_244] : memref<128xf32, #tpu.memory_space<vmem>> -> memref<128xf32, #tpu.memory_space<vmem>>
    %dma_wait3A_246 = arith.constant 9856 : i32
    %dma_wait3A_247 = tpu.memref_slice %arg6[%dma_wait3A_246] : memref<10000xi32, #tpu.memory_space<vmem>> -> memref<128xi32, #tpu.memory_space<vmem>>
    %dma_wait3A_248 = arith.constant 0 : i32
    %dma_wait3A_249 = tpu.memref_slice %arg16[%dma_wait3A_248] : memref<10240xf32, #tpu.memory_space<vmem_shared>> -> memref<10240xf32, #tpu.memory_space<vmem_shared>>
    %dma_wait3A_250 = tpu.memref_slice %arg19[%dma_wait3A_243] : memref<8x!tpu.dma_semaphore, #tpu.memory_space<semaphore_mem>> -> memref<1x!tpu.dma_semaphore, #tpu.memory_space<semaphore_mem>>
    %dma_wait3A_251 = tpu.memref_squeeze %dma_wait3A_250 : memref<1x!tpu.dma_semaphore, #tpu.memory_space<semaphore_mem>> -> memref<!tpu.dma_semaphore, #tpu.memory_space<semaphore_mem>>
    tpu.wait_indirect_dma semaphore(%dma_wait3A_251 : memref<!tpu.dma_semaphore, #tpu.memory_space<semaphore_mem>>) src(%dma_wait3A_245 : memref<128xf32, #tpu.memory_space<vmem>>) dst(%dma_wait3A_249 : memref<10240xf32, #tpu.memory_space<vmem_shared>>)
    %dma_start3A_252 = arith.constant 6 : i32
    %dma_start3A_253 = arith.constant 0 : i32
    %dma_start3A_254 = tpu.memref_slice %arg11[%dma_start3A_253] : memref<128xf32, #tpu.memory_space<vmem>> -> memref<16xf32, #tpu.memory_space<vmem>>
    %dma_start3A_255 = arith.constant 9984 : i32
    %dma_start3A_256 = tpu.memref_slice %arg6[%dma_start3A_255] : memref<10000xi32, #tpu.memory_space<vmem>> -> memref<16xi32, #tpu.memory_space<vmem>>
    %dma_start3A_257 = arith.constant 0 : i32
    %dma_start3A_258 = tpu.memref_slice %arg16[%dma_start3A_257] : memref<10240xf32, #tpu.memory_space<vmem_shared>> -> memref<10240xf32, #tpu.memory_space<vmem_shared>>
    %dma_start3A_259 = tpu.memref_slice %arg19[%dma_start3A_252] : memref<8x!tpu.dma_semaphore, #tpu.memory_space<semaphore_mem>> -> memref<1x!tpu.dma_semaphore, #tpu.memory_space<semaphore_mem>>
    %dma_start3A_260 = tpu.memref_squeeze %dma_start3A_259 : memref<1x!tpu.dma_semaphore, #tpu.memory_space<semaphore_mem>> -> memref<!tpu.dma_semaphore, #tpu.memory_space<semaphore_mem>>
    tpu.enqueue_indirect_dma source(%dma_start3A_254 : memref<16xf32, #tpu.memory_space<vmem>>) target(%dma_start3A_258 : memref<10240xf32, #tpu.memory_space<vmem_shared>>) offsets(%dma_start3A_256 : memref<16xi32, #tpu.memory_space<vmem>>) semaphore(%dma_start3A_260 : memref<!tpu.dma_semaphore, #tpu.memory_space<semaphore_mem>>) {add = true}
    %dma_wait3A_261 = arith.constant 6 : i32
    %dma_wait3A_262 = arith.constant 0 : i32
    %dma_wait3A_263 = tpu.memref_slice %arg11[%dma_wait3A_262] : memref<128xf32, #tpu.memory_space<vmem>> -> memref<16xf32, #tpu.memory_space<vmem>>
    %dma_wait3A_264 = arith.constant 9984 : i32
    %dma_wait3A_265 = tpu.memref_slice %arg6[%dma_wait3A_264] : memref<10000xi32, #tpu.memory_space<vmem>> -> memref<16xi32, #tpu.memory_space<vmem>>
    %dma_wait3A_266 = arith.constant 0 : i32
    %dma_wait3A_267 = tpu.memref_slice %arg16[%dma_wait3A_266] : memref<10240xf32, #tpu.memory_space<vmem_shared>> -> memref<10240xf32, #tpu.memory_space<vmem_shared>>
    %dma_wait3A_268 = tpu.memref_slice %arg19[%dma_wait3A_261] : memref<8x!tpu.dma_semaphore, #tpu.memory_space<semaphore_mem>> -> memref<1x!tpu.dma_semaphore, #tpu.memory_space<semaphore_mem>>
    %dma_wait3A_269 = tpu.memref_squeeze %dma_wait3A_268 : memref<1x!tpu.dma_semaphore, #tpu.memory_space<semaphore_mem>> -> memref<!tpu.dma_semaphore, #tpu.memory_space<semaphore_mem>>
    tpu.wait_indirect_dma semaphore(%dma_wait3A_269 : memref<!tpu.dma_semaphore, #tpu.memory_space<semaphore_mem>>) src(%dma_wait3A_263 : memref<16xf32, #tpu.memory_space<vmem>>) dst(%dma_wait3A_267 : memref<10240xf32, #tpu.memory_space<vmem_shared>>)
    %dma_start3A_270 = arith.constant 0 : i32
    %dma_start3A_271 = arith.constant 0 : i32
    %dma_start3A_272 = tpu.memref_slice %arg11[%dma_start3A_271] : memref<128xf32, #tpu.memory_space<vmem>> -> memref<128xf32, #tpu.memory_space<vmem>>
    %dma_start3A_273 = arith.constant 0 : i32
    %dma_start3A_274 = tpu.memref_slice %arg7[%dma_start3A_273] : memref<10000xi32, #tpu.memory_space<vmem>> -> memref<128xi32, #tpu.memory_space<vmem>>
    %dma_start3A_275 = arith.constant 0 : i32
    %dma_start3A_276 = tpu.memref_slice %arg16[%dma_start3A_275] : memref<10240xf32, #tpu.memory_space<vmem_shared>> -> memref<10240xf32, #tpu.memory_space<vmem_shared>>
    %dma_start3A_277 = tpu.memref_slice %arg19[%dma_start3A_270] : memref<8x!tpu.dma_semaphore, #tpu.memory_space<semaphore_mem>> -> memref<1x!tpu.dma_semaphore, #tpu.memory_space<semaphore_mem>>
    %dma_start3A_278 = tpu.memref_squeeze %dma_start3A_277 : memref<1x!tpu.dma_semaphore, #tpu.memory_space<semaphore_mem>> -> memref<!tpu.dma_semaphore, #tpu.memory_space<semaphore_mem>>
    tpu.enqueue_indirect_dma source(%dma_start3A_272 : memref<128xf32, #tpu.memory_space<vmem>>) target(%dma_start3A_276 : memref<10240xf32, #tpu.memory_space<vmem_shared>>) offsets(%dma_start3A_274 : memref<128xi32, #tpu.memory_space<vmem>>) semaphore(%dma_start3A_278 : memref<!tpu.dma_semaphore, #tpu.memory_space<semaphore_mem>>) {add = true}
    %dma_start3A_279 = arith.constant 1 : i32
    %dma_start3A_280 = arith.constant 0 : i32
    %dma_start3A_281 = tpu.memref_slice %arg11[%dma_start3A_280] : memref<128xf32, #tpu.memory_space<vmem>> -> memref<128xf32, #tpu.memory_space<vmem>>
    %dma_start3A_282 = arith.constant 128 : i32
    %dma_start3A_283 = tpu.memref_slice %arg7[%dma_start3A_282] : memref<10000xi32, #tpu.memory_space<vmem>> -> memref<128xi32, #tpu.memory_space<vmem>>
    %dma_start3A_284 = arith.constant 0 : i32
    %dma_start3A_285 = tpu.memref_slice %arg16[%dma_start3A_284] : memref<10240xf32, #tpu.memory_space<vmem_shared>> -> memref<10240xf32, #tpu.memory_space<vmem_shared>>
    %dma_start3A_286 = tpu.memref_slice %arg19[%dma_start3A_279] : memref<8x!tpu.dma_semaphore, #tpu.memory_space<semaphore_mem>> -> memref<1x!tpu.dma_semaphore, #tpu.memory_space<semaphore_mem>>
    %dma_start3A_287 = tpu.memref_squeeze %dma_start3A_286 : memref<1x!tpu.dma_semaphore, #tpu.memory_space<semaphore_mem>> -> memref<!tpu.dma_semaphore, #tpu.memory_space<semaphore_mem>>
    tpu.enqueue_indirect_dma source(%dma_start3A_281 : memref<128xf32, #tpu.memory_space<vmem>>) target(%dma_start3A_285 : memref<10240xf32, #tpu.memory_space<vmem_shared>>) offsets(%dma_start3A_283 : memref<128xi32, #tpu.memory_space<vmem>>) semaphore(%dma_start3A_287 : memref<!tpu.dma_semaphore, #tpu.memory_space<semaphore_mem>>) {add = true}
    %dma_start3A_288 = arith.constant 2 : i32
    %dma_start3A_289 = arith.constant 0 : i32
    %dma_start3A_290 = tpu.memref_slice %arg11[%dma_start3A_289] : memref<128xf32, #tpu.memory_space<vmem>> -> memref<128xf32, #tpu.memory_space<vmem>>
    %dma_start3A_291 = arith.constant 256 : i32
    %dma_start3A_292 = tpu.memref_slice %arg7[%dma_start3A_291] : memref<10000xi32, #tpu.memory_space<vmem>> -> memref<128xi32, #tpu.memory_space<vmem>>
    %dma_start3A_293 = arith.constant 0 : i32
    %dma_start3A_294 = tpu.memref_slice %arg16[%dma_start3A_293] : memref<10240xf32, #tpu.memory_space<vmem_shared>> -> memref<10240xf32, #tpu.memory_space<vmem_shared>>
    %dma_start3A_295 = tpu.memref_slice %arg19[%dma_start3A_288] : memref<8x!tpu.dma_semaphore, #tpu.memory_space<semaphore_mem>> -> memref<1x!tpu.dma_semaphore, #tpu.memory_space<semaphore_mem>>
    %dma_start3A_296 = tpu.memref_squeeze %dma_start3A_295 : memref<1x!tpu.dma_semaphore, #tpu.memory_space<semaphore_mem>> -> memref<!tpu.dma_semaphore, #tpu.memory_space<semaphore_mem>>
    tpu.enqueue_indirect_dma source(%dma_start3A_290 : memref<128xf32, #tpu.memory_space<vmem>>) target(%dma_start3A_294 : memref<10240xf32, #tpu.memory_space<vmem_shared>>) offsets(%dma_start3A_292 : memref<128xi32, #tpu.memory_space<vmem>>) semaphore(%dma_start3A_296 : memref<!tpu.dma_semaphore, #tpu.memory_space<semaphore_mem>>) {add = true}
    %dma_start3A_297 = arith.constant 3 : i32
    %dma_start3A_298 = arith.constant 0 : i32
    %dma_start3A_299 = tpu.memref_slice %arg11[%dma_start3A_298] : memref<128xf32, #tpu.memory_space<vmem>> -> memref<128xf32, #tpu.memory_space<vmem>>
    %dma_start3A_300 = arith.constant 384 : i32
    %dma_start3A_301 = tpu.memref_slice %arg7[%dma_start3A_300] : memref<10000xi32, #tpu.memory_space<vmem>> -> memref<128xi32, #tpu.memory_space<vmem>>
    %dma_start3A_302 = arith.constant 0 : i32
    %dma_start3A_303 = tpu.memref_slice %arg16[%dma_start3A_302] : memref<10240xf32, #tpu.memory_space<vmem_shared>> -> memref<10240xf32, #tpu.memory_space<vmem_shared>>
    %dma_start3A_304 = tpu.memref_slice %arg19[%dma_start3A_297] : memref<8x!tpu.dma_semaphore, #tpu.memory_space<semaphore_mem>> -> memref<1x!tpu.dma_semaphore, #tpu.memory_space<semaphore_mem>>
    %dma_start3A_305 = tpu.memref_squeeze %dma_start3A_304 : memref<1x!tpu.dma_semaphore, #tpu.memory_space<semaphore_mem>> -> memref<!tpu.dma_semaphore, #tpu.memory_space<semaphore_mem>>
    tpu.enqueue_indirect_dma source(%dma_start3A_299 : memref<128xf32, #tpu.memory_space<vmem>>) target(%dma_start3A_303 : memref<10240xf32, #tpu.memory_space<vmem_shared>>) offsets(%dma_start3A_301 : memref<128xi32, #tpu.memory_space<vmem>>) semaphore(%dma_start3A_305 : memref<!tpu.dma_semaphore, #tpu.memory_space<semaphore_mem>>) {add = true}
    %dma_start3A_306 = arith.constant 4 : i32
    %dma_start3A_307 = arith.constant 0 : i32
    %dma_start3A_308 = tpu.memref_slice %arg11[%dma_start3A_307] : memref<128xf32, #tpu.memory_space<vmem>> -> memref<128xf32, #tpu.memory_space<vmem>>
    %dma_start3A_309 = arith.constant 512 : i32
    %dma_start3A_310 = tpu.memref_slice %arg7[%dma_start3A_309] : memref<10000xi32, #tpu.memory_space<vmem>> -> memref<128xi32, #tpu.memory_space<vmem>>
    %dma_start3A_311 = arith.constant 0 : i32
    %dma_start3A_312 = tpu.memref_slice %arg16[%dma_start3A_311] : memref<10240xf32, #tpu.memory_space<vmem_shared>> -> memref<10240xf32, #tpu.memory_space<vmem_shared>>
    %dma_start3A_313 = tpu.memref_slice %arg19[%dma_start3A_306] : memref<8x!tpu.dma_semaphore, #tpu.memory_space<semaphore_mem>> -> memref<1x!tpu.dma_semaphore, #tpu.memory_space<semaphore_mem>>
    %dma_start3A_314 = tpu.memref_squeeze %dma_start3A_313 : memref<1x!tpu.dma_semaphore, #tpu.memory_space<semaphore_mem>> -> memref<!tpu.dma_semaphore, #tpu.memory_space<semaphore_mem>>
    tpu.enqueue_indirect_dma source(%dma_start3A_308 : memref<128xf32, #tpu.memory_space<vmem>>) target(%dma_start3A_312 : memref<10240xf32, #tpu.memory_space<vmem_shared>>) offsets(%dma_start3A_310 : memref<128xi32, #tpu.memory_space<vmem>>) semaphore(%dma_start3A_314 : memref<!tpu.dma_semaphore, #tpu.memory_space<semaphore_mem>>) {add = true}
    %dma_start3A_315 = arith.constant 5 : i32
    %dma_start3A_316 = arith.constant 0 : i32
    %dma_start3A_317 = tpu.memref_slice %arg11[%dma_start3A_316] : memref<128xf32, #tpu.memory_space<vmem>> -> memref<128xf32, #tpu.memory_space<vmem>>
    %dma_start3A_318 = arith.constant 640 : i32
    %dma_start3A_319 = tpu.memref_slice %arg7[%dma_start3A_318] : memref<10000xi32, #tpu.memory_space<vmem>> -> memref<128xi32, #tpu.memory_space<vmem>>
    %dma_start3A_320 = arith.constant 0 : i32
    %dma_start3A_321 = tpu.memref_slice %arg16[%dma_start3A_320] : memref<10240xf32, #tpu.memory_space<vmem_shared>> -> memref<10240xf32, #tpu.memory_space<vmem_shared>>
    %dma_start3A_322 = tpu.memref_slice %arg19[%dma_start3A_315] : memref<8x!tpu.dma_semaphore, #tpu.memory_space<semaphore_mem>> -> memref<1x!tpu.dma_semaphore, #tpu.memory_space<semaphore_mem>>
    %dma_start3A_323 = tpu.memref_squeeze %dma_start3A_322 : memref<1x!tpu.dma_semaphore, #tpu.memory_space<semaphore_mem>> -> memref<!tpu.dma_semaphore, #tpu.memory_space<semaphore_mem>>
    tpu.enqueue_indirect_dma source(%dma_start3A_317 : memref<128xf32, #tpu.memory_space<vmem>>) target(%dma_start3A_321 : memref<10240xf32, #tpu.memory_space<vmem_shared>>) offsets(%dma_start3A_319 : memref<128xi32, #tpu.memory_space<vmem>>) semaphore(%dma_start3A_323 : memref<!tpu.dma_semaphore, #tpu.memory_space<semaphore_mem>>) {add = true}
    %dma_start3A_324 = arith.constant 6 : i32
    %dma_start3A_325 = arith.constant 0 : i32
    %dma_start3A_326 = tpu.memref_slice %arg11[%dma_start3A_325] : memref<128xf32, #tpu.memory_space<vmem>> -> memref<128xf32, #tpu.memory_space<vmem>>
    %dma_start3A_327 = arith.constant 768 : i32
    %dma_start3A_328 = tpu.memref_slice %arg7[%dma_start3A_327] : memref<10000xi32, #tpu.memory_space<vmem>> -> memref<128xi32, #tpu.memory_space<vmem>>
    %dma_start3A_329 = arith.constant 0 : i32
    %dma_start3A_330 = tpu.memref_slice %arg16[%dma_start3A_329] : memref<10240xf32, #tpu.memory_space<vmem_shared>> -> memref<10240xf32, #tpu.memory_space<vmem_shared>>
    %dma_start3A_331 = tpu.memref_slice %arg19[%dma_start3A_324] : memref<8x!tpu.dma_semaphore, #tpu.memory_space<semaphore_mem>> -> memref<1x!tpu.dma_semaphore, #tpu.memory_space<semaphore_mem>>
    %dma_start3A_332 = tpu.memref_squeeze %dma_start3A_331 : memref<1x!tpu.dma_semaphore, #tpu.memory_space<semaphore_mem>> -> memref<!tpu.dma_semaphore, #tpu.memory_space<semaphore_mem>>
    tpu.enqueue_indirect_dma source(%dma_start3A_326 : memref<128xf32, #tpu.memory_space<vmem>>) target(%dma_start3A_330 : memref<10240xf32, #tpu.memory_space<vmem_shared>>) offsets(%dma_start3A_328 : memref<128xi32, #tpu.memory_space<vmem>>) semaphore(%dma_start3A_332 : memref<!tpu.dma_semaphore, #tpu.memory_space<semaphore_mem>>) {add = true}
    %dma_start3A_333 = arith.constant 7 : i32
    %dma_start3A_334 = arith.constant 0 : i32
    %dma_start3A_335 = tpu.memref_slice %arg11[%dma_start3A_334] : memref<128xf32, #tpu.memory_space<vmem>> -> memref<128xf32, #tpu.memory_space<vmem>>
    %dma_start3A_336 = arith.constant 896 : i32
    %dma_start3A_337 = tpu.memref_slice %arg7[%dma_start3A_336] : memref<10000xi32, #tpu.memory_space<vmem>> -> memref<128xi32, #tpu.memory_space<vmem>>
    %dma_start3A_338 = arith.constant 0 : i32
    %dma_start3A_339 = tpu.memref_slice %arg16[%dma_start3A_338] : memref<10240xf32, #tpu.memory_space<vmem_shared>> -> memref<10240xf32, #tpu.memory_space<vmem_shared>>
    %dma_start3A_340 = tpu.memref_slice %arg19[%dma_start3A_333] : memref<8x!tpu.dma_semaphore, #tpu.memory_space<semaphore_mem>> -> memref<1x!tpu.dma_semaphore, #tpu.memory_space<semaphore_mem>>
    %dma_start3A_341 = tpu.memref_squeeze %dma_start3A_340 : memref<1x!tpu.dma_semaphore, #tpu.memory_space<semaphore_mem>> -> memref<!tpu.dma_semaphore, #tpu.memory_space<semaphore_mem>>
    tpu.enqueue_indirect_dma source(%dma_start3A_335 : memref<128xf32, #tpu.memory_space<vmem>>) target(%dma_start3A_339 : memref<10240xf32, #tpu.memory_space<vmem_shared>>) offsets(%dma_start3A_337 : memref<128xi32, #tpu.memory_space<vmem>>) semaphore(%dma_start3A_341 : memref<!tpu.dma_semaphore, #tpu.memory_space<semaphore_mem>>) {add = true}
    %scan3A_342 = arith.constant 0 : i32
    %scan3A_343 = arith.constant 8 : i32
    %scan3A_344 = arith.constant 70 : i32
    %scan3A_345 = arith.addi %scan3A_343, %scan3A_344 : i32
    %scan3A_346 = arith.constant 1 : i32
    %scan3A_347 = scf.for %scan3A_928 = %scan3A_343 to %scan3A_345 step %scan3A_346 iter_args(%scan3A_929 = %scan3A_342) -> (i32)  : i32 {
      %sub3A_930 = arith.constant 8 : i32
      %sub3A_931 = arith.subi %scan3A_928, %sub3A_930 : i32
      %jit3A_932 = arith.constant 8 : i32
      %eq3A = arith.constant 0 : i32
      %eq3A_933 = arith.cmpi eq, %jit3A_932, %eq3A : i32
      %jit3A_934 = arith.constant 1 : i32
      %select_n3A_935 = arith.select %eq3A_933, %jit3A_934, %jit3A_932 : i32
      %rem3A_936 = arith.remsi %sub3A_931, %select_n3A_935 : i32
      %ne3A_937 = arith.constant 0 : i32
      %ne3A_938 = arith.cmpi ne, %rem3A_936, %ne3A_937 : i32
      %lt3A = arith.constant 0 : i32
      %lt3A_939 = arith.cmpi slt, %rem3A_936, %lt3A : i32
      %lt3A_940 = arith.constant 0 : i32
      %lt3A_941 = arith.cmpi slt, %select_n3A_935, %lt3A_940 : i32
      %ne3A_942 = arith.xori %lt3A_939, %lt3A_941 : i1
      %and3A_943 = arith.andi %ne3A_942, %ne3A_938 : i1
      %add3A_944 = arith.addi %rem3A_936, %select_n3A_935 : i32
      %select_n3A_945 = arith.select %and3A_943, %add3A_944, %rem3A_936 : i32
      %mul3A_946 = arith.constant 128 : i32
      %mul3A_947 = arith.muli %sub3A_931, %mul3A_946 : i32
      %dma_wait3A_948 = arith.constant 0 : i32
      %dma_wait3A_949 = tpu.memref_slice %arg11[%dma_wait3A_948] : memref<128xf32, #tpu.memory_space<vmem>> -> memref<128xf32, #tpu.memory_space<vmem>>
      %dma_wait3A_950 = tpu.memref_slice %arg7[%mul3A_947] : memref<10000xi32, #tpu.memory_space<vmem>> -> memref<128xi32, #tpu.memory_space<vmem>>
      %dma_wait3A_951 = arith.constant 0 : i32
      %dma_wait3A_952 = tpu.memref_slice %arg16[%dma_wait3A_951] : memref<10240xf32, #tpu.memory_space<vmem_shared>> -> memref<10240xf32, #tpu.memory_space<vmem_shared>>
      %dma_wait3A_953 = tpu.memref_slice %arg19[%select_n3A_945] : memref<8x!tpu.dma_semaphore, #tpu.memory_space<semaphore_mem>> -> memref<1x!tpu.dma_semaphore, #tpu.memory_space<semaphore_mem>>
      %dma_wait3A_954 = tpu.memref_squeeze %dma_wait3A_953 : memref<1x!tpu.dma_semaphore, #tpu.memory_space<semaphore_mem>> -> memref<!tpu.dma_semaphore, #tpu.memory_space<semaphore_mem>>
      tpu.wait_indirect_dma semaphore(%dma_wait3A_954 : memref<!tpu.dma_semaphore, #tpu.memory_space<semaphore_mem>>) src(%dma_wait3A_949 : memref<128xf32, #tpu.memory_space<vmem>>) dst(%dma_wait3A_952 : memref<10240xf32, #tpu.memory_space<vmem_shared>>)
      %jit3A_955 = arith.constant 8 : i32
      %eq3A_956 = arith.constant 0 : i32
      %eq3A_957 = arith.cmpi eq, %jit3A_955, %eq3A_956 : i32
      %jit3A_958 = arith.constant 1 : i32
      %select_n3A_959 = arith.select %eq3A_957, %jit3A_958, %jit3A_955 : i32
      %rem3A_960 = arith.remsi %scan3A_928, %select_n3A_959 : i32
      %ne3A_961 = arith.constant 0 : i32
      %ne3A_962 = arith.cmpi ne, %rem3A_960, %ne3A_961 : i32
      %lt3A_963 = arith.constant 0 : i32
      %lt3A_964 = arith.cmpi slt, %rem3A_960, %lt3A_963 : i32
      %lt3A_965 = arith.constant 0 : i32
      %lt3A_966 = arith.cmpi slt, %select_n3A_959, %lt3A_965 : i32
      %ne3A_967 = arith.xori %lt3A_964, %lt3A_966 : i1
      %and3A_968 = arith.andi %ne3A_967, %ne3A_962 : i1
      %add3A_969 = arith.addi %rem3A_960, %select_n3A_959 : i32
      %select_n3A_970 = arith.select %and3A_968, %add3A_969, %rem3A_960 : i32
      %mul3A_971 = arith.constant 128 : i32
      %mul3A_972 = arith.muli %scan3A_928, %mul3A_971 : i32
      %dma_start3A_973 = arith.constant 0 : i32
      %dma_start3A_974 = tpu.memref_slice %arg11[%dma_start3A_973] : memref<128xf32, #tpu.memory_space<vmem>> -> memref<128xf32, #tpu.memory_space<vmem>>
      %dma_start3A_975 = tpu.memref_slice %arg7[%mul3A_972] : memref<10000xi32, #tpu.memory_space<vmem>> -> memref<128xi32, #tpu.memory_space<vmem>>
      %dma_start3A_976 = arith.constant 0 : i32
      %dma_start3A_977 = tpu.memref_slice %arg16[%dma_start3A_976] : memref<10240xf32, #tpu.memory_space<vmem_shared>> -> memref<10240xf32, #tpu.memory_space<vmem_shared>>
      %dma_start3A_978 = tpu.memref_slice %arg19[%select_n3A_970] : memref<8x!tpu.dma_semaphore, #tpu.memory_space<semaphore_mem>> -> memref<1x!tpu.dma_semaphore, #tpu.memory_space<semaphore_mem>>
      %dma_start3A_979 = tpu.memref_squeeze %dma_start3A_978 : memref<1x!tpu.dma_semaphore, #tpu.memory_space<semaphore_mem>> -> memref<!tpu.dma_semaphore, #tpu.memory_space<semaphore_mem>>
      tpu.enqueue_indirect_dma source(%dma_start3A_974 : memref<128xf32, #tpu.memory_space<vmem>>) target(%dma_start3A_977 : memref<10240xf32, #tpu.memory_space<vmem_shared>>) offsets(%dma_start3A_975 : memref<128xi32, #tpu.memory_space<vmem>>) semaphore(%dma_start3A_979 : memref<!tpu.dma_semaphore, #tpu.memory_space<semaphore_mem>>) {add = true}
      %scan3A_980 = arith.constant 0 : i32
      scf.yield %scan3A_980 : i32
    }
    %scan3A_348 = arith.constant 70 : i32
    %dma_wait3A_349 = arith.constant 6 : i32
    %dma_wait3A_350 = arith.constant 0 : i32
    %dma_wait3A_351 = tpu.memref_slice %arg11[%dma_wait3A_350] : memref<128xf32, #tpu.memory_space<vmem>> -> memref<128xf32, #tpu.memory_space<vmem>>
    %dma_wait3A_352 = arith.constant 8960 : i32
    %dma_wait3A_353 = tpu.memref_slice %arg7[%dma_wait3A_352] : memref<10000xi32, #tpu.memory_space<vmem>> -> memref<128xi32, #tpu.memory_space<vmem>>
    %dma_wait3A_354 = arith.constant 0 : i32
    %dma_wait3A_355 = tpu.memref_slice %arg16[%dma_wait3A_354] : memref<10240xf32, #tpu.memory_space<vmem_shared>> -> memref<10240xf32, #tpu.memory_space<vmem_shared>>
    %dma_wait3A_356 = tpu.memref_slice %arg19[%dma_wait3A_349] : memref<8x!tpu.dma_semaphore, #tpu.memory_space<semaphore_mem>> -> memref<1x!tpu.dma_semaphore, #tpu.memory_space<semaphore_mem>>
    %dma_wait3A_357 = tpu.memref_squeeze %dma_wait3A_356 : memref<1x!tpu.dma_semaphore, #tpu.memory_space<semaphore_mem>> -> memref<!tpu.dma_semaphore, #tpu.memory_space<semaphore_mem>>
    tpu.wait_indirect_dma semaphore(%dma_wait3A_357 : memref<!tpu.dma_semaphore, #tpu.memory_space<semaphore_mem>>) src(%dma_wait3A_351 : memref<128xf32, #tpu.memory_space<vmem>>) dst(%dma_wait3A_355 : memref<10240xf32, #tpu.memory_space<vmem_shared>>)
    %dma_wait3A_358 = arith.constant 7 : i32
    %dma_wait3A_359 = arith.constant 0 : i32
    %dma_wait3A_360 = tpu.memref_slice %arg11[%dma_wait3A_359] : memref<128xf32, #tpu.memory_space<vmem>> -> memref<128xf32, #tpu.memory_space<vmem>>
    %dma_wait3A_361 = arith.constant 9088 : i32
    %dma_wait3A_362 = tpu.memref_slice %arg7[%dma_wait3A_361] : memref<10000xi32, #tpu.memory_space<vmem>> -> memref<128xi32, #tpu.memory_space<vmem>>
    %dma_wait3A_363 = arith.constant 0 : i32
    %dma_wait3A_364 = tpu.memref_slice %arg16[%dma_wait3A_363] : memref<10240xf32, #tpu.memory_space<vmem_shared>> -> memref<10240xf32, #tpu.memory_space<vmem_shared>>
    %dma_wait3A_365 = tpu.memref_slice %arg19[%dma_wait3A_358] : memref<8x!tpu.dma_semaphore, #tpu.memory_space<semaphore_mem>> -> memref<1x!tpu.dma_semaphore, #tpu.memory_space<semaphore_mem>>
    %dma_wait3A_366 = tpu.memref_squeeze %dma_wait3A_365 : memref<1x!tpu.dma_semaphore, #tpu.memory_space<semaphore_mem>> -> memref<!tpu.dma_semaphore, #tpu.memory_space<semaphore_mem>>
    tpu.wait_indirect_dma semaphore(%dma_wait3A_366 : memref<!tpu.dma_semaphore, #tpu.memory_space<semaphore_mem>>) src(%dma_wait3A_360 : memref<128xf32, #tpu.memory_space<vmem>>) dst(%dma_wait3A_364 : memref<10240xf32, #tpu.memory_space<vmem_shared>>)
    %dma_wait3A_367 = arith.constant 0 : i32
    %dma_wait3A_368 = arith.constant 0 : i32
    %dma_wait3A_369 = tpu.memref_slice %arg11[%dma_wait3A_368] : memref<128xf32, #tpu.memory_space<vmem>> -> memref<128xf32, #tpu.memory_space<vmem>>
    %dma_wait3A_370 = arith.constant 9216 : i32
    %dma_wait3A_371 = tpu.memref_slice %arg7[%dma_wait3A_370] : memref<10000xi32, #tpu.memory_space<vmem>> -> memref<128xi32, #tpu.memory_space<vmem>>
    %dma_wait3A_372 = arith.constant 0 : i32
    %dma_wait3A_373 = tpu.memref_slice %arg16[%dma_wait3A_372] : memref<10240xf32, #tpu.memory_space<vmem_shared>> -> memref<10240xf32, #tpu.memory_space<vmem_shared>>
    %dma_wait3A_374 = tpu.memref_slice %arg19[%dma_wait3A_367] : memref<8x!tpu.dma_semaphore, #tpu.memory_space<semaphore_mem>> -> memref<1x!tpu.dma_semaphore, #tpu.memory_space<semaphore_mem>>
    %dma_wait3A_375 = tpu.memref_squeeze %dma_wait3A_374 : memref<1x!tpu.dma_semaphore, #tpu.memory_space<semaphore_mem>> -> memref<!tpu.dma_semaphore, #tpu.memory_space<semaphore_mem>>
    tpu.wait_indirect_dma semaphore(%dma_wait3A_375 : memref<!tpu.dma_semaphore, #tpu.memory_space<semaphore_mem>>) src(%dma_wait3A_369 : memref<128xf32, #tpu.memory_space<vmem>>) dst(%dma_wait3A_373 : memref<10240xf32, #tpu.memory_space<vmem_shared>>)
    %dma_wait3A_376 = arith.constant 1 : i32
    %dma_wait3A_377 = arith.constant 0 : i32
    %dma_wait3A_378 = tpu.memref_slice %arg11[%dma_wait3A_377] : memref<128xf32, #tpu.memory_space<vmem>> -> memref<128xf32, #tpu.memory_space<vmem>>
    %dma_wait3A_379 = arith.constant 9344 : i32
    %dma_wait3A_380 = tpu.memref_slice %arg7[%dma_wait3A_379] : memref<10000xi32, #tpu.memory_space<vmem>> -> memref<128xi32, #tpu.memory_space<vmem>>
    %dma_wait3A_381 = arith.constant 0 : i32
    %dma_wait3A_382 = tpu.memref_slice %arg16[%dma_wait3A_381] : memref<10240xf32, #tpu.memory_space<vmem_shared>> -> memref<10240xf32, #tpu.memory_space<vmem_shared>>
    %dma_wait3A_383 = tpu.memref_slice %arg19[%dma_wait3A_376] : memref<8x!tpu.dma_semaphore, #tpu.memory_space<semaphore_mem>> -> memref<1x!tpu.dma_semaphore, #tpu.memory_space<semaphore_mem>>
    %dma_wait3A_384 = tpu.memref_squeeze %dma_wait3A_383 : memref<1x!tpu.dma_semaphore, #tpu.memory_space<semaphore_mem>> -> memref<!tpu.dma_semaphore, #tpu.memory_space<semaphore_mem>>
    tpu.wait_indirect_dma semaphore(%dma_wait3A_384 : memref<!tpu.dma_semaphore, #tpu.memory_space<semaphore_mem>>) src(%dma_wait3A_378 : memref<128xf32, #tpu.memory_space<vmem>>) dst(%dma_wait3A_382 : memref<10240xf32, #tpu.memory_space<vmem_shared>>)
    %dma_wait3A_385 = arith.constant 2 : i32
    %dma_wait3A_386 = arith.constant 0 : i32
    %dma_wait3A_387 = tpu.memref_slice %arg11[%dma_wait3A_386] : memref<128xf32, #tpu.memory_space<vmem>> -> memref<128xf32, #tpu.memory_space<vmem>>
    %dma_wait3A_388 = arith.constant 9472 : i32
    %dma_wait3A_389 = tpu.memref_slice %arg7[%dma_wait3A_388] : memref<10000xi32, #tpu.memory_space<vmem>> -> memref<128xi32, #tpu.memory_space<vmem>>
    %dma_wait3A_390 = arith.constant 0 : i32
    %dma_wait3A_391 = tpu.memref_slice %arg16[%dma_wait3A_390] : memref<10240xf32, #tpu.memory_space<vmem_shared>> -> memref<10240xf32, #tpu.memory_space<vmem_shared>>
    %dma_wait3A_392 = tpu.memref_slice %arg19[%dma_wait3A_385] : memref<8x!tpu.dma_semaphore, #tpu.memory_space<semaphore_mem>> -> memref<1x!tpu.dma_semaphore, #tpu.memory_space<semaphore_mem>>
    %dma_wait3A_393 = tpu.memref_squeeze %dma_wait3A_392 : memref<1x!tpu.dma_semaphore, #tpu.memory_space<semaphore_mem>> -> memref<!tpu.dma_semaphore, #tpu.memory_space<semaphore_mem>>
    tpu.wait_indirect_dma semaphore(%dma_wait3A_393 : memref<!tpu.dma_semaphore, #tpu.memory_space<semaphore_mem>>) src(%dma_wait3A_387 : memref<128xf32, #tpu.memory_space<vmem>>) dst(%dma_wait3A_391 : memref<10240xf32, #tpu.memory_space<vmem_shared>>)
    %dma_wait3A_394 = arith.constant 3 : i32
    %dma_wait3A_395 = arith.constant 0 : i32
    %dma_wait3A_396 = tpu.memref_slice %arg11[%dma_wait3A_395] : memref<128xf32, #tpu.memory_space<vmem>> -> memref<128xf32, #tpu.memory_space<vmem>>
    %dma_wait3A_397 = arith.constant 9600 : i32
    %dma_wait3A_398 = tpu.memref_slice %arg7[%dma_wait3A_397] : memref<10000xi32, #tpu.memory_space<vmem>> -> memref<128xi32, #tpu.memory_space<vmem>>
    %dma_wait3A_399 = arith.constant 0 : i32
    %dma_wait3A_400 = tpu.memref_slice %arg16[%dma_wait3A_399] : memref<10240xf32, #tpu.memory_space<vmem_shared>> -> memref<10240xf32, #tpu.memory_space<vmem_shared>>
    %dma_wait3A_401 = tpu.memref_slice %arg19[%dma_wait3A_394] : memref<8x!tpu.dma_semaphore, #tpu.memory_space<semaphore_mem>> -> memref<1x!tpu.dma_semaphore, #tpu.memory_space<semaphore_mem>>
    %dma_wait3A_402 = tpu.memref_squeeze %dma_wait3A_401 : memref<1x!tpu.dma_semaphore, #tpu.memory_space<semaphore_mem>> -> memref<!tpu.dma_semaphore, #tpu.memory_space<semaphore_mem>>
    tpu.wait_indirect_dma semaphore(%dma_wait3A_402 : memref<!tpu.dma_semaphore, #tpu.memory_space<semaphore_mem>>) src(%dma_wait3A_396 : memref<128xf32, #tpu.memory_space<vmem>>) dst(%dma_wait3A_400 : memref<10240xf32, #tpu.memory_space<vmem_shared>>)
    %dma_wait3A_403 = arith.constant 4 : i32
    %dma_wait3A_404 = arith.constant 0 : i32
    %dma_wait3A_405 = tpu.memref_slice %arg11[%dma_wait3A_404] : memref<128xf32, #tpu.memory_space<vmem>> -> memref<128xf32, #tpu.memory_space<vmem>>
    %dma_wait3A_406 = arith.constant 9728 : i32
    %dma_wait3A_407 = tpu.memref_slice %arg7[%dma_wait3A_406] : memref<10000xi32, #tpu.memory_space<vmem>> -> memref<128xi32, #tpu.memory_space<vmem>>
    %dma_wait3A_408 = arith.constant 0 : i32
    %dma_wait3A_409 = tpu.memref_slice %arg16[%dma_wait3A_408] : memref<10240xf32, #tpu.memory_space<vmem_shared>> -> memref<10240xf32, #tpu.memory_space<vmem_shared>>
    %dma_wait3A_410 = tpu.memref_slice %arg19[%dma_wait3A_403] : memref<8x!tpu.dma_semaphore, #tpu.memory_space<semaphore_mem>> -> memref<1x!tpu.dma_semaphore, #tpu.memory_space<semaphore_mem>>
    %dma_wait3A_411 = tpu.memref_squeeze %dma_wait3A_410 : memref<1x!tpu.dma_semaphore, #tpu.memory_space<semaphore_mem>> -> memref<!tpu.dma_semaphore, #tpu.memory_space<semaphore_mem>>
    tpu.wait_indirect_dma semaphore(%dma_wait3A_411 : memref<!tpu.dma_semaphore, #tpu.memory_space<semaphore_mem>>) src(%dma_wait3A_405 : memref<128xf32, #tpu.memory_space<vmem>>) dst(%dma_wait3A_409 : memref<10240xf32, #tpu.memory_space<vmem_shared>>)
    %dma_wait3A_412 = arith.constant 5 : i32
    %dma_wait3A_413 = arith.constant 0 : i32
    %dma_wait3A_414 = tpu.memref_slice %arg11[%dma_wait3A_413] : memref<128xf32, #tpu.memory_space<vmem>> -> memref<128xf32, #tpu.memory_space<vmem>>
    %dma_wait3A_415 = arith.constant 9856 : i32
    %dma_wait3A_416 = tpu.memref_slice %arg7[%dma_wait3A_415] : memref<10000xi32, #tpu.memory_space<vmem>> -> memref<128xi32, #tpu.memory_space<vmem>>
    %dma_wait3A_417 = arith.constant 0 : i32
    %dma_wait3A_418 = tpu.memref_slice %arg16[%dma_wait3A_417] : memref<10240xf32, #tpu.memory_space<vmem_shared>> -> memref<10240xf32, #tpu.memory_space<vmem_shared>>
    %dma_wait3A_419 = tpu.memref_slice %arg19[%dma_wait3A_412] : memref<8x!tpu.dma_semaphore, #tpu.memory_space<semaphore_mem>> -> memref<1x!tpu.dma_semaphore, #tpu.memory_space<semaphore_mem>>
    %dma_wait3A_420 = tpu.memref_squeeze %dma_wait3A_419 : memref<1x!tpu.dma_semaphore, #tpu.memory_space<semaphore_mem>> -> memref<!tpu.dma_semaphore, #tpu.memory_space<semaphore_mem>>
    tpu.wait_indirect_dma semaphore(%dma_wait3A_420 : memref<!tpu.dma_semaphore, #tpu.memory_space<semaphore_mem>>) src(%dma_wait3A_414 : memref<128xf32, #tpu.memory_space<vmem>>) dst(%dma_wait3A_418 : memref<10240xf32, #tpu.memory_space<vmem_shared>>)
    %dma_start3A_421 = arith.constant 6 : i32
    %dma_start3A_422 = arith.constant 0 : i32
    %dma_start3A_423 = tpu.memref_slice %arg11[%dma_start3A_422] : memref<128xf32, #tpu.memory_space<vmem>> -> memref<16xf32, #tpu.memory_space<vmem>>
    %dma_start3A_424 = arith.constant 9984 : i32
    %dma_start3A_425 = tpu.memref_slice %arg7[%dma_start3A_424] : memref<10000xi32, #tpu.memory_space<vmem>> -> memref<16xi32, #tpu.memory_space<vmem>>
    %dma_start3A_426 = arith.constant 0 : i32
    %dma_start3A_427 = tpu.memref_slice %arg16[%dma_start3A_426] : memref<10240xf32, #tpu.memory_space<vmem_shared>> -> memref<10240xf32, #tpu.memory_space<vmem_shared>>
    %dma_start3A_428 = tpu.memref_slice %arg19[%dma_start3A_421] : memref<8x!tpu.dma_semaphore, #tpu.memory_space<semaphore_mem>> -> memref<1x!tpu.dma_semaphore, #tpu.memory_space<semaphore_mem>>
    %dma_start3A_429 = tpu.memref_squeeze %dma_start3A_428 : memref<1x!tpu.dma_semaphore, #tpu.memory_space<semaphore_mem>> -> memref<!tpu.dma_semaphore, #tpu.memory_space<semaphore_mem>>
    tpu.enqueue_indirect_dma source(%dma_start3A_423 : memref<16xf32, #tpu.memory_space<vmem>>) target(%dma_start3A_427 : memref<10240xf32, #tpu.memory_space<vmem_shared>>) offsets(%dma_start3A_425 : memref<16xi32, #tpu.memory_space<vmem>>) semaphore(%dma_start3A_429 : memref<!tpu.dma_semaphore, #tpu.memory_space<semaphore_mem>>) {add = true}
    %dma_wait3A_430 = arith.constant 6 : i32
    %dma_wait3A_431 = arith.constant 0 : i32
    %dma_wait3A_432 = tpu.memref_slice %arg11[%dma_wait3A_431] : memref<128xf32, #tpu.memory_space<vmem>> -> memref<16xf32, #tpu.memory_space<vmem>>
    %dma_wait3A_433 = arith.constant 9984 : i32
    %dma_wait3A_434 = tpu.memref_slice %arg7[%dma_wait3A_433] : memref<10000xi32, #tpu.memory_space<vmem>> -> memref<16xi32, #tpu.memory_space<vmem>>
    %dma_wait3A_435 = arith.constant 0 : i32
    %dma_wait3A_436 = tpu.memref_slice %arg16[%dma_wait3A_435] : memref<10240xf32, #tpu.memory_space<vmem_shared>> -> memref<10240xf32, #tpu.memory_space<vmem_shared>>
    %dma_wait3A_437 = tpu.memref_slice %arg19[%dma_wait3A_430] : memref<8x!tpu.dma_semaphore, #tpu.memory_space<semaphore_mem>> -> memref<1x!tpu.dma_semaphore, #tpu.memory_space<semaphore_mem>>
    %dma_wait3A_438 = tpu.memref_squeeze %dma_wait3A_437 : memref<1x!tpu.dma_semaphore, #tpu.memory_space<semaphore_mem>> -> memref<!tpu.dma_semaphore, #tpu.memory_space<semaphore_mem>>
    tpu.wait_indirect_dma semaphore(%dma_wait3A_438 : memref<!tpu.dma_semaphore, #tpu.memory_space<semaphore_mem>>) src(%dma_wait3A_432 : memref<16xf32, #tpu.memory_space<vmem>>) dst(%dma_wait3A_436 : memref<10240xf32, #tpu.memory_space<vmem_shared>>)
    %barrier3A_439 = arith.constant 0 : index
    tpu.barrier barrier_id(%barrier3A_439)
    %mul3A_440 = arith.constant 625 : i32
    %mul3A_441 = arith.muli %arg1, %mul3A_440 : i32
    %mul3A_442 = arith.constant 625 : i32
    %mul3A_443 = arith.muli %arg1, %mul3A_442 : i32
    %jit3A = arith.constant 8 : i32
    %div3A = arith.divsi %mul3A_443, %jit3A : i32
    %sign3A = arith.constant 0 : i32
    %sign3A_444 = arith.cmpi sgt, %mul3A_443, %sign3A : i32
    %sign3A_445 = arith.extui %sign3A_444 : i1 to i32
    %sign3A_446 = arith.constant 0 : i32
    %sign3A_447 = arith.cmpi slt, %mul3A_443, %sign3A_446 : i32
    %sign3A_448 = arith.extui %sign3A_447 : i1 to i32
    %sign3A_449 = arith.subi %sign3A_445, %sign3A_448 : i32
    %sign3A_450 = arith.constant 0 : i32
    %sign3A_451 = arith.cmpi sgt, %jit3A, %sign3A_450 : i32
    %sign3A_452 = arith.extui %sign3A_451 : i1 to i32
    %sign3A_453 = arith.constant 0 : i32
    %sign3A_454 = arith.cmpi slt, %jit3A, %sign3A_453 : i32
    %sign3A_455 = arith.extui %sign3A_454 : i1 to i32
    %sign3A_456 = arith.subi %sign3A_452, %sign3A_455 : i32
    %ne3A = arith.cmpi ne, %sign3A_449, %sign3A_456 : i32
    %rem3A = arith.remsi %mul3A_443, %jit3A : i32
    %ne3A_457 = arith.constant 0 : i32
    %ne3A_458 = arith.cmpi ne, %rem3A, %ne3A_457 : i32
    %and3A = arith.andi %ne3A, %ne3A_458 : i1
    %sub3A_459 = arith.constant 1 : i32
    %sub3A_460 = arith.subi %div3A, %sub3A_459 : i32
    %select_n3A = arith.select %and3A, %sub3A_460, %div3A : i32
    %mul3A_461 = arith.constant 8 : i32
    %mul3A_462 = arith.muli %select_n3A, %mul3A_461 : i32
    "tpu.region"() ({
      %run_scoped3A_928 = tpu.sem_alloc : memref<!tpu.dma_semaphore, #tpu.memory_space<semaphore_mem>>
      %dma_start3A_929 = arith.constant 0 : i32
      %dma_start3A_930 = tpu.memref_slice %arg12[%dma_start3A_929] : memref<656xf32, #tpu.memory_space<vmem>> -> memref<640xf32, #tpu.memory_space<vmem>>
      %dma_start3A_931 = tpu.memref_slice %arg16[%mul3A_462] : memref<10240xf32, #tpu.memory_space<vmem_shared>> -> memref<640xf32, #tpu.memory_space<vmem_shared>>
      %dma_start3A_932 = arith.constant 0 : i32
      %dma_start3A_933 = tpu.memref_slice %arg12[%dma_start3A_932] : memref<656xf32, #tpu.memory_space<vmem>> -> memref<640xf32, #tpu.memory_space<vmem>>
      %dma_start3A_934 = tpu.memref_slice %arg16[%mul3A_462] : memref<10240xf32, #tpu.memory_space<vmem_shared>> -> memref<640xf32, #tpu.memory_space<vmem_shared>>
      tpu.enqueue_dma source(%dma_start3A_934 : memref<640xf32, #tpu.memory_space<vmem_shared>>) target(%dma_start3A_933 : memref<640xf32, #tpu.memory_space<vmem>>) target_semaphore(%run_scoped3A_928 : memref<!tpu.dma_semaphore, #tpu.memory_space<semaphore_mem>>)
      %dma_wait3A_935 = arith.constant 0 : i32
      %dma_wait3A_936 = tpu.memref_slice %arg12[%dma_wait3A_935] : memref<656xf32, #tpu.memory_space<vmem>> -> memref<640xf32, #tpu.memory_space<vmem>>
      %dma_wait3A_937 = tpu.memref_slice %arg16[%mul3A_462] : memref<10240xf32, #tpu.memory_space<vmem_shared>> -> memref<640xf32, #tpu.memory_space<vmem_shared>>
      %dma_wait3A_938 = arith.constant 0 : i32
      %dma_wait3A_939 = tpu.memref_slice %arg12[%dma_wait3A_938] : memref<656xf32, #tpu.memory_space<vmem>> -> memref<640xf32, #tpu.memory_space<vmem>>
      %dma_wait3A_940 = tpu.memref_slice %arg16[%mul3A_462] : memref<10240xf32, #tpu.memory_space<vmem_shared>> -> memref<640xf32, #tpu.memory_space<vmem_shared>>
      tpu.wait_dma2 semaphore(%run_scoped3A_928 : memref<!tpu.dma_semaphore, #tpu.memory_space<semaphore_mem>>) src(%dma_wait3A_940 : memref<640xf32, #tpu.memory_space<vmem_shared>>) dst(%dma_wait3A_939 : memref<640xf32, #tpu.memory_space<vmem>>)
      tpu.yield
    }) : () -> ()
    %sub3A_463 = arith.subi %mul3A_443, %mul3A_462 : i32
    "tpu.region"() ({
      %run_scoped3A_928 = tpu.sem_alloc : memref<!tpu.dma_semaphore, #tpu.memory_space<semaphore_mem>>
      %dma_start3A_929 = arith.constant 0 : i32
      %dma_start3A_930 = tpu.memref_slice %arg3[%mul3A_441, %dma_start3A_929] : memref<10000x16xf32, #tpu.memory_space<hbm>> -> memref<625x16xf32, #tpu.memory_space<hbm>>
      %dma_start3A_931 = arith.constant 0 : i32
      %dma_start3A_932 = tpu.memref_slice %arg3[%mul3A_441, %dma_start3A_931] : memref<10000x16xf32, #tpu.memory_space<hbm>> -> memref<625x16xf32, #tpu.memory_space<hbm>>
      tpu.enqueue_dma source(%dma_start3A_932 : memref<625x16xf32, #tpu.memory_space<hbm>>) target(%arg13 : memref<625x16xf32, #tpu.memory_space<vmem>>) target_semaphore(%run_scoped3A_928 : memref<!tpu.dma_semaphore, #tpu.memory_space<semaphore_mem>>)
      %dma_wait3A_933 = arith.constant 0 : i32
      %dma_wait3A_934 = tpu.memref_slice %arg3[%mul3A_441, %dma_wait3A_933] : memref<10000x16xf32, #tpu.memory_space<hbm>> -> memref<625x16xf32, #tpu.memory_space<hbm>>
      %dma_wait3A_935 = arith.constant 0 : i32
      %dma_wait3A_936 = tpu.memref_slice %arg3[%mul3A_441, %dma_wait3A_935] : memref<10000x16xf32, #tpu.memory_space<hbm>> -> memref<625x16xf32, #tpu.memory_space<hbm>>
      tpu.wait_dma2 semaphore(%run_scoped3A_928 : memref<!tpu.dma_semaphore, #tpu.memory_space<semaphore_mem>>) src(%dma_wait3A_936 : memref<625x16xf32, #tpu.memory_space<hbm>>) dst(%arg13 : memref<625x16xf32, #tpu.memory_space<vmem>>)
      tpu.yield
    }) : () -> ()
    %scan3A_464 = arith.constant 0 : i32
    %scan3A_465 = arith.constant 0 : i32
    %scan3A_466 = arith.constant 625 : i32
    %scan3A_467 = arith.addi %scan3A_465, %scan3A_466 : i32
    %scan3A_468 = arith.constant 1 : i32
    %scan3A_469 = scf.for %scan3A_928 = %scan3A_465 to %scan3A_467 step %scan3A_468 iter_args(%scan3A_929 = %scan3A_464) -> (i32)  : i32 {
      %add3A_930 = arith.addi %scan3A_928, %sub3A_463 : i32
      %get3A = arith.index_cast %add3A_930 : i32 to index
      %get3A_931 = tpu.vector_load %arg12[%get3A] {strides = array<i32>} : memref<656xf32, #tpu.memory_space<vmem>>, vector<16xf32>,
      %slice3A = vector.extract_strided_slice %get3A_931 {offsets = [0], sizes = [1], strides = [1]} : vector<16xf32> to vector<1xf32>
      %squeeze3A = vector.extract %slice3A[0] : f32 from vector<1xf32>
      %add3A_932 = arith.constant 1.000000e+00 : f32
      %add3A_933 = arith.addf %squeeze3A, %add3A_932 : f32
      %broadcast_in_dim3A_934 = vector.broadcast %add3A_933 : f32 to vector<16xf32>
      %bitcast3A = vector.bitcast %broadcast_in_dim3A_934 : vector<16xf32> to vector<16xi32>
      %shift_right_logical3A = arith.constant 1 : i32
      %shift_right_logical3A_935 = vector.broadcast %shift_right_logical3A : i32 to vector<16xi32>
      %shift_right_logical3A_936 = arith.shrui %bitcast3A, %shift_right_logical3A_935 : vector<16xi32>
      %sub3A_937 = arith.constant 1597463007 : i32
      %sub3A_938 = vector.broadcast %sub3A_937 : i32 to vector<16xi32>
      %sub3A_939 = arith.subi %sub3A_938, %shift_right_logical3A_936 : vector<16xi32>
      %bitcast3A_940 = vector.bitcast %sub3A_939 : vector<16xi32> to vector<16xf32>
      %mul3A_941 = arith.constant 5.000000e-01 : f32
      %mul3A_942 = vector.broadcast %mul3A_941 : f32 to vector<16xf32>
      %mul3A_943 = arith.mulf %mul3A_942, %broadcast_in_dim3A_934 : vector<16xf32>
      %mul3A_944 = arith.mulf %mul3A_943, %bitcast3A_940 : vector<16xf32>
      %mul3A_945 = arith.mulf %mul3A_944, %bitcast3A_940 : vector<16xf32>
      %sub3A_946 = arith.constant 1.500000e+00 : f32
      %sub3A_947 = vector.broadcast %sub3A_946 : f32 to vector<16xf32>
      %sub3A_948 = arith.subf %sub3A_947, %mul3A_945 : vector<16xf32>
      %mul3A_949 = arith.mulf %bitcast3A_940, %sub3A_948 : vector<16xf32>
      %mul3A_950 = arith.constant 5.000000e-01 : f32
      %mul3A_951 = vector.broadcast %mul3A_950 : f32 to vector<16xf32>
      %mul3A_952 = arith.mulf %mul3A_951, %broadcast_in_dim3A_934 : vector<16xf32>
      %mul3A_953 = arith.mulf %mul3A_952, %mul3A_949 : vector<16xf32>
      %mul3A_954 = arith.mulf %mul3A_953, %mul3A_949 : vector<16xf32>
      %sub3A_955 = arith.constant 1.500000e+00 : f32
      %sub3A_956 = vector.broadcast %sub3A_955 : f32 to vector<16xf32>
      %sub3A_957 = arith.subf %sub3A_956, %mul3A_954 : vector<16xf32>
      %mul3A_958 = arith.mulf %mul3A_949, %sub3A_957 : vector<16xf32>
      %get3A_959 = arith.index_cast %scan3A_928 : i32 to index
      %get3A_960 = arith.constant 0 : index
      %get3A_961 = tpu.vector_load %arg13[%get3A_959, %get3A_960] {strides = array<i32>} : memref<625x16xf32, #tpu.memory_space<vmem>>, vector<16xf32>,
      %mul3A_962 = arith.mulf %get3A_961, %mul3A_958 : vector<16xf32>
      %swap3A_963 = arith.index_cast %scan3A_928 : i32 to index
      %swap3A_964 = arith.constant 0 : index
      %swap3A_965 = tpu.vector_load %arg13[%swap3A_963, %swap3A_964] {strides = array<i32>} : memref<625x16xf32, #tpu.memory_space<vmem>>, vector<16xf32>,
      tpu.vector_store %arg13[%swap3A_963, %swap3A_964], %mul3A_962 {strides = array<i32>} : memref<625x16xf32, #tpu.memory_space<vmem>>, vector<16xf32>,
      %scan3A_966 = arith.constant 0 : i32
      scf.yield %scan3A_966 : i32
    }
    %scan3A_470 = arith.constant 625 : i32
    "tpu.region"() ({
      %run_scoped3A_928 = tpu.sem_alloc : memref<!tpu.dma_semaphore, #tpu.memory_space<semaphore_mem>>
      %dma_start3A_929 = arith.constant 0 : i32
      %dma_start3A_930 = tpu.memref_slice %arg14[%mul3A_441, %dma_start3A_929] : memref<10240x16xf32, #tpu.memory_space<vmem_shared>> -> memref<625x16xf32, #tpu.memory_space<vmem_shared>>
      %dma_start3A_931 = arith.constant 0 : i32
      %dma_start3A_932 = tpu.memref_slice %arg14[%mul3A_441, %dma_start3A_931] : memref<10240x16xf32, #tpu.memory_space<vmem_shared>> -> memref<625x16xf32, #tpu.memory_space<vmem_shared>>
      tpu.enqueue_dma source(%arg13 : memref<625x16xf32, #tpu.memory_space<vmem>>) target(%dma_start3A_932 : memref<625x16xf32, #tpu.memory_space<vmem_shared>>) target_semaphore(%run_scoped3A_928 : memref<!tpu.dma_semaphore, #tpu.memory_space<semaphore_mem>>)
      %dma_wait3A_933 = arith.constant 0 : i32
      %dma_wait3A_934 = tpu.memref_slice %arg14[%mul3A_441, %dma_wait3A_933] : memref<10240x16xf32, #tpu.memory_space<vmem_shared>> -> memref<625x16xf32, #tpu.memory_space<vmem_shared>>
      %dma_wait3A_935 = arith.constant 0 : i32
      %dma_wait3A_936 = tpu.memref_slice %arg14[%mul3A_441, %dma_wait3A_935] : memref<10240x16xf32, #tpu.memory_space<vmem_shared>> -> memref<625x16xf32, #tpu.memory_space<vmem_shared>>
      tpu.wait_dma2 semaphore(%run_scoped3A_928 : memref<!tpu.dma_semaphore, #tpu.memory_space<semaphore_mem>>) src(%arg13 : memref<625x16xf32, #tpu.memory_space<vmem>>) dst(%dma_wait3A_936 : memref<625x16xf32, #tpu.memory_space<vmem_shared>>)
      tpu.yield
    }) : () -> ()
    %barrier3A_471 = arith.constant 0 : index
    tpu.barrier barrier_id(%barrier3A_471)
    %dma_start3A_472 = arith.constant 0 : i32
    %dma_start3A_473 = arith.constant 0 : i32
    %dma_start3A_474 = arith.constant 0 : i32
    %dma_start3A_475 = arith.constant 0 : i32
    %dma_start3A_476 = tpu.memref_slice %arg8[%dma_start3A_472, %dma_start3A_474, %dma_start3A_475] : memref<6x128x16xf32, #tpu.memory_space<vmem>> -> memref<1x128x16xf32, #tpu.memory_space<vmem>>
    %dma_start3A_477 = tpu.memref_squeeze %dma_start3A_476 : memref<1x128x16xf32, #tpu.memory_space<vmem>> -> memref<128x16xf32, #tpu.memory_space<vmem>>
    %dma_start3A_478 = arith.constant 0 : i32
    %dma_start3A_479 = arith.constant 0 : i32
    %dma_start3A_480 = tpu.memref_slice %dma_start3A_477[%dma_start3A_478, %dma_start3A_479] : memref<128x16xf32, #tpu.memory_space<vmem>> -> memref<128x16xf32, #tpu.memory_space<vmem>>
    %dma_start3A_481 = arith.constant 0 : i32
    %dma_start3A_482 = tpu.memref_slice %arg5[%dma_start3A_481] : memref<10000xi32, #tpu.memory_space<vmem>> -> memref<128xi32, #tpu.memory_space<vmem>>
    %dma_start3A_483 = arith.constant 0 : i32
    %dma_start3A_484 = arith.constant 0 : i32
    %dma_start3A_485 = tpu.memref_slice %arg14[%dma_start3A_483, %dma_start3A_484] : memref<10240x16xf32, #tpu.memory_space<vmem_shared>> -> memref<10240x16xf32, #tpu.memory_space<vmem_shared>>
    %dma_start3A_486 = tpu.memref_slice %arg17[%dma_start3A_473] : memref<6x!tpu.dma_semaphore, #tpu.memory_space<semaphore_mem>> -> memref<1x!tpu.dma_semaphore, #tpu.memory_space<semaphore_mem>>
    %dma_start3A_487 = tpu.memref_squeeze %dma_start3A_486 : memref<1x!tpu.dma_semaphore, #tpu.memory_space<semaphore_mem>> -> memref<!tpu.dma_semaphore, #tpu.memory_space<semaphore_mem>>
    tpu.enqueue_indirect_dma source(%dma_start3A_485 : memref<10240x16xf32, #tpu.memory_space<vmem_shared>>) target(%dma_start3A_480 : memref<128x16xf32, #tpu.memory_space<vmem>>) offsets(%dma_start3A_482 : memref<128xi32, #tpu.memory_space<vmem>>) semaphore(%dma_start3A_487 : memref<!tpu.dma_semaphore, #tpu.memory_space<semaphore_mem>>)
    %dma_start3A_488 = arith.constant 1 : i32
    %dma_start3A_489 = arith.constant 1 : i32
    %dma_start3A_490 = arith.constant 0 : i32
    %dma_start3A_491 = arith.constant 0 : i32
    %dma_start3A_492 = tpu.memref_slice %arg8[%dma_start3A_488, %dma_start3A_490, %dma_start3A_491] : memref<6x128x16xf32, #tpu.memory_space<vmem>> -> memref<1x128x16xf32, #tpu.memory_space<vmem>>
    %dma_start3A_493 = tpu.memref_squeeze %dma_start3A_492 : memref<1x128x16xf32, #tpu.memory_space<vmem>> -> memref<128x16xf32, #tpu.memory_space<vmem>>
    %dma_start3A_494 = arith.constant 0 : i32
    %dma_start3A_495 = arith.constant 0 : i32
    %dma_start3A_496 = tpu.memref_slice %dma_start3A_493[%dma_start3A_494, %dma_start3A_495] : memref<128x16xf32, #tpu.memory_space<vmem>> -> memref<128x16xf32, #tpu.memory_space<vmem>>
    %dma_start3A_497 = arith.constant 128 : i32
    %dma_start3A_498 = tpu.memref_slice %arg5[%dma_start3A_497] : memref<10000xi32, #tpu.memory_space<vmem>> -> memref<128xi32, #tpu.memory_space<vmem>>
    %dma_start3A_499 = arith.constant 0 : i32
    %dma_start3A_500 = arith.constant 0 : i32
    %dma_start3A_501 = tpu.memref_slice %arg14[%dma_start3A_499, %dma_start3A_500] : memref<10240x16xf32, #tpu.memory_space<vmem_shared>> -> memref<10240x16xf32, #tpu.memory_space<vmem_shared>>
    %dma_start3A_502 = tpu.memref_slice %arg17[%dma_start3A_489] : memref<6x!tpu.dma_semaphore, #tpu.memory_space<semaphore_mem>> -> memref<1x!tpu.dma_semaphore, #tpu.memory_space<semaphore_mem>>
    %dma_start3A_503 = tpu.memref_squeeze %dma_start3A_502 : memref<1x!tpu.dma_semaphore, #tpu.memory_space<semaphore_mem>> -> memref<!tpu.dma_semaphore, #tpu.memory_space<semaphore_mem>>
    tpu.enqueue_indirect_dma source(%dma_start3A_501 : memref<10240x16xf32, #tpu.memory_space<vmem_shared>>) target(%dma_start3A_496 : memref<128x16xf32, #tpu.memory_space<vmem>>) offsets(%dma_start3A_498 : memref<128xi32, #tpu.memory_space<vmem>>) semaphore(%dma_start3A_503 : memref<!tpu.dma_semaphore, #tpu.memory_space<semaphore_mem>>)
    %dma_start3A_504 = arith.constant 2 : i32
    %dma_start3A_505 = arith.constant 2 : i32
    %dma_start3A_506 = arith.constant 0 : i32
    %dma_start3A_507 = arith.constant 0 : i32
    %dma_start3A_508 = tpu.memref_slice %arg8[%dma_start3A_504, %dma_start3A_506, %dma_start3A_507] : memref<6x128x16xf32, #tpu.memory_space<vmem>> -> memref<1x128x16xf32, #tpu.memory_space<vmem>>
    %dma_start3A_509 = tpu.memref_squeeze %dma_start3A_508 : memref<1x128x16xf32, #tpu.memory_space<vmem>> -> memref<128x16xf32, #tpu.memory_space<vmem>>
    %dma_start3A_510 = arith.constant 0 : i32
    %dma_start3A_511 = arith.constant 0 : i32
    %dma_start3A_512 = tpu.memref_slice %dma_start3A_509[%dma_start3A_510, %dma_start3A_511] : memref<128x16xf32, #tpu.memory_space<vmem>> -> memref<128x16xf32, #tpu.memory_space<vmem>>
    %dma_start3A_513 = arith.constant 256 : i32
    %dma_start3A_514 = tpu.memref_slice %arg5[%dma_start3A_513] : memref<10000xi32, #tpu.memory_space<vmem>> -> memref<128xi32, #tpu.memory_space<vmem>>
    %dma_start3A_515 = arith.constant 0 : i32
    %dma_start3A_516 = arith.constant 0 : i32
    %dma_start3A_517 = tpu.memref_slice %arg14[%dma_start3A_515, %dma_start3A_516] : memref<10240x16xf32, #tpu.memory_space<vmem_shared>> -> memref<10240x16xf32, #tpu.memory_space<vmem_shared>>
    %dma_start3A_518 = tpu.memref_slice %arg17[%dma_start3A_505] : memref<6x!tpu.dma_semaphore, #tpu.memory_space<semaphore_mem>> -> memref<1x!tpu.dma_semaphore, #tpu.memory_space<semaphore_mem>>
    %dma_start3A_519 = tpu.memref_squeeze %dma_start3A_518 : memref<1x!tpu.dma_semaphore, #tpu.memory_space<semaphore_mem>> -> memref<!tpu.dma_semaphore, #tpu.memory_space<semaphore_mem>>
    tpu.enqueue_indirect_dma source(%dma_start3A_517 : memref<10240x16xf32, #tpu.memory_space<vmem_shared>>) target(%dma_start3A_512 : memref<128x16xf32, #tpu.memory_space<vmem>>) offsets(%dma_start3A_514 : memref<128xi32, #tpu.memory_space<vmem>>) semaphore(%dma_start3A_519 : memref<!tpu.dma_semaphore, #tpu.memory_space<semaphore_mem>>)
    %dma_start3A_520 = arith.constant 3 : i32
    %dma_start3A_521 = arith.constant 3 : i32
    %dma_start3A_522 = arith.constant 0 : i32
    %dma_start3A_523 = arith.constant 0 : i32
    %dma_start3A_524 = tpu.memref_slice %arg8[%dma_start3A_520, %dma_start3A_522, %dma_start3A_523] : memref<6x128x16xf32, #tpu.memory_space<vmem>> -> memref<1x128x16xf32, #tpu.memory_space<vmem>>
    %dma_start3A_525 = tpu.memref_squeeze %dma_start3A_524 : memref<1x128x16xf32, #tpu.memory_space<vmem>> -> memref<128x16xf32, #tpu.memory_space<vmem>>
    %dma_start3A_526 = arith.constant 0 : i32
    %dma_start3A_527 = arith.constant 0 : i32
    %dma_start3A_528 = tpu.memref_slice %dma_start3A_525[%dma_start3A_526, %dma_start3A_527] : memref<128x16xf32, #tpu.memory_space<vmem>> -> memref<128x16xf32, #tpu.memory_space<vmem>>
    %dma_start3A_529 = arith.constant 384 : i32
    %dma_start3A_530 = tpu.memref_slice %arg5[%dma_start3A_529] : memref<10000xi32, #tpu.memory_space<vmem>> -> memref<128xi32, #tpu.memory_space<vmem>>
    %dma_start3A_531 = arith.constant 0 : i32
    %dma_start3A_532 = arith.constant 0 : i32
    %dma_start3A_533 = tpu.memref_slice %arg14[%dma_start3A_531, %dma_start3A_532] : memref<10240x16xf32, #tpu.memory_space<vmem_shared>> -> memref<10240x16xf32, #tpu.memory_space<vmem_shared>>
    %dma_start3A_534 = tpu.memref_slice %arg17[%dma_start3A_521] : memref<6x!tpu.dma_semaphore, #tpu.memory_space<semaphore_mem>> -> memref<1x!tpu.dma_semaphore, #tpu.memory_space<semaphore_mem>>
    %dma_start3A_535 = tpu.memref_squeeze %dma_start3A_534 : memref<1x!tpu.dma_semaphore, #tpu.memory_space<semaphore_mem>> -> memref<!tpu.dma_semaphore, #tpu.memory_space<semaphore_mem>>
    tpu.enqueue_indirect_dma source(%dma_start3A_533 : memref<10240x16xf32, #tpu.memory_space<vmem_shared>>) target(%dma_start3A_528 : memref<128x16xf32, #tpu.memory_space<vmem>>) offsets(%dma_start3A_530 : memref<128xi32, #tpu.memory_space<vmem>>) semaphore(%dma_start3A_535 : memref<!tpu.dma_semaphore, #tpu.memory_space<semaphore_mem>>)
    %dma_wait3A_536 = arith.constant 0 : i32
    %dma_wait3A_537 = arith.constant 0 : i32
    %dma_wait3A_538 = arith.constant 0 : i32
    %dma_wait3A_539 = arith.constant 0 : i32
    %dma_wait3A_540 = tpu.memref_slice %arg8[%dma_wait3A_536, %dma_wait3A_538, %dma_wait3A_539] : memref<6x128x16xf32, #tpu.memory_space<vmem>> -> memref<1x128x16xf32, #tpu.memory_space<vmem>>
    %dma_wait3A_541 = tpu.memref_squeeze %dma_wait3A_540 : memref<1x128x16xf32, #tpu.memory_space<vmem>> -> memref<128x16xf32, #tpu.memory_space<vmem>>
    %dma_wait3A_542 = arith.constant 0 : i32
    %dma_wait3A_543 = arith.constant 0 : i32
    %dma_wait3A_544 = tpu.memref_slice %dma_wait3A_541[%dma_wait3A_542, %dma_wait3A_543] : memref<128x16xf32, #tpu.memory_space<vmem>> -> memref<128x16xf32, #tpu.memory_space<vmem>>
    %dma_wait3A_545 = arith.constant 0 : i32
    %dma_wait3A_546 = tpu.memref_slice %arg5[%dma_wait3A_545] : memref<10000xi32, #tpu.memory_space<vmem>> -> memref<128xi32, #tpu.memory_space<vmem>>
    %dma_wait3A_547 = arith.constant 0 : i32
    %dma_wait3A_548 = arith.constant 0 : i32
    %dma_wait3A_549 = tpu.memref_slice %arg14[%dma_wait3A_547, %dma_wait3A_548] : memref<10240x16xf32, #tpu.memory_space<vmem_shared>> -> memref<10240x16xf32, #tpu.memory_space<vmem_shared>>
    %dma_wait3A_550 = tpu.memref_slice %arg17[%dma_wait3A_537] : memref<6x!tpu.dma_semaphore, #tpu.memory_space<semaphore_mem>> -> memref<1x!tpu.dma_semaphore, #tpu.memory_space<semaphore_mem>>
    %dma_wait3A_551 = tpu.memref_squeeze %dma_wait3A_550 : memref<1x!tpu.dma_semaphore, #tpu.memory_space<semaphore_mem>> -> memref<!tpu.dma_semaphore, #tpu.memory_space<semaphore_mem>>
    tpu.wait_indirect_dma semaphore(%dma_wait3A_551 : memref<!tpu.dma_semaphore, #tpu.memory_space<semaphore_mem>>) src(%dma_wait3A_549 : memref<10240x16xf32, #tpu.memory_space<vmem_shared>>) dst(%dma_wait3A_544 : memref<128x16xf32, #tpu.memory_space<vmem>>)
    %dma_start3A_552 = arith.constant 0 : i32
    %dma_start3A_553 = arith.constant 0 : i32
    %dma_start3A_554 = arith.constant 0 : i32
    %dma_start3A_555 = arith.constant 0 : i32
    %dma_start3A_556 = tpu.memref_slice %arg8[%dma_start3A_552, %dma_start3A_554, %dma_start3A_555] : memref<6x128x16xf32, #tpu.memory_space<vmem>> -> memref<1x128x16xf32, #tpu.memory_space<vmem>>
    %dma_start3A_557 = tpu.memref_squeeze %dma_start3A_556 : memref<1x128x16xf32, #tpu.memory_space<vmem>> -> memref<128x16xf32, #tpu.memory_space<vmem>>
    %dma_start3A_558 = arith.constant 0 : i32
    %dma_start3A_559 = arith.constant 0 : i32
    %dma_start3A_560 = tpu.memref_slice %dma_start3A_557[%dma_start3A_558, %dma_start3A_559] : memref<128x16xf32, #tpu.memory_space<vmem>> -> memref<128x16xf32, #tpu.memory_space<vmem>>
    %dma_start3A_561 = arith.constant 0 : i32
    %dma_start3A_562 = tpu.memref_slice %arg6[%dma_start3A_561] : memref<10000xi32, #tpu.memory_space<vmem>> -> memref<128xi32, #tpu.memory_space<vmem>>
    %dma_start3A_563 = arith.constant 0 : i32
    %dma_start3A_564 = arith.constant 0 : i32
    %dma_start3A_565 = tpu.memref_slice %arg15[%dma_start3A_563, %dma_start3A_564] : memref<10240x16xf32, #tpu.memory_space<vmem_shared>> -> memref<10240x16xf32, #tpu.memory_space<vmem_shared>>
    %dma_start3A_566 = tpu.memref_slice %arg18[%dma_start3A_553] : memref<6x!tpu.dma_semaphore, #tpu.memory_space<semaphore_mem>> -> memref<1x!tpu.dma_semaphore, #tpu.memory_space<semaphore_mem>>
    %dma_start3A_567 = tpu.memref_squeeze %dma_start3A_566 : memref<1x!tpu.dma_semaphore, #tpu.memory_space<semaphore_mem>> -> memref<!tpu.dma_semaphore, #tpu.memory_space<semaphore_mem>>
    tpu.enqueue_indirect_dma source(%dma_start3A_560 : memref<128x16xf32, #tpu.memory_space<vmem>>) target(%dma_start3A_565 : memref<10240x16xf32, #tpu.memory_space<vmem_shared>>) offsets(%dma_start3A_562 : memref<128xi32, #tpu.memory_space<vmem>>) semaphore(%dma_start3A_567 : memref<!tpu.dma_semaphore, #tpu.memory_space<semaphore_mem>>) {add = true}
    %dma_start3A_568 = arith.constant 4 : i32
    %dma_start3A_569 = arith.constant 4 : i32
    %dma_start3A_570 = arith.constant 0 : i32
    %dma_start3A_571 = arith.constant 0 : i32
    %dma_start3A_572 = tpu.memref_slice %arg8[%dma_start3A_568, %dma_start3A_570, %dma_start3A_571] : memref<6x128x16xf32, #tpu.memory_space<vmem>> -> memref<1x128x16xf32, #tpu.memory_space<vmem>>
    %dma_start3A_573 = tpu.memref_squeeze %dma_start3A_572 : memref<1x128x16xf32, #tpu.memory_space<vmem>> -> memref<128x16xf32, #tpu.memory_space<vmem>>
    %dma_start3A_574 = arith.constant 0 : i32
    %dma_start3A_575 = arith.constant 0 : i32
    %dma_start3A_576 = tpu.memref_slice %dma_start3A_573[%dma_start3A_574, %dma_start3A_575] : memref<128x16xf32, #tpu.memory_space<vmem>> -> memref<128x16xf32, #tpu.memory_space<vmem>>
    %dma_start3A_577 = arith.constant 512 : i32
    %dma_start3A_578 = tpu.memref_slice %arg5[%dma_start3A_577] : memref<10000xi32, #tpu.memory_space<vmem>> -> memref<128xi32, #tpu.memory_space<vmem>>
    %dma_start3A_579 = arith.constant 0 : i32
    %dma_start3A_580 = arith.constant 0 : i32
    %dma_start3A_581 = tpu.memref_slice %arg14[%dma_start3A_579, %dma_start3A_580] : memref<10240x16xf32, #tpu.memory_space<vmem_shared>> -> memref<10240x16xf32, #tpu.memory_space<vmem_shared>>
    %dma_start3A_582 = tpu.memref_slice %arg17[%dma_start3A_569] : memref<6x!tpu.dma_semaphore, #tpu.memory_space<semaphore_mem>> -> memref<1x!tpu.dma_semaphore, #tpu.memory_space<semaphore_mem>>
    %dma_start3A_583 = tpu.memref_squeeze %dma_start3A_582 : memref<1x!tpu.dma_semaphore, #tpu.memory_space<semaphore_mem>> -> memref<!tpu.dma_semaphore, #tpu.memory_space<semaphore_mem>>
    tpu.enqueue_indirect_dma source(%dma_start3A_581 : memref<10240x16xf32, #tpu.memory_space<vmem_shared>>) target(%dma_start3A_576 : memref<128x16xf32, #tpu.memory_space<vmem>>) offsets(%dma_start3A_578 : memref<128xi32, #tpu.memory_space<vmem>>) semaphore(%dma_start3A_583 : memref<!tpu.dma_semaphore, #tpu.memory_space<semaphore_mem>>)
    %dma_wait3A_584 = arith.constant 1 : i32
    %dma_wait3A_585 = arith.constant 1 : i32
    %dma_wait3A_586 = arith.constant 0 : i32
    %dma_wait3A_587 = arith.constant 0 : i32
    %dma_wait3A_588 = tpu.memref_slice %arg8[%dma_wait3A_584, %dma_wait3A_586, %dma_wait3A_587] : memref<6x128x16xf32, #tpu.memory_space<vmem>> -> memref<1x128x16xf32, #tpu.memory_space<vmem>>
    %dma_wait3A_589 = tpu.memref_squeeze %dma_wait3A_588 : memref<1x128x16xf32, #tpu.memory_space<vmem>> -> memref<128x16xf32, #tpu.memory_space<vmem>>
    %dma_wait3A_590 = arith.constant 0 : i32
    %dma_wait3A_591 = arith.constant 0 : i32
    %dma_wait3A_592 = tpu.memref_slice %dma_wait3A_589[%dma_wait3A_590, %dma_wait3A_591] : memref<128x16xf32, #tpu.memory_space<vmem>> -> memref<128x16xf32, #tpu.memory_space<vmem>>
    %dma_wait3A_593 = arith.constant 128 : i32
    %dma_wait3A_594 = tpu.memref_slice %arg5[%dma_wait3A_593] : memref<10000xi32, #tpu.memory_space<vmem>> -> memref<128xi32, #tpu.memory_space<vmem>>
    %dma_wait3A_595 = arith.constant 0 : i32
    %dma_wait3A_596 = arith.constant 0 : i32
    %dma_wait3A_597 = tpu.memref_slice %arg14[%dma_wait3A_595, %dma_wait3A_596] : memref<10240x16xf32, #tpu.memory_space<vmem_shared>> -> memref<10240x16xf32, #tpu.memory_space<vmem_shared>>
    %dma_wait3A_598 = tpu.memref_slice %arg17[%dma_wait3A_585] : memref<6x!tpu.dma_semaphore, #tpu.memory_space<semaphore_mem>> -> memref<1x!tpu.dma_semaphore, #tpu.memory_space<semaphore_mem>>
    %dma_wait3A_599 = tpu.memref_squeeze %dma_wait3A_598 : memref<1x!tpu.dma_semaphore, #tpu.memory_space<semaphore_mem>> -> memref<!tpu.dma_semaphore, #tpu.memory_space<semaphore_mem>>
    tpu.wait_indirect_dma semaphore(%dma_wait3A_599 : memref<!tpu.dma_semaphore, #tpu.memory_space<semaphore_mem>>) src(%dma_wait3A_597 : memref<10240x16xf32, #tpu.memory_space<vmem_shared>>) dst(%dma_wait3A_592 : memref<128x16xf32, #tpu.memory_space<vmem>>)
    %dma_start3A_600 = arith.constant 1 : i32
    %dma_start3A_601 = arith.constant 1 : i32
    %dma_start3A_602 = arith.constant 0 : i32
    %dma_start3A_603 = arith.constant 0 : i32
    %dma_start3A_604 = tpu.memref_slice %arg8[%dma_start3A_600, %dma_start3A_602, %dma_start3A_603] : memref<6x128x16xf32, #tpu.memory_space<vmem>> -> memref<1x128x16xf32, #tpu.memory_space<vmem>>
    %dma_start3A_605 = tpu.memref_squeeze %dma_start3A_604 : memref<1x128x16xf32, #tpu.memory_space<vmem>> -> memref<128x16xf32, #tpu.memory_space<vmem>>
    %dma_start3A_606 = arith.constant 0 : i32
    %dma_start3A_607 = arith.constant 0 : i32
    %dma_start3A_608 = tpu.memref_slice %dma_start3A_605[%dma_start3A_606, %dma_start3A_607] : memref<128x16xf32, #tpu.memory_space<vmem>> -> memref<128x16xf32, #tpu.memory_space<vmem>>
    %dma_start3A_609 = arith.constant 128 : i32
    %dma_start3A_610 = tpu.memref_slice %arg6[%dma_start3A_609] : memref<10000xi32, #tpu.memory_space<vmem>> -> memref<128xi32, #tpu.memory_space<vmem>>
    %dma_start3A_611 = arith.constant 0 : i32
    %dma_start3A_612 = arith.constant 0 : i32
    %dma_start3A_613 = tpu.memref_slice %arg15[%dma_start3A_611, %dma_start3A_612] : memref<10240x16xf32, #tpu.memory_space<vmem_shared>> -> memref<10240x16xf32, #tpu.memory_space<vmem_shared>>
    %dma_start3A_614 = tpu.memref_slice %arg18[%dma_start3A_601] : memref<6x!tpu.dma_semaphore, #tpu.memory_space<semaphore_mem>> -> memref<1x!tpu.dma_semaphore, #tpu.memory_space<semaphore_mem>>
    %dma_start3A_615 = tpu.memref_squeeze %dma_start3A_614 : memref<1x!tpu.dma_semaphore, #tpu.memory_space<semaphore_mem>> -> memref<!tpu.dma_semaphore, #tpu.memory_space<semaphore_mem>>
    tpu.enqueue_indirect_dma source(%dma_start3A_608 : memref<128x16xf32, #tpu.memory_space<vmem>>) target(%dma_start3A_613 : memref<10240x16xf32, #tpu.memory_space<vmem_shared>>) offsets(%dma_start3A_610 : memref<128xi32, #tpu.memory_space<vmem>>) semaphore(%dma_start3A_615 : memref<!tpu.dma_semaphore, #tpu.memory_space<semaphore_mem>>) {add = true}
    %dma_start3A_616 = arith.constant 5 : i32
    %dma_start3A_617 = arith.constant 5 : i32
    %dma_start3A_618 = arith.constant 0 : i32
    %dma_start3A_619 = arith.constant 0 : i32
    %dma_start3A_620 = tpu.memref_slice %arg8[%dma_start3A_616, %dma_start3A_618, %dma_start3A_619] : memref<6x128x16xf32, #tpu.memory_space<vmem>> -> memref<1x128x16xf32, #tpu.memory_space<vmem>>
    %dma_start3A_621 = tpu.memref_squeeze %dma_start3A_620 : memref<1x128x16xf32, #tpu.memory_space<vmem>> -> memref<128x16xf32, #tpu.memory_space<vmem>>
    %dma_start3A_622 = arith.constant 0 : i32
    %dma_start3A_623 = arith.constant 0 : i32
    %dma_start3A_624 = tpu.memref_slice %dma_start3A_621[%dma_start3A_622, %dma_start3A_623] : memref<128x16xf32, #tpu.memory_space<vmem>> -> memref<128x16xf32, #tpu.memory_space<vmem>>
    %dma_start3A_625 = arith.constant 640 : i32
    %dma_start3A_626 = tpu.memref_slice %arg5[%dma_start3A_625] : memref<10000xi32, #tpu.memory_space<vmem>> -> memref<128xi32, #tpu.memory_space<vmem>>
    %dma_start3A_627 = arith.constant 0 : i32
    %dma_start3A_628 = arith.constant 0 : i32
    %dma_start3A_629 = tpu.memref_slice %arg14[%dma_start3A_627, %dma_start3A_628] : memref<10240x16xf32, #tpu.memory_space<vmem_shared>> -> memref<10240x16xf32, #tpu.memory_space<vmem_shared>>
    %dma_start3A_630 = tpu.memref_slice %arg17[%dma_start3A_617] : memref<6x!tpu.dma_semaphore, #tpu.memory_space<semaphore_mem>> -> memref<1x!tpu.dma_semaphore, #tpu.memory_space<semaphore_mem>>
    %dma_start3A_631 = tpu.memref_squeeze %dma_start3A_630 : memref<1x!tpu.dma_semaphore, #tpu.memory_space<semaphore_mem>> -> memref<!tpu.dma_semaphore, #tpu.memory_space<semaphore_mem>>
    tpu.enqueue_indirect_dma source(%dma_start3A_629 : memref<10240x16xf32, #tpu.memory_space<vmem_shared>>) target(%dma_start3A_624 : memref<128x16xf32, #tpu.memory_space<vmem>>) offsets(%dma_start3A_626 : memref<128xi32, #tpu.memory_space<vmem>>) semaphore(%dma_start3A_631 : memref<!tpu.dma_semaphore, #tpu.memory_space<semaphore_mem>>)
    %dma_wait3A_632 = arith.constant 2 : i32
    %dma_wait3A_633 = arith.constant 2 : i32
    %dma_wait3A_634 = arith.constant 0 : i32
    %dma_wait3A_635 = arith.constant 0 : i32
    %dma_wait3A_636 = tpu.memref_slice %arg8[%dma_wait3A_632, %dma_wait3A_634, %dma_wait3A_635] : memref<6x128x16xf32, #tpu.memory_space<vmem>> -> memref<1x128x16xf32, #tpu.memory_space<vmem>>
    %dma_wait3A_637 = tpu.memref_squeeze %dma_wait3A_636 : memref<1x128x16xf32, #tpu.memory_space<vmem>> -> memref<128x16xf32, #tpu.memory_space<vmem>>
    %dma_wait3A_638 = arith.constant 0 : i32
    %dma_wait3A_639 = arith.constant 0 : i32
    %dma_wait3A_640 = tpu.memref_slice %dma_wait3A_637[%dma_wait3A_638, %dma_wait3A_639] : memref<128x16xf32, #tpu.memory_space<vmem>> -> memref<128x16xf32, #tpu.memory_space<vmem>>
    %dma_wait3A_641 = arith.constant 256 : i32
    %dma_wait3A_642 = tpu.memref_slice %arg5[%dma_wait3A_641] : memref<10000xi32, #tpu.memory_space<vmem>> -> memref<128xi32, #tpu.memory_space<vmem>>
    %dma_wait3A_643 = arith.constant 0 : i32
    %dma_wait3A_644 = arith.constant 0 : i32
    %dma_wait3A_645 = tpu.memref_slice %arg14[%dma_wait3A_643, %dma_wait3A_644] : memref<10240x16xf32, #tpu.memory_space<vmem_shared>> -> memref<10240x16xf32, #tpu.memory_space<vmem_shared>>
    %dma_wait3A_646 = tpu.memref_slice %arg17[%dma_wait3A_633] : memref<6x!tpu.dma_semaphore, #tpu.memory_space<semaphore_mem>> -> memref<1x!tpu.dma_semaphore, #tpu.memory_space<semaphore_mem>>
    %dma_wait3A_647 = tpu.memref_squeeze %dma_wait3A_646 : memref<1x!tpu.dma_semaphore, #tpu.memory_space<semaphore_mem>> -> memref<!tpu.dma_semaphore, #tpu.memory_space<semaphore_mem>>
    tpu.wait_indirect_dma semaphore(%dma_wait3A_647 : memref<!tpu.dma_semaphore, #tpu.memory_space<semaphore_mem>>) src(%dma_wait3A_645 : memref<10240x16xf32, #tpu.memory_space<vmem_shared>>) dst(%dma_wait3A_640 : memref<128x16xf32, #tpu.memory_space<vmem>>)
    %dma_start3A_648 = arith.constant 2 : i32
    %dma_start3A_649 = arith.constant 2 : i32
    %dma_start3A_650 = arith.constant 0 : i32
    %dma_start3A_651 = arith.constant 0 : i32
    %dma_start3A_652 = tpu.memref_slice %arg8[%dma_start3A_648, %dma_start3A_650, %dma_start3A_651] : memref<6x128x16xf32, #tpu.memory_space<vmem>> -> memref<1x128x16xf32, #tpu.memory_space<vmem>>
    %dma_start3A_653 = tpu.memref_squeeze %dma_start3A_652 : memref<1x128x16xf32, #tpu.memory_space<vmem>> -> memref<128x16xf32, #tpu.memory_space<vmem>>
    %dma_start3A_654 = arith.constant 0 : i32
    %dma_start3A_655 = arith.constant 0 : i32
    %dma_start3A_656 = tpu.memref_slice %dma_start3A_653[%dma_start3A_654, %dma_start3A_655] : memref<128x16xf32, #tpu.memory_space<vmem>> -> memref<128x16xf32, #tpu.memory_space<vmem>>
    %dma_start3A_657 = arith.constant 256 : i32
    %dma_start3A_658 = tpu.memref_slice %arg6[%dma_start3A_657] : memref<10000xi32, #tpu.memory_space<vmem>> -> memref<128xi32, #tpu.memory_space<vmem>>
    %dma_start3A_659 = arith.constant 0 : i32
    %dma_start3A_660 = arith.constant 0 : i32
    %dma_start3A_661 = tpu.memref_slice %arg15[%dma_start3A_659, %dma_start3A_660] : memref<10240x16xf32, #tpu.memory_space<vmem_shared>> -> memref<10240x16xf32, #tpu.memory_space<vmem_shared>>
    %dma_start3A_662 = tpu.memref_slice %arg18[%dma_start3A_649] : memref<6x!tpu.dma_semaphore, #tpu.memory_space<semaphore_mem>> -> memref<1x!tpu.dma_semaphore, #tpu.memory_space<semaphore_mem>>
    %dma_start3A_663 = tpu.memref_squeeze %dma_start3A_662 : memref<1x!tpu.dma_semaphore, #tpu.memory_space<semaphore_mem>> -> memref<!tpu.dma_semaphore, #tpu.memory_space<semaphore_mem>>
    tpu.enqueue_indirect_dma source(%dma_start3A_656 : memref<128x16xf32, #tpu.memory_space<vmem>>) target(%dma_start3A_661 : memref<10240x16xf32, #tpu.memory_space<vmem_shared>>) offsets(%dma_start3A_658 : memref<128xi32, #tpu.memory_space<vmem>>) semaphore(%dma_start3A_663 : memref<!tpu.dma_semaphore, #tpu.memory_space<semaphore_mem>>) {add = true}
    %scan3A_664 = arith.constant 0 : i32
    %scan3A_665 = arith.constant 6 : i32
    %scan3A_666 = arith.constant 72 : i32
    %scan3A_667 = arith.addi %scan3A_665, %scan3A_666 : i32
    %scan3A_668 = arith.constant 1 : i32
    %scan3A_669 = scf.for %scan3A_928 = %scan3A_665 to %scan3A_667 step %scan3A_668 iter_args(%scan3A_929 = %scan3A_664) -> (i32)  : i32 {
      %sub3A_930 = arith.constant 6 : i32
      %sub3A_931 = arith.subi %scan3A_928, %sub3A_930 : i32
      %jit3A_932 = arith.constant 6 : i32
      %eq3A = arith.constant 0 : i32
      %eq3A_933 = arith.cmpi eq, %jit3A_932, %eq3A : i32
      %jit3A_934 = arith.constant 1 : i32
      %select_n3A_935 = arith.select %eq3A_933, %jit3A_934, %jit3A_932 : i32
      %rem3A_936 = arith.remsi %sub3A_931, %select_n3A_935 : i32
      %ne3A_937 = arith.constant 0 : i32
      %ne3A_938 = arith.cmpi ne, %rem3A_936, %ne3A_937 : i32
      %lt3A = arith.constant 0 : i32
      %lt3A_939 = arith.cmpi slt, %rem3A_936, %lt3A : i32
      %lt3A_940 = arith.constant 0 : i32
      %lt3A_941 = arith.cmpi slt, %select_n3A_935, %lt3A_940 : i32
      %ne3A_942 = arith.xori %lt3A_939, %lt3A_941 : i1
      %and3A_943 = arith.andi %ne3A_942, %ne3A_938 : i1
      %add3A_944 = arith.addi %rem3A_936, %select_n3A_935 : i32
      %select_n3A_945 = arith.select %and3A_943, %add3A_944, %rem3A_936 : i32
      %mul3A_946 = arith.constant 128 : i32
      %mul3A_947 = arith.muli %sub3A_931, %mul3A_946 : i32
      %dma_wait3A_948 = arith.constant 0 : i32
      %dma_wait3A_949 = arith.constant 0 : i32
      %dma_wait3A_950 = tpu.memref_slice %arg8[%select_n3A_945, %dma_wait3A_948, %dma_wait3A_949] : memref<6x128x16xf32, #tpu.memory_space<vmem>> -> memref<1x128x16xf32, #tpu.memory_space<vmem>>
      %dma_wait3A_951 = tpu.memref_squeeze %dma_wait3A_950 : memref<1x128x16xf32, #tpu.memory_space<vmem>> -> memref<128x16xf32, #tpu.memory_space<vmem>>
      %dma_wait3A_952 = arith.constant 0 : i32
      %dma_wait3A_953 = arith.constant 0 : i32
      %dma_wait3A_954 = tpu.memref_slice %dma_wait3A_951[%dma_wait3A_952, %dma_wait3A_953] : memref<128x16xf32, #tpu.memory_space<vmem>> -> memref<128x16xf32, #tpu.memory_space<vmem>>
      %dma_wait3A_955 = tpu.memref_slice %arg6[%mul3A_947] : memref<10000xi32, #tpu.memory_space<vmem>> -> memref<128xi32, #tpu.memory_space<vmem>>
      %dma_wait3A_956 = arith.constant 0 : i32
      %dma_wait3A_957 = arith.constant 0 : i32
      %dma_wait3A_958 = tpu.memref_slice %arg15[%dma_wait3A_956, %dma_wait3A_957] : memref<10240x16xf32, #tpu.memory_space<vmem_shared>> -> memref<10240x16xf32, #tpu.memory_space<vmem_shared>>
      %dma_wait3A_959 = tpu.memref_slice %arg18[%select_n3A_945] : memref<6x!tpu.dma_semaphore, #tpu.memory_space<semaphore_mem>> -> memref<1x!tpu.dma_semaphore, #tpu.memory_space<semaphore_mem>>
      %dma_wait3A_960 = tpu.memref_squeeze %dma_wait3A_959 : memref<1x!tpu.dma_semaphore, #tpu.memory_space<semaphore_mem>> -> memref<!tpu.dma_semaphore, #tpu.memory_space<semaphore_mem>>
      tpu.wait_indirect_dma semaphore(%dma_wait3A_960 : memref<!tpu.dma_semaphore, #tpu.memory_space<semaphore_mem>>) src(%dma_wait3A_954 : memref<128x16xf32, #tpu.memory_space<vmem>>) dst(%dma_wait3A_958 : memref<10240x16xf32, #tpu.memory_space<vmem_shared>>)
      %jit3A_961 = arith.constant 6 : i32
      %eq3A_962 = arith.constant 0 : i32
      %eq3A_963 = arith.cmpi eq, %jit3A_961, %eq3A_962 : i32
      %jit3A_964 = arith.constant 1 : i32
      %select_n3A_965 = arith.select %eq3A_963, %jit3A_964, %jit3A_961 : i32
      %rem3A_966 = arith.remsi %scan3A_928, %select_n3A_965 : i32
      %ne3A_967 = arith.constant 0 : i32
      %ne3A_968 = arith.cmpi ne, %rem3A_966, %ne3A_967 : i32
      %lt3A_969 = arith.constant 0 : i32
      %lt3A_970 = arith.cmpi slt, %rem3A_966, %lt3A_969 : i32
      %lt3A_971 = arith.constant 0 : i32
      %lt3A_972 = arith.cmpi slt, %select_n3A_965, %lt3A_971 : i32
      %ne3A_973 = arith.xori %lt3A_970, %lt3A_972 : i1
      %and3A_974 = arith.andi %ne3A_973, %ne3A_968 : i1
      %add3A_975 = arith.addi %rem3A_966, %select_n3A_965 : i32
      %select_n3A_976 = arith.select %and3A_974, %add3A_975, %rem3A_966 : i32
      %mul3A_977 = arith.constant 128 : i32
      %mul3A_978 = arith.muli %scan3A_928, %mul3A_977 : i32
      %dma_start3A_979 = arith.constant 0 : i32
      %dma_start3A_980 = arith.constant 0 : i32
      %dma_start3A_981 = tpu.memref_slice %arg8[%select_n3A_976, %dma_start3A_979, %dma_start3A_980] : memref<6x128x16xf32, #tpu.memory_space<vmem>> -> memref<1x128x16xf32, #tpu.memory_space<vmem>>
      %dma_start3A_982 = tpu.memref_squeeze %dma_start3A_981 : memref<1x128x16xf32, #tpu.memory_space<vmem>> -> memref<128x16xf32, #tpu.memory_space<vmem>>
      %dma_start3A_983 = arith.constant 0 : i32
      %dma_start3A_984 = arith.constant 0 : i32
      %dma_start3A_985 = tpu.memref_slice %dma_start3A_982[%dma_start3A_983, %dma_start3A_984] : memref<128x16xf32, #tpu.memory_space<vmem>> -> memref<128x16xf32, #tpu.memory_space<vmem>>
      %dma_start3A_986 = tpu.memref_slice %arg5[%mul3A_978] : memref<10000xi32, #tpu.memory_space<vmem>> -> memref<128xi32, #tpu.memory_space<vmem>>
      %dma_start3A_987 = arith.constant 0 : i32
      %dma_start3A_988 = arith.constant 0 : i32
      %dma_start3A_989 = tpu.memref_slice %arg14[%dma_start3A_987, %dma_start3A_988] : memref<10240x16xf32, #tpu.memory_space<vmem_shared>> -> memref<10240x16xf32, #tpu.memory_space<vmem_shared>>
      %dma_start3A_990 = tpu.memref_slice %arg17[%select_n3A_976] : memref<6x!tpu.dma_semaphore, #tpu.memory_space<semaphore_mem>> -> memref<1x!tpu.dma_semaphore, #tpu.memory_space<semaphore_mem>>
      %dma_start3A_991 = tpu.memref_squeeze %dma_start3A_990 : memref<1x!tpu.dma_semaphore, #tpu.memory_space<semaphore_mem>> -> memref<!tpu.dma_semaphore, #tpu.memory_space<semaphore_mem>>
      tpu.enqueue_indirect_dma source(%dma_start3A_989 : memref<10240x16xf32, #tpu.memory_space<vmem_shared>>) target(%dma_start3A_985 : memref<128x16xf32, #tpu.memory_space<vmem>>) offsets(%dma_start3A_986 : memref<128xi32, #tpu.memory_space<vmem>>) semaphore(%dma_start3A_991 : memref<!tpu.dma_semaphore, #tpu.memory_space<semaphore_mem>>)
      %sub3A_992 = arith.constant 3 : i32
      %sub3A_993 = arith.subi %scan3A_928, %sub3A_992 : i32
      %jit3A_994 = arith.constant 6 : i32
      %eq3A_995 = arith.constant 0 : i32
      %eq3A_996 = arith.cmpi eq, %jit3A_994, %eq3A_995 : i32
      %jit3A_997 = arith.constant 1 : i32
      %select_n3A_998 = arith.select %eq3A_996, %jit3A_997, %jit3A_994 : i32
      %rem3A_999 = arith.remsi %sub3A_993, %select_n3A_998 : i32
      %ne3A_1000 = arith.constant 0 : i32
      %ne3A_1001 = arith.cmpi ne, %rem3A_999, %ne3A_1000 : i32
      %lt3A_1002 = arith.constant 0 : i32
      %lt3A_1003 = arith.cmpi slt, %rem3A_999, %lt3A_1002 : i32
      %lt3A_1004 = arith.constant 0 : i32
      %lt3A_1005 = arith.cmpi slt, %select_n3A_998, %lt3A_1004 : i32
      %ne3A_1006 = arith.xori %lt3A_1003, %lt3A_1005 : i1
      %and3A_1007 = arith.andi %ne3A_1006, %ne3A_1001 : i1
      %add3A_1008 = arith.addi %rem3A_999, %select_n3A_998 : i32
      %select_n3A_1009 = arith.select %and3A_1007, %add3A_1008, %rem3A_999 : i32
      %mul3A_1010 = arith.constant 128 : i32
      %mul3A_1011 = arith.muli %sub3A_993, %mul3A_1010 : i32
      %dma_wait3A_1012 = arith.constant 0 : i32
      %dma_wait3A_1013 = arith.constant 0 : i32
      %dma_wait3A_1014 = tpu.memref_slice %arg8[%select_n3A_1009, %dma_wait3A_1012, %dma_wait3A_1013] : memref<6x128x16xf32, #tpu.memory_space<vmem>> -> memref<1x128x16xf32, #tpu.memory_space<vmem>>
      %dma_wait3A_1015 = tpu.memref_squeeze %dma_wait3A_1014 : memref<1x128x16xf32, #tpu.memory_space<vmem>> -> memref<128x16xf32, #tpu.memory_space<vmem>>
      %dma_wait3A_1016 = arith.constant 0 : i32
      %dma_wait3A_1017 = arith.constant 0 : i32
      %dma_wait3A_1018 = tpu.memref_slice %dma_wait3A_1015[%dma_wait3A_1016, %dma_wait3A_1017] : memref<128x16xf32, #tpu.memory_space<vmem>> -> memref<128x16xf32, #tpu.memory_space<vmem>>
      %dma_wait3A_1019 = tpu.memref_slice %arg5[%mul3A_1011] : memref<10000xi32, #tpu.memory_space<vmem>> -> memref<128xi32, #tpu.memory_space<vmem>>
      %dma_wait3A_1020 = arith.constant 0 : i32
      %dma_wait3A_1021 = arith.constant 0 : i32
      %dma_wait3A_1022 = tpu.memref_slice %arg14[%dma_wait3A_1020, %dma_wait3A_1021] : memref<10240x16xf32, #tpu.memory_space<vmem_shared>> -> memref<10240x16xf32, #tpu.memory_space<vmem_shared>>
      %dma_wait3A_1023 = tpu.memref_slice %arg17[%select_n3A_1009] : memref<6x!tpu.dma_semaphore, #tpu.memory_space<semaphore_mem>> -> memref<1x!tpu.dma_semaphore, #tpu.memory_space<semaphore_mem>>
      %dma_wait3A_1024 = tpu.memref_squeeze %dma_wait3A_1023 : memref<1x!tpu.dma_semaphore, #tpu.memory_space<semaphore_mem>> -> memref<!tpu.dma_semaphore, #tpu.memory_space<semaphore_mem>>
      tpu.wait_indirect_dma semaphore(%dma_wait3A_1024 : memref<!tpu.dma_semaphore, #tpu.memory_space<semaphore_mem>>) src(%dma_wait3A_1022 : memref<10240x16xf32, #tpu.memory_space<vmem_shared>>) dst(%dma_wait3A_1018 : memref<128x16xf32, #tpu.memory_space<vmem>>)
      %sub3A_1025 = arith.constant 3 : i32
      %sub3A_1026 = arith.subi %scan3A_928, %sub3A_1025 : i32
      %jit3A_1027 = arith.constant 6 : i32
      %eq3A_1028 = arith.constant 0 : i32
      %eq3A_1029 = arith.cmpi eq, %jit3A_1027, %eq3A_1028 : i32
      %jit3A_1030 = arith.constant 1 : i32
      %select_n3A_1031 = arith.select %eq3A_1029, %jit3A_1030, %jit3A_1027 : i32
      %rem3A_1032 = arith.remsi %sub3A_1026, %select_n3A_1031 : i32
      %ne3A_1033 = arith.constant 0 : i32
      %ne3A_1034 = arith.cmpi ne, %rem3A_1032, %ne3A_1033 : i32
      %lt3A_1035 = arith.constant 0 : i32
      %lt3A_1036 = arith.cmpi slt, %rem3A_1032, %lt3A_1035 : i32
      %lt3A_1037 = arith.constant 0 : i32
      %lt3A_1038 = arith.cmpi slt, %select_n3A_1031, %lt3A_1037 : i32
      %ne3A_1039 = arith.xori %lt3A_1036, %lt3A_1038 : i1
      %and3A_1040 = arith.andi %ne3A_1039, %ne3A_1034 : i1
      %add3A_1041 = arith.addi %rem3A_1032, %select_n3A_1031 : i32
      %select_n3A_1042 = arith.select %and3A_1040, %add3A_1041, %rem3A_1032 : i32
      %mul3A_1043 = arith.constant 128 : i32
      %mul3A_1044 = arith.muli %sub3A_1026, %mul3A_1043 : i32
      %dma_start3A_1045 = arith.constant 0 : i32
      %dma_start3A_1046 = arith.constant 0 : i32
      %dma_start3A_1047 = tpu.memref_slice %arg8[%select_n3A_1042, %dma_start3A_1045, %dma_start3A_1046] : memref<6x128x16xf32, #tpu.memory_space<vmem>> -> memref<1x128x16xf32, #tpu.memory_space<vmem>>
      %dma_start3A_1048 = tpu.memref_squeeze %dma_start3A_1047 : memref<1x128x16xf32, #tpu.memory_space<vmem>> -> memref<128x16xf32, #tpu.memory_space<vmem>>
      %dma_start3A_1049 = arith.constant 0 : i32
      %dma_start3A_1050 = arith.constant 0 : i32
      %dma_start3A_1051 = tpu.memref_slice %dma_start3A_1048[%dma_start3A_1049, %dma_start3A_1050] : memref<128x16xf32, #tpu.memory_space<vmem>> -> memref<128x16xf32, #tpu.memory_space<vmem>>
      %dma_start3A_1052 = tpu.memref_slice %arg6[%mul3A_1044] : memref<10000xi32, #tpu.memory_space<vmem>> -> memref<128xi32, #tpu.memory_space<vmem>>
      %dma_start3A_1053 = arith.constant 0 : i32
      %dma_start3A_1054 = arith.constant 0 : i32
      %dma_start3A_1055 = tpu.memref_slice %arg15[%dma_start3A_1053, %dma_start3A_1054] : memref<10240x16xf32, #tpu.memory_space<vmem_shared>> -> memref<10240x16xf32, #tpu.memory_space<vmem_shared>>
      %dma_start3A_1056 = tpu.memref_slice %arg18[%select_n3A_1042] : memref<6x!tpu.dma_semaphore, #tpu.memory_space<semaphore_mem>> -> memref<1x!tpu.dma_semaphore, #tpu.memory_space<semaphore_mem>>
      %dma_start3A_1057 = tpu.memref_squeeze %dma_start3A_1056 : memref<1x!tpu.dma_semaphore, #tpu.memory_space<semaphore_mem>> -> memref<!tpu.dma_semaphore, #tpu.memory_space<semaphore_mem>>
      tpu.enqueue_indirect_dma source(%dma_start3A_1051 : memref<128x16xf32, #tpu.memory_space<vmem>>) target(%dma_start3A_1055 : memref<10240x16xf32, #tpu.memory_space<vmem_shared>>) offsets(%dma_start3A_1052 : memref<128xi32, #tpu.memory_space<vmem>>) semaphore(%dma_start3A_1057 : memref<!tpu.dma_semaphore, #tpu.memory_space<semaphore_mem>>) {add = true}
      %scan3A_1058 = arith.constant 0 : i32
      scf.yield %scan3A_1058 : i32
    }
    %scan3A_670 = arith.constant 72 : i32
    %dma_wait3A_671 = arith.constant 3 : i32
    %dma_wait3A_672 = arith.constant 3 : i32
    %dma_wait3A_673 = arith.constant 0 : i32
    %dma_wait3A_674 = arith.constant 0 : i32
    %dma_wait3A_675 = tpu.memref_slice %arg8[%dma_wait3A_671, %dma_wait3A_673, %dma_wait3A_674] : memref<6x128x16xf32, #tpu.memory_space<vmem>> -> memref<1x128x16xf32, #tpu.memory_space<vmem>>
    %dma_wait3A_676 = tpu.memref_squeeze %dma_wait3A_675 : memref<1x128x16xf32, #tpu.memory_space<vmem>> -> memref<128x16xf32, #tpu.memory_space<vmem>>
    %dma_wait3A_677 = arith.constant 0 : i32
    %dma_wait3A_678 = arith.constant 0 : i32
    %dma_wait3A_679 = tpu.memref_slice %dma_wait3A_676[%dma_wait3A_677, %dma_wait3A_678] : memref<128x16xf32, #tpu.memory_space<vmem>> -> memref<128x16xf32, #tpu.memory_space<vmem>>
    %dma_wait3A_680 = arith.constant 9600 : i32
    %dma_wait3A_681 = tpu.memref_slice %arg5[%dma_wait3A_680] : memref<10000xi32, #tpu.memory_space<vmem>> -> memref<128xi32, #tpu.memory_space<vmem>>
    %dma_wait3A_682 = arith.constant 0 : i32
    %dma_wait3A_683 = arith.constant 0 : i32
    %dma_wait3A_684 = tpu.memref_slice %arg14[%dma_wait3A_682, %dma_wait3A_683] : memref<10240x16xf32, #tpu.memory_space<vmem_shared>> -> memref<10240x16xf32, #tpu.memory_space<vmem_shared>>
    %dma_wait3A_685 = tpu.memref_slice %arg17[%dma_wait3A_672] : memref<6x!tpu.dma_semaphore, #tpu.memory_space<semaphore_mem>> -> memref<1x!tpu.dma_semaphore, #tpu.memory_space<semaphore_mem>>
    %dma_wait3A_686 = tpu.memref_squeeze %dma_wait3A_685 : memref<1x!tpu.dma_semaphore, #tpu.memory_space<semaphore_mem>> -> memref<!tpu.dma_semaphore, #tpu.memory_space<semaphore_mem>>
    tpu.wait_indirect_dma semaphore(%dma_wait3A_686 : memref<!tpu.dma_semaphore, #tpu.memory_space<semaphore_mem>>) src(%dma_wait3A_684 : memref<10240x16xf32, #tpu.memory_space<vmem_shared>>) dst(%dma_wait3A_679 : memref<128x16xf32, #tpu.memory_space<vmem>>)
    %dma_start3A_687 = arith.constant 3 : i32
    %dma_start3A_688 = arith.constant 3 : i32
    %dma_start3A_689 = arith.constant 0 : i32
    %dma_start3A_690 = arith.constant 0 : i32
    %dma_start3A_691 = tpu.memref_slice %arg8[%dma_start3A_687, %dma_start3A_689, %dma_start3A_690] : memref<6x128x16xf32, #tpu.memory_space<vmem>> -> memref<1x128x16xf32, #tpu.memory_space<vmem>>
    %dma_start3A_692 = tpu.memref_squeeze %dma_start3A_691 : memref<1x128x16xf32, #tpu.memory_space<vmem>> -> memref<128x16xf32, #tpu.memory_space<vmem>>
    %dma_start3A_693 = arith.constant 0 : i32
    %dma_start3A_694 = arith.constant 0 : i32
    %dma_start3A_695 = tpu.memref_slice %dma_start3A_692[%dma_start3A_693, %dma_start3A_694] : memref<128x16xf32, #tpu.memory_space<vmem>> -> memref<128x16xf32, #tpu.memory_space<vmem>>
    %dma_start3A_696 = arith.constant 9600 : i32
    %dma_start3A_697 = tpu.memref_slice %arg6[%dma_start3A_696] : memref<10000xi32, #tpu.memory_space<vmem>> -> memref<128xi32, #tpu.memory_space<vmem>>
    %dma_start3A_698 = arith.constant 0 : i32
    %dma_start3A_699 = arith.constant 0 : i32
    %dma_start3A_700 = tpu.memref_slice %arg15[%dma_start3A_698, %dma_start3A_699] : memref<10240x16xf32, #tpu.memory_space<vmem_shared>> -> memref<10240x16xf32, #tpu.memory_space<vmem_shared>>
    %dma_start3A_701 = tpu.memref_slice %arg18[%dma_start3A_688] : memref<6x!tpu.dma_semaphore, #tpu.memory_space<semaphore_mem>> -> memref<1x!tpu.dma_semaphore, #tpu.memory_space<semaphore_mem>>
    %dma_start3A_702 = tpu.memref_squeeze %dma_start3A_701 : memref<1x!tpu.dma_semaphore, #tpu.memory_space<semaphore_mem>> -> memref<!tpu.dma_semaphore, #tpu.memory_space<semaphore_mem>>
    tpu.enqueue_indirect_dma source(%dma_start3A_695 : memref<128x16xf32, #tpu.memory_space<vmem>>) target(%dma_start3A_700 : memref<10240x16xf32, #tpu.memory_space<vmem_shared>>) offsets(%dma_start3A_697 : memref<128xi32, #tpu.memory_space<vmem>>) semaphore(%dma_start3A_702 : memref<!tpu.dma_semaphore, #tpu.memory_space<semaphore_mem>>) {add = true}
    %dma_wait3A_703 = arith.constant 4 : i32
    %dma_wait3A_704 = arith.constant 4 : i32
    %dma_wait3A_705 = arith.constant 0 : i32
    %dma_wait3A_706 = arith.constant 0 : i32
    %dma_wait3A_707 = tpu.memref_slice %arg8[%dma_wait3A_703, %dma_wait3A_705, %dma_wait3A_706] : memref<6x128x16xf32, #tpu.memory_space<vmem>> -> memref<1x128x16xf32, #tpu.memory_space<vmem>>
    %dma_wait3A_708 = tpu.memref_squeeze %dma_wait3A_707 : memref<1x128x16xf32, #tpu.memory_space<vmem>> -> memref<128x16xf32, #tpu.memory_space<vmem>>
    %dma_wait3A_709 = arith.constant 0 : i32
    %dma_wait3A_710 = arith.constant 0 : i32
    %dma_wait3A_711 = tpu.memref_slice %dma_wait3A_708[%dma_wait3A_709, %dma_wait3A_710] : memref<128x16xf32, #tpu.memory_space<vmem>> -> memref<128x16xf32, #tpu.memory_space<vmem>>
    %dma_wait3A_712 = arith.constant 9728 : i32
    %dma_wait3A_713 = tpu.memref_slice %arg5[%dma_wait3A_712] : memref<10000xi32, #tpu.memory_space<vmem>> -> memref<128xi32, #tpu.memory_space<vmem>>
    %dma_wait3A_714 = arith.constant 0 : i32
    %dma_wait3A_715 = arith.constant 0 : i32
    %dma_wait3A_716 = tpu.memref_slice %arg14[%dma_wait3A_714, %dma_wait3A_715] : memref<10240x16xf32, #tpu.memory_space<vmem_shared>> -> memref<10240x16xf32, #tpu.memory_space<vmem_shared>>
    %dma_wait3A_717 = tpu.memref_slice %arg17[%dma_wait3A_704] : memref<6x!tpu.dma_semaphore, #tpu.memory_space<semaphore_mem>> -> memref<1x!tpu.dma_semaphore, #tpu.memory_space<semaphore_mem>>
    %dma_wait3A_718 = tpu.memref_squeeze %dma_wait3A_717 : memref<1x!tpu.dma_semaphore, #tpu.memory_space<semaphore_mem>> -> memref<!tpu.dma_semaphore, #tpu.memory_space<semaphore_mem>>
    tpu.wait_indirect_dma semaphore(%dma_wait3A_718 : memref<!tpu.dma_semaphore, #tpu.memory_space<semaphore_mem>>) src(%dma_wait3A_716 : memref<10240x16xf32, #tpu.memory_space<vmem_shared>>) dst(%dma_wait3A_711 : memref<128x16xf32, #tpu.memory_space<vmem>>)
    %dma_start3A_719 = arith.constant 4 : i32
    %dma_start3A_720 = arith.constant 4 : i32
    %dma_start3A_721 = arith.constant 0 : i32
    %dma_start3A_722 = arith.constant 0 : i32
    %dma_start3A_723 = tpu.memref_slice %arg8[%dma_start3A_719, %dma_start3A_721, %dma_start3A_722] : memref<6x128x16xf32, #tpu.memory_space<vmem>> -> memref<1x128x16xf32, #tpu.memory_space<vmem>>
    %dma_start3A_724 = tpu.memref_squeeze %dma_start3A_723 : memref<1x128x16xf32, #tpu.memory_space<vmem>> -> memref<128x16xf32, #tpu.memory_space<vmem>>
    %dma_start3A_725 = arith.constant 0 : i32
    %dma_start3A_726 = arith.constant 0 : i32
    %dma_start3A_727 = tpu.memref_slice %dma_start3A_724[%dma_start3A_725, %dma_start3A_726] : memref<128x16xf32, #tpu.memory_space<vmem>> -> memref<128x16xf32, #tpu.memory_space<vmem>>
    %dma_start3A_728 = arith.constant 9728 : i32
    %dma_start3A_729 = tpu.memref_slice %arg6[%dma_start3A_728] : memref<10000xi32, #tpu.memory_space<vmem>> -> memref<128xi32, #tpu.memory_space<vmem>>
    %dma_start3A_730 = arith.constant 0 : i32
    %dma_start3A_731 = arith.constant 0 : i32
    %dma_start3A_732 = tpu.memref_slice %arg15[%dma_start3A_730, %dma_start3A_731] : memref<10240x16xf32, #tpu.memory_space<vmem_shared>> -> memref<10240x16xf32, #tpu.memory_space<vmem_shared>>
    %dma_start3A_733 = tpu.memref_slice %arg18[%dma_start3A_720] : memref<6x!tpu.dma_semaphore, #tpu.memory_space<semaphore_mem>> -> memref<1x!tpu.dma_semaphore, #tpu.memory_space<semaphore_mem>>
    %dma_start3A_734 = tpu.memref_squeeze %dma_start3A_733 : memref<1x!tpu.dma_semaphore, #tpu.memory_space<semaphore_mem>> -> memref<!tpu.dma_semaphore, #tpu.memory_space<semaphore_mem>>
    tpu.enqueue_indirect_dma source(%dma_start3A_727 : memref<128x16xf32, #tpu.memory_space<vmem>>) target(%dma_start3A_732 : memref<10240x16xf32, #tpu.memory_space<vmem_shared>>) offsets(%dma_start3A_729 : memref<128xi32, #tpu.memory_space<vmem>>) semaphore(%dma_start3A_734 : memref<!tpu.dma_semaphore, #tpu.memory_space<semaphore_mem>>) {add = true}
    %dma_wait3A_735 = arith.constant 5 : i32
    %dma_wait3A_736 = arith.constant 5 : i32
    %dma_wait3A_737 = arith.constant 0 : i32
    %dma_wait3A_738 = arith.constant 0 : i32
    %dma_wait3A_739 = tpu.memref_slice %arg8[%dma_wait3A_735, %dma_wait3A_737, %dma_wait3A_738] : memref<6x128x16xf32, #tpu.memory_space<vmem>> -> memref<1x128x16xf32, #tpu.memory_space<vmem>>
    %dma_wait3A_740 = tpu.memref_squeeze %dma_wait3A_739 : memref<1x128x16xf32, #tpu.memory_space<vmem>> -> memref<128x16xf32, #tpu.memory_space<vmem>>
    %dma_wait3A_741 = arith.constant 0 : i32
    %dma_wait3A_742 = arith.constant 0 : i32
    %dma_wait3A_743 = tpu.memref_slice %dma_wait3A_740[%dma_wait3A_741, %dma_wait3A_742] : memref<128x16xf32, #tpu.memory_space<vmem>> -> memref<128x16xf32, #tpu.memory_space<vmem>>
    %dma_wait3A_744 = arith.constant 9856 : i32
    %dma_wait3A_745 = tpu.memref_slice %arg5[%dma_wait3A_744] : memref<10000xi32, #tpu.memory_space<vmem>> -> memref<128xi32, #tpu.memory_space<vmem>>
    %dma_wait3A_746 = arith.constant 0 : i32
    %dma_wait3A_747 = arith.constant 0 : i32
    %dma_wait3A_748 = tpu.memref_slice %arg14[%dma_wait3A_746, %dma_wait3A_747] : memref<10240x16xf32, #tpu.memory_space<vmem_shared>> -> memref<10240x16xf32, #tpu.memory_space<vmem_shared>>
    %dma_wait3A_749 = tpu.memref_slice %arg17[%dma_wait3A_736] : memref<6x!tpu.dma_semaphore, #tpu.memory_space<semaphore_mem>> -> memref<1x!tpu.dma_semaphore, #tpu.memory_space<semaphore_mem>>
    %dma_wait3A_750 = tpu.memref_squeeze %dma_wait3A_749 : memref<1x!tpu.dma_semaphore, #tpu.memory_space<semaphore_mem>> -> memref<!tpu.dma_semaphore, #tpu.memory_space<semaphore_mem>>
    tpu.wait_indirect_dma semaphore(%dma_wait3A_750 : memref<!tpu.dma_semaphore, #tpu.memory_space<semaphore_mem>>) src(%dma_wait3A_748 : memref<10240x16xf32, #tpu.memory_space<vmem_shared>>) dst(%dma_wait3A_743 : memref<128x16xf32, #tpu.memory_space<vmem>>)
    %dma_start3A_751 = arith.constant 5 : i32
    %dma_start3A_752 = arith.constant 5 : i32
    %dma_start3A_753 = arith.constant 0 : i32
    %dma_start3A_754 = arith.constant 0 : i32
    %dma_start3A_755 = tpu.memref_slice %arg8[%dma_start3A_751, %dma_start3A_753, %dma_start3A_754] : memref<6x128x16xf32, #tpu.memory_space<vmem>> -> memref<1x128x16xf32, #tpu.memory_space<vmem>>
    %dma_start3A_756 = tpu.memref_squeeze %dma_start3A_755 : memref<1x128x16xf32, #tpu.memory_space<vmem>> -> memref<128x16xf32, #tpu.memory_space<vmem>>
    %dma_start3A_757 = arith.constant 0 : i32
    %dma_start3A_758 = arith.constant 0 : i32
    %dma_start3A_759 = tpu.memref_slice %dma_start3A_756[%dma_start3A_757, %dma_start3A_758] : memref<128x16xf32, #tpu.memory_space<vmem>> -> memref<128x16xf32, #tpu.memory_space<vmem>>
    %dma_start3A_760 = arith.constant 9856 : i32
    %dma_start3A_761 = tpu.memref_slice %arg6[%dma_start3A_760] : memref<10000xi32, #tpu.memory_space<vmem>> -> memref<128xi32, #tpu.memory_space<vmem>>
    %dma_start3A_762 = arith.constant 0 : i32
    %dma_start3A_763 = arith.constant 0 : i32
    %dma_start3A_764 = tpu.memref_slice %arg15[%dma_start3A_762, %dma_start3A_763] : memref<10240x16xf32, #tpu.memory_space<vmem_shared>> -> memref<10240x16xf32, #tpu.memory_space<vmem_shared>>
    %dma_start3A_765 = tpu.memref_slice %arg18[%dma_start3A_752] : memref<6x!tpu.dma_semaphore, #tpu.memory_space<semaphore_mem>> -> memref<1x!tpu.dma_semaphore, #tpu.memory_space<semaphore_mem>>
    %dma_start3A_766 = tpu.memref_squeeze %dma_start3A_765 : memref<1x!tpu.dma_semaphore, #tpu.memory_space<semaphore_mem>> -> memref<!tpu.dma_semaphore, #tpu.memory_space<semaphore_mem>>
    tpu.enqueue_indirect_dma source(%dma_start3A_759 : memref<128x16xf32, #tpu.memory_space<vmem>>) target(%dma_start3A_764 : memref<10240x16xf32, #tpu.memory_space<vmem_shared>>) offsets(%dma_start3A_761 : memref<128xi32, #tpu.memory_space<vmem>>) semaphore(%dma_start3A_766 : memref<!tpu.dma_semaphore, #tpu.memory_space<semaphore_mem>>) {add = true}
    %dma_wait3A_767 = arith.constant 0 : i32
    %dma_wait3A_768 = arith.constant 0 : i32
    %dma_wait3A_769 = arith.constant 0 : i32
    %dma_wait3A_770 = arith.constant 0 : i32
    %dma_wait3A_771 = tpu.memref_slice %arg8[%dma_wait3A_767, %dma_wait3A_769, %dma_wait3A_770] : memref<6x128x16xf32, #tpu.memory_space<vmem>> -> memref<1x128x16xf32, #tpu.memory_space<vmem>>
    %dma_wait3A_772 = tpu.memref_squeeze %dma_wait3A_771 : memref<1x128x16xf32, #tpu.memory_space<vmem>> -> memref<128x16xf32, #tpu.memory_space<vmem>>
    %dma_wait3A_773 = arith.constant 0 : i32
    %dma_wait3A_774 = arith.constant 0 : i32
    %dma_wait3A_775 = tpu.memref_slice %dma_wait3A_772[%dma_wait3A_773, %dma_wait3A_774] : memref<128x16xf32, #tpu.memory_space<vmem>> -> memref<128x16xf32, #tpu.memory_space<vmem>>
    %dma_wait3A_776 = arith.constant 9216 : i32
    %dma_wait3A_777 = tpu.memref_slice %arg6[%dma_wait3A_776] : memref<10000xi32, #tpu.memory_space<vmem>> -> memref<128xi32, #tpu.memory_space<vmem>>
    %dma_wait3A_778 = arith.constant 0 : i32
    %dma_wait3A_779 = arith.constant 0 : i32
    %dma_wait3A_780 = tpu.memref_slice %arg15[%dma_wait3A_778, %dma_wait3A_779] : memref<10240x16xf32, #tpu.memory_space<vmem_shared>> -> memref<10240x16xf32, #tpu.memory_space<vmem_shared>>
    %dma_wait3A_781 = tpu.memref_slice %arg18[%dma_wait3A_768] : memref<6x!tpu.dma_semaphore, #tpu.memory_space<semaphore_mem>> -> memref<1x!tpu.dma_semaphore, #tpu.memory_space<semaphore_mem>>
    %dma_wait3A_782 = tpu.memref_squeeze %dma_wait3A_781 : memref<1x!tpu.dma_semaphore, #tpu.memory_space<semaphore_mem>> -> memref<!tpu.dma_semaphore, #tpu.memory_space<semaphore_mem>>
    tpu.wait_indirect_dma semaphore(%dma_wait3A_782 : memref<!tpu.dma_semaphore, #tpu.memory_space<semaphore_mem>>) src(%dma_wait3A_775 : memref<128x16xf32, #tpu.memory_space<vmem>>) dst(%dma_wait3A_780 : memref<10240x16xf32, #tpu.memory_space<vmem_shared>>)
    %dma_wait3A_783 = arith.constant 1 : i32
    %dma_wait3A_784 = arith.constant 1 : i32
    %dma_wait3A_785 = arith.constant 0 : i32
    %dma_wait3A_786 = arith.constant 0 : i32
    %dma_wait3A_787 = tpu.memref_slice %arg8[%dma_wait3A_783, %dma_wait3A_785, %dma_wait3A_786] : memref<6x128x16xf32, #tpu.memory_space<vmem>> -> memref<1x128x16xf32, #tpu.memory_space<vmem>>
    %dma_wait3A_788 = tpu.memref_squeeze %dma_wait3A_787 : memref<1x128x16xf32, #tpu.memory_space<vmem>> -> memref<128x16xf32, #tpu.memory_space<vmem>>
    %dma_wait3A_789 = arith.constant 0 : i32
    %dma_wait3A_790 = arith.constant 0 : i32
    %dma_wait3A_791 = tpu.memref_slice %dma_wait3A_788[%dma_wait3A_789, %dma_wait3A_790] : memref<128x16xf32, #tpu.memory_space<vmem>> -> memref<128x16xf32, #tpu.memory_space<vmem>>
    %dma_wait3A_792 = arith.constant 9344 : i32
    %dma_wait3A_793 = tpu.memref_slice %arg6[%dma_wait3A_792] : memref<10000xi32, #tpu.memory_space<vmem>> -> memref<128xi32, #tpu.memory_space<vmem>>
    %dma_wait3A_794 = arith.constant 0 : i32
    %dma_wait3A_795 = arith.constant 0 : i32
    %dma_wait3A_796 = tpu.memref_slice %arg15[%dma_wait3A_794, %dma_wait3A_795] : memref<10240x16xf32, #tpu.memory_space<vmem_shared>> -> memref<10240x16xf32, #tpu.memory_space<vmem_shared>>
    %dma_wait3A_797 = tpu.memref_slice %arg18[%dma_wait3A_784] : memref<6x!tpu.dma_semaphore, #tpu.memory_space<semaphore_mem>> -> memref<1x!tpu.dma_semaphore, #tpu.memory_space<semaphore_mem>>
    %dma_wait3A_798 = tpu.memref_squeeze %dma_wait3A_797 : memref<1x!tpu.dma_semaphore, #tpu.memory_space<semaphore_mem>> -> memref<!tpu.dma_semaphore, #tpu.memory_space<semaphore_mem>>
    tpu.wait_indirect_dma semaphore(%dma_wait3A_798 : memref<!tpu.dma_semaphore, #tpu.memory_space<semaphore_mem>>) src(%dma_wait3A_791 : memref<128x16xf32, #tpu.memory_space<vmem>>) dst(%dma_wait3A_796 : memref<10240x16xf32, #tpu.memory_space<vmem_shared>>)
    %dma_wait3A_799 = arith.constant 2 : i32
    %dma_wait3A_800 = arith.constant 2 : i32
    %dma_wait3A_801 = arith.constant 0 : i32
    %dma_wait3A_802 = arith.constant 0 : i32
    %dma_wait3A_803 = tpu.memref_slice %arg8[%dma_wait3A_799, %dma_wait3A_801, %dma_wait3A_802] : memref<6x128x16xf32, #tpu.memory_space<vmem>> -> memref<1x128x16xf32, #tpu.memory_space<vmem>>
    %dma_wait3A_804 = tpu.memref_squeeze %dma_wait3A_803 : memref<1x128x16xf32, #tpu.memory_space<vmem>> -> memref<128x16xf32, #tpu.memory_space<vmem>>
    %dma_wait3A_805 = arith.constant 0 : i32
    %dma_wait3A_806 = arith.constant 0 : i32
    %dma_wait3A_807 = tpu.memref_slice %dma_wait3A_804[%dma_wait3A_805, %dma_wait3A_806] : memref<128x16xf32, #tpu.memory_space<vmem>> -> memref<128x16xf32, #tpu.memory_space<vmem>>
    %dma_wait3A_808 = arith.constant 9472 : i32
    %dma_wait3A_809 = tpu.memref_slice %arg6[%dma_wait3A_808] : memref<10000xi32, #tpu.memory_space<vmem>> -> memref<128xi32, #tpu.memory_space<vmem>>
    %dma_wait3A_810 = arith.constant 0 : i32
    %dma_wait3A_811 = arith.constant 0 : i32
    %dma_wait3A_812 = tpu.memref_slice %arg15[%dma_wait3A_810, %dma_wait3A_811] : memref<10240x16xf32, #tpu.memory_space<vmem_shared>> -> memref<10240x16xf32, #tpu.memory_space<vmem_shared>>
    %dma_wait3A_813 = tpu.memref_slice %arg18[%dma_wait3A_800] : memref<6x!tpu.dma_semaphore, #tpu.memory_space<semaphore_mem>> -> memref<1x!tpu.dma_semaphore, #tpu.memory_space<semaphore_mem>>
    %dma_wait3A_814 = tpu.memref_squeeze %dma_wait3A_813 : memref<1x!tpu.dma_semaphore, #tpu.memory_space<semaphore_mem>> -> memref<!tpu.dma_semaphore, #tpu.memory_space<semaphore_mem>>
    tpu.wait_indirect_dma semaphore(%dma_wait3A_814 : memref<!tpu.dma_semaphore, #tpu.memory_space<semaphore_mem>>) src(%dma_wait3A_807 : memref<128x16xf32, #tpu.memory_space<vmem>>) dst(%dma_wait3A_812 : memref<10240x16xf32, #tpu.memory_space<vmem_shared>>)
    %dma_wait3A_815 = arith.constant 3 : i32
    %dma_wait3A_816 = arith.constant 3 : i32
    %dma_wait3A_817 = arith.constant 0 : i32
    %dma_wait3A_818 = arith.constant 0 : i32
    %dma_wait3A_819 = tpu.memref_slice %arg8[%dma_wait3A_815, %dma_wait3A_817, %dma_wait3A_818] : memref<6x128x16xf32, #tpu.memory_space<vmem>> -> memref<1x128x16xf32, #tpu.memory_space<vmem>>
    %dma_wait3A_820 = tpu.memref_squeeze %dma_wait3A_819 : memref<1x128x16xf32, #tpu.memory_space<vmem>> -> memref<128x16xf32, #tpu.memory_space<vmem>>
    %dma_wait3A_821 = arith.constant 0 : i32
    %dma_wait3A_822 = arith.constant 0 : i32
    %dma_wait3A_823 = tpu.memref_slice %dma_wait3A_820[%dma_wait3A_821, %dma_wait3A_822] : memref<128x16xf32, #tpu.memory_space<vmem>> -> memref<128x16xf32, #tpu.memory_space<vmem>>
    %dma_wait3A_824 = arith.constant 9600 : i32
    %dma_wait3A_825 = tpu.memref_slice %arg6[%dma_wait3A_824] : memref<10000xi32, #tpu.memory_space<vmem>> -> memref<128xi32, #tpu.memory_space<vmem>>
    %dma_wait3A_826 = arith.constant 0 : i32
    %dma_wait3A_827 = arith.constant 0 : i32
    %dma_wait3A_828 = tpu.memref_slice %arg15[%dma_wait3A_826, %dma_wait3A_827] : memref<10240x16xf32, #tpu.memory_space<vmem_shared>> -> memref<10240x16xf32, #tpu.memory_space<vmem_shared>>
    %dma_wait3A_829 = tpu.memref_slice %arg18[%dma_wait3A_816] : memref<6x!tpu.dma_semaphore, #tpu.memory_space<semaphore_mem>> -> memref<1x!tpu.dma_semaphore, #tpu.memory_space<semaphore_mem>>
    %dma_wait3A_830 = tpu.memref_squeeze %dma_wait3A_829 : memref<1x!tpu.dma_semaphore, #tpu.memory_space<semaphore_mem>> -> memref<!tpu.dma_semaphore, #tpu.memory_space<semaphore_mem>>
    tpu.wait_indirect_dma semaphore(%dma_wait3A_830 : memref<!tpu.dma_semaphore, #tpu.memory_space<semaphore_mem>>) src(%dma_wait3A_823 : memref<128x16xf32, #tpu.memory_space<vmem>>) dst(%dma_wait3A_828 : memref<10240x16xf32, #tpu.memory_space<vmem_shared>>)
    %dma_wait3A_831 = arith.constant 4 : i32
    %dma_wait3A_832 = arith.constant 4 : i32
    %dma_wait3A_833 = arith.constant 0 : i32
    %dma_wait3A_834 = arith.constant 0 : i32
    %dma_wait3A_835 = tpu.memref_slice %arg8[%dma_wait3A_831, %dma_wait3A_833, %dma_wait3A_834] : memref<6x128x16xf32, #tpu.memory_space<vmem>> -> memref<1x128x16xf32, #tpu.memory_space<vmem>>
    %dma_wait3A_836 = tpu.memref_squeeze %dma_wait3A_835 : memref<1x128x16xf32, #tpu.memory_space<vmem>> -> memref<128x16xf32, #tpu.memory_space<vmem>>
    %dma_wait3A_837 = arith.constant 0 : i32
    %dma_wait3A_838 = arith.constant 0 : i32
    %dma_wait3A_839 = tpu.memref_slice %dma_wait3A_836[%dma_wait3A_837, %dma_wait3A_838] : memref<128x16xf32, #tpu.memory_space<vmem>> -> memref<128x16xf32, #tpu.memory_space<vmem>>
    %dma_wait3A_840 = arith.constant 9728 : i32
    %dma_wait3A_841 = tpu.memref_slice %arg6[%dma_wait3A_840] : memref<10000xi32, #tpu.memory_space<vmem>> -> memref<128xi32, #tpu.memory_space<vmem>>
    %dma_wait3A_842 = arith.constant 0 : i32
    %dma_wait3A_843 = arith.constant 0 : i32
    %dma_wait3A_844 = tpu.memref_slice %arg15[%dma_wait3A_842, %dma_wait3A_843] : memref<10240x16xf32, #tpu.memory_space<vmem_shared>> -> memref<10240x16xf32, #tpu.memory_space<vmem_shared>>
    %dma_wait3A_845 = tpu.memref_slice %arg18[%dma_wait3A_832] : memref<6x!tpu.dma_semaphore, #tpu.memory_space<semaphore_mem>> -> memref<1x!tpu.dma_semaphore, #tpu.memory_space<semaphore_mem>>
    %dma_wait3A_846 = tpu.memref_squeeze %dma_wait3A_845 : memref<1x!tpu.dma_semaphore, #tpu.memory_space<semaphore_mem>> -> memref<!tpu.dma_semaphore, #tpu.memory_space<semaphore_mem>>
    tpu.wait_indirect_dma semaphore(%dma_wait3A_846 : memref<!tpu.dma_semaphore, #tpu.memory_space<semaphore_mem>>) src(%dma_wait3A_839 : memref<128x16xf32, #tpu.memory_space<vmem>>) dst(%dma_wait3A_844 : memref<10240x16xf32, #tpu.memory_space<vmem_shared>>)
    %dma_wait3A_847 = arith.constant 5 : i32
    %dma_wait3A_848 = arith.constant 5 : i32
    %dma_wait3A_849 = arith.constant 0 : i32
    %dma_wait3A_850 = arith.constant 0 : i32
    %dma_wait3A_851 = tpu.memref_slice %arg8[%dma_wait3A_847, %dma_wait3A_849, %dma_wait3A_850] : memref<6x128x16xf32, #tpu.memory_space<vmem>> -> memref<1x128x16xf32, #tpu.memory_space<vmem>>
    %dma_wait3A_852 = tpu.memref_squeeze %dma_wait3A_851 : memref<1x128x16xf32, #tpu.memory_space<vmem>> -> memref<128x16xf32, #tpu.memory_space<vmem>>
    %dma_wait3A_853 = arith.constant 0 : i32
    %dma_wait3A_854 = arith.constant 0 : i32
    %dma_wait3A_855 = tpu.memref_slice %dma_wait3A_852[%dma_wait3A_853, %dma_wait3A_854] : memref<128x16xf32, #tpu.memory_space<vmem>> -> memref<128x16xf32, #tpu.memory_space<vmem>>
    %dma_wait3A_856 = arith.constant 9856 : i32
    %dma_wait3A_857 = tpu.memref_slice %arg6[%dma_wait3A_856] : memref<10000xi32, #tpu.memory_space<vmem>> -> memref<128xi32, #tpu.memory_space<vmem>>
    %dma_wait3A_858 = arith.constant 0 : i32
    %dma_wait3A_859 = arith.constant 0 : i32
    %dma_wait3A_860 = tpu.memref_slice %arg15[%dma_wait3A_858, %dma_wait3A_859] : memref<10240x16xf32, #tpu.memory_space<vmem_shared>> -> memref<10240x16xf32, #tpu.memory_space<vmem_shared>>
    %dma_wait3A_861 = tpu.memref_slice %arg18[%dma_wait3A_848] : memref<6x!tpu.dma_semaphore, #tpu.memory_space<semaphore_mem>> -> memref<1x!tpu.dma_semaphore, #tpu.memory_space<semaphore_mem>>
    %dma_wait3A_862 = tpu.memref_squeeze %dma_wait3A_861 : memref<1x!tpu.dma_semaphore, #tpu.memory_space<semaphore_mem>> -> memref<!tpu.dma_semaphore, #tpu.memory_space<semaphore_mem>>
    tpu.wait_indirect_dma semaphore(%dma_wait3A_862 : memref<!tpu.dma_semaphore, #tpu.memory_space<semaphore_mem>>) src(%dma_wait3A_855 : memref<128x16xf32, #tpu.memory_space<vmem>>) dst(%dma_wait3A_860 : memref<10240x16xf32, #tpu.memory_space<vmem_shared>>)
    %dma_start3A_863 = arith.constant 0 : i32
    %dma_start3A_864 = arith.constant 0 : i32
    %dma_start3A_865 = arith.constant 0 : i32
    %dma_start3A_866 = arith.constant 0 : i32
    %dma_start3A_867 = tpu.memref_slice %arg8[%dma_start3A_863, %dma_start3A_865, %dma_start3A_866] : memref<6x128x16xf32, #tpu.memory_space<vmem>> -> memref<1x128x16xf32, #tpu.memory_space<vmem>>
    %dma_start3A_868 = tpu.memref_squeeze %dma_start3A_867 : memref<1x128x16xf32, #tpu.memory_space<vmem>> -> memref<128x16xf32, #tpu.memory_space<vmem>>
    %dma_start3A_869 = arith.constant 0 : i32
    %dma_start3A_870 = arith.constant 0 : i32
    %dma_start3A_871 = tpu.memref_slice %dma_start3A_868[%dma_start3A_869, %dma_start3A_870] : memref<128x16xf32, #tpu.memory_space<vmem>> -> memref<16x16xf32, #tpu.memory_space<vmem>>
    %dma_start3A_872 = arith.constant 9984 : i32
    %dma_start3A_873 = tpu.memref_slice %arg5[%dma_start3A_872] : memref<10000xi32, #tpu.memory_space<vmem>> -> memref<16xi32, #tpu.memory_space<vmem>>
    %dma_start3A_874 = arith.constant 0 : i32
    %dma_start3A_875 = arith.constant 0 : i32
    %dma_start3A_876 = tpu.memref_slice %arg14[%dma_start3A_874, %dma_start3A_875] : memref<10240x16xf32, #tpu.memory_space<vmem_shared>> -> memref<10240x16xf32, #tpu.memory_space<vmem_shared>>
    %dma_start3A_877 = tpu.memref_slice %arg17[%dma_start3A_864] : memref<6x!tpu.dma_semaphore, #tpu.memory_space<semaphore_mem>> -> memref<1x!tpu.dma_semaphore, #tpu.memory_space<semaphore_mem>>
    %dma_start3A_878 = tpu.memref_squeeze %dma_start3A_877 : memref<1x!tpu.dma_semaphore, #tpu.memory_space<semaphore_mem>> -> memref<!tpu.dma_semaphore, #tpu.memory_space<semaphore_mem>>
    tpu.enqueue_indirect_dma source(%dma_start3A_876 : memref<10240x16xf32, #tpu.memory_space<vmem_shared>>) target(%dma_start3A_871 : memref<16x16xf32, #tpu.memory_space<vmem>>) offsets(%dma_start3A_873 : memref<16xi32, #tpu.memory_space<vmem>>) semaphore(%dma_start3A_878 : memref<!tpu.dma_semaphore, #tpu.memory_space<semaphore_mem>>)
    %dma_wait3A_879 = arith.constant 0 : i32
    %dma_wait3A_880 = arith.constant 0 : i32
    %dma_wait3A_881 = arith.constant 0 : i32
    %dma_wait3A_882 = arith.constant 0 : i32
    %dma_wait3A_883 = tpu.memref_slice %arg8[%dma_wait3A_879, %dma_wait3A_881, %dma_wait3A_882] : memref<6x128x16xf32, #tpu.memory_space<vmem>> -> memref<1x128x16xf32, #tpu.memory_space<vmem>>
    %dma_wait3A_884 = tpu.memref_squeeze %dma_wait3A_883 : memref<1x128x16xf32, #tpu.memory_space<vmem>> -> memref<128x16xf32, #tpu.memory_space<vmem>>
    %dma_wait3A_885 = arith.constant 0 : i32
    %dma_wait3A_886 = arith.constant 0 : i32
    %dma_wait3A_887 = tpu.memref_slice %dma_wait3A_884[%dma_wait3A_885, %dma_wait3A_886] : memref<128x16xf32, #tpu.memory_space<vmem>> -> memref<16x16xf32, #tpu.memory_space<vmem>>
    %dma_wait3A_888 = arith.constant 9984 : i32
    %dma_wait3A_889 = tpu.memref_slice %arg5[%dma_wait3A_888] : memref<10000xi32, #tpu.memory_space<vmem>> -> memref<16xi32, #tpu.memory_space<vmem>>
    %dma_wait3A_890 = arith.constant 0 : i32
    %dma_wait3A_891 = arith.constant 0 : i32
    %dma_wait3A_892 = tpu.memref_slice %arg14[%dma_wait3A_890, %dma_wait3A_891] : memref<10240x16xf32, #tpu.memory_space<vmem_shared>> -> memref<10240x16xf32, #tpu.memory_space<vmem_shared>>
    %dma_wait3A_893 = tpu.memref_slice %arg17[%dma_wait3A_880] : memref<6x!tpu.dma_semaphore, #tpu.memory_space<semaphore_mem>> -> memref<1x!tpu.dma_semaphore, #tpu.memory_space<semaphore_mem>>
    %dma_wait3A_894 = tpu.memref_squeeze %dma_wait3A_893 : memref<1x!tpu.dma_semaphore, #tpu.memory_space<semaphore_mem>> -> memref<!tpu.dma_semaphore, #tpu.memory_space<semaphore_mem>>
    tpu.wait_indirect_dma semaphore(%dma_wait3A_894 : memref<!tpu.dma_semaphore, #tpu.memory_space<semaphore_mem>>) src(%dma_wait3A_892 : memref<10240x16xf32, #tpu.memory_space<vmem_shared>>) dst(%dma_wait3A_887 : memref<16x16xf32, #tpu.memory_space<vmem>>)
    %dma_start3A_895 = arith.constant 0 : i32
    %dma_start3A_896 = arith.constant 0 : i32
    %dma_start3A_897 = arith.constant 0 : i32
    %dma_start3A_898 = arith.constant 0 : i32
    %dma_start3A_899 = tpu.memref_slice %arg8[%dma_start3A_895, %dma_start3A_897, %dma_start3A_898] : memref<6x128x16xf32, #tpu.memory_space<vmem>> -> memref<1x128x16xf32, #tpu.memory_space<vmem>>
    %dma_start3A_900 = tpu.memref_squeeze %dma_start3A_899 : memref<1x128x16xf32, #tpu.memory_space<vmem>> -> memref<128x16xf32, #tpu.memory_space<vmem>>
    %dma_start3A_901 = arith.constant 0 : i32
    %dma_start3A_902 = arith.constant 0 : i32
    %dma_start3A_903 = tpu.memref_slice %dma_start3A_900[%dma_start3A_901, %dma_start3A_902] : memref<128x16xf32, #tpu.memory_space<vmem>> -> memref<16x16xf32, #tpu.memory_space<vmem>>
    %dma_start3A_904 = arith.constant 9984 : i32
    %dma_start3A_905 = tpu.memref_slice %arg6[%dma_start3A_904] : memref<10000xi32, #tpu.memory_space<vmem>> -> memref<16xi32, #tpu.memory_space<vmem>>
    %dma_start3A_906 = arith.constant 0 : i32
    %dma_start3A_907 = arith.constant 0 : i32
    %dma_start3A_908 = tpu.memref_slice %arg15[%dma_start3A_906, %dma_start3A_907] : memref<10240x16xf32, #tpu.memory_space<vmem_shared>> -> memref<10240x16xf32, #tpu.memory_space<vmem_shared>>
    %dma_start3A_909 = tpu.memref_slice %arg18[%dma_start3A_896] : memref<6x!tpu.dma_semaphore, #tpu.memory_space<semaphore_mem>> -> memref<1x!tpu.dma_semaphore, #tpu.memory_space<semaphore_mem>>
    %dma_start3A_910 = tpu.memref_squeeze %dma_start3A_909 : memref<1x!tpu.dma_semaphore, #tpu.memory_space<semaphore_mem>> -> memref<!tpu.dma_semaphore, #tpu.memory_space<semaphore_mem>>
    tpu.enqueue_indirect_dma source(%dma_start3A_903 : memref<16x16xf32, #tpu.memory_space<vmem>>) target(%dma_start3A_908 : memref<10240x16xf32, #tpu.memory_space<vmem_shared>>) offsets(%dma_start3A_905 : memref<16xi32, #tpu.memory_space<vmem>>) semaphore(%dma_start3A_910 : memref<!tpu.dma_semaphore, #tpu.memory_space<semaphore_mem>>) {add = true}
    %dma_wait3A_911 = arith.constant 0 : i32
    %dma_wait3A_912 = arith.constant 0 : i32
    %dma_wait3A_913 = arith.constant 0 : i32
    %dma_wait3A_914 = arith.constant 0 : i32
    %dma_wait3A_915 = tpu.memref_slice %arg8[%dma_wait3A_911, %dma_wait3A_913, %dma_wait3A_914] : memref<6x128x16xf32, #tpu.memory_space<vmem>> -> memref<1x128x16xf32, #tpu.memory_space<vmem>>
    %dma_wait3A_916 = tpu.memref_squeeze %dma_wait3A_915 : memref<1x128x16xf32, #tpu.memory_space<vmem>> -> memref<128x16xf32, #tpu.memory_space<vmem>>
    %dma_wait3A_917 = arith.constant 0 : i32
    %dma_wait3A_918 = arith.constant 0 : i32
    %dma_wait3A_919 = tpu.memref_slice %dma_wait3A_916[%dma_wait3A_917, %dma_wait3A_918] : memref<128x16xf32, #tpu.memory_space<vmem>> -> memref<16x16xf32, #tpu.memory_space<vmem>>
    %dma_wait3A_920 = arith.constant 9984 : i32
    %dma_wait3A_921 = tpu.memref_slice %arg6[%dma_wait3A_920] : memref<10000xi32, #tpu.memory_space<vmem>> -> memref<16xi32, #tpu.memory_space<vmem>>
    %dma_wait3A_922 = arith.constant 0 : i32
    %dma_wait3A_923 = arith.constant 0 : i32
    %dma_wait3A_924 = tpu.memref_slice %arg15[%dma_wait3A_922, %dma_wait3A_923] : memref<10240x16xf32, #tpu.memory_space<vmem_shared>> -> memref<10240x16xf32, #tpu.memory_space<vmem_shared>>
    %dma_wait3A_925 = tpu.memref_slice %arg18[%dma_wait3A_912] : memref<6x!tpu.dma_semaphore, #tpu.memory_space<semaphore_mem>> -> memref<1x!tpu.dma_semaphore, #tpu.memory_space<semaphore_mem>>
    %dma_wait3A_926 = tpu.memref_squeeze %dma_wait3A_925 : memref<1x!tpu.dma_semaphore, #tpu.memory_space<semaphore_mem>> -> memref<!tpu.dma_semaphore, #tpu.memory_space<semaphore_mem>>
    tpu.wait_indirect_dma semaphore(%dma_wait3A_926 : memref<!tpu.dma_semaphore, #tpu.memory_space<semaphore_mem>>) src(%dma_wait3A_919 : memref<16x16xf32, #tpu.memory_space<vmem>>) dst(%dma_wait3A_924 : memref<10240x16xf32, #tpu.memory_space<vmem_shared>>)
    %barrier3A_927 = arith.constant 0 : index
    tpu.barrier barrier_id(%barrier3A_927)
    "tpu.region"() ({
      %run_scoped3A_928 = tpu.sem_alloc : memref<!tpu.dma_semaphore, #tpu.memory_space<semaphore_mem>>
      %dma_start3A_929 = arith.constant 0 : i32
      %dma_start3A_930 = arith.constant 0 : i32
      %dma_start3A_931 = tpu.memref_slice %arg4[%arg0, %dma_start3A_929, %dma_start3A_930] : memref<2x10000x16xf32, #tpu.memory_space<hbm>> -> memref<1x10000x16xf32, #tpu.memory_space<hbm>>
      %dma_start3A_932 = tpu.memref_squeeze %dma_start3A_931 : memref<1x10000x16xf32, #tpu.memory_space<hbm>> -> memref<10000x16xf32, #tpu.memory_space<hbm>>
      %dma_start3A_933 = arith.constant 0 : i32
      %dma_start3A_934 = tpu.memref_slice %dma_start3A_932[%mul3A_441, %dma_start3A_933] : memref<10000x16xf32, #tpu.memory_space<hbm>> -> memref<625x16xf32, #tpu.memory_space<hbm>>
      %dma_start3A_935 = arith.constant 0 : i32
      %dma_start3A_936 = tpu.memref_slice %arg15[%mul3A_441, %dma_start3A_935] : memref<10240x16xf32, #tpu.memory_space<vmem_shared>> -> memref<625x16xf32, #tpu.memory_space<vmem_shared>>
      tpu.enqueue_dma source(%dma_start3A_936 : memref<625x16xf32, #tpu.memory_space<vmem_shared>>) target(%dma_start3A_934 : memref<625x16xf32, #tpu.memory_space<hbm>>) target_semaphore(%run_scoped3A_928 : memref<!tpu.dma_semaphore, #tpu.memory_space<semaphore_mem>>)
      %dma_wait3A_937 = arith.constant 0 : i32
      %dma_wait3A_938 = arith.constant 0 : i32
      %dma_wait3A_939 = tpu.memref_slice %arg4[%arg0, %dma_wait3A_937, %dma_wait3A_938] : memref<2x10000x16xf32, #tpu.memory_space<hbm>> -> memref<1x10000x16xf32, #tpu.memory_space<hbm>>
      %dma_wait3A_940 = tpu.memref_squeeze %dma_wait3A_939 : memref<1x10000x16xf32, #tpu.memory_space<hbm>> -> memref<10000x16xf32, #tpu.memory_space<hbm>>
      %dma_wait3A_941 = arith.constant 0 : i32
      %dma_wait3A_942 = tpu.memref_slice %dma_wait3A_940[%mul3A_441, %dma_wait3A_941] : memref<10000x16xf32, #tpu.memory_space<hbm>> -> memref<625x16xf32, #tpu.memory_space<hbm>>
      %dma_wait3A_943 = arith.constant 0 : i32
      %dma_wait3A_944 = tpu.memref_slice %arg15[%mul3A_441, %dma_wait3A_943] : memref<10240x16xf32, #tpu.memory_space<vmem_shared>> -> memref<625x16xf32, #tpu.memory_space<vmem_shared>>
      tpu.wait_dma2 semaphore(%run_scoped3A_928 : memref<!tpu.dma_semaphore, #tpu.memory_space<semaphore_mem>>) src(%dma_wait3A_944 : memref<625x16xf32, #tpu.memory_space<vmem_shared>>) dst(%dma_wait3A_942 : memref<625x16xf32, #tpu.memory_space<hbm>>)
      tpu.yield
    }) : () -> ()
    return
  }
}

#map = affine_map<(d0, d1) -> (0, 0)>
#map1 = affine_map<(d0, d1) -> (0, 0, 0)>
#map2 = affine_map<(d0, d1) -> (0)>
module attributes {stable_mosaic.version = 14 : i64} {
  func.func @_sc_layer2(%arg0: i32, %arg1: i32, %arg2: memref<2x320000xi32, #tpu.memory_space<hbm>>, %arg3: memref<10000x16xf32, #tpu.memory_space<hbm>>, %arg4: memref<2x10000x16xf32, #tpu.memory_space<hbm>>, %arg5: memref<16xf32, #tpu.memory_space<hbm>>, %arg6: memref<2x10000x16xf32, #tpu.memory_space<hbm>>, %arg7: memref<10000xi32, #tpu.memory_space<vmem>>, %arg8: memref<10000xi32, #tpu.memory_space<vmem>>, %arg9: memref<10000xi32, #tpu.memory_space<vmem>>, %arg10: memref<6x128x16xf32, #tpu.memory_space<vmem>>, %arg11: memref<128x16xf32, #tpu.memory_space<vmem>>, %arg12: memref<128xf32, #tpu.memory_space<vmem>>, %arg13: memref<128xf32, #tpu.memory_space<vmem>>, %arg14: memref<656xf32, #tpu.memory_space<vmem>>, %arg15: memref<625x16xf32, #tpu.memory_space<vmem>>, %arg16: memref<10240x16xf32, #tpu.memory_space<vmem_shared>>, %arg17: memref<10240x16xf32, #tpu.memory_space<vmem_shared>>, %arg18: memref<10240xf32, #tpu.memory_space<vmem_shared>>, %arg19: memref<6x!tpu.dma_semaphore, #tpu.memory_space<semaphore_mem>>, %arg20: memref<6x!tpu.dma_semaphore, #tpu.memory_space<semaphore_mem>>, %arg21: memref<8x!tpu.dma_semaphore, #tpu.memory_space<semaphore_mem>>, %arg22: memref<625x16xf32, #tpu.memory_space<vmem>>, %arg23: memref<625x16xf32, #tpu.memory_space<vmem>>, %arg24: memref<625x16xf32, #tpu.memory_space<vmem>>, %arg25: memref<625x16xf32, #tpu.memory_space<vmem>>, %arg26: memref<16xf32, #tpu.memory_space<vmem>>) attributes {dimension_semantics = [#tpu.dimension_semantics<core_parallel>, #tpu.dimension_semantics<subcore_parallel>], iteration_bounds = array<i64: 2, 16>, scalar_prefetch = 0 : i64, scratch_operands = 20 : i64, tpu.core_type = #tpu.core_type<sc_vector_subcore>, window_params = [{transform_indices = #map}, {transform_indices = #map}, {transform_indices = #map1}, {transform_indices = #map2}, {transform_indices = #map1}]} {
    %mul3A = arith.constant 16 : i32
    %mul3A_0 = arith.muli %arg0, %mul3A : i32
    %add3A = arith.addi %mul3A_0, %arg1 : i32
    %sub3A = arith.constant 1 : i32
    %sub3A_1 = arith.subi %sub3A, %arg0 : i32
    %mul3A_2 = arith.constant 16 : i32
    %mul3A_3 = arith.muli %sub3A_1, %mul3A_2 : i32
    %add3A_4 = arith.addi %mul3A_3, %arg1 : i32
    %mul3A_5 = arith.constant 10000 : i32
    %mul3A_6 = arith.muli %add3A, %mul3A_5 : i32
    %run_scoped3A = arith.constant 0 : i32
    "tpu.region"() ({
      %run_scoped3A_943 = tpu.sem_alloc : memref<!tpu.dma_semaphore, #tpu.memory_space<semaphore_mem>>
      %dma_start3A_944 = arith.constant 0 : i32
      %dma_start3A_945 = tpu.memref_slice %arg2[%run_scoped3A, %dma_start3A_944] : memref<2x320000xi32, #tpu.memory_space<hbm>> -> memref<1x320000xi32, #tpu.memory_space<hbm>>
      %dma_start3A_946 = tpu.memref_squeeze %dma_start3A_945 : memref<1x320000xi32, #tpu.memory_space<hbm>> -> memref<320000xi32, #tpu.memory_space<hbm>>
      %dma_start3A_947 = tpu.memref_slice %dma_start3A_946[%mul3A_6] : memref<320000xi32, #tpu.memory_space<hbm>> -> memref<10000xi32, #tpu.memory_space<hbm>>
      %dma_start3A_948 = arith.constant 0 : i32
      %dma_start3A_949 = tpu.memref_slice %arg2[%run_scoped3A, %dma_start3A_948] : memref<2x320000xi32, #tpu.memory_space<hbm>> -> memref<1x320000xi32, #tpu.memory_space<hbm>>
      %dma_start3A_950 = tpu.memref_squeeze %dma_start3A_949 : memref<1x320000xi32, #tpu.memory_space<hbm>> -> memref<320000xi32, #tpu.memory_space<hbm>>
      %dma_start3A_951 = tpu.memref_slice %dma_start3A_950[%mul3A_6] : memref<320000xi32, #tpu.memory_space<hbm>> -> memref<10000xi32, #tpu.memory_space<hbm>>
      tpu.enqueue_dma source(%dma_start3A_951 : memref<10000xi32, #tpu.memory_space<hbm>>) target(%arg7 : memref<10000xi32, #tpu.memory_space<vmem>>) target_semaphore(%run_scoped3A_943 : memref<!tpu.dma_semaphore, #tpu.memory_space<semaphore_mem>>)
      %dma_wait3A_952 = arith.constant 0 : i32
      %dma_wait3A_953 = tpu.memref_slice %arg2[%run_scoped3A, %dma_wait3A_952] : memref<2x320000xi32, #tpu.memory_space<hbm>> -> memref<1x320000xi32, #tpu.memory_space<hbm>>
      %dma_wait3A_954 = tpu.memref_squeeze %dma_wait3A_953 : memref<1x320000xi32, #tpu.memory_space<hbm>> -> memref<320000xi32, #tpu.memory_space<hbm>>
      %dma_wait3A_955 = tpu.memref_slice %dma_wait3A_954[%mul3A_6] : memref<320000xi32, #tpu.memory_space<hbm>> -> memref<10000xi32, #tpu.memory_space<hbm>>
      %dma_wait3A_956 = arith.constant 0 : i32
      %dma_wait3A_957 = tpu.memref_slice %arg2[%run_scoped3A, %dma_wait3A_956] : memref<2x320000xi32, #tpu.memory_space<hbm>> -> memref<1x320000xi32, #tpu.memory_space<hbm>>
      %dma_wait3A_958 = tpu.memref_squeeze %dma_wait3A_957 : memref<1x320000xi32, #tpu.memory_space<hbm>> -> memref<320000xi32, #tpu.memory_space<hbm>>
      %dma_wait3A_959 = tpu.memref_slice %dma_wait3A_958[%mul3A_6] : memref<320000xi32, #tpu.memory_space<hbm>> -> memref<10000xi32, #tpu.memory_space<hbm>>
      tpu.wait_dma2 semaphore(%run_scoped3A_943 : memref<!tpu.dma_semaphore, #tpu.memory_space<semaphore_mem>>) src(%dma_wait3A_959 : memref<10000xi32, #tpu.memory_space<hbm>>) dst(%arg7 : memref<10000xi32, #tpu.memory_space<vmem>>)
      tpu.yield
    }) : () -> ()
    %mul3A_7 = arith.constant 10000 : i32
    %mul3A_8 = arith.muli %add3A, %mul3A_7 : i32
    %run_scoped3A_9 = arith.constant 1 : i32
    "tpu.region"() ({
      %run_scoped3A_943 = tpu.sem_alloc : memref<!tpu.dma_semaphore, #tpu.memory_space<semaphore_mem>>
      %dma_start3A_944 = arith.constant 0 : i32
      %dma_start3A_945 = tpu.memref_slice %arg2[%run_scoped3A_9, %dma_start3A_944] : memref<2x320000xi32, #tpu.memory_space<hbm>> -> memref<1x320000xi32, #tpu.memory_space<hbm>>
      %dma_start3A_946 = tpu.memref_squeeze %dma_start3A_945 : memref<1x320000xi32, #tpu.memory_space<hbm>> -> memref<320000xi32, #tpu.memory_space<hbm>>
      %dma_start3A_947 = tpu.memref_slice %dma_start3A_946[%mul3A_8] : memref<320000xi32, #tpu.memory_space<hbm>> -> memref<10000xi32, #tpu.memory_space<hbm>>
      %dma_start3A_948 = arith.constant 0 : i32
      %dma_start3A_949 = tpu.memref_slice %arg2[%run_scoped3A_9, %dma_start3A_948] : memref<2x320000xi32, #tpu.memory_space<hbm>> -> memref<1x320000xi32, #tpu.memory_space<hbm>>
      %dma_start3A_950 = tpu.memref_squeeze %dma_start3A_949 : memref<1x320000xi32, #tpu.memory_space<hbm>> -> memref<320000xi32, #tpu.memory_space<hbm>>
      %dma_start3A_951 = tpu.memref_slice %dma_start3A_950[%mul3A_8] : memref<320000xi32, #tpu.memory_space<hbm>> -> memref<10000xi32, #tpu.memory_space<hbm>>
      tpu.enqueue_dma source(%dma_start3A_951 : memref<10000xi32, #tpu.memory_space<hbm>>) target(%arg8 : memref<10000xi32, #tpu.memory_space<vmem>>) target_semaphore(%run_scoped3A_943 : memref<!tpu.dma_semaphore, #tpu.memory_space<semaphore_mem>>)
      %dma_wait3A_952 = arith.constant 0 : i32
      %dma_wait3A_953 = tpu.memref_slice %arg2[%run_scoped3A_9, %dma_wait3A_952] : memref<2x320000xi32, #tpu.memory_space<hbm>> -> memref<1x320000xi32, #tpu.memory_space<hbm>>
      %dma_wait3A_954 = tpu.memref_squeeze %dma_wait3A_953 : memref<1x320000xi32, #tpu.memory_space<hbm>> -> memref<320000xi32, #tpu.memory_space<hbm>>
      %dma_wait3A_955 = tpu.memref_slice %dma_wait3A_954[%mul3A_8] : memref<320000xi32, #tpu.memory_space<hbm>> -> memref<10000xi32, #tpu.memory_space<hbm>>
      %dma_wait3A_956 = arith.constant 0 : i32
      %dma_wait3A_957 = tpu.memref_slice %arg2[%run_scoped3A_9, %dma_wait3A_956] : memref<2x320000xi32, #tpu.memory_space<hbm>> -> memref<1x320000xi32, #tpu.memory_space<hbm>>
      %dma_wait3A_958 = tpu.memref_squeeze %dma_wait3A_957 : memref<1x320000xi32, #tpu.memory_space<hbm>> -> memref<320000xi32, #tpu.memory_space<hbm>>
      %dma_wait3A_959 = tpu.memref_slice %dma_wait3A_958[%mul3A_8] : memref<320000xi32, #tpu.memory_space<hbm>> -> memref<10000xi32, #tpu.memory_space<hbm>>
      tpu.wait_dma2 semaphore(%run_scoped3A_943 : memref<!tpu.dma_semaphore, #tpu.memory_space<semaphore_mem>>) src(%dma_wait3A_959 : memref<10000xi32, #tpu.memory_space<hbm>>) dst(%arg8 : memref<10000xi32, #tpu.memory_space<vmem>>)
      tpu.yield
    }) : () -> ()
    %mul3A_10 = arith.constant 10000 : i32
    %mul3A_11 = arith.muli %add3A_4, %mul3A_10 : i32
    %run_scoped3A_12 = arith.constant 1 : i32
    "tpu.region"() ({
      %run_scoped3A_943 = tpu.sem_alloc : memref<!tpu.dma_semaphore, #tpu.memory_space<semaphore_mem>>
      %dma_start3A_944 = arith.constant 0 : i32
      %dma_start3A_945 = tpu.memref_slice %arg2[%run_scoped3A_12, %dma_start3A_944] : memref<2x320000xi32, #tpu.memory_space<hbm>> -> memref<1x320000xi32, #tpu.memory_space<hbm>>
      %dma_start3A_946 = tpu.memref_squeeze %dma_start3A_945 : memref<1x320000xi32, #tpu.memory_space<hbm>> -> memref<320000xi32, #tpu.memory_space<hbm>>
      %dma_start3A_947 = tpu.memref_slice %dma_start3A_946[%mul3A_11] : memref<320000xi32, #tpu.memory_space<hbm>> -> memref<10000xi32, #tpu.memory_space<hbm>>
      %dma_start3A_948 = arith.constant 0 : i32
      %dma_start3A_949 = tpu.memref_slice %arg2[%run_scoped3A_12, %dma_start3A_948] : memref<2x320000xi32, #tpu.memory_space<hbm>> -> memref<1x320000xi32, #tpu.memory_space<hbm>>
      %dma_start3A_950 = tpu.memref_squeeze %dma_start3A_949 : memref<1x320000xi32, #tpu.memory_space<hbm>> -> memref<320000xi32, #tpu.memory_space<hbm>>
      %dma_start3A_951 = tpu.memref_slice %dma_start3A_950[%mul3A_11] : memref<320000xi32, #tpu.memory_space<hbm>> -> memref<10000xi32, #tpu.memory_space<hbm>>
      tpu.enqueue_dma source(%dma_start3A_951 : memref<10000xi32, #tpu.memory_space<hbm>>) target(%arg9 : memref<10000xi32, #tpu.memory_space<vmem>>) target_semaphore(%run_scoped3A_943 : memref<!tpu.dma_semaphore, #tpu.memory_space<semaphore_mem>>)
      %dma_wait3A_952 = arith.constant 0 : i32
      %dma_wait3A_953 = tpu.memref_slice %arg2[%run_scoped3A_12, %dma_wait3A_952] : memref<2x320000xi32, #tpu.memory_space<hbm>> -> memref<1x320000xi32, #tpu.memory_space<hbm>>
      %dma_wait3A_954 = tpu.memref_squeeze %dma_wait3A_953 : memref<1x320000xi32, #tpu.memory_space<hbm>> -> memref<320000xi32, #tpu.memory_space<hbm>>
      %dma_wait3A_955 = tpu.memref_slice %dma_wait3A_954[%mul3A_11] : memref<320000xi32, #tpu.memory_space<hbm>> -> memref<10000xi32, #tpu.memory_space<hbm>>
      %dma_wait3A_956 = arith.constant 0 : i32
      %dma_wait3A_957 = tpu.memref_slice %arg2[%run_scoped3A_12, %dma_wait3A_956] : memref<2x320000xi32, #tpu.memory_space<hbm>> -> memref<1x320000xi32, #tpu.memory_space<hbm>>
      %dma_wait3A_958 = tpu.memref_squeeze %dma_wait3A_957 : memref<1x320000xi32, #tpu.memory_space<hbm>> -> memref<320000xi32, #tpu.memory_space<hbm>>
      %dma_wait3A_959 = tpu.memref_slice %dma_wait3A_958[%mul3A_11] : memref<320000xi32, #tpu.memory_space<hbm>> -> memref<10000xi32, #tpu.memory_space<hbm>>
      tpu.wait_dma2 semaphore(%run_scoped3A_943 : memref<!tpu.dma_semaphore, #tpu.memory_space<semaphore_mem>>) src(%dma_wait3A_959 : memref<10000xi32, #tpu.memory_space<hbm>>) dst(%arg9 : memref<10000xi32, #tpu.memory_space<vmem>>)
      tpu.yield
    }) : () -> ()
    %scan3A = arith.constant 0 : i32
    %scan3A_13 = arith.constant 0 : i32
    %scan3A_14 = arith.constant 128 : i32
    %scan3A_15 = arith.addi %scan3A_13, %scan3A_14 : i32
    %scan3A_16 = arith.constant 1 : i32
    %scan3A_17 = scf.for %scan3A_943 = %scan3A_13 to %scan3A_15 step %scan3A_16 iter_args(%scan3A_944 = %scan3A) -> (i32)  : i32 {
      %broadcast_in_dim3A_945 = arith.constant 0.000000e+00 : f32
      %broadcast_in_dim3A_946 = vector.broadcast %broadcast_in_dim3A_945 : f32 to vector<16xf32>
      %swap3A_947 = arith.index_cast %scan3A_943 : i32 to index
      %swap3A_948 = arith.constant 0 : index
      %swap3A_949 = tpu.vector_load %arg11[%swap3A_947, %swap3A_948] {strides = array<i32>} : memref<128x16xf32, #tpu.memory_space<vmem>>, vector<16xf32>,
      tpu.vector_store %arg11[%swap3A_947, %swap3A_948], %broadcast_in_dim3A_946 {strides = array<i32>} : memref<128x16xf32, #tpu.memory_space<vmem>>, vector<16xf32>,
      %scan3A_950 = arith.constant 0 : i32
      scf.yield %scan3A_950 : i32
    }
    %scan3A_18 = arith.constant 128 : i32
    %broadcast_in_dim3A = arith.constant 0.000000e+00 : f32
    %broadcast_in_dim3A_19 = vector.broadcast %broadcast_in_dim3A : f32 to vector<16xf32>
    %swap3A = arith.constant 0 : index
    %swap3A_20 = tpu.vector_load %arg12[%swap3A] {strides = array<i32>} : memref<128xf32, #tpu.memory_space<vmem>>, vector<16xf32>,
    tpu.vector_store %arg12[%swap3A], %broadcast_in_dim3A_19 {strides = array<i32>} : memref<128xf32, #tpu.memory_space<vmem>>, vector<16xf32>,
    %broadcast_in_dim3A_21 = arith.constant 0.000000e+00 : f32
    %broadcast_in_dim3A_22 = vector.broadcast %broadcast_in_dim3A_21 : f32 to vector<16xf32>
    %swap3A_23 = arith.constant 16 : index
    %swap3A_24 = tpu.vector_load %arg12[%swap3A_23] {strides = array<i32>} : memref<128xf32, #tpu.memory_space<vmem>>, vector<16xf32>,
    tpu.vector_store %arg12[%swap3A_23], %broadcast_in_dim3A_22 {strides = array<i32>} : memref<128xf32, #tpu.memory_space<vmem>>, vector<16xf32>,
    %broadcast_in_dim3A_25 = arith.constant 0.000000e+00 : f32
    %broadcast_in_dim3A_26 = vector.broadcast %broadcast_in_dim3A_25 : f32 to vector<16xf32>
    %swap3A_27 = arith.constant 32 : index
    %swap3A_28 = tpu.vector_load %arg12[%swap3A_27] {strides = array<i32>} : memref<128xf32, #tpu.memory_space<vmem>>, vector<16xf32>,
    tpu.vector_store %arg12[%swap3A_27], %broadcast_in_dim3A_26 {strides = array<i32>} : memref<128xf32, #tpu.memory_space<vmem>>, vector<16xf32>,
    %broadcast_in_dim3A_29 = arith.constant 0.000000e+00 : f32
    %broadcast_in_dim3A_30 = vector.broadcast %broadcast_in_dim3A_29 : f32 to vector<16xf32>
    %swap3A_31 = arith.constant 48 : index
    %swap3A_32 = tpu.vector_load %arg12[%swap3A_31] {strides = array<i32>} : memref<128xf32, #tpu.memory_space<vmem>>, vector<16xf32>,
    tpu.vector_store %arg12[%swap3A_31], %broadcast_in_dim3A_30 {strides = array<i32>} : memref<128xf32, #tpu.memory_space<vmem>>, vector<16xf32>,
    %broadcast_in_dim3A_33 = arith.constant 0.000000e+00 : f32
    %broadcast_in_dim3A_34 = vector.broadcast %broadcast_in_dim3A_33 : f32 to vector<16xf32>
    %swap3A_35 = arith.constant 64 : index
    %swap3A_36 = tpu.vector_load %arg12[%swap3A_35] {strides = array<i32>} : memref<128xf32, #tpu.memory_space<vmem>>, vector<16xf32>,
    tpu.vector_store %arg12[%swap3A_35], %broadcast_in_dim3A_34 {strides = array<i32>} : memref<128xf32, #tpu.memory_space<vmem>>, vector<16xf32>,
    %broadcast_in_dim3A_37 = arith.constant 0.000000e+00 : f32
    %broadcast_in_dim3A_38 = vector.broadcast %broadcast_in_dim3A_37 : f32 to vector<16xf32>
    %swap3A_39 = arith.constant 80 : index
    %swap3A_40 = tpu.vector_load %arg12[%swap3A_39] {strides = array<i32>} : memref<128xf32, #tpu.memory_space<vmem>>, vector<16xf32>,
    tpu.vector_store %arg12[%swap3A_39], %broadcast_in_dim3A_38 {strides = array<i32>} : memref<128xf32, #tpu.memory_space<vmem>>, vector<16xf32>,
    %broadcast_in_dim3A_41 = arith.constant 0.000000e+00 : f32
    %broadcast_in_dim3A_42 = vector.broadcast %broadcast_in_dim3A_41 : f32 to vector<16xf32>
    %swap3A_43 = arith.constant 96 : index
    %swap3A_44 = tpu.vector_load %arg12[%swap3A_43] {strides = array<i32>} : memref<128xf32, #tpu.memory_space<vmem>>, vector<16xf32>,
    tpu.vector_store %arg12[%swap3A_43], %broadcast_in_dim3A_42 {strides = array<i32>} : memref<128xf32, #tpu.memory_space<vmem>>, vector<16xf32>,
    %broadcast_in_dim3A_45 = arith.constant 0.000000e+00 : f32
    %broadcast_in_dim3A_46 = vector.broadcast %broadcast_in_dim3A_45 : f32 to vector<16xf32>
    %swap3A_47 = arith.constant 112 : index
    %swap3A_48 = tpu.vector_load %arg12[%swap3A_47] {strides = array<i32>} : memref<128xf32, #tpu.memory_space<vmem>>, vector<16xf32>,
    tpu.vector_store %arg12[%swap3A_47], %broadcast_in_dim3A_46 {strides = array<i32>} : memref<128xf32, #tpu.memory_space<vmem>>, vector<16xf32>,
    %broadcast_in_dim3A_49 = arith.constant 1.000000e+00 : f32
    %broadcast_in_dim3A_50 = vector.broadcast %broadcast_in_dim3A_49 : f32 to vector<16xf32>
    %swap3A_51 = arith.constant 0 : index
    %swap3A_52 = tpu.vector_load %arg13[%swap3A_51] {strides = array<i32>} : memref<128xf32, #tpu.memory_space<vmem>>, vector<16xf32>,
    tpu.vector_store %arg13[%swap3A_51], %broadcast_in_dim3A_50 {strides = array<i32>} : memref<128xf32, #tpu.memory_space<vmem>>, vector<16xf32>,
    %broadcast_in_dim3A_53 = arith.constant 1.000000e+00 : f32
    %broadcast_in_dim3A_54 = vector.broadcast %broadcast_in_dim3A_53 : f32 to vector<16xf32>
    %swap3A_55 = arith.constant 16 : index
    %swap3A_56 = tpu.vector_load %arg13[%swap3A_55] {strides = array<i32>} : memref<128xf32, #tpu.memory_space<vmem>>, vector<16xf32>,
    tpu.vector_store %arg13[%swap3A_55], %broadcast_in_dim3A_54 {strides = array<i32>} : memref<128xf32, #tpu.memory_space<vmem>>, vector<16xf32>,
    %broadcast_in_dim3A_57 = arith.constant 1.000000e+00 : f32
    %broadcast_in_dim3A_58 = vector.broadcast %broadcast_in_dim3A_57 : f32 to vector<16xf32>
    %swap3A_59 = arith.constant 32 : index
    %swap3A_60 = tpu.vector_load %arg13[%swap3A_59] {strides = array<i32>} : memref<128xf32, #tpu.memory_space<vmem>>, vector<16xf32>,
    tpu.vector_store %arg13[%swap3A_59], %broadcast_in_dim3A_58 {strides = array<i32>} : memref<128xf32, #tpu.memory_space<vmem>>, vector<16xf32>,
    %broadcast_in_dim3A_61 = arith.constant 1.000000e+00 : f32
    %broadcast_in_dim3A_62 = vector.broadcast %broadcast_in_dim3A_61 : f32 to vector<16xf32>
    %swap3A_63 = arith.constant 48 : index
    %swap3A_64 = tpu.vector_load %arg13[%swap3A_63] {strides = array<i32>} : memref<128xf32, #tpu.memory_space<vmem>>, vector<16xf32>,
    tpu.vector_store %arg13[%swap3A_63], %broadcast_in_dim3A_62 {strides = array<i32>} : memref<128xf32, #tpu.memory_space<vmem>>, vector<16xf32>,
    %broadcast_in_dim3A_65 = arith.constant 1.000000e+00 : f32
    %broadcast_in_dim3A_66 = vector.broadcast %broadcast_in_dim3A_65 : f32 to vector<16xf32>
    %swap3A_67 = arith.constant 64 : index
    %swap3A_68 = tpu.vector_load %arg13[%swap3A_67] {strides = array<i32>} : memref<128xf32, #tpu.memory_space<vmem>>, vector<16xf32>,
    tpu.vector_store %arg13[%swap3A_67], %broadcast_in_dim3A_66 {strides = array<i32>} : memref<128xf32, #tpu.memory_space<vmem>>, vector<16xf32>,
    %broadcast_in_dim3A_69 = arith.constant 1.000000e+00 : f32
    %broadcast_in_dim3A_70 = vector.broadcast %broadcast_in_dim3A_69 : f32 to vector<16xf32>
    %swap3A_71 = arith.constant 80 : index
    %swap3A_72 = tpu.vector_load %arg13[%swap3A_71] {strides = array<i32>} : memref<128xf32, #tpu.memory_space<vmem>>, vector<16xf32>,
    tpu.vector_store %arg13[%swap3A_71], %broadcast_in_dim3A_70 {strides = array<i32>} : memref<128xf32, #tpu.memory_space<vmem>>, vector<16xf32>,
    %broadcast_in_dim3A_73 = arith.constant 1.000000e+00 : f32
    %broadcast_in_dim3A_74 = vector.broadcast %broadcast_in_dim3A_73 : f32 to vector<16xf32>
    %swap3A_75 = arith.constant 96 : index
    %swap3A_76 = tpu.vector_load %arg13[%swap3A_75] {strides = array<i32>} : memref<128xf32, #tpu.memory_space<vmem>>, vector<16xf32>,
    tpu.vector_store %arg13[%swap3A_75], %broadcast_in_dim3A_74 {strides = array<i32>} : memref<128xf32, #tpu.memory_space<vmem>>, vector<16xf32>,
    %broadcast_in_dim3A_77 = arith.constant 1.000000e+00 : f32
    %broadcast_in_dim3A_78 = vector.broadcast %broadcast_in_dim3A_77 : f32 to vector<16xf32>
    %swap3A_79 = arith.constant 112 : index
    %swap3A_80 = tpu.vector_load %arg13[%swap3A_79] {strides = array<i32>} : memref<128xf32, #tpu.memory_space<vmem>>, vector<16xf32>,
    tpu.vector_store %arg13[%swap3A_79], %broadcast_in_dim3A_78 {strides = array<i32>} : memref<128xf32, #tpu.memory_space<vmem>>, vector<16xf32>,
    %mul3A_81 = arith.constant 640 : i32
    %mul3A_82 = arith.muli %arg1, %mul3A_81 : i32
    %add3A_83 = arith.constant 0 : i32
    %add3A_84 = arith.addi %mul3A_82, %add3A_83 : i32
    "tpu.region"() ({
      %run_scoped3A_943 = tpu.sem_alloc : memref<!tpu.dma_semaphore, #tpu.memory_space<semaphore_mem>>
      %dma_start3A_944 = arith.constant 0 : i32
      %dma_start3A_945 = tpu.memref_slice %arg17[%add3A_84, %dma_start3A_944] : memref<10240x16xf32, #tpu.memory_space<vmem_shared>> -> memref<128x16xf32, #tpu.memory_space<vmem_shared>>
      %dma_start3A_946 = arith.constant 0 : i32
      %dma_start3A_947 = tpu.memref_slice %arg17[%add3A_84, %dma_start3A_946] : memref<10240x16xf32, #tpu.memory_space<vmem_shared>> -> memref<128x16xf32, #tpu.memory_space<vmem_shared>>
      tpu.enqueue_dma source(%arg11 : memref<128x16xf32, #tpu.memory_space<vmem>>) target(%dma_start3A_947 : memref<128x16xf32, #tpu.memory_space<vmem_shared>>) target_semaphore(%run_scoped3A_943 : memref<!tpu.dma_semaphore, #tpu.memory_space<semaphore_mem>>)
      %dma_wait3A_948 = arith.constant 0 : i32
      %dma_wait3A_949 = tpu.memref_slice %arg17[%add3A_84, %dma_wait3A_948] : memref<10240x16xf32, #tpu.memory_space<vmem_shared>> -> memref<128x16xf32, #tpu.memory_space<vmem_shared>>
      %dma_wait3A_950 = arith.constant 0 : i32
      %dma_wait3A_951 = tpu.memref_slice %arg17[%add3A_84, %dma_wait3A_950] : memref<10240x16xf32, #tpu.memory_space<vmem_shared>> -> memref<128x16xf32, #tpu.memory_space<vmem_shared>>
      tpu.wait_dma2 semaphore(%run_scoped3A_943 : memref<!tpu.dma_semaphore, #tpu.memory_space<semaphore_mem>>) src(%arg11 : memref<128x16xf32, #tpu.memory_space<vmem>>) dst(%dma_wait3A_951 : memref<128x16xf32, #tpu.memory_space<vmem_shared>>)
      tpu.yield
    }) : () -> ()
    %add3A_85 = arith.constant 0 : i32
    %add3A_86 = arith.addi %mul3A_82, %add3A_85 : i32
    "tpu.region"() ({
      %run_scoped3A_943 = tpu.sem_alloc : memref<!tpu.dma_semaphore, #tpu.memory_space<semaphore_mem>>
      %dma_start3A_944 = tpu.memref_slice %arg18[%add3A_86] : memref<10240xf32, #tpu.memory_space<vmem_shared>> -> memref<128xf32, #tpu.memory_space<vmem_shared>>
      %dma_start3A_945 = tpu.memref_slice %arg18[%add3A_86] : memref<10240xf32, #tpu.memory_space<vmem_shared>> -> memref<128xf32, #tpu.memory_space<vmem_shared>>
      tpu.enqueue_dma source(%arg12 : memref<128xf32, #tpu.memory_space<vmem>>) target(%dma_start3A_945 : memref<128xf32, #tpu.memory_space<vmem_shared>>) target_semaphore(%run_scoped3A_943 : memref<!tpu.dma_semaphore, #tpu.memory_space<semaphore_mem>>)
      %dma_wait3A_946 = tpu.memref_slice %arg18[%add3A_86] : memref<10240xf32, #tpu.memory_space<vmem_shared>> -> memref<128xf32, #tpu.memory_space<vmem_shared>>
      %dma_wait3A_947 = tpu.memref_slice %arg18[%add3A_86] : memref<10240xf32, #tpu.memory_space<vmem_shared>> -> memref<128xf32, #tpu.memory_space<vmem_shared>>
      tpu.wait_dma2 semaphore(%run_scoped3A_943 : memref<!tpu.dma_semaphore, #tpu.memory_space<semaphore_mem>>) src(%arg12 : memref<128xf32, #tpu.memory_space<vmem>>) dst(%dma_wait3A_947 : memref<128xf32, #tpu.memory_space<vmem_shared>>)
      tpu.yield
    }) : () -> ()
    %add3A_87 = arith.constant 128 : i32
    %add3A_88 = arith.addi %mul3A_82, %add3A_87 : i32
    "tpu.region"() ({
      %run_scoped3A_943 = tpu.sem_alloc : memref<!tpu.dma_semaphore, #tpu.memory_space<semaphore_mem>>
      %dma_start3A_944 = arith.constant 0 : i32
      %dma_start3A_945 = tpu.memref_slice %arg17[%add3A_88, %dma_start3A_944] : memref<10240x16xf32, #tpu.memory_space<vmem_shared>> -> memref<128x16xf32, #tpu.memory_space<vmem_shared>>
      %dma_start3A_946 = arith.constant 0 : i32
      %dma_start3A_947 = tpu.memref_slice %arg17[%add3A_88, %dma_start3A_946] : memref<10240x16xf32, #tpu.memory_space<vmem_shared>> -> memref<128x16xf32, #tpu.memory_space<vmem_shared>>
      tpu.enqueue_dma source(%arg11 : memref<128x16xf32, #tpu.memory_space<vmem>>) target(%dma_start3A_947 : memref<128x16xf32, #tpu.memory_space<vmem_shared>>) target_semaphore(%run_scoped3A_943 : memref<!tpu.dma_semaphore, #tpu.memory_space<semaphore_mem>>)
      %dma_wait3A_948 = arith.constant 0 : i32
      %dma_wait3A_949 = tpu.memref_slice %arg17[%add3A_88, %dma_wait3A_948] : memref<10240x16xf32, #tpu.memory_space<vmem_shared>> -> memref<128x16xf32, #tpu.memory_space<vmem_shared>>
      %dma_wait3A_950 = arith.constant 0 : i32
      %dma_wait3A_951 = tpu.memref_slice %arg17[%add3A_88, %dma_wait3A_950] : memref<10240x16xf32, #tpu.memory_space<vmem_shared>> -> memref<128x16xf32, #tpu.memory_space<vmem_shared>>
      tpu.wait_dma2 semaphore(%run_scoped3A_943 : memref<!tpu.dma_semaphore, #tpu.memory_space<semaphore_mem>>) src(%arg11 : memref<128x16xf32, #tpu.memory_space<vmem>>) dst(%dma_wait3A_951 : memref<128x16xf32, #tpu.memory_space<vmem_shared>>)
      tpu.yield
    }) : () -> ()
    %add3A_89 = arith.constant 128 : i32
    %add3A_90 = arith.addi %mul3A_82, %add3A_89 : i32
    "tpu.region"() ({
      %run_scoped3A_943 = tpu.sem_alloc : memref<!tpu.dma_semaphore, #tpu.memory_space<semaphore_mem>>
      %dma_start3A_944 = tpu.memref_slice %arg18[%add3A_90] : memref<10240xf32, #tpu.memory_space<vmem_shared>> -> memref<128xf32, #tpu.memory_space<vmem_shared>>
      %dma_start3A_945 = tpu.memref_slice %arg18[%add3A_90] : memref<10240xf32, #tpu.memory_space<vmem_shared>> -> memref<128xf32, #tpu.memory_space<vmem_shared>>
      tpu.enqueue_dma source(%arg12 : memref<128xf32, #tpu.memory_space<vmem>>) target(%dma_start3A_945 : memref<128xf32, #tpu.memory_space<vmem_shared>>) target_semaphore(%run_scoped3A_943 : memref<!tpu.dma_semaphore, #tpu.memory_space<semaphore_mem>>)
      %dma_wait3A_946 = tpu.memref_slice %arg18[%add3A_90] : memref<10240xf32, #tpu.memory_space<vmem_shared>> -> memref<128xf32, #tpu.memory_space<vmem_shared>>
      %dma_wait3A_947 = tpu.memref_slice %arg18[%add3A_90] : memref<10240xf32, #tpu.memory_space<vmem_shared>> -> memref<128xf32, #tpu.memory_space<vmem_shared>>
      tpu.wait_dma2 semaphore(%run_scoped3A_943 : memref<!tpu.dma_semaphore, #tpu.memory_space<semaphore_mem>>) src(%arg12 : memref<128xf32, #tpu.memory_space<vmem>>) dst(%dma_wait3A_947 : memref<128xf32, #tpu.memory_space<vmem_shared>>)
      tpu.yield
    }) : () -> ()
    %add3A_91 = arith.constant 256 : i32
    %add3A_92 = arith.addi %mul3A_82, %add3A_91 : i32
    "tpu.region"() ({
      %run_scoped3A_943 = tpu.sem_alloc : memref<!tpu.dma_semaphore, #tpu.memory_space<semaphore_mem>>
      %dma_start3A_944 = arith.constant 0 : i32
      %dma_start3A_945 = tpu.memref_slice %arg17[%add3A_92, %dma_start3A_944] : memref<10240x16xf32, #tpu.memory_space<vmem_shared>> -> memref<128x16xf32, #tpu.memory_space<vmem_shared>>
      %dma_start3A_946 = arith.constant 0 : i32
      %dma_start3A_947 = tpu.memref_slice %arg17[%add3A_92, %dma_start3A_946] : memref<10240x16xf32, #tpu.memory_space<vmem_shared>> -> memref<128x16xf32, #tpu.memory_space<vmem_shared>>
      tpu.enqueue_dma source(%arg11 : memref<128x16xf32, #tpu.memory_space<vmem>>) target(%dma_start3A_947 : memref<128x16xf32, #tpu.memory_space<vmem_shared>>) target_semaphore(%run_scoped3A_943 : memref<!tpu.dma_semaphore, #tpu.memory_space<semaphore_mem>>)
      %dma_wait3A_948 = arith.constant 0 : i32
      %dma_wait3A_949 = tpu.memref_slice %arg17[%add3A_92, %dma_wait3A_948] : memref<10240x16xf32, #tpu.memory_space<vmem_shared>> -> memref<128x16xf32, #tpu.memory_space<vmem_shared>>
      %dma_wait3A_950 = arith.constant 0 : i32
      %dma_wait3A_951 = tpu.memref_slice %arg17[%add3A_92, %dma_wait3A_950] : memref<10240x16xf32, #tpu.memory_space<vmem_shared>> -> memref<128x16xf32, #tpu.memory_space<vmem_shared>>
      tpu.wait_dma2 semaphore(%run_scoped3A_943 : memref<!tpu.dma_semaphore, #tpu.memory_space<semaphore_mem>>) src(%arg11 : memref<128x16xf32, #tpu.memory_space<vmem>>) dst(%dma_wait3A_951 : memref<128x16xf32, #tpu.memory_space<vmem_shared>>)
      tpu.yield
    }) : () -> ()
    %add3A_93 = arith.constant 256 : i32
    %add3A_94 = arith.addi %mul3A_82, %add3A_93 : i32
    "tpu.region"() ({
      %run_scoped3A_943 = tpu.sem_alloc : memref<!tpu.dma_semaphore, #tpu.memory_space<semaphore_mem>>
      %dma_start3A_944 = tpu.memref_slice %arg18[%add3A_94] : memref<10240xf32, #tpu.memory_space<vmem_shared>> -> memref<128xf32, #tpu.memory_space<vmem_shared>>
      %dma_start3A_945 = tpu.memref_slice %arg18[%add3A_94] : memref<10240xf32, #tpu.memory_space<vmem_shared>> -> memref<128xf32, #tpu.memory_space<vmem_shared>>
      tpu.enqueue_dma source(%arg12 : memref<128xf32, #tpu.memory_space<vmem>>) target(%dma_start3A_945 : memref<128xf32, #tpu.memory_space<vmem_shared>>) target_semaphore(%run_scoped3A_943 : memref<!tpu.dma_semaphore, #tpu.memory_space<semaphore_mem>>)
      %dma_wait3A_946 = tpu.memref_slice %arg18[%add3A_94] : memref<10240xf32, #tpu.memory_space<vmem_shared>> -> memref<128xf32, #tpu.memory_space<vmem_shared>>
      %dma_wait3A_947 = tpu.memref_slice %arg18[%add3A_94] : memref<10240xf32, #tpu.memory_space<vmem_shared>> -> memref<128xf32, #tpu.memory_space<vmem_shared>>
      tpu.wait_dma2 semaphore(%run_scoped3A_943 : memref<!tpu.dma_semaphore, #tpu.memory_space<semaphore_mem>>) src(%arg12 : memref<128xf32, #tpu.memory_space<vmem>>) dst(%dma_wait3A_947 : memref<128xf32, #tpu.memory_space<vmem_shared>>)
      tpu.yield
    }) : () -> ()
    %add3A_95 = arith.constant 384 : i32
    %add3A_96 = arith.addi %mul3A_82, %add3A_95 : i32
    "tpu.region"() ({
      %run_scoped3A_943 = tpu.sem_alloc : memref<!tpu.dma_semaphore, #tpu.memory_space<semaphore_mem>>
      %dma_start3A_944 = arith.constant 0 : i32
      %dma_start3A_945 = tpu.memref_slice %arg17[%add3A_96, %dma_start3A_944] : memref<10240x16xf32, #tpu.memory_space<vmem_shared>> -> memref<128x16xf32, #tpu.memory_space<vmem_shared>>
      %dma_start3A_946 = arith.constant 0 : i32
      %dma_start3A_947 = tpu.memref_slice %arg17[%add3A_96, %dma_start3A_946] : memref<10240x16xf32, #tpu.memory_space<vmem_shared>> -> memref<128x16xf32, #tpu.memory_space<vmem_shared>>
      tpu.enqueue_dma source(%arg11 : memref<128x16xf32, #tpu.memory_space<vmem>>) target(%dma_start3A_947 : memref<128x16xf32, #tpu.memory_space<vmem_shared>>) target_semaphore(%run_scoped3A_943 : memref<!tpu.dma_semaphore, #tpu.memory_space<semaphore_mem>>)
      %dma_wait3A_948 = arith.constant 0 : i32
      %dma_wait3A_949 = tpu.memref_slice %arg17[%add3A_96, %dma_wait3A_948] : memref<10240x16xf32, #tpu.memory_space<vmem_shared>> -> memref<128x16xf32, #tpu.memory_space<vmem_shared>>
      %dma_wait3A_950 = arith.constant 0 : i32
      %dma_wait3A_951 = tpu.memref_slice %arg17[%add3A_96, %dma_wait3A_950] : memref<10240x16xf32, #tpu.memory_space<vmem_shared>> -> memref<128x16xf32, #tpu.memory_space<vmem_shared>>
      tpu.wait_dma2 semaphore(%run_scoped3A_943 : memref<!tpu.dma_semaphore, #tpu.memory_space<semaphore_mem>>) src(%arg11 : memref<128x16xf32, #tpu.memory_space<vmem>>) dst(%dma_wait3A_951 : memref<128x16xf32, #tpu.memory_space<vmem_shared>>)
      tpu.yield
    }) : () -> ()
    %add3A_97 = arith.constant 384 : i32
    %add3A_98 = arith.addi %mul3A_82, %add3A_97 : i32
    "tpu.region"() ({
      %run_scoped3A_943 = tpu.sem_alloc : memref<!tpu.dma_semaphore, #tpu.memory_space<semaphore_mem>>
      %dma_start3A_944 = tpu.memref_slice %arg18[%add3A_98] : memref<10240xf32, #tpu.memory_space<vmem_shared>> -> memref<128xf32, #tpu.memory_space<vmem_shared>>
      %dma_start3A_945 = tpu.memref_slice %arg18[%add3A_98] : memref<10240xf32, #tpu.memory_space<vmem_shared>> -> memref<128xf32, #tpu.memory_space<vmem_shared>>
      tpu.enqueue_dma source(%arg12 : memref<128xf32, #tpu.memory_space<vmem>>) target(%dma_start3A_945 : memref<128xf32, #tpu.memory_space<vmem_shared>>) target_semaphore(%run_scoped3A_943 : memref<!tpu.dma_semaphore, #tpu.memory_space<semaphore_mem>>)
      %dma_wait3A_946 = tpu.memref_slice %arg18[%add3A_98] : memref<10240xf32, #tpu.memory_space<vmem_shared>> -> memref<128xf32, #tpu.memory_space<vmem_shared>>
      %dma_wait3A_947 = tpu.memref_slice %arg18[%add3A_98] : memref<10240xf32, #tpu.memory_space<vmem_shared>> -> memref<128xf32, #tpu.memory_space<vmem_shared>>
      tpu.wait_dma2 semaphore(%run_scoped3A_943 : memref<!tpu.dma_semaphore, #tpu.memory_space<semaphore_mem>>) src(%arg12 : memref<128xf32, #tpu.memory_space<vmem>>) dst(%dma_wait3A_947 : memref<128xf32, #tpu.memory_space<vmem_shared>>)
      tpu.yield
    }) : () -> ()
    %add3A_99 = arith.constant 512 : i32
    %add3A_100 = arith.addi %mul3A_82, %add3A_99 : i32
    "tpu.region"() ({
      %run_scoped3A_943 = tpu.sem_alloc : memref<!tpu.dma_semaphore, #tpu.memory_space<semaphore_mem>>
      %dma_start3A_944 = arith.constant 0 : i32
      %dma_start3A_945 = tpu.memref_slice %arg17[%add3A_100, %dma_start3A_944] : memref<10240x16xf32, #tpu.memory_space<vmem_shared>> -> memref<128x16xf32, #tpu.memory_space<vmem_shared>>
      %dma_start3A_946 = arith.constant 0 : i32
      %dma_start3A_947 = tpu.memref_slice %arg17[%add3A_100, %dma_start3A_946] : memref<10240x16xf32, #tpu.memory_space<vmem_shared>> -> memref<128x16xf32, #tpu.memory_space<vmem_shared>>
      tpu.enqueue_dma source(%arg11 : memref<128x16xf32, #tpu.memory_space<vmem>>) target(%dma_start3A_947 : memref<128x16xf32, #tpu.memory_space<vmem_shared>>) target_semaphore(%run_scoped3A_943 : memref<!tpu.dma_semaphore, #tpu.memory_space<semaphore_mem>>)
      %dma_wait3A_948 = arith.constant 0 : i32
      %dma_wait3A_949 = tpu.memref_slice %arg17[%add3A_100, %dma_wait3A_948] : memref<10240x16xf32, #tpu.memory_space<vmem_shared>> -> memref<128x16xf32, #tpu.memory_space<vmem_shared>>
      %dma_wait3A_950 = arith.constant 0 : i32
      %dma_wait3A_951 = tpu.memref_slice %arg17[%add3A_100, %dma_wait3A_950] : memref<10240x16xf32, #tpu.memory_space<vmem_shared>> -> memref<128x16xf32, #tpu.memory_space<vmem_shared>>
      tpu.wait_dma2 semaphore(%run_scoped3A_943 : memref<!tpu.dma_semaphore, #tpu.memory_space<semaphore_mem>>) src(%arg11 : memref<128x16xf32, #tpu.memory_space<vmem>>) dst(%dma_wait3A_951 : memref<128x16xf32, #tpu.memory_space<vmem_shared>>)
      tpu.yield
    }) : () -> ()
    %add3A_101 = arith.constant 512 : i32
    %add3A_102 = arith.addi %mul3A_82, %add3A_101 : i32
    "tpu.region"() ({
      %run_scoped3A_943 = tpu.sem_alloc : memref<!tpu.dma_semaphore, #tpu.memory_space<semaphore_mem>>
      %dma_start3A_944 = tpu.memref_slice %arg18[%add3A_102] : memref<10240xf32, #tpu.memory_space<vmem_shared>> -> memref<128xf32, #tpu.memory_space<vmem_shared>>
      %dma_start3A_945 = tpu.memref_slice %arg18[%add3A_102] : memref<10240xf32, #tpu.memory_space<vmem_shared>> -> memref<128xf32, #tpu.memory_space<vmem_shared>>
      tpu.enqueue_dma source(%arg12 : memref<128xf32, #tpu.memory_space<vmem>>) target(%dma_start3A_945 : memref<128xf32, #tpu.memory_space<vmem_shared>>) target_semaphore(%run_scoped3A_943 : memref<!tpu.dma_semaphore, #tpu.memory_space<semaphore_mem>>)
      %dma_wait3A_946 = tpu.memref_slice %arg18[%add3A_102] : memref<10240xf32, #tpu.memory_space<vmem_shared>> -> memref<128xf32, #tpu.memory_space<vmem_shared>>
      %dma_wait3A_947 = tpu.memref_slice %arg18[%add3A_102] : memref<10240xf32, #tpu.memory_space<vmem_shared>> -> memref<128xf32, #tpu.memory_space<vmem_shared>>
      tpu.wait_dma2 semaphore(%run_scoped3A_943 : memref<!tpu.dma_semaphore, #tpu.memory_space<semaphore_mem>>) src(%arg12 : memref<128xf32, #tpu.memory_space<vmem>>) dst(%dma_wait3A_947 : memref<128xf32, #tpu.memory_space<vmem_shared>>)
      tpu.yield
    }) : () -> ()
    %barrier3A = arith.constant 0 : index
    tpu.barrier barrier_id(%barrier3A)
    %dma_start3A = arith.constant 0 : i32
    %dma_start3A_103 = arith.constant 0 : i32
    %dma_start3A_104 = tpu.memref_slice %arg13[%dma_start3A_103] : memref<128xf32, #tpu.memory_space<vmem>> -> memref<128xf32, #tpu.memory_space<vmem>>
    %dma_start3A_105 = arith.constant 0 : i32
    %dma_start3A_106 = tpu.memref_slice %arg8[%dma_start3A_105] : memref<10000xi32, #tpu.memory_space<vmem>> -> memref<128xi32, #tpu.memory_space<vmem>>
    %dma_start3A_107 = arith.constant 0 : i32
    %dma_start3A_108 = tpu.memref_slice %arg18[%dma_start3A_107] : memref<10240xf32, #tpu.memory_space<vmem_shared>> -> memref<10240xf32, #tpu.memory_space<vmem_shared>>
    %dma_start3A_109 = tpu.memref_slice %arg21[%dma_start3A] : memref<8x!tpu.dma_semaphore, #tpu.memory_space<semaphore_mem>> -> memref<1x!tpu.dma_semaphore, #tpu.memory_space<semaphore_mem>>
    %dma_start3A_110 = tpu.memref_squeeze %dma_start3A_109 : memref<1x!tpu.dma_semaphore, #tpu.memory_space<semaphore_mem>> -> memref<!tpu.dma_semaphore, #tpu.memory_space<semaphore_mem>>
    tpu.enqueue_indirect_dma source(%dma_start3A_104 : memref<128xf32, #tpu.memory_space<vmem>>) target(%dma_start3A_108 : memref<10240xf32, #tpu.memory_space<vmem_shared>>) offsets(%dma_start3A_106 : memref<128xi32, #tpu.memory_space<vmem>>) semaphore(%dma_start3A_110 : memref<!tpu.dma_semaphore, #tpu.memory_space<semaphore_mem>>) {add = true}
    %dma_start3A_111 = arith.constant 1 : i32
    %dma_start3A_112 = arith.constant 0 : i32
    %dma_start3A_113 = tpu.memref_slice %arg13[%dma_start3A_112] : memref<128xf32, #tpu.memory_space<vmem>> -> memref<128xf32, #tpu.memory_space<vmem>>
    %dma_start3A_114 = arith.constant 128 : i32
    %dma_start3A_115 = tpu.memref_slice %arg8[%dma_start3A_114] : memref<10000xi32, #tpu.memory_space<vmem>> -> memref<128xi32, #tpu.memory_space<vmem>>
    %dma_start3A_116 = arith.constant 0 : i32
    %dma_start3A_117 = tpu.memref_slice %arg18[%dma_start3A_116] : memref<10240xf32, #tpu.memory_space<vmem_shared>> -> memref<10240xf32, #tpu.memory_space<vmem_shared>>
    %dma_start3A_118 = tpu.memref_slice %arg21[%dma_start3A_111] : memref<8x!tpu.dma_semaphore, #tpu.memory_space<semaphore_mem>> -> memref<1x!tpu.dma_semaphore, #tpu.memory_space<semaphore_mem>>
    %dma_start3A_119 = tpu.memref_squeeze %dma_start3A_118 : memref<1x!tpu.dma_semaphore, #tpu.memory_space<semaphore_mem>> -> memref<!tpu.dma_semaphore, #tpu.memory_space<semaphore_mem>>
    tpu.enqueue_indirect_dma source(%dma_start3A_113 : memref<128xf32, #tpu.memory_space<vmem>>) target(%dma_start3A_117 : memref<10240xf32, #tpu.memory_space<vmem_shared>>) offsets(%dma_start3A_115 : memref<128xi32, #tpu.memory_space<vmem>>) semaphore(%dma_start3A_119 : memref<!tpu.dma_semaphore, #tpu.memory_space<semaphore_mem>>) {add = true}
    %dma_start3A_120 = arith.constant 2 : i32
    %dma_start3A_121 = arith.constant 0 : i32
    %dma_start3A_122 = tpu.memref_slice %arg13[%dma_start3A_121] : memref<128xf32, #tpu.memory_space<vmem>> -> memref<128xf32, #tpu.memory_space<vmem>>
    %dma_start3A_123 = arith.constant 256 : i32
    %dma_start3A_124 = tpu.memref_slice %arg8[%dma_start3A_123] : memref<10000xi32, #tpu.memory_space<vmem>> -> memref<128xi32, #tpu.memory_space<vmem>>
    %dma_start3A_125 = arith.constant 0 : i32
    %dma_start3A_126 = tpu.memref_slice %arg18[%dma_start3A_125] : memref<10240xf32, #tpu.memory_space<vmem_shared>> -> memref<10240xf32, #tpu.memory_space<vmem_shared>>
    %dma_start3A_127 = tpu.memref_slice %arg21[%dma_start3A_120] : memref<8x!tpu.dma_semaphore, #tpu.memory_space<semaphore_mem>> -> memref<1x!tpu.dma_semaphore, #tpu.memory_space<semaphore_mem>>
    %dma_start3A_128 = tpu.memref_squeeze %dma_start3A_127 : memref<1x!tpu.dma_semaphore, #tpu.memory_space<semaphore_mem>> -> memref<!tpu.dma_semaphore, #tpu.memory_space<semaphore_mem>>
    tpu.enqueue_indirect_dma source(%dma_start3A_122 : memref<128xf32, #tpu.memory_space<vmem>>) target(%dma_start3A_126 : memref<10240xf32, #tpu.memory_space<vmem_shared>>) offsets(%dma_start3A_124 : memref<128xi32, #tpu.memory_space<vmem>>) semaphore(%dma_start3A_128 : memref<!tpu.dma_semaphore, #tpu.memory_space<semaphore_mem>>) {add = true}
    %dma_start3A_129 = arith.constant 3 : i32
    %dma_start3A_130 = arith.constant 0 : i32
    %dma_start3A_131 = tpu.memref_slice %arg13[%dma_start3A_130] : memref<128xf32, #tpu.memory_space<vmem>> -> memref<128xf32, #tpu.memory_space<vmem>>
    %dma_start3A_132 = arith.constant 384 : i32
    %dma_start3A_133 = tpu.memref_slice %arg8[%dma_start3A_132] : memref<10000xi32, #tpu.memory_space<vmem>> -> memref<128xi32, #tpu.memory_space<vmem>>
    %dma_start3A_134 = arith.constant 0 : i32
    %dma_start3A_135 = tpu.memref_slice %arg18[%dma_start3A_134] : memref<10240xf32, #tpu.memory_space<vmem_shared>> -> memref<10240xf32, #tpu.memory_space<vmem_shared>>
    %dma_start3A_136 = tpu.memref_slice %arg21[%dma_start3A_129] : memref<8x!tpu.dma_semaphore, #tpu.memory_space<semaphore_mem>> -> memref<1x!tpu.dma_semaphore, #tpu.memory_space<semaphore_mem>>
    %dma_start3A_137 = tpu.memref_squeeze %dma_start3A_136 : memref<1x!tpu.dma_semaphore, #tpu.memory_space<semaphore_mem>> -> memref<!tpu.dma_semaphore, #tpu.memory_space<semaphore_mem>>
    tpu.enqueue_indirect_dma source(%dma_start3A_131 : memref<128xf32, #tpu.memory_space<vmem>>) target(%dma_start3A_135 : memref<10240xf32, #tpu.memory_space<vmem_shared>>) offsets(%dma_start3A_133 : memref<128xi32, #tpu.memory_space<vmem>>) semaphore(%dma_start3A_137 : memref<!tpu.dma_semaphore, #tpu.memory_space<semaphore_mem>>) {add = true}
    %dma_start3A_138 = arith.constant 4 : i32
    %dma_start3A_139 = arith.constant 0 : i32
    %dma_start3A_140 = tpu.memref_slice %arg13[%dma_start3A_139] : memref<128xf32, #tpu.memory_space<vmem>> -> memref<128xf32, #tpu.memory_space<vmem>>
    %dma_start3A_141 = arith.constant 512 : i32
    %dma_start3A_142 = tpu.memref_slice %arg8[%dma_start3A_141] : memref<10000xi32, #tpu.memory_space<vmem>> -> memref<128xi32, #tpu.memory_space<vmem>>
    %dma_start3A_143 = arith.constant 0 : i32
    %dma_start3A_144 = tpu.memref_slice %arg18[%dma_start3A_143] : memref<10240xf32, #tpu.memory_space<vmem_shared>> -> memref<10240xf32, #tpu.memory_space<vmem_shared>>
    %dma_start3A_145 = tpu.memref_slice %arg21[%dma_start3A_138] : memref<8x!tpu.dma_semaphore, #tpu.memory_space<semaphore_mem>> -> memref<1x!tpu.dma_semaphore, #tpu.memory_space<semaphore_mem>>
    %dma_start3A_146 = tpu.memref_squeeze %dma_start3A_145 : memref<1x!tpu.dma_semaphore, #tpu.memory_space<semaphore_mem>> -> memref<!tpu.dma_semaphore, #tpu.memory_space<semaphore_mem>>
    tpu.enqueue_indirect_dma source(%dma_start3A_140 : memref<128xf32, #tpu.memory_space<vmem>>) target(%dma_start3A_144 : memref<10240xf32, #tpu.memory_space<vmem_shared>>) offsets(%dma_start3A_142 : memref<128xi32, #tpu.memory_space<vmem>>) semaphore(%dma_start3A_146 : memref<!tpu.dma_semaphore, #tpu.memory_space<semaphore_mem>>) {add = true}
    %dma_start3A_147 = arith.constant 5 : i32
    %dma_start3A_148 = arith.constant 0 : i32
    %dma_start3A_149 = tpu.memref_slice %arg13[%dma_start3A_148] : memref<128xf32, #tpu.memory_space<vmem>> -> memref<128xf32, #tpu.memory_space<vmem>>
    %dma_start3A_150 = arith.constant 640 : i32
    %dma_start3A_151 = tpu.memref_slice %arg8[%dma_start3A_150] : memref<10000xi32, #tpu.memory_space<vmem>> -> memref<128xi32, #tpu.memory_space<vmem>>
    %dma_start3A_152 = arith.constant 0 : i32
    %dma_start3A_153 = tpu.memref_slice %arg18[%dma_start3A_152] : memref<10240xf32, #tpu.memory_space<vmem_shared>> -> memref<10240xf32, #tpu.memory_space<vmem_shared>>
    %dma_start3A_154 = tpu.memref_slice %arg21[%dma_start3A_147] : memref<8x!tpu.dma_semaphore, #tpu.memory_space<semaphore_mem>> -> memref<1x!tpu.dma_semaphore, #tpu.memory_space<semaphore_mem>>
    %dma_start3A_155 = tpu.memref_squeeze %dma_start3A_154 : memref<1x!tpu.dma_semaphore, #tpu.memory_space<semaphore_mem>> -> memref<!tpu.dma_semaphore, #tpu.memory_space<semaphore_mem>>
    tpu.enqueue_indirect_dma source(%dma_start3A_149 : memref<128xf32, #tpu.memory_space<vmem>>) target(%dma_start3A_153 : memref<10240xf32, #tpu.memory_space<vmem_shared>>) offsets(%dma_start3A_151 : memref<128xi32, #tpu.memory_space<vmem>>) semaphore(%dma_start3A_155 : memref<!tpu.dma_semaphore, #tpu.memory_space<semaphore_mem>>) {add = true}
    %dma_start3A_156 = arith.constant 6 : i32
    %dma_start3A_157 = arith.constant 0 : i32
    %dma_start3A_158 = tpu.memref_slice %arg13[%dma_start3A_157] : memref<128xf32, #tpu.memory_space<vmem>> -> memref<128xf32, #tpu.memory_space<vmem>>
    %dma_start3A_159 = arith.constant 768 : i32
    %dma_start3A_160 = tpu.memref_slice %arg8[%dma_start3A_159] : memref<10000xi32, #tpu.memory_space<vmem>> -> memref<128xi32, #tpu.memory_space<vmem>>
    %dma_start3A_161 = arith.constant 0 : i32
    %dma_start3A_162 = tpu.memref_slice %arg18[%dma_start3A_161] : memref<10240xf32, #tpu.memory_space<vmem_shared>> -> memref<10240xf32, #tpu.memory_space<vmem_shared>>
    %dma_start3A_163 = tpu.memref_slice %arg21[%dma_start3A_156] : memref<8x!tpu.dma_semaphore, #tpu.memory_space<semaphore_mem>> -> memref<1x!tpu.dma_semaphore, #tpu.memory_space<semaphore_mem>>
    %dma_start3A_164 = tpu.memref_squeeze %dma_start3A_163 : memref<1x!tpu.dma_semaphore, #tpu.memory_space<semaphore_mem>> -> memref<!tpu.dma_semaphore, #tpu.memory_space<semaphore_mem>>
    tpu.enqueue_indirect_dma source(%dma_start3A_158 : memref<128xf32, #tpu.memory_space<vmem>>) target(%dma_start3A_162 : memref<10240xf32, #tpu.memory_space<vmem_shared>>) offsets(%dma_start3A_160 : memref<128xi32, #tpu.memory_space<vmem>>) semaphore(%dma_start3A_164 : memref<!tpu.dma_semaphore, #tpu.memory_space<semaphore_mem>>) {add = true}
    %dma_start3A_165 = arith.constant 7 : i32
    %dma_start3A_166 = arith.constant 0 : i32
    %dma_start3A_167 = tpu.memref_slice %arg13[%dma_start3A_166] : memref<128xf32, #tpu.memory_space<vmem>> -> memref<128xf32, #tpu.memory_space<vmem>>
    %dma_start3A_168 = arith.constant 896 : i32
    %dma_start3A_169 = tpu.memref_slice %arg8[%dma_start3A_168] : memref<10000xi32, #tpu.memory_space<vmem>> -> memref<128xi32, #tpu.memory_space<vmem>>
    %dma_start3A_170 = arith.constant 0 : i32
    %dma_start3A_171 = tpu.memref_slice %arg18[%dma_start3A_170] : memref<10240xf32, #tpu.memory_space<vmem_shared>> -> memref<10240xf32, #tpu.memory_space<vmem_shared>>
    %dma_start3A_172 = tpu.memref_slice %arg21[%dma_start3A_165] : memref<8x!tpu.dma_semaphore, #tpu.memory_space<semaphore_mem>> -> memref<1x!tpu.dma_semaphore, #tpu.memory_space<semaphore_mem>>
    %dma_start3A_173 = tpu.memref_squeeze %dma_start3A_172 : memref<1x!tpu.dma_semaphore, #tpu.memory_space<semaphore_mem>> -> memref<!tpu.dma_semaphore, #tpu.memory_space<semaphore_mem>>
    tpu.enqueue_indirect_dma source(%dma_start3A_167 : memref<128xf32, #tpu.memory_space<vmem>>) target(%dma_start3A_171 : memref<10240xf32, #tpu.memory_space<vmem_shared>>) offsets(%dma_start3A_169 : memref<128xi32, #tpu.memory_space<vmem>>) semaphore(%dma_start3A_173 : memref<!tpu.dma_semaphore, #tpu.memory_space<semaphore_mem>>) {add = true}
    %scan3A_174 = arith.constant 0 : i32
    %scan3A_175 = arith.constant 8 : i32
    %scan3A_176 = arith.constant 70 : i32
    %scan3A_177 = arith.addi %scan3A_175, %scan3A_176 : i32
    %scan3A_178 = arith.constant 1 : i32
    %scan3A_179 = scf.for %scan3A_943 = %scan3A_175 to %scan3A_177 step %scan3A_178 iter_args(%scan3A_944 = %scan3A_174) -> (i32)  : i32 {
      %sub3A_945 = arith.constant 8 : i32
      %sub3A_946 = arith.subi %scan3A_943, %sub3A_945 : i32
      %jit3A_947 = arith.constant 8 : i32
      %eq3A_948 = arith.constant 0 : i32
      %eq3A_949 = arith.cmpi eq, %jit3A_947, %eq3A_948 : i32
      %jit3A_950 = arith.constant 1 : i32
      %select_n3A_951 = arith.select %eq3A_949, %jit3A_950, %jit3A_947 : i32
      %rem3A_952 = arith.remsi %sub3A_946, %select_n3A_951 : i32
      %ne3A_953 = arith.constant 0 : i32
      %ne3A_954 = arith.cmpi ne, %rem3A_952, %ne3A_953 : i32
      %lt3A = arith.constant 0 : i32
      %lt3A_955 = arith.cmpi slt, %rem3A_952, %lt3A : i32
      %lt3A_956 = arith.constant 0 : i32
      %lt3A_957 = arith.cmpi slt, %select_n3A_951, %lt3A_956 : i32
      %ne3A_958 = arith.xori %lt3A_955, %lt3A_957 : i1
      %and3A_959 = arith.andi %ne3A_958, %ne3A_954 : i1
      %add3A_960 = arith.addi %rem3A_952, %select_n3A_951 : i32
      %select_n3A_961 = arith.select %and3A_959, %add3A_960, %rem3A_952 : i32
      %mul3A_962 = arith.constant 128 : i32
      %mul3A_963 = arith.muli %sub3A_946, %mul3A_962 : i32
      %dma_wait3A_964 = arith.constant 0 : i32
      %dma_wait3A_965 = tpu.memref_slice %arg13[%dma_wait3A_964] : memref<128xf32, #tpu.memory_space<vmem>> -> memref<128xf32, #tpu.memory_space<vmem>>
      %dma_wait3A_966 = tpu.memref_slice %arg8[%mul3A_963] : memref<10000xi32, #tpu.memory_space<vmem>> -> memref<128xi32, #tpu.memory_space<vmem>>
      %dma_wait3A_967 = arith.constant 0 : i32
      %dma_wait3A_968 = tpu.memref_slice %arg18[%dma_wait3A_967] : memref<10240xf32, #tpu.memory_space<vmem_shared>> -> memref<10240xf32, #tpu.memory_space<vmem_shared>>
      %dma_wait3A_969 = tpu.memref_slice %arg21[%select_n3A_961] : memref<8x!tpu.dma_semaphore, #tpu.memory_space<semaphore_mem>> -> memref<1x!tpu.dma_semaphore, #tpu.memory_space<semaphore_mem>>
      %dma_wait3A_970 = tpu.memref_squeeze %dma_wait3A_969 : memref<1x!tpu.dma_semaphore, #tpu.memory_space<semaphore_mem>> -> memref<!tpu.dma_semaphore, #tpu.memory_space<semaphore_mem>>
      tpu.wait_indirect_dma semaphore(%dma_wait3A_970 : memref<!tpu.dma_semaphore, #tpu.memory_space<semaphore_mem>>) src(%dma_wait3A_965 : memref<128xf32, #tpu.memory_space<vmem>>) dst(%dma_wait3A_968 : memref<10240xf32, #tpu.memory_space<vmem_shared>>)
      %jit3A_971 = arith.constant 8 : i32
      %eq3A_972 = arith.constant 0 : i32
      %eq3A_973 = arith.cmpi eq, %jit3A_971, %eq3A_972 : i32
      %jit3A_974 = arith.constant 1 : i32
      %select_n3A_975 = arith.select %eq3A_973, %jit3A_974, %jit3A_971 : i32
      %rem3A_976 = arith.remsi %scan3A_943, %select_n3A_975 : i32
      %ne3A_977 = arith.constant 0 : i32
      %ne3A_978 = arith.cmpi ne, %rem3A_976, %ne3A_977 : i32
      %lt3A_979 = arith.constant 0 : i32
      %lt3A_980 = arith.cmpi slt, %rem3A_976, %lt3A_979 : i32
      %lt3A_981 = arith.constant 0 : i32
      %lt3A_982 = arith.cmpi slt, %select_n3A_975, %lt3A_981 : i32
      %ne3A_983 = arith.xori %lt3A_980, %lt3A_982 : i1
      %and3A_984 = arith.andi %ne3A_983, %ne3A_978 : i1
      %add3A_985 = arith.addi %rem3A_976, %select_n3A_975 : i32
      %select_n3A_986 = arith.select %and3A_984, %add3A_985, %rem3A_976 : i32
      %mul3A_987 = arith.constant 128 : i32
      %mul3A_988 = arith.muli %scan3A_943, %mul3A_987 : i32
      %dma_start3A_989 = arith.constant 0 : i32
      %dma_start3A_990 = tpu.memref_slice %arg13[%dma_start3A_989] : memref<128xf32, #tpu.memory_space<vmem>> -> memref<128xf32, #tpu.memory_space<vmem>>
      %dma_start3A_991 = tpu.memref_slice %arg8[%mul3A_988] : memref<10000xi32, #tpu.memory_space<vmem>> -> memref<128xi32, #tpu.memory_space<vmem>>
      %dma_start3A_992 = arith.constant 0 : i32
      %dma_start3A_993 = tpu.memref_slice %arg18[%dma_start3A_992] : memref<10240xf32, #tpu.memory_space<vmem_shared>> -> memref<10240xf32, #tpu.memory_space<vmem_shared>>
      %dma_start3A_994 = tpu.memref_slice %arg21[%select_n3A_986] : memref<8x!tpu.dma_semaphore, #tpu.memory_space<semaphore_mem>> -> memref<1x!tpu.dma_semaphore, #tpu.memory_space<semaphore_mem>>
      %dma_start3A_995 = tpu.memref_squeeze %dma_start3A_994 : memref<1x!tpu.dma_semaphore, #tpu.memory_space<semaphore_mem>> -> memref<!tpu.dma_semaphore, #tpu.memory_space<semaphore_mem>>
      tpu.enqueue_indirect_dma source(%dma_start3A_990 : memref<128xf32, #tpu.memory_space<vmem>>) target(%dma_start3A_993 : memref<10240xf32, #tpu.memory_space<vmem_shared>>) offsets(%dma_start3A_991 : memref<128xi32, #tpu.memory_space<vmem>>) semaphore(%dma_start3A_995 : memref<!tpu.dma_semaphore, #tpu.memory_space<semaphore_mem>>) {add = true}
      %scan3A_996 = arith.constant 0 : i32
      scf.yield %scan3A_996 : i32
    }
    %scan3A_180 = arith.constant 70 : i32
    %dma_wait3A = arith.constant 6 : i32
    %dma_wait3A_181 = arith.constant 0 : i32
    %dma_wait3A_182 = tpu.memref_slice %arg13[%dma_wait3A_181] : memref<128xf32, #tpu.memory_space<vmem>> -> memref<128xf32, #tpu.memory_space<vmem>>
    %dma_wait3A_183 = arith.constant 8960 : i32
    %dma_wait3A_184 = tpu.memref_slice %arg8[%dma_wait3A_183] : memref<10000xi32, #tpu.memory_space<vmem>> -> memref<128xi32, #tpu.memory_space<vmem>>
    %dma_wait3A_185 = arith.constant 0 : i32
    %dma_wait3A_186 = tpu.memref_slice %arg18[%dma_wait3A_185] : memref<10240xf32, #tpu.memory_space<vmem_shared>> -> memref<10240xf32, #tpu.memory_space<vmem_shared>>
    %dma_wait3A_187 = tpu.memref_slice %arg21[%dma_wait3A] : memref<8x!tpu.dma_semaphore, #tpu.memory_space<semaphore_mem>> -> memref<1x!tpu.dma_semaphore, #tpu.memory_space<semaphore_mem>>
    %dma_wait3A_188 = tpu.memref_squeeze %dma_wait3A_187 : memref<1x!tpu.dma_semaphore, #tpu.memory_space<semaphore_mem>> -> memref<!tpu.dma_semaphore, #tpu.memory_space<semaphore_mem>>
    tpu.wait_indirect_dma semaphore(%dma_wait3A_188 : memref<!tpu.dma_semaphore, #tpu.memory_space<semaphore_mem>>) src(%dma_wait3A_182 : memref<128xf32, #tpu.memory_space<vmem>>) dst(%dma_wait3A_186 : memref<10240xf32, #tpu.memory_space<vmem_shared>>)
    %dma_wait3A_189 = arith.constant 7 : i32
    %dma_wait3A_190 = arith.constant 0 : i32
    %dma_wait3A_191 = tpu.memref_slice %arg13[%dma_wait3A_190] : memref<128xf32, #tpu.memory_space<vmem>> -> memref<128xf32, #tpu.memory_space<vmem>>
    %dma_wait3A_192 = arith.constant 9088 : i32
    %dma_wait3A_193 = tpu.memref_slice %arg8[%dma_wait3A_192] : memref<10000xi32, #tpu.memory_space<vmem>> -> memref<128xi32, #tpu.memory_space<vmem>>
    %dma_wait3A_194 = arith.constant 0 : i32
    %dma_wait3A_195 = tpu.memref_slice %arg18[%dma_wait3A_194] : memref<10240xf32, #tpu.memory_space<vmem_shared>> -> memref<10240xf32, #tpu.memory_space<vmem_shared>>
    %dma_wait3A_196 = tpu.memref_slice %arg21[%dma_wait3A_189] : memref<8x!tpu.dma_semaphore, #tpu.memory_space<semaphore_mem>> -> memref<1x!tpu.dma_semaphore, #tpu.memory_space<semaphore_mem>>
    %dma_wait3A_197 = tpu.memref_squeeze %dma_wait3A_196 : memref<1x!tpu.dma_semaphore, #tpu.memory_space<semaphore_mem>> -> memref<!tpu.dma_semaphore, #tpu.memory_space<semaphore_mem>>
    tpu.wait_indirect_dma semaphore(%dma_wait3A_197 : memref<!tpu.dma_semaphore, #tpu.memory_space<semaphore_mem>>) src(%dma_wait3A_191 : memref<128xf32, #tpu.memory_space<vmem>>) dst(%dma_wait3A_195 : memref<10240xf32, #tpu.memory_space<vmem_shared>>)
    %dma_wait3A_198 = arith.constant 0 : i32
    %dma_wait3A_199 = arith.constant 0 : i32
    %dma_wait3A_200 = tpu.memref_slice %arg13[%dma_wait3A_199] : memref<128xf32, #tpu.memory_space<vmem>> -> memref<128xf32, #tpu.memory_space<vmem>>
    %dma_wait3A_201 = arith.constant 9216 : i32
    %dma_wait3A_202 = tpu.memref_slice %arg8[%dma_wait3A_201] : memref<10000xi32, #tpu.memory_space<vmem>> -> memref<128xi32, #tpu.memory_space<vmem>>
    %dma_wait3A_203 = arith.constant 0 : i32
    %dma_wait3A_204 = tpu.memref_slice %arg18[%dma_wait3A_203] : memref<10240xf32, #tpu.memory_space<vmem_shared>> -> memref<10240xf32, #tpu.memory_space<vmem_shared>>
    %dma_wait3A_205 = tpu.memref_slice %arg21[%dma_wait3A_198] : memref<8x!tpu.dma_semaphore, #tpu.memory_space<semaphore_mem>> -> memref<1x!tpu.dma_semaphore, #tpu.memory_space<semaphore_mem>>
    %dma_wait3A_206 = tpu.memref_squeeze %dma_wait3A_205 : memref<1x!tpu.dma_semaphore, #tpu.memory_space<semaphore_mem>> -> memref<!tpu.dma_semaphore, #tpu.memory_space<semaphore_mem>>
    tpu.wait_indirect_dma semaphore(%dma_wait3A_206 : memref<!tpu.dma_semaphore, #tpu.memory_space<semaphore_mem>>) src(%dma_wait3A_200 : memref<128xf32, #tpu.memory_space<vmem>>) dst(%dma_wait3A_204 : memref<10240xf32, #tpu.memory_space<vmem_shared>>)
    %dma_wait3A_207 = arith.constant 1 : i32
    %dma_wait3A_208 = arith.constant 0 : i32
    %dma_wait3A_209 = tpu.memref_slice %arg13[%dma_wait3A_208] : memref<128xf32, #tpu.memory_space<vmem>> -> memref<128xf32, #tpu.memory_space<vmem>>
    %dma_wait3A_210 = arith.constant 9344 : i32
    %dma_wait3A_211 = tpu.memref_slice %arg8[%dma_wait3A_210] : memref<10000xi32, #tpu.memory_space<vmem>> -> memref<128xi32, #tpu.memory_space<vmem>>
    %dma_wait3A_212 = arith.constant 0 : i32
    %dma_wait3A_213 = tpu.memref_slice %arg18[%dma_wait3A_212] : memref<10240xf32, #tpu.memory_space<vmem_shared>> -> memref<10240xf32, #tpu.memory_space<vmem_shared>>
    %dma_wait3A_214 = tpu.memref_slice %arg21[%dma_wait3A_207] : memref<8x!tpu.dma_semaphore, #tpu.memory_space<semaphore_mem>> -> memref<1x!tpu.dma_semaphore, #tpu.memory_space<semaphore_mem>>
    %dma_wait3A_215 = tpu.memref_squeeze %dma_wait3A_214 : memref<1x!tpu.dma_semaphore, #tpu.memory_space<semaphore_mem>> -> memref<!tpu.dma_semaphore, #tpu.memory_space<semaphore_mem>>
    tpu.wait_indirect_dma semaphore(%dma_wait3A_215 : memref<!tpu.dma_semaphore, #tpu.memory_space<semaphore_mem>>) src(%dma_wait3A_209 : memref<128xf32, #tpu.memory_space<vmem>>) dst(%dma_wait3A_213 : memref<10240xf32, #tpu.memory_space<vmem_shared>>)
    %dma_wait3A_216 = arith.constant 2 : i32
    %dma_wait3A_217 = arith.constant 0 : i32
    %dma_wait3A_218 = tpu.memref_slice %arg13[%dma_wait3A_217] : memref<128xf32, #tpu.memory_space<vmem>> -> memref<128xf32, #tpu.memory_space<vmem>>
    %dma_wait3A_219 = arith.constant 9472 : i32
    %dma_wait3A_220 = tpu.memref_slice %arg8[%dma_wait3A_219] : memref<10000xi32, #tpu.memory_space<vmem>> -> memref<128xi32, #tpu.memory_space<vmem>>
    %dma_wait3A_221 = arith.constant 0 : i32
    %dma_wait3A_222 = tpu.memref_slice %arg18[%dma_wait3A_221] : memref<10240xf32, #tpu.memory_space<vmem_shared>> -> memref<10240xf32, #tpu.memory_space<vmem_shared>>
    %dma_wait3A_223 = tpu.memref_slice %arg21[%dma_wait3A_216] : memref<8x!tpu.dma_semaphore, #tpu.memory_space<semaphore_mem>> -> memref<1x!tpu.dma_semaphore, #tpu.memory_space<semaphore_mem>>
    %dma_wait3A_224 = tpu.memref_squeeze %dma_wait3A_223 : memref<1x!tpu.dma_semaphore, #tpu.memory_space<semaphore_mem>> -> memref<!tpu.dma_semaphore, #tpu.memory_space<semaphore_mem>>
    tpu.wait_indirect_dma semaphore(%dma_wait3A_224 : memref<!tpu.dma_semaphore, #tpu.memory_space<semaphore_mem>>) src(%dma_wait3A_218 : memref<128xf32, #tpu.memory_space<vmem>>) dst(%dma_wait3A_222 : memref<10240xf32, #tpu.memory_space<vmem_shared>>)
    %dma_wait3A_225 = arith.constant 3 : i32
    %dma_wait3A_226 = arith.constant 0 : i32
    %dma_wait3A_227 = tpu.memref_slice %arg13[%dma_wait3A_226] : memref<128xf32, #tpu.memory_space<vmem>> -> memref<128xf32, #tpu.memory_space<vmem>>
    %dma_wait3A_228 = arith.constant 9600 : i32
    %dma_wait3A_229 = tpu.memref_slice %arg8[%dma_wait3A_228] : memref<10000xi32, #tpu.memory_space<vmem>> -> memref<128xi32, #tpu.memory_space<vmem>>
    %dma_wait3A_230 = arith.constant 0 : i32
    %dma_wait3A_231 = tpu.memref_slice %arg18[%dma_wait3A_230] : memref<10240xf32, #tpu.memory_space<vmem_shared>> -> memref<10240xf32, #tpu.memory_space<vmem_shared>>
    %dma_wait3A_232 = tpu.memref_slice %arg21[%dma_wait3A_225] : memref<8x!tpu.dma_semaphore, #tpu.memory_space<semaphore_mem>> -> memref<1x!tpu.dma_semaphore, #tpu.memory_space<semaphore_mem>>
    %dma_wait3A_233 = tpu.memref_squeeze %dma_wait3A_232 : memref<1x!tpu.dma_semaphore, #tpu.memory_space<semaphore_mem>> -> memref<!tpu.dma_semaphore, #tpu.memory_space<semaphore_mem>>
    tpu.wait_indirect_dma semaphore(%dma_wait3A_233 : memref<!tpu.dma_semaphore, #tpu.memory_space<semaphore_mem>>) src(%dma_wait3A_227 : memref<128xf32, #tpu.memory_space<vmem>>) dst(%dma_wait3A_231 : memref<10240xf32, #tpu.memory_space<vmem_shared>>)
    %dma_wait3A_234 = arith.constant 4 : i32
    %dma_wait3A_235 = arith.constant 0 : i32
    %dma_wait3A_236 = tpu.memref_slice %arg13[%dma_wait3A_235] : memref<128xf32, #tpu.memory_space<vmem>> -> memref<128xf32, #tpu.memory_space<vmem>>
    %dma_wait3A_237 = arith.constant 9728 : i32
    %dma_wait3A_238 = tpu.memref_slice %arg8[%dma_wait3A_237] : memref<10000xi32, #tpu.memory_space<vmem>> -> memref<128xi32, #tpu.memory_space<vmem>>
    %dma_wait3A_239 = arith.constant 0 : i32
    %dma_wait3A_240 = tpu.memref_slice %arg18[%dma_wait3A_239] : memref<10240xf32, #tpu.memory_space<vmem_shared>> -> memref<10240xf32, #tpu.memory_space<vmem_shared>>
    %dma_wait3A_241 = tpu.memref_slice %arg21[%dma_wait3A_234] : memref<8x!tpu.dma_semaphore, #tpu.memory_space<semaphore_mem>> -> memref<1x!tpu.dma_semaphore, #tpu.memory_space<semaphore_mem>>
    %dma_wait3A_242 = tpu.memref_squeeze %dma_wait3A_241 : memref<1x!tpu.dma_semaphore, #tpu.memory_space<semaphore_mem>> -> memref<!tpu.dma_semaphore, #tpu.memory_space<semaphore_mem>>
    tpu.wait_indirect_dma semaphore(%dma_wait3A_242 : memref<!tpu.dma_semaphore, #tpu.memory_space<semaphore_mem>>) src(%dma_wait3A_236 : memref<128xf32, #tpu.memory_space<vmem>>) dst(%dma_wait3A_240 : memref<10240xf32, #tpu.memory_space<vmem_shared>>)
    %dma_wait3A_243 = arith.constant 5 : i32
    %dma_wait3A_244 = arith.constant 0 : i32
    %dma_wait3A_245 = tpu.memref_slice %arg13[%dma_wait3A_244] : memref<128xf32, #tpu.memory_space<vmem>> -> memref<128xf32, #tpu.memory_space<vmem>>
    %dma_wait3A_246 = arith.constant 9856 : i32
    %dma_wait3A_247 = tpu.memref_slice %arg8[%dma_wait3A_246] : memref<10000xi32, #tpu.memory_space<vmem>> -> memref<128xi32, #tpu.memory_space<vmem>>
    %dma_wait3A_248 = arith.constant 0 : i32
    %dma_wait3A_249 = tpu.memref_slice %arg18[%dma_wait3A_248] : memref<10240xf32, #tpu.memory_space<vmem_shared>> -> memref<10240xf32, #tpu.memory_space<vmem_shared>>
    %dma_wait3A_250 = tpu.memref_slice %arg21[%dma_wait3A_243] : memref<8x!tpu.dma_semaphore, #tpu.memory_space<semaphore_mem>> -> memref<1x!tpu.dma_semaphore, #tpu.memory_space<semaphore_mem>>
    %dma_wait3A_251 = tpu.memref_squeeze %dma_wait3A_250 : memref<1x!tpu.dma_semaphore, #tpu.memory_space<semaphore_mem>> -> memref<!tpu.dma_semaphore, #tpu.memory_space<semaphore_mem>>
    tpu.wait_indirect_dma semaphore(%dma_wait3A_251 : memref<!tpu.dma_semaphore, #tpu.memory_space<semaphore_mem>>) src(%dma_wait3A_245 : memref<128xf32, #tpu.memory_space<vmem>>) dst(%dma_wait3A_249 : memref<10240xf32, #tpu.memory_space<vmem_shared>>)
    %dma_start3A_252 = arith.constant 6 : i32
    %dma_start3A_253 = arith.constant 0 : i32
    %dma_start3A_254 = tpu.memref_slice %arg13[%dma_start3A_253] : memref<128xf32, #tpu.memory_space<vmem>> -> memref<16xf32, #tpu.memory_space<vmem>>
    %dma_start3A_255 = arith.constant 9984 : i32
    %dma_start3A_256 = tpu.memref_slice %arg8[%dma_start3A_255] : memref<10000xi32, #tpu.memory_space<vmem>> -> memref<16xi32, #tpu.memory_space<vmem>>
    %dma_start3A_257 = arith.constant 0 : i32
    %dma_start3A_258 = tpu.memref_slice %arg18[%dma_start3A_257] : memref<10240xf32, #tpu.memory_space<vmem_shared>> -> memref<10240xf32, #tpu.memory_space<vmem_shared>>
    %dma_start3A_259 = tpu.memref_slice %arg21[%dma_start3A_252] : memref<8x!tpu.dma_semaphore, #tpu.memory_space<semaphore_mem>> -> memref<1x!tpu.dma_semaphore, #tpu.memory_space<semaphore_mem>>
    %dma_start3A_260 = tpu.memref_squeeze %dma_start3A_259 : memref<1x!tpu.dma_semaphore, #tpu.memory_space<semaphore_mem>> -> memref<!tpu.dma_semaphore, #tpu.memory_space<semaphore_mem>>
    tpu.enqueue_indirect_dma source(%dma_start3A_254 : memref<16xf32, #tpu.memory_space<vmem>>) target(%dma_start3A_258 : memref<10240xf32, #tpu.memory_space<vmem_shared>>) offsets(%dma_start3A_256 : memref<16xi32, #tpu.memory_space<vmem>>) semaphore(%dma_start3A_260 : memref<!tpu.dma_semaphore, #tpu.memory_space<semaphore_mem>>) {add = true}
    %dma_wait3A_261 = arith.constant 6 : i32
    %dma_wait3A_262 = arith.constant 0 : i32
    %dma_wait3A_263 = tpu.memref_slice %arg13[%dma_wait3A_262] : memref<128xf32, #tpu.memory_space<vmem>> -> memref<16xf32, #tpu.memory_space<vmem>>
    %dma_wait3A_264 = arith.constant 9984 : i32
    %dma_wait3A_265 = tpu.memref_slice %arg8[%dma_wait3A_264] : memref<10000xi32, #tpu.memory_space<vmem>> -> memref<16xi32, #tpu.memory_space<vmem>>
    %dma_wait3A_266 = arith.constant 0 : i32
    %dma_wait3A_267 = tpu.memref_slice %arg18[%dma_wait3A_266] : memref<10240xf32, #tpu.memory_space<vmem_shared>> -> memref<10240xf32, #tpu.memory_space<vmem_shared>>
    %dma_wait3A_268 = tpu.memref_slice %arg21[%dma_wait3A_261] : memref<8x!tpu.dma_semaphore, #tpu.memory_space<semaphore_mem>> -> memref<1x!tpu.dma_semaphore, #tpu.memory_space<semaphore_mem>>
    %dma_wait3A_269 = tpu.memref_squeeze %dma_wait3A_268 : memref<1x!tpu.dma_semaphore, #tpu.memory_space<semaphore_mem>> -> memref<!tpu.dma_semaphore, #tpu.memory_space<semaphore_mem>>
    tpu.wait_indirect_dma semaphore(%dma_wait3A_269 : memref<!tpu.dma_semaphore, #tpu.memory_space<semaphore_mem>>) src(%dma_wait3A_263 : memref<16xf32, #tpu.memory_space<vmem>>) dst(%dma_wait3A_267 : memref<10240xf32, #tpu.memory_space<vmem_shared>>)
    %dma_start3A_270 = arith.constant 0 : i32
    %dma_start3A_271 = arith.constant 0 : i32
    %dma_start3A_272 = tpu.memref_slice %arg13[%dma_start3A_271] : memref<128xf32, #tpu.memory_space<vmem>> -> memref<128xf32, #tpu.memory_space<vmem>>
    %dma_start3A_273 = arith.constant 0 : i32
    %dma_start3A_274 = tpu.memref_slice %arg9[%dma_start3A_273] : memref<10000xi32, #tpu.memory_space<vmem>> -> memref<128xi32, #tpu.memory_space<vmem>>
    %dma_start3A_275 = arith.constant 0 : i32
    %dma_start3A_276 = tpu.memref_slice %arg18[%dma_start3A_275] : memref<10240xf32, #tpu.memory_space<vmem_shared>> -> memref<10240xf32, #tpu.memory_space<vmem_shared>>
    %dma_start3A_277 = tpu.memref_slice %arg21[%dma_start3A_270] : memref<8x!tpu.dma_semaphore, #tpu.memory_space<semaphore_mem>> -> memref<1x!tpu.dma_semaphore, #tpu.memory_space<semaphore_mem>>
    %dma_start3A_278 = tpu.memref_squeeze %dma_start3A_277 : memref<1x!tpu.dma_semaphore, #tpu.memory_space<semaphore_mem>> -> memref<!tpu.dma_semaphore, #tpu.memory_space<semaphore_mem>>
    tpu.enqueue_indirect_dma source(%dma_start3A_272 : memref<128xf32, #tpu.memory_space<vmem>>) target(%dma_start3A_276 : memref<10240xf32, #tpu.memory_space<vmem_shared>>) offsets(%dma_start3A_274 : memref<128xi32, #tpu.memory_space<vmem>>) semaphore(%dma_start3A_278 : memref<!tpu.dma_semaphore, #tpu.memory_space<semaphore_mem>>) {add = true}
    %dma_start3A_279 = arith.constant 1 : i32
    %dma_start3A_280 = arith.constant 0 : i32
    %dma_start3A_281 = tpu.memref_slice %arg13[%dma_start3A_280] : memref<128xf32, #tpu.memory_space<vmem>> -> memref<128xf32, #tpu.memory_space<vmem>>
    %dma_start3A_282 = arith.constant 128 : i32
    %dma_start3A_283 = tpu.memref_slice %arg9[%dma_start3A_282] : memref<10000xi32, #tpu.memory_space<vmem>> -> memref<128xi32, #tpu.memory_space<vmem>>
    %dma_start3A_284 = arith.constant 0 : i32
    %dma_start3A_285 = tpu.memref_slice %arg18[%dma_start3A_284] : memref<10240xf32, #tpu.memory_space<vmem_shared>> -> memref<10240xf32, #tpu.memory_space<vmem_shared>>
    %dma_start3A_286 = tpu.memref_slice %arg21[%dma_start3A_279] : memref<8x!tpu.dma_semaphore, #tpu.memory_space<semaphore_mem>> -> memref<1x!tpu.dma_semaphore, #tpu.memory_space<semaphore_mem>>
    %dma_start3A_287 = tpu.memref_squeeze %dma_start3A_286 : memref<1x!tpu.dma_semaphore, #tpu.memory_space<semaphore_mem>> -> memref<!tpu.dma_semaphore, #tpu.memory_space<semaphore_mem>>
    tpu.enqueue_indirect_dma source(%dma_start3A_281 : memref<128xf32, #tpu.memory_space<vmem>>) target(%dma_start3A_285 : memref<10240xf32, #tpu.memory_space<vmem_shared>>) offsets(%dma_start3A_283 : memref<128xi32, #tpu.memory_space<vmem>>) semaphore(%dma_start3A_287 : memref<!tpu.dma_semaphore, #tpu.memory_space<semaphore_mem>>) {add = true}
    %dma_start3A_288 = arith.constant 2 : i32
    %dma_start3A_289 = arith.constant 0 : i32
    %dma_start3A_290 = tpu.memref_slice %arg13[%dma_start3A_289] : memref<128xf32, #tpu.memory_space<vmem>> -> memref<128xf32, #tpu.memory_space<vmem>>
    %dma_start3A_291 = arith.constant 256 : i32
    %dma_start3A_292 = tpu.memref_slice %arg9[%dma_start3A_291] : memref<10000xi32, #tpu.memory_space<vmem>> -> memref<128xi32, #tpu.memory_space<vmem>>
    %dma_start3A_293 = arith.constant 0 : i32
    %dma_start3A_294 = tpu.memref_slice %arg18[%dma_start3A_293] : memref<10240xf32, #tpu.memory_space<vmem_shared>> -> memref<10240xf32, #tpu.memory_space<vmem_shared>>
    %dma_start3A_295 = tpu.memref_slice %arg21[%dma_start3A_288] : memref<8x!tpu.dma_semaphore, #tpu.memory_space<semaphore_mem>> -> memref<1x!tpu.dma_semaphore, #tpu.memory_space<semaphore_mem>>
    %dma_start3A_296 = tpu.memref_squeeze %dma_start3A_295 : memref<1x!tpu.dma_semaphore, #tpu.memory_space<semaphore_mem>> -> memref<!tpu.dma_semaphore, #tpu.memory_space<semaphore_mem>>
    tpu.enqueue_indirect_dma source(%dma_start3A_290 : memref<128xf32, #tpu.memory_space<vmem>>) target(%dma_start3A_294 : memref<10240xf32, #tpu.memory_space<vmem_shared>>) offsets(%dma_start3A_292 : memref<128xi32, #tpu.memory_space<vmem>>) semaphore(%dma_start3A_296 : memref<!tpu.dma_semaphore, #tpu.memory_space<semaphore_mem>>) {add = true}
    %dma_start3A_297 = arith.constant 3 : i32
    %dma_start3A_298 = arith.constant 0 : i32
    %dma_start3A_299 = tpu.memref_slice %arg13[%dma_start3A_298] : memref<128xf32, #tpu.memory_space<vmem>> -> memref<128xf32, #tpu.memory_space<vmem>>
    %dma_start3A_300 = arith.constant 384 : i32
    %dma_start3A_301 = tpu.memref_slice %arg9[%dma_start3A_300] : memref<10000xi32, #tpu.memory_space<vmem>> -> memref<128xi32, #tpu.memory_space<vmem>>
    %dma_start3A_302 = arith.constant 0 : i32
    %dma_start3A_303 = tpu.memref_slice %arg18[%dma_start3A_302] : memref<10240xf32, #tpu.memory_space<vmem_shared>> -> memref<10240xf32, #tpu.memory_space<vmem_shared>>
    %dma_start3A_304 = tpu.memref_slice %arg21[%dma_start3A_297] : memref<8x!tpu.dma_semaphore, #tpu.memory_space<semaphore_mem>> -> memref<1x!tpu.dma_semaphore, #tpu.memory_space<semaphore_mem>>
    %dma_start3A_305 = tpu.memref_squeeze %dma_start3A_304 : memref<1x!tpu.dma_semaphore, #tpu.memory_space<semaphore_mem>> -> memref<!tpu.dma_semaphore, #tpu.memory_space<semaphore_mem>>
    tpu.enqueue_indirect_dma source(%dma_start3A_299 : memref<128xf32, #tpu.memory_space<vmem>>) target(%dma_start3A_303 : memref<10240xf32, #tpu.memory_space<vmem_shared>>) offsets(%dma_start3A_301 : memref<128xi32, #tpu.memory_space<vmem>>) semaphore(%dma_start3A_305 : memref<!tpu.dma_semaphore, #tpu.memory_space<semaphore_mem>>) {add = true}
    %dma_start3A_306 = arith.constant 4 : i32
    %dma_start3A_307 = arith.constant 0 : i32
    %dma_start3A_308 = tpu.memref_slice %arg13[%dma_start3A_307] : memref<128xf32, #tpu.memory_space<vmem>> -> memref<128xf32, #tpu.memory_space<vmem>>
    %dma_start3A_309 = arith.constant 512 : i32
    %dma_start3A_310 = tpu.memref_slice %arg9[%dma_start3A_309] : memref<10000xi32, #tpu.memory_space<vmem>> -> memref<128xi32, #tpu.memory_space<vmem>>
    %dma_start3A_311 = arith.constant 0 : i32
    %dma_start3A_312 = tpu.memref_slice %arg18[%dma_start3A_311] : memref<10240xf32, #tpu.memory_space<vmem_shared>> -> memref<10240xf32, #tpu.memory_space<vmem_shared>>
    %dma_start3A_313 = tpu.memref_slice %arg21[%dma_start3A_306] : memref<8x!tpu.dma_semaphore, #tpu.memory_space<semaphore_mem>> -> memref<1x!tpu.dma_semaphore, #tpu.memory_space<semaphore_mem>>
    %dma_start3A_314 = tpu.memref_squeeze %dma_start3A_313 : memref<1x!tpu.dma_semaphore, #tpu.memory_space<semaphore_mem>> -> memref<!tpu.dma_semaphore, #tpu.memory_space<semaphore_mem>>
    tpu.enqueue_indirect_dma source(%dma_start3A_308 : memref<128xf32, #tpu.memory_space<vmem>>) target(%dma_start3A_312 : memref<10240xf32, #tpu.memory_space<vmem_shared>>) offsets(%dma_start3A_310 : memref<128xi32, #tpu.memory_space<vmem>>) semaphore(%dma_start3A_314 : memref<!tpu.dma_semaphore, #tpu.memory_space<semaphore_mem>>) {add = true}
    %dma_start3A_315 = arith.constant 5 : i32
    %dma_start3A_316 = arith.constant 0 : i32
    %dma_start3A_317 = tpu.memref_slice %arg13[%dma_start3A_316] : memref<128xf32, #tpu.memory_space<vmem>> -> memref<128xf32, #tpu.memory_space<vmem>>
    %dma_start3A_318 = arith.constant 640 : i32
    %dma_start3A_319 = tpu.memref_slice %arg9[%dma_start3A_318] : memref<10000xi32, #tpu.memory_space<vmem>> -> memref<128xi32, #tpu.memory_space<vmem>>
    %dma_start3A_320 = arith.constant 0 : i32
    %dma_start3A_321 = tpu.memref_slice %arg18[%dma_start3A_320] : memref<10240xf32, #tpu.memory_space<vmem_shared>> -> memref<10240xf32, #tpu.memory_space<vmem_shared>>
    %dma_start3A_322 = tpu.memref_slice %arg21[%dma_start3A_315] : memref<8x!tpu.dma_semaphore, #tpu.memory_space<semaphore_mem>> -> memref<1x!tpu.dma_semaphore, #tpu.memory_space<semaphore_mem>>
    %dma_start3A_323 = tpu.memref_squeeze %dma_start3A_322 : memref<1x!tpu.dma_semaphore, #tpu.memory_space<semaphore_mem>> -> memref<!tpu.dma_semaphore, #tpu.memory_space<semaphore_mem>>
    tpu.enqueue_indirect_dma source(%dma_start3A_317 : memref<128xf32, #tpu.memory_space<vmem>>) target(%dma_start3A_321 : memref<10240xf32, #tpu.memory_space<vmem_shared>>) offsets(%dma_start3A_319 : memref<128xi32, #tpu.memory_space<vmem>>) semaphore(%dma_start3A_323 : memref<!tpu.dma_semaphore, #tpu.memory_space<semaphore_mem>>) {add = true}
    %dma_start3A_324 = arith.constant 6 : i32
    %dma_start3A_325 = arith.constant 0 : i32
    %dma_start3A_326 = tpu.memref_slice %arg13[%dma_start3A_325] : memref<128xf32, #tpu.memory_space<vmem>> -> memref<128xf32, #tpu.memory_space<vmem>>
    %dma_start3A_327 = arith.constant 768 : i32
    %dma_start3A_328 = tpu.memref_slice %arg9[%dma_start3A_327] : memref<10000xi32, #tpu.memory_space<vmem>> -> memref<128xi32, #tpu.memory_space<vmem>>
    %dma_start3A_329 = arith.constant 0 : i32
    %dma_start3A_330 = tpu.memref_slice %arg18[%dma_start3A_329] : memref<10240xf32, #tpu.memory_space<vmem_shared>> -> memref<10240xf32, #tpu.memory_space<vmem_shared>>
    %dma_start3A_331 = tpu.memref_slice %arg21[%dma_start3A_324] : memref<8x!tpu.dma_semaphore, #tpu.memory_space<semaphore_mem>> -> memref<1x!tpu.dma_semaphore, #tpu.memory_space<semaphore_mem>>
    %dma_start3A_332 = tpu.memref_squeeze %dma_start3A_331 : memref<1x!tpu.dma_semaphore, #tpu.memory_space<semaphore_mem>> -> memref<!tpu.dma_semaphore, #tpu.memory_space<semaphore_mem>>
    tpu.enqueue_indirect_dma source(%dma_start3A_326 : memref<128xf32, #tpu.memory_space<vmem>>) target(%dma_start3A_330 : memref<10240xf32, #tpu.memory_space<vmem_shared>>) offsets(%dma_start3A_328 : memref<128xi32, #tpu.memory_space<vmem>>) semaphore(%dma_start3A_332 : memref<!tpu.dma_semaphore, #tpu.memory_space<semaphore_mem>>) {add = true}
    %dma_start3A_333 = arith.constant 7 : i32
    %dma_start3A_334 = arith.constant 0 : i32
    %dma_start3A_335 = tpu.memref_slice %arg13[%dma_start3A_334] : memref<128xf32, #tpu.memory_space<vmem>> -> memref<128xf32, #tpu.memory_space<vmem>>
    %dma_start3A_336 = arith.constant 896 : i32
    %dma_start3A_337 = tpu.memref_slice %arg9[%dma_start3A_336] : memref<10000xi32, #tpu.memory_space<vmem>> -> memref<128xi32, #tpu.memory_space<vmem>>
    %dma_start3A_338 = arith.constant 0 : i32
    %dma_start3A_339 = tpu.memref_slice %arg18[%dma_start3A_338] : memref<10240xf32, #tpu.memory_space<vmem_shared>> -> memref<10240xf32, #tpu.memory_space<vmem_shared>>
    %dma_start3A_340 = tpu.memref_slice %arg21[%dma_start3A_333] : memref<8x!tpu.dma_semaphore, #tpu.memory_space<semaphore_mem>> -> memref<1x!tpu.dma_semaphore, #tpu.memory_space<semaphore_mem>>
    %dma_start3A_341 = tpu.memref_squeeze %dma_start3A_340 : memref<1x!tpu.dma_semaphore, #tpu.memory_space<semaphore_mem>> -> memref<!tpu.dma_semaphore, #tpu.memory_space<semaphore_mem>>
    tpu.enqueue_indirect_dma source(%dma_start3A_335 : memref<128xf32, #tpu.memory_space<vmem>>) target(%dma_start3A_339 : memref<10240xf32, #tpu.memory_space<vmem_shared>>) offsets(%dma_start3A_337 : memref<128xi32, #tpu.memory_space<vmem>>) semaphore(%dma_start3A_341 : memref<!tpu.dma_semaphore, #tpu.memory_space<semaphore_mem>>) {add = true}
    %scan3A_342 = arith.constant 0 : i32
    %scan3A_343 = arith.constant 8 : i32
    %scan3A_344 = arith.constant 70 : i32
    %scan3A_345 = arith.addi %scan3A_343, %scan3A_344 : i32
    %scan3A_346 = arith.constant 1 : i32
    %scan3A_347 = scf.for %scan3A_943 = %scan3A_343 to %scan3A_345 step %scan3A_346 iter_args(%scan3A_944 = %scan3A_342) -> (i32)  : i32 {
      %sub3A_945 = arith.constant 8 : i32
      %sub3A_946 = arith.subi %scan3A_943, %sub3A_945 : i32
      %jit3A_947 = arith.constant 8 : i32
      %eq3A_948 = arith.constant 0 : i32
      %eq3A_949 = arith.cmpi eq, %jit3A_947, %eq3A_948 : i32
      %jit3A_950 = arith.constant 1 : i32
      %select_n3A_951 = arith.select %eq3A_949, %jit3A_950, %jit3A_947 : i32
      %rem3A_952 = arith.remsi %sub3A_946, %select_n3A_951 : i32
      %ne3A_953 = arith.constant 0 : i32
      %ne3A_954 = arith.cmpi ne, %rem3A_952, %ne3A_953 : i32
      %lt3A = arith.constant 0 : i32
      %lt3A_955 = arith.cmpi slt, %rem3A_952, %lt3A : i32
      %lt3A_956 = arith.constant 0 : i32
      %lt3A_957 = arith.cmpi slt, %select_n3A_951, %lt3A_956 : i32
      %ne3A_958 = arith.xori %lt3A_955, %lt3A_957 : i1
      %and3A_959 = arith.andi %ne3A_958, %ne3A_954 : i1
      %add3A_960 = arith.addi %rem3A_952, %select_n3A_951 : i32
      %select_n3A_961 = arith.select %and3A_959, %add3A_960, %rem3A_952 : i32
      %mul3A_962 = arith.constant 128 : i32
      %mul3A_963 = arith.muli %sub3A_946, %mul3A_962 : i32
      %dma_wait3A_964 = arith.constant 0 : i32
      %dma_wait3A_965 = tpu.memref_slice %arg13[%dma_wait3A_964] : memref<128xf32, #tpu.memory_space<vmem>> -> memref<128xf32, #tpu.memory_space<vmem>>
      %dma_wait3A_966 = tpu.memref_slice %arg9[%mul3A_963] : memref<10000xi32, #tpu.memory_space<vmem>> -> memref<128xi32, #tpu.memory_space<vmem>>
      %dma_wait3A_967 = arith.constant 0 : i32
      %dma_wait3A_968 = tpu.memref_slice %arg18[%dma_wait3A_967] : memref<10240xf32, #tpu.memory_space<vmem_shared>> -> memref<10240xf32, #tpu.memory_space<vmem_shared>>
      %dma_wait3A_969 = tpu.memref_slice %arg21[%select_n3A_961] : memref<8x!tpu.dma_semaphore, #tpu.memory_space<semaphore_mem>> -> memref<1x!tpu.dma_semaphore, #tpu.memory_space<semaphore_mem>>
      %dma_wait3A_970 = tpu.memref_squeeze %dma_wait3A_969 : memref<1x!tpu.dma_semaphore, #tpu.memory_space<semaphore_mem>> -> memref<!tpu.dma_semaphore, #tpu.memory_space<semaphore_mem>>
      tpu.wait_indirect_dma semaphore(%dma_wait3A_970 : memref<!tpu.dma_semaphore, #tpu.memory_space<semaphore_mem>>) src(%dma_wait3A_965 : memref<128xf32, #tpu.memory_space<vmem>>) dst(%dma_wait3A_968 : memref<10240xf32, #tpu.memory_space<vmem_shared>>)
      %jit3A_971 = arith.constant 8 : i32
      %eq3A_972 = arith.constant 0 : i32
      %eq3A_973 = arith.cmpi eq, %jit3A_971, %eq3A_972 : i32
      %jit3A_974 = arith.constant 1 : i32
      %select_n3A_975 = arith.select %eq3A_973, %jit3A_974, %jit3A_971 : i32
      %rem3A_976 = arith.remsi %scan3A_943, %select_n3A_975 : i32
      %ne3A_977 = arith.constant 0 : i32
      %ne3A_978 = arith.cmpi ne, %rem3A_976, %ne3A_977 : i32
      %lt3A_979 = arith.constant 0 : i32
      %lt3A_980 = arith.cmpi slt, %rem3A_976, %lt3A_979 : i32
      %lt3A_981 = arith.constant 0 : i32
      %lt3A_982 = arith.cmpi slt, %select_n3A_975, %lt3A_981 : i32
      %ne3A_983 = arith.xori %lt3A_980, %lt3A_982 : i1
      %and3A_984 = arith.andi %ne3A_983, %ne3A_978 : i1
      %add3A_985 = arith.addi %rem3A_976, %select_n3A_975 : i32
      %select_n3A_986 = arith.select %and3A_984, %add3A_985, %rem3A_976 : i32
      %mul3A_987 = arith.constant 128 : i32
      %mul3A_988 = arith.muli %scan3A_943, %mul3A_987 : i32
      %dma_start3A_989 = arith.constant 0 : i32
      %dma_start3A_990 = tpu.memref_slice %arg13[%dma_start3A_989] : memref<128xf32, #tpu.memory_space<vmem>> -> memref<128xf32, #tpu.memory_space<vmem>>
      %dma_start3A_991 = tpu.memref_slice %arg9[%mul3A_988] : memref<10000xi32, #tpu.memory_space<vmem>> -> memref<128xi32, #tpu.memory_space<vmem>>
      %dma_start3A_992 = arith.constant 0 : i32
      %dma_start3A_993 = tpu.memref_slice %arg18[%dma_start3A_992] : memref<10240xf32, #tpu.memory_space<vmem_shared>> -> memref<10240xf32, #tpu.memory_space<vmem_shared>>
      %dma_start3A_994 = tpu.memref_slice %arg21[%select_n3A_986] : memref<8x!tpu.dma_semaphore, #tpu.memory_space<semaphore_mem>> -> memref<1x!tpu.dma_semaphore, #tpu.memory_space<semaphore_mem>>
      %dma_start3A_995 = tpu.memref_squeeze %dma_start3A_994 : memref<1x!tpu.dma_semaphore, #tpu.memory_space<semaphore_mem>> -> memref<!tpu.dma_semaphore, #tpu.memory_space<semaphore_mem>>
      tpu.enqueue_indirect_dma source(%dma_start3A_990 : memref<128xf32, #tpu.memory_space<vmem>>) target(%dma_start3A_993 : memref<10240xf32, #tpu.memory_space<vmem_shared>>) offsets(%dma_start3A_991 : memref<128xi32, #tpu.memory_space<vmem>>) semaphore(%dma_start3A_995 : memref<!tpu.dma_semaphore, #tpu.memory_space<semaphore_mem>>) {add = true}
      %scan3A_996 = arith.constant 0 : i32
      scf.yield %scan3A_996 : i32
    }
    %scan3A_348 = arith.constant 70 : i32
    %dma_wait3A_349 = arith.constant 6 : i32
    %dma_wait3A_350 = arith.constant 0 : i32
    %dma_wait3A_351 = tpu.memref_slice %arg13[%dma_wait3A_350] : memref<128xf32, #tpu.memory_space<vmem>> -> memref<128xf32, #tpu.memory_space<vmem>>
    %dma_wait3A_352 = arith.constant 8960 : i32
    %dma_wait3A_353 = tpu.memref_slice %arg9[%dma_wait3A_352] : memref<10000xi32, #tpu.memory_space<vmem>> -> memref<128xi32, #tpu.memory_space<vmem>>
    %dma_wait3A_354 = arith.constant 0 : i32
    %dma_wait3A_355 = tpu.memref_slice %arg18[%dma_wait3A_354] : memref<10240xf32, #tpu.memory_space<vmem_shared>> -> memref<10240xf32, #tpu.memory_space<vmem_shared>>
    %dma_wait3A_356 = tpu.memref_slice %arg21[%dma_wait3A_349] : memref<8x!tpu.dma_semaphore, #tpu.memory_space<semaphore_mem>> -> memref<1x!tpu.dma_semaphore, #tpu.memory_space<semaphore_mem>>
    %dma_wait3A_357 = tpu.memref_squeeze %dma_wait3A_356 : memref<1x!tpu.dma_semaphore, #tpu.memory_space<semaphore_mem>> -> memref<!tpu.dma_semaphore, #tpu.memory_space<semaphore_mem>>
    tpu.wait_indirect_dma semaphore(%dma_wait3A_357 : memref<!tpu.dma_semaphore, #tpu.memory_space<semaphore_mem>>) src(%dma_wait3A_351 : memref<128xf32, #tpu.memory_space<vmem>>) dst(%dma_wait3A_355 : memref<10240xf32, #tpu.memory_space<vmem_shared>>)
    %dma_wait3A_358 = arith.constant 7 : i32
    %dma_wait3A_359 = arith.constant 0 : i32
    %dma_wait3A_360 = tpu.memref_slice %arg13[%dma_wait3A_359] : memref<128xf32, #tpu.memory_space<vmem>> -> memref<128xf32, #tpu.memory_space<vmem>>
    %dma_wait3A_361 = arith.constant 9088 : i32
    %dma_wait3A_362 = tpu.memref_slice %arg9[%dma_wait3A_361] : memref<10000xi32, #tpu.memory_space<vmem>> -> memref<128xi32, #tpu.memory_space<vmem>>
    %dma_wait3A_363 = arith.constant 0 : i32
    %dma_wait3A_364 = tpu.memref_slice %arg18[%dma_wait3A_363] : memref<10240xf32, #tpu.memory_space<vmem_shared>> -> memref<10240xf32, #tpu.memory_space<vmem_shared>>
    %dma_wait3A_365 = tpu.memref_slice %arg21[%dma_wait3A_358] : memref<8x!tpu.dma_semaphore, #tpu.memory_space<semaphore_mem>> -> memref<1x!tpu.dma_semaphore, #tpu.memory_space<semaphore_mem>>
    %dma_wait3A_366 = tpu.memref_squeeze %dma_wait3A_365 : memref<1x!tpu.dma_semaphore, #tpu.memory_space<semaphore_mem>> -> memref<!tpu.dma_semaphore, #tpu.memory_space<semaphore_mem>>
    tpu.wait_indirect_dma semaphore(%dma_wait3A_366 : memref<!tpu.dma_semaphore, #tpu.memory_space<semaphore_mem>>) src(%dma_wait3A_360 : memref<128xf32, #tpu.memory_space<vmem>>) dst(%dma_wait3A_364 : memref<10240xf32, #tpu.memory_space<vmem_shared>>)
    %dma_wait3A_367 = arith.constant 0 : i32
    %dma_wait3A_368 = arith.constant 0 : i32
    %dma_wait3A_369 = tpu.memref_slice %arg13[%dma_wait3A_368] : memref<128xf32, #tpu.memory_space<vmem>> -> memref<128xf32, #tpu.memory_space<vmem>>
    %dma_wait3A_370 = arith.constant 9216 : i32
    %dma_wait3A_371 = tpu.memref_slice %arg9[%dma_wait3A_370] : memref<10000xi32, #tpu.memory_space<vmem>> -> memref<128xi32, #tpu.memory_space<vmem>>
    %dma_wait3A_372 = arith.constant 0 : i32
    %dma_wait3A_373 = tpu.memref_slice %arg18[%dma_wait3A_372] : memref<10240xf32, #tpu.memory_space<vmem_shared>> -> memref<10240xf32, #tpu.memory_space<vmem_shared>>
    %dma_wait3A_374 = tpu.memref_slice %arg21[%dma_wait3A_367] : memref<8x!tpu.dma_semaphore, #tpu.memory_space<semaphore_mem>> -> memref<1x!tpu.dma_semaphore, #tpu.memory_space<semaphore_mem>>
    %dma_wait3A_375 = tpu.memref_squeeze %dma_wait3A_374 : memref<1x!tpu.dma_semaphore, #tpu.memory_space<semaphore_mem>> -> memref<!tpu.dma_semaphore, #tpu.memory_space<semaphore_mem>>
    tpu.wait_indirect_dma semaphore(%dma_wait3A_375 : memref<!tpu.dma_semaphore, #tpu.memory_space<semaphore_mem>>) src(%dma_wait3A_369 : memref<128xf32, #tpu.memory_space<vmem>>) dst(%dma_wait3A_373 : memref<10240xf32, #tpu.memory_space<vmem_shared>>)
    %dma_wait3A_376 = arith.constant 1 : i32
    %dma_wait3A_377 = arith.constant 0 : i32
    %dma_wait3A_378 = tpu.memref_slice %arg13[%dma_wait3A_377] : memref<128xf32, #tpu.memory_space<vmem>> -> memref<128xf32, #tpu.memory_space<vmem>>
    %dma_wait3A_379 = arith.constant 9344 : i32
    %dma_wait3A_380 = tpu.memref_slice %arg9[%dma_wait3A_379] : memref<10000xi32, #tpu.memory_space<vmem>> -> memref<128xi32, #tpu.memory_space<vmem>>
    %dma_wait3A_381 = arith.constant 0 : i32
    %dma_wait3A_382 = tpu.memref_slice %arg18[%dma_wait3A_381] : memref<10240xf32, #tpu.memory_space<vmem_shared>> -> memref<10240xf32, #tpu.memory_space<vmem_shared>>
    %dma_wait3A_383 = tpu.memref_slice %arg21[%dma_wait3A_376] : memref<8x!tpu.dma_semaphore, #tpu.memory_space<semaphore_mem>> -> memref<1x!tpu.dma_semaphore, #tpu.memory_space<semaphore_mem>>
    %dma_wait3A_384 = tpu.memref_squeeze %dma_wait3A_383 : memref<1x!tpu.dma_semaphore, #tpu.memory_space<semaphore_mem>> -> memref<!tpu.dma_semaphore, #tpu.memory_space<semaphore_mem>>
    tpu.wait_indirect_dma semaphore(%dma_wait3A_384 : memref<!tpu.dma_semaphore, #tpu.memory_space<semaphore_mem>>) src(%dma_wait3A_378 : memref<128xf32, #tpu.memory_space<vmem>>) dst(%dma_wait3A_382 : memref<10240xf32, #tpu.memory_space<vmem_shared>>)
    %dma_wait3A_385 = arith.constant 2 : i32
    %dma_wait3A_386 = arith.constant 0 : i32
    %dma_wait3A_387 = tpu.memref_slice %arg13[%dma_wait3A_386] : memref<128xf32, #tpu.memory_space<vmem>> -> memref<128xf32, #tpu.memory_space<vmem>>
    %dma_wait3A_388 = arith.constant 9472 : i32
    %dma_wait3A_389 = tpu.memref_slice %arg9[%dma_wait3A_388] : memref<10000xi32, #tpu.memory_space<vmem>> -> memref<128xi32, #tpu.memory_space<vmem>>
    %dma_wait3A_390 = arith.constant 0 : i32
    %dma_wait3A_391 = tpu.memref_slice %arg18[%dma_wait3A_390] : memref<10240xf32, #tpu.memory_space<vmem_shared>> -> memref<10240xf32, #tpu.memory_space<vmem_shared>>
    %dma_wait3A_392 = tpu.memref_slice %arg21[%dma_wait3A_385] : memref<8x!tpu.dma_semaphore, #tpu.memory_space<semaphore_mem>> -> memref<1x!tpu.dma_semaphore, #tpu.memory_space<semaphore_mem>>
    %dma_wait3A_393 = tpu.memref_squeeze %dma_wait3A_392 : memref<1x!tpu.dma_semaphore, #tpu.memory_space<semaphore_mem>> -> memref<!tpu.dma_semaphore, #tpu.memory_space<semaphore_mem>>
    tpu.wait_indirect_dma semaphore(%dma_wait3A_393 : memref<!tpu.dma_semaphore, #tpu.memory_space<semaphore_mem>>) src(%dma_wait3A_387 : memref<128xf32, #tpu.memory_space<vmem>>) dst(%dma_wait3A_391 : memref<10240xf32, #tpu.memory_space<vmem_shared>>)
    %dma_wait3A_394 = arith.constant 3 : i32
    %dma_wait3A_395 = arith.constant 0 : i32
    %dma_wait3A_396 = tpu.memref_slice %arg13[%dma_wait3A_395] : memref<128xf32, #tpu.memory_space<vmem>> -> memref<128xf32, #tpu.memory_space<vmem>>
    %dma_wait3A_397 = arith.constant 9600 : i32
    %dma_wait3A_398 = tpu.memref_slice %arg9[%dma_wait3A_397] : memref<10000xi32, #tpu.memory_space<vmem>> -> memref<128xi32, #tpu.memory_space<vmem>>
    %dma_wait3A_399 = arith.constant 0 : i32
    %dma_wait3A_400 = tpu.memref_slice %arg18[%dma_wait3A_399] : memref<10240xf32, #tpu.memory_space<vmem_shared>> -> memref<10240xf32, #tpu.memory_space<vmem_shared>>
    %dma_wait3A_401 = tpu.memref_slice %arg21[%dma_wait3A_394] : memref<8x!tpu.dma_semaphore, #tpu.memory_space<semaphore_mem>> -> memref<1x!tpu.dma_semaphore, #tpu.memory_space<semaphore_mem>>
    %dma_wait3A_402 = tpu.memref_squeeze %dma_wait3A_401 : memref<1x!tpu.dma_semaphore, #tpu.memory_space<semaphore_mem>> -> memref<!tpu.dma_semaphore, #tpu.memory_space<semaphore_mem>>
    tpu.wait_indirect_dma semaphore(%dma_wait3A_402 : memref<!tpu.dma_semaphore, #tpu.memory_space<semaphore_mem>>) src(%dma_wait3A_396 : memref<128xf32, #tpu.memory_space<vmem>>) dst(%dma_wait3A_400 : memref<10240xf32, #tpu.memory_space<vmem_shared>>)
    %dma_wait3A_403 = arith.constant 4 : i32
    %dma_wait3A_404 = arith.constant 0 : i32
    %dma_wait3A_405 = tpu.memref_slice %arg13[%dma_wait3A_404] : memref<128xf32, #tpu.memory_space<vmem>> -> memref<128xf32, #tpu.memory_space<vmem>>
    %dma_wait3A_406 = arith.constant 9728 : i32
    %dma_wait3A_407 = tpu.memref_slice %arg9[%dma_wait3A_406] : memref<10000xi32, #tpu.memory_space<vmem>> -> memref<128xi32, #tpu.memory_space<vmem>>
    %dma_wait3A_408 = arith.constant 0 : i32
    %dma_wait3A_409 = tpu.memref_slice %arg18[%dma_wait3A_408] : memref<10240xf32, #tpu.memory_space<vmem_shared>> -> memref<10240xf32, #tpu.memory_space<vmem_shared>>
    %dma_wait3A_410 = tpu.memref_slice %arg21[%dma_wait3A_403] : memref<8x!tpu.dma_semaphore, #tpu.memory_space<semaphore_mem>> -> memref<1x!tpu.dma_semaphore, #tpu.memory_space<semaphore_mem>>
    %dma_wait3A_411 = tpu.memref_squeeze %dma_wait3A_410 : memref<1x!tpu.dma_semaphore, #tpu.memory_space<semaphore_mem>> -> memref<!tpu.dma_semaphore, #tpu.memory_space<semaphore_mem>>
    tpu.wait_indirect_dma semaphore(%dma_wait3A_411 : memref<!tpu.dma_semaphore, #tpu.memory_space<semaphore_mem>>) src(%dma_wait3A_405 : memref<128xf32, #tpu.memory_space<vmem>>) dst(%dma_wait3A_409 : memref<10240xf32, #tpu.memory_space<vmem_shared>>)
    %dma_wait3A_412 = arith.constant 5 : i32
    %dma_wait3A_413 = arith.constant 0 : i32
    %dma_wait3A_414 = tpu.memref_slice %arg13[%dma_wait3A_413] : memref<128xf32, #tpu.memory_space<vmem>> -> memref<128xf32, #tpu.memory_space<vmem>>
    %dma_wait3A_415 = arith.constant 9856 : i32
    %dma_wait3A_416 = tpu.memref_slice %arg9[%dma_wait3A_415] : memref<10000xi32, #tpu.memory_space<vmem>> -> memref<128xi32, #tpu.memory_space<vmem>>
    %dma_wait3A_417 = arith.constant 0 : i32
    %dma_wait3A_418 = tpu.memref_slice %arg18[%dma_wait3A_417] : memref<10240xf32, #tpu.memory_space<vmem_shared>> -> memref<10240xf32, #tpu.memory_space<vmem_shared>>
    %dma_wait3A_419 = tpu.memref_slice %arg21[%dma_wait3A_412] : memref<8x!tpu.dma_semaphore, #tpu.memory_space<semaphore_mem>> -> memref<1x!tpu.dma_semaphore, #tpu.memory_space<semaphore_mem>>
    %dma_wait3A_420 = tpu.memref_squeeze %dma_wait3A_419 : memref<1x!tpu.dma_semaphore, #tpu.memory_space<semaphore_mem>> -> memref<!tpu.dma_semaphore, #tpu.memory_space<semaphore_mem>>
    tpu.wait_indirect_dma semaphore(%dma_wait3A_420 : memref<!tpu.dma_semaphore, #tpu.memory_space<semaphore_mem>>) src(%dma_wait3A_414 : memref<128xf32, #tpu.memory_space<vmem>>) dst(%dma_wait3A_418 : memref<10240xf32, #tpu.memory_space<vmem_shared>>)
    %dma_start3A_421 = arith.constant 6 : i32
    %dma_start3A_422 = arith.constant 0 : i32
    %dma_start3A_423 = tpu.memref_slice %arg13[%dma_start3A_422] : memref<128xf32, #tpu.memory_space<vmem>> -> memref<16xf32, #tpu.memory_space<vmem>>
    %dma_start3A_424 = arith.constant 9984 : i32
    %dma_start3A_425 = tpu.memref_slice %arg9[%dma_start3A_424] : memref<10000xi32, #tpu.memory_space<vmem>> -> memref<16xi32, #tpu.memory_space<vmem>>
    %dma_start3A_426 = arith.constant 0 : i32
    %dma_start3A_427 = tpu.memref_slice %arg18[%dma_start3A_426] : memref<10240xf32, #tpu.memory_space<vmem_shared>> -> memref<10240xf32, #tpu.memory_space<vmem_shared>>
    %dma_start3A_428 = tpu.memref_slice %arg21[%dma_start3A_421] : memref<8x!tpu.dma_semaphore, #tpu.memory_space<semaphore_mem>> -> memref<1x!tpu.dma_semaphore, #tpu.memory_space<semaphore_mem>>
    %dma_start3A_429 = tpu.memref_squeeze %dma_start3A_428 : memref<1x!tpu.dma_semaphore, #tpu.memory_space<semaphore_mem>> -> memref<!tpu.dma_semaphore, #tpu.memory_space<semaphore_mem>>
    tpu.enqueue_indirect_dma source(%dma_start3A_423 : memref<16xf32, #tpu.memory_space<vmem>>) target(%dma_start3A_427 : memref<10240xf32, #tpu.memory_space<vmem_shared>>) offsets(%dma_start3A_425 : memref<16xi32, #tpu.memory_space<vmem>>) semaphore(%dma_start3A_429 : memref<!tpu.dma_semaphore, #tpu.memory_space<semaphore_mem>>) {add = true}
    %dma_wait3A_430 = arith.constant 6 : i32
    %dma_wait3A_431 = arith.constant 0 : i32
    %dma_wait3A_432 = tpu.memref_slice %arg13[%dma_wait3A_431] : memref<128xf32, #tpu.memory_space<vmem>> -> memref<16xf32, #tpu.memory_space<vmem>>
    %dma_wait3A_433 = arith.constant 9984 : i32
    %dma_wait3A_434 = tpu.memref_slice %arg9[%dma_wait3A_433] : memref<10000xi32, #tpu.memory_space<vmem>> -> memref<16xi32, #tpu.memory_space<vmem>>
    %dma_wait3A_435 = arith.constant 0 : i32
    %dma_wait3A_436 = tpu.memref_slice %arg18[%dma_wait3A_435] : memref<10240xf32, #tpu.memory_space<vmem_shared>> -> memref<10240xf32, #tpu.memory_space<vmem_shared>>
    %dma_wait3A_437 = tpu.memref_slice %arg21[%dma_wait3A_430] : memref<8x!tpu.dma_semaphore, #tpu.memory_space<semaphore_mem>> -> memref<1x!tpu.dma_semaphore, #tpu.memory_space<semaphore_mem>>
    %dma_wait3A_438 = tpu.memref_squeeze %dma_wait3A_437 : memref<1x!tpu.dma_semaphore, #tpu.memory_space<semaphore_mem>> -> memref<!tpu.dma_semaphore, #tpu.memory_space<semaphore_mem>>
    tpu.wait_indirect_dma semaphore(%dma_wait3A_438 : memref<!tpu.dma_semaphore, #tpu.memory_space<semaphore_mem>>) src(%dma_wait3A_432 : memref<16xf32, #tpu.memory_space<vmem>>) dst(%dma_wait3A_436 : memref<10240xf32, #tpu.memory_space<vmem_shared>>)
    %barrier3A_439 = arith.constant 0 : index
    tpu.barrier barrier_id(%barrier3A_439)
    %mul3A_440 = arith.constant 625 : i32
    %mul3A_441 = arith.muli %arg1, %mul3A_440 : i32
    %mul3A_442 = arith.constant 625 : i32
    %mul3A_443 = arith.muli %arg1, %mul3A_442 : i32
    %jit3A = arith.constant 8 : i32
    %div3A = arith.divsi %mul3A_443, %jit3A : i32
    %sign3A = arith.constant 0 : i32
    %sign3A_444 = arith.cmpi sgt, %mul3A_443, %sign3A : i32
    %sign3A_445 = arith.extui %sign3A_444 : i1 to i32
    %sign3A_446 = arith.constant 0 : i32
    %sign3A_447 = arith.cmpi slt, %mul3A_443, %sign3A_446 : i32
    %sign3A_448 = arith.extui %sign3A_447 : i1 to i32
    %sign3A_449 = arith.subi %sign3A_445, %sign3A_448 : i32
    %sign3A_450 = arith.constant 0 : i32
    %sign3A_451 = arith.cmpi sgt, %jit3A, %sign3A_450 : i32
    %sign3A_452 = arith.extui %sign3A_451 : i1 to i32
    %sign3A_453 = arith.constant 0 : i32
    %sign3A_454 = arith.cmpi slt, %jit3A, %sign3A_453 : i32
    %sign3A_455 = arith.extui %sign3A_454 : i1 to i32
    %sign3A_456 = arith.subi %sign3A_452, %sign3A_455 : i32
    %ne3A = arith.cmpi ne, %sign3A_449, %sign3A_456 : i32
    %rem3A = arith.remsi %mul3A_443, %jit3A : i32
    %ne3A_457 = arith.constant 0 : i32
    %ne3A_458 = arith.cmpi ne, %rem3A, %ne3A_457 : i32
    %and3A = arith.andi %ne3A, %ne3A_458 : i1
    %sub3A_459 = arith.constant 1 : i32
    %sub3A_460 = arith.subi %div3A, %sub3A_459 : i32
    %select_n3A = arith.select %and3A, %sub3A_460, %div3A : i32
    %mul3A_461 = arith.constant 8 : i32
    %mul3A_462 = arith.muli %select_n3A, %mul3A_461 : i32
    "tpu.region"() ({
      %run_scoped3A_943 = tpu.sem_alloc : memref<!tpu.dma_semaphore, #tpu.memory_space<semaphore_mem>>
      %dma_start3A_944 = arith.constant 0 : i32
      %dma_start3A_945 = tpu.memref_slice %arg14[%dma_start3A_944] : memref<656xf32, #tpu.memory_space<vmem>> -> memref<640xf32, #tpu.memory_space<vmem>>
      %dma_start3A_946 = tpu.memref_slice %arg18[%mul3A_462] : memref<10240xf32, #tpu.memory_space<vmem_shared>> -> memref<640xf32, #tpu.memory_space<vmem_shared>>
      %dma_start3A_947 = arith.constant 0 : i32
      %dma_start3A_948 = tpu.memref_slice %arg14[%dma_start3A_947] : memref<656xf32, #tpu.memory_space<vmem>> -> memref<640xf32, #tpu.memory_space<vmem>>
      %dma_start3A_949 = tpu.memref_slice %arg18[%mul3A_462] : memref<10240xf32, #tpu.memory_space<vmem_shared>> -> memref<640xf32, #tpu.memory_space<vmem_shared>>
      tpu.enqueue_dma source(%dma_start3A_949 : memref<640xf32, #tpu.memory_space<vmem_shared>>) target(%dma_start3A_948 : memref<640xf32, #tpu.memory_space<vmem>>) target_semaphore(%run_scoped3A_943 : memref<!tpu.dma_semaphore, #tpu.memory_space<semaphore_mem>>)
      %dma_wait3A_950 = arith.constant 0 : i32
      %dma_wait3A_951 = tpu.memref_slice %arg14[%dma_wait3A_950] : memref<656xf32, #tpu.memory_space<vmem>> -> memref<640xf32, #tpu.memory_space<vmem>>
      %dma_wait3A_952 = tpu.memref_slice %arg18[%mul3A_462] : memref<10240xf32, #tpu.memory_space<vmem_shared>> -> memref<640xf32, #tpu.memory_space<vmem_shared>>
      %dma_wait3A_953 = arith.constant 0 : i32
      %dma_wait3A_954 = tpu.memref_slice %arg14[%dma_wait3A_953] : memref<656xf32, #tpu.memory_space<vmem>> -> memref<640xf32, #tpu.memory_space<vmem>>
      %dma_wait3A_955 = tpu.memref_slice %arg18[%mul3A_462] : memref<10240xf32, #tpu.memory_space<vmem_shared>> -> memref<640xf32, #tpu.memory_space<vmem_shared>>
      tpu.wait_dma2 semaphore(%run_scoped3A_943 : memref<!tpu.dma_semaphore, #tpu.memory_space<semaphore_mem>>) src(%dma_wait3A_955 : memref<640xf32, #tpu.memory_space<vmem_shared>>) dst(%dma_wait3A_954 : memref<640xf32, #tpu.memory_space<vmem>>)
      tpu.yield
    }) : () -> ()
    %sub3A_463 = arith.subi %mul3A_443, %mul3A_462 : i32
    "tpu.region"() ({
      %run_scoped3A_943 = tpu.sem_alloc : memref<!tpu.dma_semaphore, #tpu.memory_space<semaphore_mem>>
      %dma_start3A_944 = arith.constant 0 : i32
      %dma_start3A_945 = tpu.memref_slice %arg3[%mul3A_441, %dma_start3A_944] : memref<10000x16xf32, #tpu.memory_space<hbm>> -> memref<625x16xf32, #tpu.memory_space<hbm>>
      %dma_start3A_946 = arith.constant 0 : i32
      %dma_start3A_947 = tpu.memref_slice %arg3[%mul3A_441, %dma_start3A_946] : memref<10000x16xf32, #tpu.memory_space<hbm>> -> memref<625x16xf32, #tpu.memory_space<hbm>>
      tpu.enqueue_dma source(%dma_start3A_947 : memref<625x16xf32, #tpu.memory_space<hbm>>) target(%arg15 : memref<625x16xf32, #tpu.memory_space<vmem>>) target_semaphore(%run_scoped3A_943 : memref<!tpu.dma_semaphore, #tpu.memory_space<semaphore_mem>>)
      %dma_wait3A_948 = arith.constant 0 : i32
      %dma_wait3A_949 = tpu.memref_slice %arg3[%mul3A_441, %dma_wait3A_948] : memref<10000x16xf32, #tpu.memory_space<hbm>> -> memref<625x16xf32, #tpu.memory_space<hbm>>
      %dma_wait3A_950 = arith.constant 0 : i32
      %dma_wait3A_951 = tpu.memref_slice %arg3[%mul3A_441, %dma_wait3A_950] : memref<10000x16xf32, #tpu.memory_space<hbm>> -> memref<625x16xf32, #tpu.memory_space<hbm>>
      tpu.wait_dma2 semaphore(%run_scoped3A_943 : memref<!tpu.dma_semaphore, #tpu.memory_space<semaphore_mem>>) src(%dma_wait3A_951 : memref<625x16xf32, #tpu.memory_space<hbm>>) dst(%arg15 : memref<625x16xf32, #tpu.memory_space<vmem>>)
      tpu.yield
    }) : () -> ()
    %run_scoped3A_464 = arith.constant 0 : i32
    "tpu.region"() ({
      %run_scoped3A_943 = tpu.sem_alloc : memref<!tpu.dma_semaphore, #tpu.memory_space<semaphore_mem>>
      %dma_start3A_944 = arith.constant 0 : i32
      %dma_start3A_945 = arith.constant 0 : i32
      %dma_start3A_946 = tpu.memref_slice %arg4[%run_scoped3A_464, %dma_start3A_944, %dma_start3A_945] : memref<2x10000x16xf32, #tpu.memory_space<hbm>> -> memref<1x10000x16xf32, #tpu.memory_space<hbm>>
      %dma_start3A_947 = tpu.memref_squeeze %dma_start3A_946 : memref<1x10000x16xf32, #tpu.memory_space<hbm>> -> memref<10000x16xf32, #tpu.memory_space<hbm>>
      %dma_start3A_948 = arith.constant 0 : i32
      %dma_start3A_949 = tpu.memref_slice %dma_start3A_947[%mul3A_441, %dma_start3A_948] : memref<10000x16xf32, #tpu.memory_space<hbm>> -> memref<625x16xf32, #tpu.memory_space<hbm>>
      %dma_start3A_950 = arith.constant 0 : i32
      %dma_start3A_951 = arith.constant 0 : i32
      %dma_start3A_952 = tpu.memref_slice %arg4[%run_scoped3A_464, %dma_start3A_950, %dma_start3A_951] : memref<2x10000x16xf32, #tpu.memory_space<hbm>> -> memref<1x10000x16xf32, #tpu.memory_space<hbm>>
      %dma_start3A_953 = tpu.memref_squeeze %dma_start3A_952 : memref<1x10000x16xf32, #tpu.memory_space<hbm>> -> memref<10000x16xf32, #tpu.memory_space<hbm>>
      %dma_start3A_954 = arith.constant 0 : i32
      %dma_start3A_955 = tpu.memref_slice %dma_start3A_953[%mul3A_441, %dma_start3A_954] : memref<10000x16xf32, #tpu.memory_space<hbm>> -> memref<625x16xf32, #tpu.memory_space<hbm>>
      tpu.enqueue_dma source(%dma_start3A_955 : memref<625x16xf32, #tpu.memory_space<hbm>>) target(%arg22 : memref<625x16xf32, #tpu.memory_space<vmem>>) target_semaphore(%run_scoped3A_943 : memref<!tpu.dma_semaphore, #tpu.memory_space<semaphore_mem>>)
      %dma_wait3A_956 = arith.constant 0 : i32
      %dma_wait3A_957 = arith.constant 0 : i32
      %dma_wait3A_958 = tpu.memref_slice %arg4[%run_scoped3A_464, %dma_wait3A_956, %dma_wait3A_957] : memref<2x10000x16xf32, #tpu.memory_space<hbm>> -> memref<1x10000x16xf32, #tpu.memory_space<hbm>>
      %dma_wait3A_959 = tpu.memref_squeeze %dma_wait3A_958 : memref<1x10000x16xf32, #tpu.memory_space<hbm>> -> memref<10000x16xf32, #tpu.memory_space<hbm>>
      %dma_wait3A_960 = arith.constant 0 : i32
      %dma_wait3A_961 = tpu.memref_slice %dma_wait3A_959[%mul3A_441, %dma_wait3A_960] : memref<10000x16xf32, #tpu.memory_space<hbm>> -> memref<625x16xf32, #tpu.memory_space<hbm>>
      %dma_wait3A_962 = arith.constant 0 : i32
      %dma_wait3A_963 = arith.constant 0 : i32
      %dma_wait3A_964 = tpu.memref_slice %arg4[%run_scoped3A_464, %dma_wait3A_962, %dma_wait3A_963] : memref<2x10000x16xf32, #tpu.memory_space<hbm>> -> memref<1x10000x16xf32, #tpu.memory_space<hbm>>
      %dma_wait3A_965 = tpu.memref_squeeze %dma_wait3A_964 : memref<1x10000x16xf32, #tpu.memory_space<hbm>> -> memref<10000x16xf32, #tpu.memory_space<hbm>>
      %dma_wait3A_966 = arith.constant 0 : i32
      %dma_wait3A_967 = tpu.memref_slice %dma_wait3A_965[%mul3A_441, %dma_wait3A_966] : memref<10000x16xf32, #tpu.memory_space<hbm>> -> memref<625x16xf32, #tpu.memory_space<hbm>>
      tpu.wait_dma2 semaphore(%run_scoped3A_943 : memref<!tpu.dma_semaphore, #tpu.memory_space<semaphore_mem>>) src(%dma_wait3A_967 : memref<625x16xf32, #tpu.memory_space<hbm>>) dst(%arg22 : memref<625x16xf32, #tpu.memory_space<vmem>>)
      tpu.yield
    }) : () -> ()
    %run_scoped3A_465 = arith.constant 1 : i32
    "tpu.region"() ({
      %run_scoped3A_943 = tpu.sem_alloc : memref<!tpu.dma_semaphore, #tpu.memory_space<semaphore_mem>>
      %dma_start3A_944 = arith.constant 0 : i32
      %dma_start3A_945 = arith.constant 0 : i32
      %dma_start3A_946 = tpu.memref_slice %arg4[%run_scoped3A_465, %dma_start3A_944, %dma_start3A_945] : memref<2x10000x16xf32, #tpu.memory_space<hbm>> -> memref<1x10000x16xf32, #tpu.memory_space<hbm>>
      %dma_start3A_947 = tpu.memref_squeeze %dma_start3A_946 : memref<1x10000x16xf32, #tpu.memory_space<hbm>> -> memref<10000x16xf32, #tpu.memory_space<hbm>>
      %dma_start3A_948 = arith.constant 0 : i32
      %dma_start3A_949 = tpu.memref_slice %dma_start3A_947[%mul3A_441, %dma_start3A_948] : memref<10000x16xf32, #tpu.memory_space<hbm>> -> memref<625x16xf32, #tpu.memory_space<hbm>>
      %dma_start3A_950 = arith.constant 0 : i32
      %dma_start3A_951 = arith.constant 0 : i32
      %dma_start3A_952 = tpu.memref_slice %arg4[%run_scoped3A_465, %dma_start3A_950, %dma_start3A_951] : memref<2x10000x16xf32, #tpu.memory_space<hbm>> -> memref<1x10000x16xf32, #tpu.memory_space<hbm>>
      %dma_start3A_953 = tpu.memref_squeeze %dma_start3A_952 : memref<1x10000x16xf32, #tpu.memory_space<hbm>> -> memref<10000x16xf32, #tpu.memory_space<hbm>>
      %dma_start3A_954 = arith.constant 0 : i32
      %dma_start3A_955 = tpu.memref_slice %dma_start3A_953[%mul3A_441, %dma_start3A_954] : memref<10000x16xf32, #tpu.memory_space<hbm>> -> memref<625x16xf32, #tpu.memory_space<hbm>>
      tpu.enqueue_dma source(%dma_start3A_955 : memref<625x16xf32, #tpu.memory_space<hbm>>) target(%arg23 : memref<625x16xf32, #tpu.memory_space<vmem>>) target_semaphore(%run_scoped3A_943 : memref<!tpu.dma_semaphore, #tpu.memory_space<semaphore_mem>>)
      %dma_wait3A_956 = arith.constant 0 : i32
      %dma_wait3A_957 = arith.constant 0 : i32
      %dma_wait3A_958 = tpu.memref_slice %arg4[%run_scoped3A_465, %dma_wait3A_956, %dma_wait3A_957] : memref<2x10000x16xf32, #tpu.memory_space<hbm>> -> memref<1x10000x16xf32, #tpu.memory_space<hbm>>
      %dma_wait3A_959 = tpu.memref_squeeze %dma_wait3A_958 : memref<1x10000x16xf32, #tpu.memory_space<hbm>> -> memref<10000x16xf32, #tpu.memory_space<hbm>>
      %dma_wait3A_960 = arith.constant 0 : i32
      %dma_wait3A_961 = tpu.memref_slice %dma_wait3A_959[%mul3A_441, %dma_wait3A_960] : memref<10000x16xf32, #tpu.memory_space<hbm>> -> memref<625x16xf32, #tpu.memory_space<hbm>>
      %dma_wait3A_962 = arith.constant 0 : i32
      %dma_wait3A_963 = arith.constant 0 : i32
      %dma_wait3A_964 = tpu.memref_slice %arg4[%run_scoped3A_465, %dma_wait3A_962, %dma_wait3A_963] : memref<2x10000x16xf32, #tpu.memory_space<hbm>> -> memref<1x10000x16xf32, #tpu.memory_space<hbm>>
      %dma_wait3A_965 = tpu.memref_squeeze %dma_wait3A_964 : memref<1x10000x16xf32, #tpu.memory_space<hbm>> -> memref<10000x16xf32, #tpu.memory_space<hbm>>
      %dma_wait3A_966 = arith.constant 0 : i32
      %dma_wait3A_967 = tpu.memref_slice %dma_wait3A_965[%mul3A_441, %dma_wait3A_966] : memref<10000x16xf32, #tpu.memory_space<hbm>> -> memref<625x16xf32, #tpu.memory_space<hbm>>
      tpu.wait_dma2 semaphore(%run_scoped3A_943 : memref<!tpu.dma_semaphore, #tpu.memory_space<semaphore_mem>>) src(%dma_wait3A_967 : memref<625x16xf32, #tpu.memory_space<hbm>>) dst(%arg23 : memref<625x16xf32, #tpu.memory_space<vmem>>)
      tpu.yield
    }) : () -> ()
    "tpu.region"() ({
      %run_scoped3A_943 = tpu.sem_alloc : memref<!tpu.dma_semaphore, #tpu.memory_space<semaphore_mem>>
      tpu.enqueue_dma source(%arg5 : memref<16xf32, #tpu.memory_space<hbm>>) target(%arg26 : memref<16xf32, #tpu.memory_space<vmem>>) target_semaphore(%run_scoped3A_943 : memref<!tpu.dma_semaphore, #tpu.memory_space<semaphore_mem>>)
      tpu.wait_dma2 semaphore(%run_scoped3A_943 : memref<!tpu.dma_semaphore, #tpu.memory_space<semaphore_mem>>) src(%arg5 : memref<16xf32, #tpu.memory_space<hbm>>) dst(%arg26 : memref<16xf32, #tpu.memory_space<vmem>>)
      tpu.yield
    }) : () -> ()
    %get3A = arith.constant 0 : index
    %get3A_466 = tpu.vector_load %arg26[%get3A] {strides = array<i32>} : memref<16xf32, #tpu.memory_space<vmem>>, vector<16xf32>,
    %scan3A_467 = arith.constant 0 : i32
    %scan3A_468 = arith.constant 0 : i32
    %scan3A_469 = arith.constant 625 : i32
    %scan3A_470 = arith.addi %scan3A_468, %scan3A_469 : i32
    %scan3A_471 = arith.constant 1 : i32
    %scan3A_472 = scf.for %scan3A_943 = %scan3A_468 to %scan3A_470 step %scan3A_471 iter_args(%scan3A_944 = %scan3A_467) -> (i32)  : i32 {
      %add3A_945 = arith.addi %scan3A_943, %sub3A_463 : i32
      %get3A_946 = arith.index_cast %add3A_945 : i32 to index
      %get3A_947 = tpu.vector_load %arg14[%get3A_946] {strides = array<i32>} : memref<656xf32, #tpu.memory_space<vmem>>, vector<16xf32>,
      %slice3A = vector.extract_strided_slice %get3A_947 {offsets = [0], sizes = [1], strides = [1]} : vector<16xf32> to vector<1xf32>
      %squeeze3A = vector.extract %slice3A[0] : f32 from vector<1xf32>
      %add3A_948 = arith.constant 1.000000e+00 : f32
      %add3A_949 = arith.addf %squeeze3A, %add3A_948 : f32
      %broadcast_in_dim3A_950 = vector.broadcast %add3A_949 : f32 to vector<16xf32>
      %bitcast3A = vector.bitcast %broadcast_in_dim3A_950 : vector<16xf32> to vector<16xi32>
      %shift_right_logical3A = arith.constant 1 : i32
      %shift_right_logical3A_951 = vector.broadcast %shift_right_logical3A : i32 to vector<16xi32>
      %shift_right_logical3A_952 = arith.shrui %bitcast3A, %shift_right_logical3A_951 : vector<16xi32>
      %sub3A_953 = arith.constant 1597463007 : i32
      %sub3A_954 = vector.broadcast %sub3A_953 : i32 to vector<16xi32>
      %sub3A_955 = arith.subi %sub3A_954, %shift_right_logical3A_952 : vector<16xi32>
      %bitcast3A_956 = vector.bitcast %sub3A_955 : vector<16xi32> to vector<16xf32>
      %mul3A_957 = arith.constant 5.000000e-01 : f32
      %mul3A_958 = vector.broadcast %mul3A_957 : f32 to vector<16xf32>
      %mul3A_959 = arith.mulf %mul3A_958, %broadcast_in_dim3A_950 : vector<16xf32>
      %mul3A_960 = arith.mulf %mul3A_959, %bitcast3A_956 : vector<16xf32>
      %mul3A_961 = arith.mulf %mul3A_960, %bitcast3A_956 : vector<16xf32>
      %sub3A_962 = arith.constant 1.500000e+00 : f32
      %sub3A_963 = vector.broadcast %sub3A_962 : f32 to vector<16xf32>
      %sub3A_964 = arith.subf %sub3A_963, %mul3A_961 : vector<16xf32>
      %mul3A_965 = arith.mulf %bitcast3A_956, %sub3A_964 : vector<16xf32>
      %mul3A_966 = arith.constant 5.000000e-01 : f32
      %mul3A_967 = vector.broadcast %mul3A_966 : f32 to vector<16xf32>
      %mul3A_968 = arith.mulf %mul3A_967, %broadcast_in_dim3A_950 : vector<16xf32>
      %mul3A_969 = arith.mulf %mul3A_968, %mul3A_965 : vector<16xf32>
      %mul3A_970 = arith.mulf %mul3A_969, %mul3A_965 : vector<16xf32>
      %sub3A_971 = arith.constant 1.500000e+00 : f32
      %sub3A_972 = vector.broadcast %sub3A_971 : f32 to vector<16xf32>
      %sub3A_973 = arith.subf %sub3A_972, %mul3A_970 : vector<16xf32>
      %mul3A_974 = arith.mulf %mul3A_965, %sub3A_973 : vector<16xf32>
      %get3A_975 = arith.index_cast %scan3A_943 : i32 to index
      %get3A_976 = arith.constant 0 : index
      %get3A_977 = tpu.vector_load %arg22[%get3A_975, %get3A_976] {strides = array<i32>} : memref<625x16xf32, #tpu.memory_space<vmem>>, vector<16xf32>,
      %get3A_978 = arith.index_cast %scan3A_943 : i32 to index
      %get3A_979 = arith.constant 0 : index
      %get3A_980 = tpu.vector_load %arg23[%get3A_978, %get3A_979] {strides = array<i32>} : memref<625x16xf32, #tpu.memory_space<vmem>>, vector<16xf32>,
      %add3A_981 = arith.addf %get3A_977, %get3A_980 : vector<16xf32>
      %mul3A_982 = arith.mulf %mul3A_974, %add3A_981 : vector<16xf32>
      %mul3A_983 = arith.mulf %mul3A_974, %mul3A_974 : vector<16xf32>
      %get3A_984 = arith.index_cast %scan3A_943 : i32 to index
      %get3A_985 = arith.constant 0 : index
      %get3A_986 = tpu.vector_load %arg15[%get3A_984, %get3A_985] {strides = array<i32>} : memref<625x16xf32, #tpu.memory_space<vmem>>, vector<16xf32>,
      %mul3A_987 = arith.mulf %mul3A_983, %get3A_986 : vector<16xf32>
      %add3A_988 = arith.addf %mul3A_982, %mul3A_987 : vector<16xf32>
      %add3A_989 = arith.addf %add3A_988, %get3A_466 : vector<16xf32>
      %max3A = arith.constant 0.000000e+00 : f32
      %max3A_990 = vector.broadcast %max3A : f32 to vector<16xf32>
      %max3A_991 = arith.maximumf %add3A_989, %max3A_990 : vector<16xf32>
      %mul3A_992 = arith.mulf %max3A_991, %mul3A_974 : vector<16xf32>
      %swap3A_993 = arith.index_cast %scan3A_943 : i32 to index
      %swap3A_994 = arith.constant 0 : index
      %swap3A_995 = tpu.vector_load %arg15[%swap3A_993, %swap3A_994] {strides = array<i32>} : memref<625x16xf32, #tpu.memory_space<vmem>>, vector<16xf32>,
      tpu.vector_store %arg15[%swap3A_993, %swap3A_994], %mul3A_992 {strides = array<i32>} : memref<625x16xf32, #tpu.memory_space<vmem>>, vector<16xf32>,
      %mul3A_996 = arith.mulf %max3A_991, %mul3A_974 : vector<16xf32>
      %mul3A_997 = arith.mulf %mul3A_996, %mul3A_974 : vector<16xf32>
      %swap3A_998 = arith.index_cast %scan3A_943 : i32 to index
      %swap3A_999 = arith.constant 0 : index
      %swap3A_1000 = tpu.vector_load %arg24[%swap3A_998, %swap3A_999] {strides = array<i32>} : memref<625x16xf32, #tpu.memory_space<vmem>>, vector<16xf32>,
      tpu.vector_store %arg24[%swap3A_998, %swap3A_999], %mul3A_997 {strides = array<i32>} : memref<625x16xf32, #tpu.memory_space<vmem>>, vector<16xf32>,
      %swap3A_1001 = arith.index_cast %scan3A_943 : i32 to index
      %swap3A_1002 = arith.constant 0 : index
      %swap3A_1003 = tpu.vector_load %arg25[%swap3A_1001, %swap3A_1002] {strides = array<i32>} : memref<625x16xf32, #tpu.memory_space<vmem>>, vector<16xf32>,
      tpu.vector_store %arg25[%swap3A_1001, %swap3A_1002], %mul3A_974 {strides = array<i32>} : memref<625x16xf32, #tpu.memory_space<vmem>>, vector<16xf32>,
      %scan3A_1004 = arith.constant 0 : i32
      scf.yield %scan3A_1004 : i32
    }
    %scan3A_473 = arith.constant 625 : i32
    "tpu.region"() ({
      %run_scoped3A_943 = tpu.sem_alloc : memref<!tpu.dma_semaphore, #tpu.memory_space<semaphore_mem>>
      %dma_start3A_944 = arith.constant 0 : i32
      %dma_start3A_945 = tpu.memref_slice %arg16[%mul3A_441, %dma_start3A_944] : memref<10240x16xf32, #tpu.memory_space<vmem_shared>> -> memref<625x16xf32, #tpu.memory_space<vmem_shared>>
      %dma_start3A_946 = arith.constant 0 : i32
      %dma_start3A_947 = tpu.memref_slice %arg16[%mul3A_441, %dma_start3A_946] : memref<10240x16xf32, #tpu.memory_space<vmem_shared>> -> memref<625x16xf32, #tpu.memory_space<vmem_shared>>
      tpu.enqueue_dma source(%arg15 : memref<625x16xf32, #tpu.memory_space<vmem>>) target(%dma_start3A_947 : memref<625x16xf32, #tpu.memory_space<vmem_shared>>) target_semaphore(%run_scoped3A_943 : memref<!tpu.dma_semaphore, #tpu.memory_space<semaphore_mem>>)
      %dma_wait3A_948 = arith.constant 0 : i32
      %dma_wait3A_949 = tpu.memref_slice %arg16[%mul3A_441, %dma_wait3A_948] : memref<10240x16xf32, #tpu.memory_space<vmem_shared>> -> memref<625x16xf32, #tpu.memory_space<vmem_shared>>
      %dma_wait3A_950 = arith.constant 0 : i32
      %dma_wait3A_951 = tpu.memref_slice %arg16[%mul3A_441, %dma_wait3A_950] : memref<10240x16xf32, #tpu.memory_space<vmem_shared>> -> memref<625x16xf32, #tpu.memory_space<vmem_shared>>
      tpu.wait_dma2 semaphore(%run_scoped3A_943 : memref<!tpu.dma_semaphore, #tpu.memory_space<semaphore_mem>>) src(%arg15 : memref<625x16xf32, #tpu.memory_space<vmem>>) dst(%dma_wait3A_951 : memref<625x16xf32, #tpu.memory_space<vmem_shared>>)
      tpu.yield
    }) : () -> ()
    %barrier3A_474 = arith.constant 0 : index
    tpu.barrier barrier_id(%barrier3A_474)
    %dma_start3A_475 = arith.constant 0 : i32
    %dma_start3A_476 = arith.constant 0 : i32
    %dma_start3A_477 = arith.constant 0 : i32
    %dma_start3A_478 = arith.constant 0 : i32
    %dma_start3A_479 = tpu.memref_slice %arg10[%dma_start3A_475, %dma_start3A_477, %dma_start3A_478] : memref<6x128x16xf32, #tpu.memory_space<vmem>> -> memref<1x128x16xf32, #tpu.memory_space<vmem>>
    %dma_start3A_480 = tpu.memref_squeeze %dma_start3A_479 : memref<1x128x16xf32, #tpu.memory_space<vmem>> -> memref<128x16xf32, #tpu.memory_space<vmem>>
    %dma_start3A_481 = arith.constant 0 : i32
    %dma_start3A_482 = arith.constant 0 : i32
    %dma_start3A_483 = tpu.memref_slice %dma_start3A_480[%dma_start3A_481, %dma_start3A_482] : memref<128x16xf32, #tpu.memory_space<vmem>> -> memref<128x16xf32, #tpu.memory_space<vmem>>
    %dma_start3A_484 = arith.constant 0 : i32
    %dma_start3A_485 = tpu.memref_slice %arg7[%dma_start3A_484] : memref<10000xi32, #tpu.memory_space<vmem>> -> memref<128xi32, #tpu.memory_space<vmem>>
    %dma_start3A_486 = arith.constant 0 : i32
    %dma_start3A_487 = arith.constant 0 : i32
    %dma_start3A_488 = tpu.memref_slice %arg16[%dma_start3A_486, %dma_start3A_487] : memref<10240x16xf32, #tpu.memory_space<vmem_shared>> -> memref<10240x16xf32, #tpu.memory_space<vmem_shared>>
    %dma_start3A_489 = tpu.memref_slice %arg19[%dma_start3A_476] : memref<6x!tpu.dma_semaphore, #tpu.memory_space<semaphore_mem>> -> memref<1x!tpu.dma_semaphore, #tpu.memory_space<semaphore_mem>>
    %dma_start3A_490 = tpu.memref_squeeze %dma_start3A_489 : memref<1x!tpu.dma_semaphore, #tpu.memory_space<semaphore_mem>> -> memref<!tpu.dma_semaphore, #tpu.memory_space<semaphore_mem>>
    tpu.enqueue_indirect_dma source(%dma_start3A_488 : memref<10240x16xf32, #tpu.memory_space<vmem_shared>>) target(%dma_start3A_483 : memref<128x16xf32, #tpu.memory_space<vmem>>) offsets(%dma_start3A_485 : memref<128xi32, #tpu.memory_space<vmem>>) semaphore(%dma_start3A_490 : memref<!tpu.dma_semaphore, #tpu.memory_space<semaphore_mem>>)
    %dma_start3A_491 = arith.constant 1 : i32
    %dma_start3A_492 = arith.constant 1 : i32
    %dma_start3A_493 = arith.constant 0 : i32
    %dma_start3A_494 = arith.constant 0 : i32
    %dma_start3A_495 = tpu.memref_slice %arg10[%dma_start3A_491, %dma_start3A_493, %dma_start3A_494] : memref<6x128x16xf32, #tpu.memory_space<vmem>> -> memref<1x128x16xf32, #tpu.memory_space<vmem>>
    %dma_start3A_496 = tpu.memref_squeeze %dma_start3A_495 : memref<1x128x16xf32, #tpu.memory_space<vmem>> -> memref<128x16xf32, #tpu.memory_space<vmem>>
    %dma_start3A_497 = arith.constant 0 : i32
    %dma_start3A_498 = arith.constant 0 : i32
    %dma_start3A_499 = tpu.memref_slice %dma_start3A_496[%dma_start3A_497, %dma_start3A_498] : memref<128x16xf32, #tpu.memory_space<vmem>> -> memref<128x16xf32, #tpu.memory_space<vmem>>
    %dma_start3A_500 = arith.constant 128 : i32
    %dma_start3A_501 = tpu.memref_slice %arg7[%dma_start3A_500] : memref<10000xi32, #tpu.memory_space<vmem>> -> memref<128xi32, #tpu.memory_space<vmem>>
    %dma_start3A_502 = arith.constant 0 : i32
    %dma_start3A_503 = arith.constant 0 : i32
    %dma_start3A_504 = tpu.memref_slice %arg16[%dma_start3A_502, %dma_start3A_503] : memref<10240x16xf32, #tpu.memory_space<vmem_shared>> -> memref<10240x16xf32, #tpu.memory_space<vmem_shared>>
    %dma_start3A_505 = tpu.memref_slice %arg19[%dma_start3A_492] : memref<6x!tpu.dma_semaphore, #tpu.memory_space<semaphore_mem>> -> memref<1x!tpu.dma_semaphore, #tpu.memory_space<semaphore_mem>>
    %dma_start3A_506 = tpu.memref_squeeze %dma_start3A_505 : memref<1x!tpu.dma_semaphore, #tpu.memory_space<semaphore_mem>> -> memref<!tpu.dma_semaphore, #tpu.memory_space<semaphore_mem>>
    tpu.enqueue_indirect_dma source(%dma_start3A_504 : memref<10240x16xf32, #tpu.memory_space<vmem_shared>>) target(%dma_start3A_499 : memref<128x16xf32, #tpu.memory_space<vmem>>) offsets(%dma_start3A_501 : memref<128xi32, #tpu.memory_space<vmem>>) semaphore(%dma_start3A_506 : memref<!tpu.dma_semaphore, #tpu.memory_space<semaphore_mem>>)
    %dma_start3A_507 = arith.constant 2 : i32
    %dma_start3A_508 = arith.constant 2 : i32
    %dma_start3A_509 = arith.constant 0 : i32
    %dma_start3A_510 = arith.constant 0 : i32
    %dma_start3A_511 = tpu.memref_slice %arg10[%dma_start3A_507, %dma_start3A_509, %dma_start3A_510] : memref<6x128x16xf32, #tpu.memory_space<vmem>> -> memref<1x128x16xf32, #tpu.memory_space<vmem>>
    %dma_start3A_512 = tpu.memref_squeeze %dma_start3A_511 : memref<1x128x16xf32, #tpu.memory_space<vmem>> -> memref<128x16xf32, #tpu.memory_space<vmem>>
    %dma_start3A_513 = arith.constant 0 : i32
    %dma_start3A_514 = arith.constant 0 : i32
    %dma_start3A_515 = tpu.memref_slice %dma_start3A_512[%dma_start3A_513, %dma_start3A_514] : memref<128x16xf32, #tpu.memory_space<vmem>> -> memref<128x16xf32, #tpu.memory_space<vmem>>
    %dma_start3A_516 = arith.constant 256 : i32
    %dma_start3A_517 = tpu.memref_slice %arg7[%dma_start3A_516] : memref<10000xi32, #tpu.memory_space<vmem>> -> memref<128xi32, #tpu.memory_space<vmem>>
    %dma_start3A_518 = arith.constant 0 : i32
    %dma_start3A_519 = arith.constant 0 : i32
    %dma_start3A_520 = tpu.memref_slice %arg16[%dma_start3A_518, %dma_start3A_519] : memref<10240x16xf32, #tpu.memory_space<vmem_shared>> -> memref<10240x16xf32, #tpu.memory_space<vmem_shared>>
    %dma_start3A_521 = tpu.memref_slice %arg19[%dma_start3A_508] : memref<6x!tpu.dma_semaphore, #tpu.memory_space<semaphore_mem>> -> memref<1x!tpu.dma_semaphore, #tpu.memory_space<semaphore_mem>>
    %dma_start3A_522 = tpu.memref_squeeze %dma_start3A_521 : memref<1x!tpu.dma_semaphore, #tpu.memory_space<semaphore_mem>> -> memref<!tpu.dma_semaphore, #tpu.memory_space<semaphore_mem>>
    tpu.enqueue_indirect_dma source(%dma_start3A_520 : memref<10240x16xf32, #tpu.memory_space<vmem_shared>>) target(%dma_start3A_515 : memref<128x16xf32, #tpu.memory_space<vmem>>) offsets(%dma_start3A_517 : memref<128xi32, #tpu.memory_space<vmem>>) semaphore(%dma_start3A_522 : memref<!tpu.dma_semaphore, #tpu.memory_space<semaphore_mem>>)
    %dma_start3A_523 = arith.constant 3 : i32
    %dma_start3A_524 = arith.constant 3 : i32
    %dma_start3A_525 = arith.constant 0 : i32
    %dma_start3A_526 = arith.constant 0 : i32
    %dma_start3A_527 = tpu.memref_slice %arg10[%dma_start3A_523, %dma_start3A_525, %dma_start3A_526] : memref<6x128x16xf32, #tpu.memory_space<vmem>> -> memref<1x128x16xf32, #tpu.memory_space<vmem>>
    %dma_start3A_528 = tpu.memref_squeeze %dma_start3A_527 : memref<1x128x16xf32, #tpu.memory_space<vmem>> -> memref<128x16xf32, #tpu.memory_space<vmem>>
    %dma_start3A_529 = arith.constant 0 : i32
    %dma_start3A_530 = arith.constant 0 : i32
    %dma_start3A_531 = tpu.memref_slice %dma_start3A_528[%dma_start3A_529, %dma_start3A_530] : memref<128x16xf32, #tpu.memory_space<vmem>> -> memref<128x16xf32, #tpu.memory_space<vmem>>
    %dma_start3A_532 = arith.constant 384 : i32
    %dma_start3A_533 = tpu.memref_slice %arg7[%dma_start3A_532] : memref<10000xi32, #tpu.memory_space<vmem>> -> memref<128xi32, #tpu.memory_space<vmem>>
    %dma_start3A_534 = arith.constant 0 : i32
    %dma_start3A_535 = arith.constant 0 : i32
    %dma_start3A_536 = tpu.memref_slice %arg16[%dma_start3A_534, %dma_start3A_535] : memref<10240x16xf32, #tpu.memory_space<vmem_shared>> -> memref<10240x16xf32, #tpu.memory_space<vmem_shared>>
    %dma_start3A_537 = tpu.memref_slice %arg19[%dma_start3A_524] : memref<6x!tpu.dma_semaphore, #tpu.memory_space<semaphore_mem>> -> memref<1x!tpu.dma_semaphore, #tpu.memory_space<semaphore_mem>>
    %dma_start3A_538 = tpu.memref_squeeze %dma_start3A_537 : memref<1x!tpu.dma_semaphore, #tpu.memory_space<semaphore_mem>> -> memref<!tpu.dma_semaphore, #tpu.memory_space<semaphore_mem>>
    tpu.enqueue_indirect_dma source(%dma_start3A_536 : memref<10240x16xf32, #tpu.memory_space<vmem_shared>>) target(%dma_start3A_531 : memref<128x16xf32, #tpu.memory_space<vmem>>) offsets(%dma_start3A_533 : memref<128xi32, #tpu.memory_space<vmem>>) semaphore(%dma_start3A_538 : memref<!tpu.dma_semaphore, #tpu.memory_space<semaphore_mem>>)
    %dma_wait3A_539 = arith.constant 0 : i32
    %dma_wait3A_540 = arith.constant 0 : i32
    %dma_wait3A_541 = arith.constant 0 : i32
    %dma_wait3A_542 = arith.constant 0 : i32
    %dma_wait3A_543 = tpu.memref_slice %arg10[%dma_wait3A_539, %dma_wait3A_541, %dma_wait3A_542] : memref<6x128x16xf32, #tpu.memory_space<vmem>> -> memref<1x128x16xf32, #tpu.memory_space<vmem>>
    %dma_wait3A_544 = tpu.memref_squeeze %dma_wait3A_543 : memref<1x128x16xf32, #tpu.memory_space<vmem>> -> memref<128x16xf32, #tpu.memory_space<vmem>>
    %dma_wait3A_545 = arith.constant 0 : i32
    %dma_wait3A_546 = arith.constant 0 : i32
    %dma_wait3A_547 = tpu.memref_slice %dma_wait3A_544[%dma_wait3A_545, %dma_wait3A_546] : memref<128x16xf32, #tpu.memory_space<vmem>> -> memref<128x16xf32, #tpu.memory_space<vmem>>
    %dma_wait3A_548 = arith.constant 0 : i32
    %dma_wait3A_549 = tpu.memref_slice %arg7[%dma_wait3A_548] : memref<10000xi32, #tpu.memory_space<vmem>> -> memref<128xi32, #tpu.memory_space<vmem>>
    %dma_wait3A_550 = arith.constant 0 : i32
    %dma_wait3A_551 = arith.constant 0 : i32
    %dma_wait3A_552 = tpu.memref_slice %arg16[%dma_wait3A_550, %dma_wait3A_551] : memref<10240x16xf32, #tpu.memory_space<vmem_shared>> -> memref<10240x16xf32, #tpu.memory_space<vmem_shared>>
    %dma_wait3A_553 = tpu.memref_slice %arg19[%dma_wait3A_540] : memref<6x!tpu.dma_semaphore, #tpu.memory_space<semaphore_mem>> -> memref<1x!tpu.dma_semaphore, #tpu.memory_space<semaphore_mem>>
    %dma_wait3A_554 = tpu.memref_squeeze %dma_wait3A_553 : memref<1x!tpu.dma_semaphore, #tpu.memory_space<semaphore_mem>> -> memref<!tpu.dma_semaphore, #tpu.memory_space<semaphore_mem>>
    tpu.wait_indirect_dma semaphore(%dma_wait3A_554 : memref<!tpu.dma_semaphore, #tpu.memory_space<semaphore_mem>>) src(%dma_wait3A_552 : memref<10240x16xf32, #tpu.memory_space<vmem_shared>>) dst(%dma_wait3A_547 : memref<128x16xf32, #tpu.memory_space<vmem>>)
    %dma_start3A_555 = arith.constant 0 : i32
    %dma_start3A_556 = arith.constant 0 : i32
    %dma_start3A_557 = arith.constant 0 : i32
    %dma_start3A_558 = arith.constant 0 : i32
    %dma_start3A_559 = tpu.memref_slice %arg10[%dma_start3A_555, %dma_start3A_557, %dma_start3A_558] : memref<6x128x16xf32, #tpu.memory_space<vmem>> -> memref<1x128x16xf32, #tpu.memory_space<vmem>>
    %dma_start3A_560 = tpu.memref_squeeze %dma_start3A_559 : memref<1x128x16xf32, #tpu.memory_space<vmem>> -> memref<128x16xf32, #tpu.memory_space<vmem>>
    %dma_start3A_561 = arith.constant 0 : i32
    %dma_start3A_562 = arith.constant 0 : i32
    %dma_start3A_563 = tpu.memref_slice %dma_start3A_560[%dma_start3A_561, %dma_start3A_562] : memref<128x16xf32, #tpu.memory_space<vmem>> -> memref<128x16xf32, #tpu.memory_space<vmem>>
    %dma_start3A_564 = arith.constant 0 : i32
    %dma_start3A_565 = tpu.memref_slice %arg8[%dma_start3A_564] : memref<10000xi32, #tpu.memory_space<vmem>> -> memref<128xi32, #tpu.memory_space<vmem>>
    %dma_start3A_566 = arith.constant 0 : i32
    %dma_start3A_567 = arith.constant 0 : i32
    %dma_start3A_568 = tpu.memref_slice %arg17[%dma_start3A_566, %dma_start3A_567] : memref<10240x16xf32, #tpu.memory_space<vmem_shared>> -> memref<10240x16xf32, #tpu.memory_space<vmem_shared>>
    %dma_start3A_569 = tpu.memref_slice %arg20[%dma_start3A_556] : memref<6x!tpu.dma_semaphore, #tpu.memory_space<semaphore_mem>> -> memref<1x!tpu.dma_semaphore, #tpu.memory_space<semaphore_mem>>
    %dma_start3A_570 = tpu.memref_squeeze %dma_start3A_569 : memref<1x!tpu.dma_semaphore, #tpu.memory_space<semaphore_mem>> -> memref<!tpu.dma_semaphore, #tpu.memory_space<semaphore_mem>>
    tpu.enqueue_indirect_dma source(%dma_start3A_563 : memref<128x16xf32, #tpu.memory_space<vmem>>) target(%dma_start3A_568 : memref<10240x16xf32, #tpu.memory_space<vmem_shared>>) offsets(%dma_start3A_565 : memref<128xi32, #tpu.memory_space<vmem>>) semaphore(%dma_start3A_570 : memref<!tpu.dma_semaphore, #tpu.memory_space<semaphore_mem>>) {add = true}
    %dma_start3A_571 = arith.constant 4 : i32
    %dma_start3A_572 = arith.constant 4 : i32
    %dma_start3A_573 = arith.constant 0 : i32
    %dma_start3A_574 = arith.constant 0 : i32
    %dma_start3A_575 = tpu.memref_slice %arg10[%dma_start3A_571, %dma_start3A_573, %dma_start3A_574] : memref<6x128x16xf32, #tpu.memory_space<vmem>> -> memref<1x128x16xf32, #tpu.memory_space<vmem>>
    %dma_start3A_576 = tpu.memref_squeeze %dma_start3A_575 : memref<1x128x16xf32, #tpu.memory_space<vmem>> -> memref<128x16xf32, #tpu.memory_space<vmem>>
    %dma_start3A_577 = arith.constant 0 : i32
    %dma_start3A_578 = arith.constant 0 : i32
    %dma_start3A_579 = tpu.memref_slice %dma_start3A_576[%dma_start3A_577, %dma_start3A_578] : memref<128x16xf32, #tpu.memory_space<vmem>> -> memref<128x16xf32, #tpu.memory_space<vmem>>
    %dma_start3A_580 = arith.constant 512 : i32
    %dma_start3A_581 = tpu.memref_slice %arg7[%dma_start3A_580] : memref<10000xi32, #tpu.memory_space<vmem>> -> memref<128xi32, #tpu.memory_space<vmem>>
    %dma_start3A_582 = arith.constant 0 : i32
    %dma_start3A_583 = arith.constant 0 : i32
    %dma_start3A_584 = tpu.memref_slice %arg16[%dma_start3A_582, %dma_start3A_583] : memref<10240x16xf32, #tpu.memory_space<vmem_shared>> -> memref<10240x16xf32, #tpu.memory_space<vmem_shared>>
    %dma_start3A_585 = tpu.memref_slice %arg19[%dma_start3A_572] : memref<6x!tpu.dma_semaphore, #tpu.memory_space<semaphore_mem>> -> memref<1x!tpu.dma_semaphore, #tpu.memory_space<semaphore_mem>>
    %dma_start3A_586 = tpu.memref_squeeze %dma_start3A_585 : memref<1x!tpu.dma_semaphore, #tpu.memory_space<semaphore_mem>> -> memref<!tpu.dma_semaphore, #tpu.memory_space<semaphore_mem>>
    tpu.enqueue_indirect_dma source(%dma_start3A_584 : memref<10240x16xf32, #tpu.memory_space<vmem_shared>>) target(%dma_start3A_579 : memref<128x16xf32, #tpu.memory_space<vmem>>) offsets(%dma_start3A_581 : memref<128xi32, #tpu.memory_space<vmem>>) semaphore(%dma_start3A_586 : memref<!tpu.dma_semaphore, #tpu.memory_space<semaphore_mem>>)
    %dma_wait3A_587 = arith.constant 1 : i32
    %dma_wait3A_588 = arith.constant 1 : i32
    %dma_wait3A_589 = arith.constant 0 : i32
    %dma_wait3A_590 = arith.constant 0 : i32
    %dma_wait3A_591 = tpu.memref_slice %arg10[%dma_wait3A_587, %dma_wait3A_589, %dma_wait3A_590] : memref<6x128x16xf32, #tpu.memory_space<vmem>> -> memref<1x128x16xf32, #tpu.memory_space<vmem>>
    %dma_wait3A_592 = tpu.memref_squeeze %dma_wait3A_591 : memref<1x128x16xf32, #tpu.memory_space<vmem>> -> memref<128x16xf32, #tpu.memory_space<vmem>>
    %dma_wait3A_593 = arith.constant 0 : i32
    %dma_wait3A_594 = arith.constant 0 : i32
    %dma_wait3A_595 = tpu.memref_slice %dma_wait3A_592[%dma_wait3A_593, %dma_wait3A_594] : memref<128x16xf32, #tpu.memory_space<vmem>> -> memref<128x16xf32, #tpu.memory_space<vmem>>
    %dma_wait3A_596 = arith.constant 128 : i32
    %dma_wait3A_597 = tpu.memref_slice %arg7[%dma_wait3A_596] : memref<10000xi32, #tpu.memory_space<vmem>> -> memref<128xi32, #tpu.memory_space<vmem>>
    %dma_wait3A_598 = arith.constant 0 : i32
    %dma_wait3A_599 = arith.constant 0 : i32
    %dma_wait3A_600 = tpu.memref_slice %arg16[%dma_wait3A_598, %dma_wait3A_599] : memref<10240x16xf32, #tpu.memory_space<vmem_shared>> -> memref<10240x16xf32, #tpu.memory_space<vmem_shared>>
    %dma_wait3A_601 = tpu.memref_slice %arg19[%dma_wait3A_588] : memref<6x!tpu.dma_semaphore, #tpu.memory_space<semaphore_mem>> -> memref<1x!tpu.dma_semaphore, #tpu.memory_space<semaphore_mem>>
    %dma_wait3A_602 = tpu.memref_squeeze %dma_wait3A_601 : memref<1x!tpu.dma_semaphore, #tpu.memory_space<semaphore_mem>> -> memref<!tpu.dma_semaphore, #tpu.memory_space<semaphore_mem>>
    tpu.wait_indirect_dma semaphore(%dma_wait3A_602 : memref<!tpu.dma_semaphore, #tpu.memory_space<semaphore_mem>>) src(%dma_wait3A_600 : memref<10240x16xf32, #tpu.memory_space<vmem_shared>>) dst(%dma_wait3A_595 : memref<128x16xf32, #tpu.memory_space<vmem>>)
    %dma_start3A_603 = arith.constant 1 : i32
    %dma_start3A_604 = arith.constant 1 : i32
    %dma_start3A_605 = arith.constant 0 : i32
    %dma_start3A_606 = arith.constant 0 : i32
    %dma_start3A_607 = tpu.memref_slice %arg10[%dma_start3A_603, %dma_start3A_605, %dma_start3A_606] : memref<6x128x16xf32, #tpu.memory_space<vmem>> -> memref<1x128x16xf32, #tpu.memory_space<vmem>>
    %dma_start3A_608 = tpu.memref_squeeze %dma_start3A_607 : memref<1x128x16xf32, #tpu.memory_space<vmem>> -> memref<128x16xf32, #tpu.memory_space<vmem>>
    %dma_start3A_609 = arith.constant 0 : i32
    %dma_start3A_610 = arith.constant 0 : i32
    %dma_start3A_611 = tpu.memref_slice %dma_start3A_608[%dma_start3A_609, %dma_start3A_610] : memref<128x16xf32, #tpu.memory_space<vmem>> -> memref<128x16xf32, #tpu.memory_space<vmem>>
    %dma_start3A_612 = arith.constant 128 : i32
    %dma_start3A_613 = tpu.memref_slice %arg8[%dma_start3A_612] : memref<10000xi32, #tpu.memory_space<vmem>> -> memref<128xi32, #tpu.memory_space<vmem>>
    %dma_start3A_614 = arith.constant 0 : i32
    %dma_start3A_615 = arith.constant 0 : i32
    %dma_start3A_616 = tpu.memref_slice %arg17[%dma_start3A_614, %dma_start3A_615] : memref<10240x16xf32, #tpu.memory_space<vmem_shared>> -> memref<10240x16xf32, #tpu.memory_space<vmem_shared>>
    %dma_start3A_617 = tpu.memref_slice %arg20[%dma_start3A_604] : memref<6x!tpu.dma_semaphore, #tpu.memory_space<semaphore_mem>> -> memref<1x!tpu.dma_semaphore, #tpu.memory_space<semaphore_mem>>
    %dma_start3A_618 = tpu.memref_squeeze %dma_start3A_617 : memref<1x!tpu.dma_semaphore, #tpu.memory_space<semaphore_mem>> -> memref<!tpu.dma_semaphore, #tpu.memory_space<semaphore_mem>>
    tpu.enqueue_indirect_dma source(%dma_start3A_611 : memref<128x16xf32, #tpu.memory_space<vmem>>) target(%dma_start3A_616 : memref<10240x16xf32, #tpu.memory_space<vmem_shared>>) offsets(%dma_start3A_613 : memref<128xi32, #tpu.memory_space<vmem>>) semaphore(%dma_start3A_618 : memref<!tpu.dma_semaphore, #tpu.memory_space<semaphore_mem>>) {add = true}
    %dma_start3A_619 = arith.constant 5 : i32
    %dma_start3A_620 = arith.constant 5 : i32
    %dma_start3A_621 = arith.constant 0 : i32
    %dma_start3A_622 = arith.constant 0 : i32
    %dma_start3A_623 = tpu.memref_slice %arg10[%dma_start3A_619, %dma_start3A_621, %dma_start3A_622] : memref<6x128x16xf32, #tpu.memory_space<vmem>> -> memref<1x128x16xf32, #tpu.memory_space<vmem>>
    %dma_start3A_624 = tpu.memref_squeeze %dma_start3A_623 : memref<1x128x16xf32, #tpu.memory_space<vmem>> -> memref<128x16xf32, #tpu.memory_space<vmem>>
    %dma_start3A_625 = arith.constant 0 : i32
    %dma_start3A_626 = arith.constant 0 : i32
    %dma_start3A_627 = tpu.memref_slice %dma_start3A_624[%dma_start3A_625, %dma_start3A_626] : memref<128x16xf32, #tpu.memory_space<vmem>> -> memref<128x16xf32, #tpu.memory_space<vmem>>
    %dma_start3A_628 = arith.constant 640 : i32
    %dma_start3A_629 = tpu.memref_slice %arg7[%dma_start3A_628] : memref<10000xi32, #tpu.memory_space<vmem>> -> memref<128xi32, #tpu.memory_space<vmem>>
    %dma_start3A_630 = arith.constant 0 : i32
    %dma_start3A_631 = arith.constant 0 : i32
    %dma_start3A_632 = tpu.memref_slice %arg16[%dma_start3A_630, %dma_start3A_631] : memref<10240x16xf32, #tpu.memory_space<vmem_shared>> -> memref<10240x16xf32, #tpu.memory_space<vmem_shared>>
    %dma_start3A_633 = tpu.memref_slice %arg19[%dma_start3A_620] : memref<6x!tpu.dma_semaphore, #tpu.memory_space<semaphore_mem>> -> memref<1x!tpu.dma_semaphore, #tpu.memory_space<semaphore_mem>>
    %dma_start3A_634 = tpu.memref_squeeze %dma_start3A_633 : memref<1x!tpu.dma_semaphore, #tpu.memory_space<semaphore_mem>> -> memref<!tpu.dma_semaphore, #tpu.memory_space<semaphore_mem>>
    tpu.enqueue_indirect_dma source(%dma_start3A_632 : memref<10240x16xf32, #tpu.memory_space<vmem_shared>>) target(%dma_start3A_627 : memref<128x16xf32, #tpu.memory_space<vmem>>) offsets(%dma_start3A_629 : memref<128xi32, #tpu.memory_space<vmem>>) semaphore(%dma_start3A_634 : memref<!tpu.dma_semaphore, #tpu.memory_space<semaphore_mem>>)
    %dma_wait3A_635 = arith.constant 2 : i32
    %dma_wait3A_636 = arith.constant 2 : i32
    %dma_wait3A_637 = arith.constant 0 : i32
    %dma_wait3A_638 = arith.constant 0 : i32
    %dma_wait3A_639 = tpu.memref_slice %arg10[%dma_wait3A_635, %dma_wait3A_637, %dma_wait3A_638] : memref<6x128x16xf32, #tpu.memory_space<vmem>> -> memref<1x128x16xf32, #tpu.memory_space<vmem>>
    %dma_wait3A_640 = tpu.memref_squeeze %dma_wait3A_639 : memref<1x128x16xf32, #tpu.memory_space<vmem>> -> memref<128x16xf32, #tpu.memory_space<vmem>>
    %dma_wait3A_641 = arith.constant 0 : i32
    %dma_wait3A_642 = arith.constant 0 : i32
    %dma_wait3A_643 = tpu.memref_slice %dma_wait3A_640[%dma_wait3A_641, %dma_wait3A_642] : memref<128x16xf32, #tpu.memory_space<vmem>> -> memref<128x16xf32, #tpu.memory_space<vmem>>
    %dma_wait3A_644 = arith.constant 256 : i32
    %dma_wait3A_645 = tpu.memref_slice %arg7[%dma_wait3A_644] : memref<10000xi32, #tpu.memory_space<vmem>> -> memref<128xi32, #tpu.memory_space<vmem>>
    %dma_wait3A_646 = arith.constant 0 : i32
    %dma_wait3A_647 = arith.constant 0 : i32
    %dma_wait3A_648 = tpu.memref_slice %arg16[%dma_wait3A_646, %dma_wait3A_647] : memref<10240x16xf32, #tpu.memory_space<vmem_shared>> -> memref<10240x16xf32, #tpu.memory_space<vmem_shared>>
    %dma_wait3A_649 = tpu.memref_slice %arg19[%dma_wait3A_636] : memref<6x!tpu.dma_semaphore, #tpu.memory_space<semaphore_mem>> -> memref<1x!tpu.dma_semaphore, #tpu.memory_space<semaphore_mem>>
    %dma_wait3A_650 = tpu.memref_squeeze %dma_wait3A_649 : memref<1x!tpu.dma_semaphore, #tpu.memory_space<semaphore_mem>> -> memref<!tpu.dma_semaphore, #tpu.memory_space<semaphore_mem>>
    tpu.wait_indirect_dma semaphore(%dma_wait3A_650 : memref<!tpu.dma_semaphore, #tpu.memory_space<semaphore_mem>>) src(%dma_wait3A_648 : memref<10240x16xf32, #tpu.memory_space<vmem_shared>>) dst(%dma_wait3A_643 : memref<128x16xf32, #tpu.memory_space<vmem>>)
    %dma_start3A_651 = arith.constant 2 : i32
    %dma_start3A_652 = arith.constant 2 : i32
    %dma_start3A_653 = arith.constant 0 : i32
    %dma_start3A_654 = arith.constant 0 : i32
    %dma_start3A_655 = tpu.memref_slice %arg10[%dma_start3A_651, %dma_start3A_653, %dma_start3A_654] : memref<6x128x16xf32, #tpu.memory_space<vmem>> -> memref<1x128x16xf32, #tpu.memory_space<vmem>>
    %dma_start3A_656 = tpu.memref_squeeze %dma_start3A_655 : memref<1x128x16xf32, #tpu.memory_space<vmem>> -> memref<128x16xf32, #tpu.memory_space<vmem>>
    %dma_start3A_657 = arith.constant 0 : i32
    %dma_start3A_658 = arith.constant 0 : i32
    %dma_start3A_659 = tpu.memref_slice %dma_start3A_656[%dma_start3A_657, %dma_start3A_658] : memref<128x16xf32, #tpu.memory_space<vmem>> -> memref<128x16xf32, #tpu.memory_space<vmem>>
    %dma_start3A_660 = arith.constant 256 : i32
    %dma_start3A_661 = tpu.memref_slice %arg8[%dma_start3A_660] : memref<10000xi32, #tpu.memory_space<vmem>> -> memref<128xi32, #tpu.memory_space<vmem>>
    %dma_start3A_662 = arith.constant 0 : i32
    %dma_start3A_663 = arith.constant 0 : i32
    %dma_start3A_664 = tpu.memref_slice %arg17[%dma_start3A_662, %dma_start3A_663] : memref<10240x16xf32, #tpu.memory_space<vmem_shared>> -> memref<10240x16xf32, #tpu.memory_space<vmem_shared>>
    %dma_start3A_665 = tpu.memref_slice %arg20[%dma_start3A_652] : memref<6x!tpu.dma_semaphore, #tpu.memory_space<semaphore_mem>> -> memref<1x!tpu.dma_semaphore, #tpu.memory_space<semaphore_mem>>
    %dma_start3A_666 = tpu.memref_squeeze %dma_start3A_665 : memref<1x!tpu.dma_semaphore, #tpu.memory_space<semaphore_mem>> -> memref<!tpu.dma_semaphore, #tpu.memory_space<semaphore_mem>>
    tpu.enqueue_indirect_dma source(%dma_start3A_659 : memref<128x16xf32, #tpu.memory_space<vmem>>) target(%dma_start3A_664 : memref<10240x16xf32, #tpu.memory_space<vmem_shared>>) offsets(%dma_start3A_661 : memref<128xi32, #tpu.memory_space<vmem>>) semaphore(%dma_start3A_666 : memref<!tpu.dma_semaphore, #tpu.memory_space<semaphore_mem>>) {add = true}
    %scan3A_667 = arith.constant 0 : i32
    %scan3A_668 = arith.constant 6 : i32
    %scan3A_669 = arith.constant 72 : i32
    %scan3A_670 = arith.addi %scan3A_668, %scan3A_669 : i32
    %scan3A_671 = arith.constant 1 : i32
    %scan3A_672 = scf.for %scan3A_943 = %scan3A_668 to %scan3A_670 step %scan3A_671 iter_args(%scan3A_944 = %scan3A_667) -> (i32)  : i32 {
      %sub3A_945 = arith.constant 6 : i32
      %sub3A_946 = arith.subi %scan3A_943, %sub3A_945 : i32
      %jit3A_947 = arith.constant 6 : i32
      %eq3A_948 = arith.constant 0 : i32
      %eq3A_949 = arith.cmpi eq, %jit3A_947, %eq3A_948 : i32
      %jit3A_950 = arith.constant 1 : i32
      %select_n3A_951 = arith.select %eq3A_949, %jit3A_950, %jit3A_947 : i32
      %rem3A_952 = arith.remsi %sub3A_946, %select_n3A_951 : i32
      %ne3A_953 = arith.constant 0 : i32
      %ne3A_954 = arith.cmpi ne, %rem3A_952, %ne3A_953 : i32
      %lt3A = arith.constant 0 : i32
      %lt3A_955 = arith.cmpi slt, %rem3A_952, %lt3A : i32
      %lt3A_956 = arith.constant 0 : i32
      %lt3A_957 = arith.cmpi slt, %select_n3A_951, %lt3A_956 : i32
      %ne3A_958 = arith.xori %lt3A_955, %lt3A_957 : i1
      %and3A_959 = arith.andi %ne3A_958, %ne3A_954 : i1
      %add3A_960 = arith.addi %rem3A_952, %select_n3A_951 : i32
      %select_n3A_961 = arith.select %and3A_959, %add3A_960, %rem3A_952 : i32
      %mul3A_962 = arith.constant 128 : i32
      %mul3A_963 = arith.muli %sub3A_946, %mul3A_962 : i32
      %dma_wait3A_964 = arith.constant 0 : i32
      %dma_wait3A_965 = arith.constant 0 : i32
      %dma_wait3A_966 = tpu.memref_slice %arg10[%select_n3A_961, %dma_wait3A_964, %dma_wait3A_965] : memref<6x128x16xf32, #tpu.memory_space<vmem>> -> memref<1x128x16xf32, #tpu.memory_space<vmem>>
      %dma_wait3A_967 = tpu.memref_squeeze %dma_wait3A_966 : memref<1x128x16xf32, #tpu.memory_space<vmem>> -> memref<128x16xf32, #tpu.memory_space<vmem>>
      %dma_wait3A_968 = arith.constant 0 : i32
      %dma_wait3A_969 = arith.constant 0 : i32
      %dma_wait3A_970 = tpu.memref_slice %dma_wait3A_967[%dma_wait3A_968, %dma_wait3A_969] : memref<128x16xf32, #tpu.memory_space<vmem>> -> memref<128x16xf32, #tpu.memory_space<vmem>>
      %dma_wait3A_971 = tpu.memref_slice %arg8[%mul3A_963] : memref<10000xi32, #tpu.memory_space<vmem>> -> memref<128xi32, #tpu.memory_space<vmem>>
      %dma_wait3A_972 = arith.constant 0 : i32
      %dma_wait3A_973 = arith.constant 0 : i32
      %dma_wait3A_974 = tpu.memref_slice %arg17[%dma_wait3A_972, %dma_wait3A_973] : memref<10240x16xf32, #tpu.memory_space<vmem_shared>> -> memref<10240x16xf32, #tpu.memory_space<vmem_shared>>
      %dma_wait3A_975 = tpu.memref_slice %arg20[%select_n3A_961] : memref<6x!tpu.dma_semaphore, #tpu.memory_space<semaphore_mem>> -> memref<1x!tpu.dma_semaphore, #tpu.memory_space<semaphore_mem>>
      %dma_wait3A_976 = tpu.memref_squeeze %dma_wait3A_975 : memref<1x!tpu.dma_semaphore, #tpu.memory_space<semaphore_mem>> -> memref<!tpu.dma_semaphore, #tpu.memory_space<semaphore_mem>>
      tpu.wait_indirect_dma semaphore(%dma_wait3A_976 : memref<!tpu.dma_semaphore, #tpu.memory_space<semaphore_mem>>) src(%dma_wait3A_970 : memref<128x16xf32, #tpu.memory_space<vmem>>) dst(%dma_wait3A_974 : memref<10240x16xf32, #tpu.memory_space<vmem_shared>>)
      %jit3A_977 = arith.constant 6 : i32
      %eq3A_978 = arith.constant 0 : i32
      %eq3A_979 = arith.cmpi eq, %jit3A_977, %eq3A_978 : i32
      %jit3A_980 = arith.constant 1 : i32
      %select_n3A_981 = arith.select %eq3A_979, %jit3A_980, %jit3A_977 : i32
      %rem3A_982 = arith.remsi %scan3A_943, %select_n3A_981 : i32
      %ne3A_983 = arith.constant 0 : i32
      %ne3A_984 = arith.cmpi ne, %rem3A_982, %ne3A_983 : i32
      %lt3A_985 = arith.constant 0 : i32
      %lt3A_986 = arith.cmpi slt, %rem3A_982, %lt3A_985 : i32
      %lt3A_987 = arith.constant 0 : i32
      %lt3A_988 = arith.cmpi slt, %select_n3A_981, %lt3A_987 : i32
      %ne3A_989 = arith.xori %lt3A_986, %lt3A_988 : i1
      %and3A_990 = arith.andi %ne3A_989, %ne3A_984 : i1
      %add3A_991 = arith.addi %rem3A_982, %select_n3A_981 : i32
      %select_n3A_992 = arith.select %and3A_990, %add3A_991, %rem3A_982 : i32
      %mul3A_993 = arith.constant 128 : i32
      %mul3A_994 = arith.muli %scan3A_943, %mul3A_993 : i32
      %dma_start3A_995 = arith.constant 0 : i32
      %dma_start3A_996 = arith.constant 0 : i32
      %dma_start3A_997 = tpu.memref_slice %arg10[%select_n3A_992, %dma_start3A_995, %dma_start3A_996] : memref<6x128x16xf32, #tpu.memory_space<vmem>> -> memref<1x128x16xf32, #tpu.memory_space<vmem>>
      %dma_start3A_998 = tpu.memref_squeeze %dma_start3A_997 : memref<1x128x16xf32, #tpu.memory_space<vmem>> -> memref<128x16xf32, #tpu.memory_space<vmem>>
      %dma_start3A_999 = arith.constant 0 : i32
      %dma_start3A_1000 = arith.constant 0 : i32
      %dma_start3A_1001 = tpu.memref_slice %dma_start3A_998[%dma_start3A_999, %dma_start3A_1000] : memref<128x16xf32, #tpu.memory_space<vmem>> -> memref<128x16xf32, #tpu.memory_space<vmem>>
      %dma_start3A_1002 = tpu.memref_slice %arg7[%mul3A_994] : memref<10000xi32, #tpu.memory_space<vmem>> -> memref<128xi32, #tpu.memory_space<vmem>>
      %dma_start3A_1003 = arith.constant 0 : i32
      %dma_start3A_1004 = arith.constant 0 : i32
      %dma_start3A_1005 = tpu.memref_slice %arg16[%dma_start3A_1003, %dma_start3A_1004] : memref<10240x16xf32, #tpu.memory_space<vmem_shared>> -> memref<10240x16xf32, #tpu.memory_space<vmem_shared>>
      %dma_start3A_1006 = tpu.memref_slice %arg19[%select_n3A_992] : memref<6x!tpu.dma_semaphore, #tpu.memory_space<semaphore_mem>> -> memref<1x!tpu.dma_semaphore, #tpu.memory_space<semaphore_mem>>
      %dma_start3A_1007 = tpu.memref_squeeze %dma_start3A_1006 : memref<1x!tpu.dma_semaphore, #tpu.memory_space<semaphore_mem>> -> memref<!tpu.dma_semaphore, #tpu.memory_space<semaphore_mem>>
      tpu.enqueue_indirect_dma source(%dma_start3A_1005 : memref<10240x16xf32, #tpu.memory_space<vmem_shared>>) target(%dma_start3A_1001 : memref<128x16xf32, #tpu.memory_space<vmem>>) offsets(%dma_start3A_1002 : memref<128xi32, #tpu.memory_space<vmem>>) semaphore(%dma_start3A_1007 : memref<!tpu.dma_semaphore, #tpu.memory_space<semaphore_mem>>)
      %sub3A_1008 = arith.constant 3 : i32
      %sub3A_1009 = arith.subi %scan3A_943, %sub3A_1008 : i32
      %jit3A_1010 = arith.constant 6 : i32
      %eq3A_1011 = arith.constant 0 : i32
      %eq3A_1012 = arith.cmpi eq, %jit3A_1010, %eq3A_1011 : i32
      %jit3A_1013 = arith.constant 1 : i32
      %select_n3A_1014 = arith.select %eq3A_1012, %jit3A_1013, %jit3A_1010 : i32
      %rem3A_1015 = arith.remsi %sub3A_1009, %select_n3A_1014 : i32
      %ne3A_1016 = arith.constant 0 : i32
      %ne3A_1017 = arith.cmpi ne, %rem3A_1015, %ne3A_1016 : i32
      %lt3A_1018 = arith.constant 0 : i32
      %lt3A_1019 = arith.cmpi slt, %rem3A_1015, %lt3A_1018 : i32
      %lt3A_1020 = arith.constant 0 : i32
      %lt3A_1021 = arith.cmpi slt, %select_n3A_1014, %lt3A_1020 : i32
      %ne3A_1022 = arith.xori %lt3A_1019, %lt3A_1021 : i1
      %and3A_1023 = arith.andi %ne3A_1022, %ne3A_1017 : i1
      %add3A_1024 = arith.addi %rem3A_1015, %select_n3A_1014 : i32
      %select_n3A_1025 = arith.select %and3A_1023, %add3A_1024, %rem3A_1015 : i32
      %mul3A_1026 = arith.constant 128 : i32
      %mul3A_1027 = arith.muli %sub3A_1009, %mul3A_1026 : i32
      %dma_wait3A_1028 = arith.constant 0 : i32
      %dma_wait3A_1029 = arith.constant 0 : i32
      %dma_wait3A_1030 = tpu.memref_slice %arg10[%select_n3A_1025, %dma_wait3A_1028, %dma_wait3A_1029] : memref<6x128x16xf32, #tpu.memory_space<vmem>> -> memref<1x128x16xf32, #tpu.memory_space<vmem>>
      %dma_wait3A_1031 = tpu.memref_squeeze %dma_wait3A_1030 : memref<1x128x16xf32, #tpu.memory_space<vmem>> -> memref<128x16xf32, #tpu.memory_space<vmem>>
      %dma_wait3A_1032 = arith.constant 0 : i32
      %dma_wait3A_1033 = arith.constant 0 : i32
      %dma_wait3A_1034 = tpu.memref_slice %dma_wait3A_1031[%dma_wait3A_1032, %dma_wait3A_1033] : memref<128x16xf32, #tpu.memory_space<vmem>> -> memref<128x16xf32, #tpu.memory_space<vmem>>
      %dma_wait3A_1035 = tpu.memref_slice %arg7[%mul3A_1027] : memref<10000xi32, #tpu.memory_space<vmem>> -> memref<128xi32, #tpu.memory_space<vmem>>
      %dma_wait3A_1036 = arith.constant 0 : i32
      %dma_wait3A_1037 = arith.constant 0 : i32
      %dma_wait3A_1038 = tpu.memref_slice %arg16[%dma_wait3A_1036, %dma_wait3A_1037] : memref<10240x16xf32, #tpu.memory_space<vmem_shared>> -> memref<10240x16xf32, #tpu.memory_space<vmem_shared>>
      %dma_wait3A_1039 = tpu.memref_slice %arg19[%select_n3A_1025] : memref<6x!tpu.dma_semaphore, #tpu.memory_space<semaphore_mem>> -> memref<1x!tpu.dma_semaphore, #tpu.memory_space<semaphore_mem>>
      %dma_wait3A_1040 = tpu.memref_squeeze %dma_wait3A_1039 : memref<1x!tpu.dma_semaphore, #tpu.memory_space<semaphore_mem>> -> memref<!tpu.dma_semaphore, #tpu.memory_space<semaphore_mem>>
      tpu.wait_indirect_dma semaphore(%dma_wait3A_1040 : memref<!tpu.dma_semaphore, #tpu.memory_space<semaphore_mem>>) src(%dma_wait3A_1038 : memref<10240x16xf32, #tpu.memory_space<vmem_shared>>) dst(%dma_wait3A_1034 : memref<128x16xf32, #tpu.memory_space<vmem>>)
      %sub3A_1041 = arith.constant 3 : i32
      %sub3A_1042 = arith.subi %scan3A_943, %sub3A_1041 : i32
      %jit3A_1043 = arith.constant 6 : i32
      %eq3A_1044 = arith.constant 0 : i32
      %eq3A_1045 = arith.cmpi eq, %jit3A_1043, %eq3A_1044 : i32
      %jit3A_1046 = arith.constant 1 : i32
      %select_n3A_1047 = arith.select %eq3A_1045, %jit3A_1046, %jit3A_1043 : i32
      %rem3A_1048 = arith.remsi %sub3A_1042, %select_n3A_1047 : i32
      %ne3A_1049 = arith.constant 0 : i32
      %ne3A_1050 = arith.cmpi ne, %rem3A_1048, %ne3A_1049 : i32
      %lt3A_1051 = arith.constant 0 : i32
      %lt3A_1052 = arith.cmpi slt, %rem3A_1048, %lt3A_1051 : i32
      %lt3A_1053 = arith.constant 0 : i32
      %lt3A_1054 = arith.cmpi slt, %select_n3A_1047, %lt3A_1053 : i32
      %ne3A_1055 = arith.xori %lt3A_1052, %lt3A_1054 : i1
      %and3A_1056 = arith.andi %ne3A_1055, %ne3A_1050 : i1
      %add3A_1057 = arith.addi %rem3A_1048, %select_n3A_1047 : i32
      %select_n3A_1058 = arith.select %and3A_1056, %add3A_1057, %rem3A_1048 : i32
      %mul3A_1059 = arith.constant 128 : i32
      %mul3A_1060 = arith.muli %sub3A_1042, %mul3A_1059 : i32
      %dma_start3A_1061 = arith.constant 0 : i32
      %dma_start3A_1062 = arith.constant 0 : i32
      %dma_start3A_1063 = tpu.memref_slice %arg10[%select_n3A_1058, %dma_start3A_1061, %dma_start3A_1062] : memref<6x128x16xf32, #tpu.memory_space<vmem>> -> memref<1x128x16xf32, #tpu.memory_space<vmem>>
      %dma_start3A_1064 = tpu.memref_squeeze %dma_start3A_1063 : memref<1x128x16xf32, #tpu.memory_space<vmem>> -> memref<128x16xf32, #tpu.memory_space<vmem>>
      %dma_start3A_1065 = arith.constant 0 : i32
      %dma_start3A_1066 = arith.constant 0 : i32
      %dma_start3A_1067 = tpu.memref_slice %dma_start3A_1064[%dma_start3A_1065, %dma_start3A_1066] : memref<128x16xf32, #tpu.memory_space<vmem>> -> memref<128x16xf32, #tpu.memory_space<vmem>>
      %dma_start3A_1068 = tpu.memref_slice %arg8[%mul3A_1060] : memref<10000xi32, #tpu.memory_space<vmem>> -> memref<128xi32, #tpu.memory_space<vmem>>
      %dma_start3A_1069 = arith.constant 0 : i32
      %dma_start3A_1070 = arith.constant 0 : i32
      %dma_start3A_1071 = tpu.memref_slice %arg17[%dma_start3A_1069, %dma_start3A_1070] : memref<10240x16xf32, #tpu.memory_space<vmem_shared>> -> memref<10240x16xf32, #tpu.memory_space<vmem_shared>>
      %dma_start3A_1072 = tpu.memref_slice %arg20[%select_n3A_1058] : memref<6x!tpu.dma_semaphore, #tpu.memory_space<semaphore_mem>> -> memref<1x!tpu.dma_semaphore, #tpu.memory_space<semaphore_mem>>
      %dma_start3A_1073 = tpu.memref_squeeze %dma_start3A_1072 : memref<1x!tpu.dma_semaphore, #tpu.memory_space<semaphore_mem>> -> memref<!tpu.dma_semaphore, #tpu.memory_space<semaphore_mem>>
      tpu.enqueue_indirect_dma source(%dma_start3A_1067 : memref<128x16xf32, #tpu.memory_space<vmem>>) target(%dma_start3A_1071 : memref<10240x16xf32, #tpu.memory_space<vmem_shared>>) offsets(%dma_start3A_1068 : memref<128xi32, #tpu.memory_space<vmem>>) semaphore(%dma_start3A_1073 : memref<!tpu.dma_semaphore, #tpu.memory_space<semaphore_mem>>) {add = true}
      %scan3A_1074 = arith.constant 0 : i32
      scf.yield %scan3A_1074 : i32
    }
    %scan3A_673 = arith.constant 72 : i32
    %dma_wait3A_674 = arith.constant 3 : i32
    %dma_wait3A_675 = arith.constant 3 : i32
    %dma_wait3A_676 = arith.constant 0 : i32
    %dma_wait3A_677 = arith.constant 0 : i32
    %dma_wait3A_678 = tpu.memref_slice %arg10[%dma_wait3A_674, %dma_wait3A_676, %dma_wait3A_677] : memref<6x128x16xf32, #tpu.memory_space<vmem>> -> memref<1x128x16xf32, #tpu.memory_space<vmem>>
    %dma_wait3A_679 = tpu.memref_squeeze %dma_wait3A_678 : memref<1x128x16xf32, #tpu.memory_space<vmem>> -> memref<128x16xf32, #tpu.memory_space<vmem>>
    %dma_wait3A_680 = arith.constant 0 : i32
    %dma_wait3A_681 = arith.constant 0 : i32
    %dma_wait3A_682 = tpu.memref_slice %dma_wait3A_679[%dma_wait3A_680, %dma_wait3A_681] : memref<128x16xf32, #tpu.memory_space<vmem>> -> memref<128x16xf32, #tpu.memory_space<vmem>>
    %dma_wait3A_683 = arith.constant 9600 : i32
    %dma_wait3A_684 = tpu.memref_slice %arg7[%dma_wait3A_683] : memref<10000xi32, #tpu.memory_space<vmem>> -> memref<128xi32, #tpu.memory_space<vmem>>
    %dma_wait3A_685 = arith.constant 0 : i32
    %dma_wait3A_686 = arith.constant 0 : i32
    %dma_wait3A_687 = tpu.memref_slice %arg16[%dma_wait3A_685, %dma_wait3A_686] : memref<10240x16xf32, #tpu.memory_space<vmem_shared>> -> memref<10240x16xf32, #tpu.memory_space<vmem_shared>>
    %dma_wait3A_688 = tpu.memref_slice %arg19[%dma_wait3A_675] : memref<6x!tpu.dma_semaphore, #tpu.memory_space<semaphore_mem>> -> memref<1x!tpu.dma_semaphore, #tpu.memory_space<semaphore_mem>>
    %dma_wait3A_689 = tpu.memref_squeeze %dma_wait3A_688 : memref<1x!tpu.dma_semaphore, #tpu.memory_space<semaphore_mem>> -> memref<!tpu.dma_semaphore, #tpu.memory_space<semaphore_mem>>
    tpu.wait_indirect_dma semaphore(%dma_wait3A_689 : memref<!tpu.dma_semaphore, #tpu.memory_space<semaphore_mem>>) src(%dma_wait3A_687 : memref<10240x16xf32, #tpu.memory_space<vmem_shared>>) dst(%dma_wait3A_682 : memref<128x16xf32, #tpu.memory_space<vmem>>)
    %dma_start3A_690 = arith.constant 3 : i32
    %dma_start3A_691 = arith.constant 3 : i32
    %dma_start3A_692 = arith.constant 0 : i32
    %dma_start3A_693 = arith.constant 0 : i32
    %dma_start3A_694 = tpu.memref_slice %arg10[%dma_start3A_690, %dma_start3A_692, %dma_start3A_693] : memref<6x128x16xf32, #tpu.memory_space<vmem>> -> memref<1x128x16xf32, #tpu.memory_space<vmem>>
    %dma_start3A_695 = tpu.memref_squeeze %dma_start3A_694 : memref<1x128x16xf32, #tpu.memory_space<vmem>> -> memref<128x16xf32, #tpu.memory_space<vmem>>
    %dma_start3A_696 = arith.constant 0 : i32
    %dma_start3A_697 = arith.constant 0 : i32
    %dma_start3A_698 = tpu.memref_slice %dma_start3A_695[%dma_start3A_696, %dma_start3A_697] : memref<128x16xf32, #tpu.memory_space<vmem>> -> memref<128x16xf32, #tpu.memory_space<vmem>>
    %dma_start3A_699 = arith.constant 9600 : i32
    %dma_start3A_700 = tpu.memref_slice %arg8[%dma_start3A_699] : memref<10000xi32, #tpu.memory_space<vmem>> -> memref<128xi32, #tpu.memory_space<vmem>>
    %dma_start3A_701 = arith.constant 0 : i32
    %dma_start3A_702 = arith.constant 0 : i32
    %dma_start3A_703 = tpu.memref_slice %arg17[%dma_start3A_701, %dma_start3A_702] : memref<10240x16xf32, #tpu.memory_space<vmem_shared>> -> memref<10240x16xf32, #tpu.memory_space<vmem_shared>>
    %dma_start3A_704 = tpu.memref_slice %arg20[%dma_start3A_691] : memref<6x!tpu.dma_semaphore, #tpu.memory_space<semaphore_mem>> -> memref<1x!tpu.dma_semaphore, #tpu.memory_space<semaphore_mem>>
    %dma_start3A_705 = tpu.memref_squeeze %dma_start3A_704 : memref<1x!tpu.dma_semaphore, #tpu.memory_space<semaphore_mem>> -> memref<!tpu.dma_semaphore, #tpu.memory_space<semaphore_mem>>
    tpu.enqueue_indirect_dma source(%dma_start3A_698 : memref<128x16xf32, #tpu.memory_space<vmem>>) target(%dma_start3A_703 : memref<10240x16xf32, #tpu.memory_space<vmem_shared>>) offsets(%dma_start3A_700 : memref<128xi32, #tpu.memory_space<vmem>>) semaphore(%dma_start3A_705 : memref<!tpu.dma_semaphore, #tpu.memory_space<semaphore_mem>>) {add = true}
    %dma_wait3A_706 = arith.constant 4 : i32
    %dma_wait3A_707 = arith.constant 4 : i32
    %dma_wait3A_708 = arith.constant 0 : i32
    %dma_wait3A_709 = arith.constant 0 : i32
    %dma_wait3A_710 = tpu.memref_slice %arg10[%dma_wait3A_706, %dma_wait3A_708, %dma_wait3A_709] : memref<6x128x16xf32, #tpu.memory_space<vmem>> -> memref<1x128x16xf32, #tpu.memory_space<vmem>>
    %dma_wait3A_711 = tpu.memref_squeeze %dma_wait3A_710 : memref<1x128x16xf32, #tpu.memory_space<vmem>> -> memref<128x16xf32, #tpu.memory_space<vmem>>
    %dma_wait3A_712 = arith.constant 0 : i32
    %dma_wait3A_713 = arith.constant 0 : i32
    %dma_wait3A_714 = tpu.memref_slice %dma_wait3A_711[%dma_wait3A_712, %dma_wait3A_713] : memref<128x16xf32, #tpu.memory_space<vmem>> -> memref<128x16xf32, #tpu.memory_space<vmem>>
    %dma_wait3A_715 = arith.constant 9728 : i32
    %dma_wait3A_716 = tpu.memref_slice %arg7[%dma_wait3A_715] : memref<10000xi32, #tpu.memory_space<vmem>> -> memref<128xi32, #tpu.memory_space<vmem>>
    %dma_wait3A_717 = arith.constant 0 : i32
    %dma_wait3A_718 = arith.constant 0 : i32
    %dma_wait3A_719 = tpu.memref_slice %arg16[%dma_wait3A_717, %dma_wait3A_718] : memref<10240x16xf32, #tpu.memory_space<vmem_shared>> -> memref<10240x16xf32, #tpu.memory_space<vmem_shared>>
    %dma_wait3A_720 = tpu.memref_slice %arg19[%dma_wait3A_707] : memref<6x!tpu.dma_semaphore, #tpu.memory_space<semaphore_mem>> -> memref<1x!tpu.dma_semaphore, #tpu.memory_space<semaphore_mem>>
    %dma_wait3A_721 = tpu.memref_squeeze %dma_wait3A_720 : memref<1x!tpu.dma_semaphore, #tpu.memory_space<semaphore_mem>> -> memref<!tpu.dma_semaphore, #tpu.memory_space<semaphore_mem>>
    tpu.wait_indirect_dma semaphore(%dma_wait3A_721 : memref<!tpu.dma_semaphore, #tpu.memory_space<semaphore_mem>>) src(%dma_wait3A_719 : memref<10240x16xf32, #tpu.memory_space<vmem_shared>>) dst(%dma_wait3A_714 : memref<128x16xf32, #tpu.memory_space<vmem>>)
    %dma_start3A_722 = arith.constant 4 : i32
    %dma_start3A_723 = arith.constant 4 : i32
    %dma_start3A_724 = arith.constant 0 : i32
    %dma_start3A_725 = arith.constant 0 : i32
    %dma_start3A_726 = tpu.memref_slice %arg10[%dma_start3A_722, %dma_start3A_724, %dma_start3A_725] : memref<6x128x16xf32, #tpu.memory_space<vmem>> -> memref<1x128x16xf32, #tpu.memory_space<vmem>>
    %dma_start3A_727 = tpu.memref_squeeze %dma_start3A_726 : memref<1x128x16xf32, #tpu.memory_space<vmem>> -> memref<128x16xf32, #tpu.memory_space<vmem>>
    %dma_start3A_728 = arith.constant 0 : i32
    %dma_start3A_729 = arith.constant 0 : i32
    %dma_start3A_730 = tpu.memref_slice %dma_start3A_727[%dma_start3A_728, %dma_start3A_729] : memref<128x16xf32, #tpu.memory_space<vmem>> -> memref<128x16xf32, #tpu.memory_space<vmem>>
    %dma_start3A_731 = arith.constant 9728 : i32
    %dma_start3A_732 = tpu.memref_slice %arg8[%dma_start3A_731] : memref<10000xi32, #tpu.memory_space<vmem>> -> memref<128xi32, #tpu.memory_space<vmem>>
    %dma_start3A_733 = arith.constant 0 : i32
    %dma_start3A_734 = arith.constant 0 : i32
    %dma_start3A_735 = tpu.memref_slice %arg17[%dma_start3A_733, %dma_start3A_734] : memref<10240x16xf32, #tpu.memory_space<vmem_shared>> -> memref<10240x16xf32, #tpu.memory_space<vmem_shared>>
    %dma_start3A_736 = tpu.memref_slice %arg20[%dma_start3A_723] : memref<6x!tpu.dma_semaphore, #tpu.memory_space<semaphore_mem>> -> memref<1x!tpu.dma_semaphore, #tpu.memory_space<semaphore_mem>>
    %dma_start3A_737 = tpu.memref_squeeze %dma_start3A_736 : memref<1x!tpu.dma_semaphore, #tpu.memory_space<semaphore_mem>> -> memref<!tpu.dma_semaphore, #tpu.memory_space<semaphore_mem>>
    tpu.enqueue_indirect_dma source(%dma_start3A_730 : memref<128x16xf32, #tpu.memory_space<vmem>>) target(%dma_start3A_735 : memref<10240x16xf32, #tpu.memory_space<vmem_shared>>) offsets(%dma_start3A_732 : memref<128xi32, #tpu.memory_space<vmem>>) semaphore(%dma_start3A_737 : memref<!tpu.dma_semaphore, #tpu.memory_space<semaphore_mem>>) {add = true}
    %dma_wait3A_738 = arith.constant 5 : i32
    %dma_wait3A_739 = arith.constant 5 : i32
    %dma_wait3A_740 = arith.constant 0 : i32
    %dma_wait3A_741 = arith.constant 0 : i32
    %dma_wait3A_742 = tpu.memref_slice %arg10[%dma_wait3A_738, %dma_wait3A_740, %dma_wait3A_741] : memref<6x128x16xf32, #tpu.memory_space<vmem>> -> memref<1x128x16xf32, #tpu.memory_space<vmem>>
    %dma_wait3A_743 = tpu.memref_squeeze %dma_wait3A_742 : memref<1x128x16xf32, #tpu.memory_space<vmem>> -> memref<128x16xf32, #tpu.memory_space<vmem>>
    %dma_wait3A_744 = arith.constant 0 : i32
    %dma_wait3A_745 = arith.constant 0 : i32
    %dma_wait3A_746 = tpu.memref_slice %dma_wait3A_743[%dma_wait3A_744, %dma_wait3A_745] : memref<128x16xf32, #tpu.memory_space<vmem>> -> memref<128x16xf32, #tpu.memory_space<vmem>>
    %dma_wait3A_747 = arith.constant 9856 : i32
    %dma_wait3A_748 = tpu.memref_slice %arg7[%dma_wait3A_747] : memref<10000xi32, #tpu.memory_space<vmem>> -> memref<128xi32, #tpu.memory_space<vmem>>
    %dma_wait3A_749 = arith.constant 0 : i32
    %dma_wait3A_750 = arith.constant 0 : i32
    %dma_wait3A_751 = tpu.memref_slice %arg16[%dma_wait3A_749, %dma_wait3A_750] : memref<10240x16xf32, #tpu.memory_space<vmem_shared>> -> memref<10240x16xf32, #tpu.memory_space<vmem_shared>>
    %dma_wait3A_752 = tpu.memref_slice %arg19[%dma_wait3A_739] : memref<6x!tpu.dma_semaphore, #tpu.memory_space<semaphore_mem>> -> memref<1x!tpu.dma_semaphore, #tpu.memory_space<semaphore_mem>>
    %dma_wait3A_753 = tpu.memref_squeeze %dma_wait3A_752 : memref<1x!tpu.dma_semaphore, #tpu.memory_space<semaphore_mem>> -> memref<!tpu.dma_semaphore, #tpu.memory_space<semaphore_mem>>
    tpu.wait_indirect_dma semaphore(%dma_wait3A_753 : memref<!tpu.dma_semaphore, #tpu.memory_space<semaphore_mem>>) src(%dma_wait3A_751 : memref<10240x16xf32, #tpu.memory_space<vmem_shared>>) dst(%dma_wait3A_746 : memref<128x16xf32, #tpu.memory_space<vmem>>)
    %dma_start3A_754 = arith.constant 5 : i32
    %dma_start3A_755 = arith.constant 5 : i32
    %dma_start3A_756 = arith.constant 0 : i32
    %dma_start3A_757 = arith.constant 0 : i32
    %dma_start3A_758 = tpu.memref_slice %arg10[%dma_start3A_754, %dma_start3A_756, %dma_start3A_757] : memref<6x128x16xf32, #tpu.memory_space<vmem>> -> memref<1x128x16xf32, #tpu.memory_space<vmem>>
    %dma_start3A_759 = tpu.memref_squeeze %dma_start3A_758 : memref<1x128x16xf32, #tpu.memory_space<vmem>> -> memref<128x16xf32, #tpu.memory_space<vmem>>
    %dma_start3A_760 = arith.constant 0 : i32
    %dma_start3A_761 = arith.constant 0 : i32
    %dma_start3A_762 = tpu.memref_slice %dma_start3A_759[%dma_start3A_760, %dma_start3A_761] : memref<128x16xf32, #tpu.memory_space<vmem>> -> memref<128x16xf32, #tpu.memory_space<vmem>>
    %dma_start3A_763 = arith.constant 9856 : i32
    %dma_start3A_764 = tpu.memref_slice %arg8[%dma_start3A_763] : memref<10000xi32, #tpu.memory_space<vmem>> -> memref<128xi32, #tpu.memory_space<vmem>>
    %dma_start3A_765 = arith.constant 0 : i32
    %dma_start3A_766 = arith.constant 0 : i32
    %dma_start3A_767 = tpu.memref_slice %arg17[%dma_start3A_765, %dma_start3A_766] : memref<10240x16xf32, #tpu.memory_space<vmem_shared>> -> memref<10240x16xf32, #tpu.memory_space<vmem_shared>>
    %dma_start3A_768 = tpu.memref_slice %arg20[%dma_start3A_755] : memref<6x!tpu.dma_semaphore, #tpu.memory_space<semaphore_mem>> -> memref<1x!tpu.dma_semaphore, #tpu.memory_space<semaphore_mem>>
    %dma_start3A_769 = tpu.memref_squeeze %dma_start3A_768 : memref<1x!tpu.dma_semaphore, #tpu.memory_space<semaphore_mem>> -> memref<!tpu.dma_semaphore, #tpu.memory_space<semaphore_mem>>
    tpu.enqueue_indirect_dma source(%dma_start3A_762 : memref<128x16xf32, #tpu.memory_space<vmem>>) target(%dma_start3A_767 : memref<10240x16xf32, #tpu.memory_space<vmem_shared>>) offsets(%dma_start3A_764 : memref<128xi32, #tpu.memory_space<vmem>>) semaphore(%dma_start3A_769 : memref<!tpu.dma_semaphore, #tpu.memory_space<semaphore_mem>>) {add = true}
    %dma_wait3A_770 = arith.constant 0 : i32
    %dma_wait3A_771 = arith.constant 0 : i32
    %dma_wait3A_772 = arith.constant 0 : i32
    %dma_wait3A_773 = arith.constant 0 : i32
    %dma_wait3A_774 = tpu.memref_slice %arg10[%dma_wait3A_770, %dma_wait3A_772, %dma_wait3A_773] : memref<6x128x16xf32, #tpu.memory_space<vmem>> -> memref<1x128x16xf32, #tpu.memory_space<vmem>>
    %dma_wait3A_775 = tpu.memref_squeeze %dma_wait3A_774 : memref<1x128x16xf32, #tpu.memory_space<vmem>> -> memref<128x16xf32, #tpu.memory_space<vmem>>
    %dma_wait3A_776 = arith.constant 0 : i32
    %dma_wait3A_777 = arith.constant 0 : i32
    %dma_wait3A_778 = tpu.memref_slice %dma_wait3A_775[%dma_wait3A_776, %dma_wait3A_777] : memref<128x16xf32, #tpu.memory_space<vmem>> -> memref<128x16xf32, #tpu.memory_space<vmem>>
    %dma_wait3A_779 = arith.constant 9216 : i32
    %dma_wait3A_780 = tpu.memref_slice %arg8[%dma_wait3A_779] : memref<10000xi32, #tpu.memory_space<vmem>> -> memref<128xi32, #tpu.memory_space<vmem>>
    %dma_wait3A_781 = arith.constant 0 : i32
    %dma_wait3A_782 = arith.constant 0 : i32
    %dma_wait3A_783 = tpu.memref_slice %arg17[%dma_wait3A_781, %dma_wait3A_782] : memref<10240x16xf32, #tpu.memory_space<vmem_shared>> -> memref<10240x16xf32, #tpu.memory_space<vmem_shared>>
    %dma_wait3A_784 = tpu.memref_slice %arg20[%dma_wait3A_771] : memref<6x!tpu.dma_semaphore, #tpu.memory_space<semaphore_mem>> -> memref<1x!tpu.dma_semaphore, #tpu.memory_space<semaphore_mem>>
    %dma_wait3A_785 = tpu.memref_squeeze %dma_wait3A_784 : memref<1x!tpu.dma_semaphore, #tpu.memory_space<semaphore_mem>> -> memref<!tpu.dma_semaphore, #tpu.memory_space<semaphore_mem>>
    tpu.wait_indirect_dma semaphore(%dma_wait3A_785 : memref<!tpu.dma_semaphore, #tpu.memory_space<semaphore_mem>>) src(%dma_wait3A_778 : memref<128x16xf32, #tpu.memory_space<vmem>>) dst(%dma_wait3A_783 : memref<10240x16xf32, #tpu.memory_space<vmem_shared>>)
    %dma_wait3A_786 = arith.constant 1 : i32
    %dma_wait3A_787 = arith.constant 1 : i32
    %dma_wait3A_788 = arith.constant 0 : i32
    %dma_wait3A_789 = arith.constant 0 : i32
    %dma_wait3A_790 = tpu.memref_slice %arg10[%dma_wait3A_786, %dma_wait3A_788, %dma_wait3A_789] : memref<6x128x16xf32, #tpu.memory_space<vmem>> -> memref<1x128x16xf32, #tpu.memory_space<vmem>>
    %dma_wait3A_791 = tpu.memref_squeeze %dma_wait3A_790 : memref<1x128x16xf32, #tpu.memory_space<vmem>> -> memref<128x16xf32, #tpu.memory_space<vmem>>
    %dma_wait3A_792 = arith.constant 0 : i32
    %dma_wait3A_793 = arith.constant 0 : i32
    %dma_wait3A_794 = tpu.memref_slice %dma_wait3A_791[%dma_wait3A_792, %dma_wait3A_793] : memref<128x16xf32, #tpu.memory_space<vmem>> -> memref<128x16xf32, #tpu.memory_space<vmem>>
    %dma_wait3A_795 = arith.constant 9344 : i32
    %dma_wait3A_796 = tpu.memref_slice %arg8[%dma_wait3A_795] : memref<10000xi32, #tpu.memory_space<vmem>> -> memref<128xi32, #tpu.memory_space<vmem>>
    %dma_wait3A_797 = arith.constant 0 : i32
    %dma_wait3A_798 = arith.constant 0 : i32
    %dma_wait3A_799 = tpu.memref_slice %arg17[%dma_wait3A_797, %dma_wait3A_798] : memref<10240x16xf32, #tpu.memory_space<vmem_shared>> -> memref<10240x16xf32, #tpu.memory_space<vmem_shared>>
    %dma_wait3A_800 = tpu.memref_slice %arg20[%dma_wait3A_787] : memref<6x!tpu.dma_semaphore, #tpu.memory_space<semaphore_mem>> -> memref<1x!tpu.dma_semaphore, #tpu.memory_space<semaphore_mem>>
    %dma_wait3A_801 = tpu.memref_squeeze %dma_wait3A_800 : memref<1x!tpu.dma_semaphore, #tpu.memory_space<semaphore_mem>> -> memref<!tpu.dma_semaphore, #tpu.memory_space<semaphore_mem>>
    tpu.wait_indirect_dma semaphore(%dma_wait3A_801 : memref<!tpu.dma_semaphore, #tpu.memory_space<semaphore_mem>>) src(%dma_wait3A_794 : memref<128x16xf32, #tpu.memory_space<vmem>>) dst(%dma_wait3A_799 : memref<10240x16xf32, #tpu.memory_space<vmem_shared>>)
    %dma_wait3A_802 = arith.constant 2 : i32
    %dma_wait3A_803 = arith.constant 2 : i32
    %dma_wait3A_804 = arith.constant 0 : i32
    %dma_wait3A_805 = arith.constant 0 : i32
    %dma_wait3A_806 = tpu.memref_slice %arg10[%dma_wait3A_802, %dma_wait3A_804, %dma_wait3A_805] : memref<6x128x16xf32, #tpu.memory_space<vmem>> -> memref<1x128x16xf32, #tpu.memory_space<vmem>>
    %dma_wait3A_807 = tpu.memref_squeeze %dma_wait3A_806 : memref<1x128x16xf32, #tpu.memory_space<vmem>> -> memref<128x16xf32, #tpu.memory_space<vmem>>
    %dma_wait3A_808 = arith.constant 0 : i32
    %dma_wait3A_809 = arith.constant 0 : i32
    %dma_wait3A_810 = tpu.memref_slice %dma_wait3A_807[%dma_wait3A_808, %dma_wait3A_809] : memref<128x16xf32, #tpu.memory_space<vmem>> -> memref<128x16xf32, #tpu.memory_space<vmem>>
    %dma_wait3A_811 = arith.constant 9472 : i32
    %dma_wait3A_812 = tpu.memref_slice %arg8[%dma_wait3A_811] : memref<10000xi32, #tpu.memory_space<vmem>> -> memref<128xi32, #tpu.memory_space<vmem>>
    %dma_wait3A_813 = arith.constant 0 : i32
    %dma_wait3A_814 = arith.constant 0 : i32
    %dma_wait3A_815 = tpu.memref_slice %arg17[%dma_wait3A_813, %dma_wait3A_814] : memref<10240x16xf32, #tpu.memory_space<vmem_shared>> -> memref<10240x16xf32, #tpu.memory_space<vmem_shared>>
    %dma_wait3A_816 = tpu.memref_slice %arg20[%dma_wait3A_803] : memref<6x!tpu.dma_semaphore, #tpu.memory_space<semaphore_mem>> -> memref<1x!tpu.dma_semaphore, #tpu.memory_space<semaphore_mem>>
    %dma_wait3A_817 = tpu.memref_squeeze %dma_wait3A_816 : memref<1x!tpu.dma_semaphore, #tpu.memory_space<semaphore_mem>> -> memref<!tpu.dma_semaphore, #tpu.memory_space<semaphore_mem>>
    tpu.wait_indirect_dma semaphore(%dma_wait3A_817 : memref<!tpu.dma_semaphore, #tpu.memory_space<semaphore_mem>>) src(%dma_wait3A_810 : memref<128x16xf32, #tpu.memory_space<vmem>>) dst(%dma_wait3A_815 : memref<10240x16xf32, #tpu.memory_space<vmem_shared>>)
    %dma_wait3A_818 = arith.constant 3 : i32
    %dma_wait3A_819 = arith.constant 3 : i32
    %dma_wait3A_820 = arith.constant 0 : i32
    %dma_wait3A_821 = arith.constant 0 : i32
    %dma_wait3A_822 = tpu.memref_slice %arg10[%dma_wait3A_818, %dma_wait3A_820, %dma_wait3A_821] : memref<6x128x16xf32, #tpu.memory_space<vmem>> -> memref<1x128x16xf32, #tpu.memory_space<vmem>>
    %dma_wait3A_823 = tpu.memref_squeeze %dma_wait3A_822 : memref<1x128x16xf32, #tpu.memory_space<vmem>> -> memref<128x16xf32, #tpu.memory_space<vmem>>
    %dma_wait3A_824 = arith.constant 0 : i32
    %dma_wait3A_825 = arith.constant 0 : i32
    %dma_wait3A_826 = tpu.memref_slice %dma_wait3A_823[%dma_wait3A_824, %dma_wait3A_825] : memref<128x16xf32, #tpu.memory_space<vmem>> -> memref<128x16xf32, #tpu.memory_space<vmem>>
    %dma_wait3A_827 = arith.constant 9600 : i32
    %dma_wait3A_828 = tpu.memref_slice %arg8[%dma_wait3A_827] : memref<10000xi32, #tpu.memory_space<vmem>> -> memref<128xi32, #tpu.memory_space<vmem>>
    %dma_wait3A_829 = arith.constant 0 : i32
    %dma_wait3A_830 = arith.constant 0 : i32
    %dma_wait3A_831 = tpu.memref_slice %arg17[%dma_wait3A_829, %dma_wait3A_830] : memref<10240x16xf32, #tpu.memory_space<vmem_shared>> -> memref<10240x16xf32, #tpu.memory_space<vmem_shared>>
    %dma_wait3A_832 = tpu.memref_slice %arg20[%dma_wait3A_819] : memref<6x!tpu.dma_semaphore, #tpu.memory_space<semaphore_mem>> -> memref<1x!tpu.dma_semaphore, #tpu.memory_space<semaphore_mem>>
    %dma_wait3A_833 = tpu.memref_squeeze %dma_wait3A_832 : memref<1x!tpu.dma_semaphore, #tpu.memory_space<semaphore_mem>> -> memref<!tpu.dma_semaphore, #tpu.memory_space<semaphore_mem>>
    tpu.wait_indirect_dma semaphore(%dma_wait3A_833 : memref<!tpu.dma_semaphore, #tpu.memory_space<semaphore_mem>>) src(%dma_wait3A_826 : memref<128x16xf32, #tpu.memory_space<vmem>>) dst(%dma_wait3A_831 : memref<10240x16xf32, #tpu.memory_space<vmem_shared>>)
    %dma_wait3A_834 = arith.constant 4 : i32
    %dma_wait3A_835 = arith.constant 4 : i32
    %dma_wait3A_836 = arith.constant 0 : i32
    %dma_wait3A_837 = arith.constant 0 : i32
    %dma_wait3A_838 = tpu.memref_slice %arg10[%dma_wait3A_834, %dma_wait3A_836, %dma_wait3A_837] : memref<6x128x16xf32, #tpu.memory_space<vmem>> -> memref<1x128x16xf32, #tpu.memory_space<vmem>>
    %dma_wait3A_839 = tpu.memref_squeeze %dma_wait3A_838 : memref<1x128x16xf32, #tpu.memory_space<vmem>> -> memref<128x16xf32, #tpu.memory_space<vmem>>
    %dma_wait3A_840 = arith.constant 0 : i32
    %dma_wait3A_841 = arith.constant 0 : i32
    %dma_wait3A_842 = tpu.memref_slice %dma_wait3A_839[%dma_wait3A_840, %dma_wait3A_841] : memref<128x16xf32, #tpu.memory_space<vmem>> -> memref<128x16xf32, #tpu.memory_space<vmem>>
    %dma_wait3A_843 = arith.constant 9728 : i32
    %dma_wait3A_844 = tpu.memref_slice %arg8[%dma_wait3A_843] : memref<10000xi32, #tpu.memory_space<vmem>> -> memref<128xi32, #tpu.memory_space<vmem>>
    %dma_wait3A_845 = arith.constant 0 : i32
    %dma_wait3A_846 = arith.constant 0 : i32
    %dma_wait3A_847 = tpu.memref_slice %arg17[%dma_wait3A_845, %dma_wait3A_846] : memref<10240x16xf32, #tpu.memory_space<vmem_shared>> -> memref<10240x16xf32, #tpu.memory_space<vmem_shared>>
    %dma_wait3A_848 = tpu.memref_slice %arg20[%dma_wait3A_835] : memref<6x!tpu.dma_semaphore, #tpu.memory_space<semaphore_mem>> -> memref<1x!tpu.dma_semaphore, #tpu.memory_space<semaphore_mem>>
    %dma_wait3A_849 = tpu.memref_squeeze %dma_wait3A_848 : memref<1x!tpu.dma_semaphore, #tpu.memory_space<semaphore_mem>> -> memref<!tpu.dma_semaphore, #tpu.memory_space<semaphore_mem>>
    tpu.wait_indirect_dma semaphore(%dma_wait3A_849 : memref<!tpu.dma_semaphore, #tpu.memory_space<semaphore_mem>>) src(%dma_wait3A_842 : memref<128x16xf32, #tpu.memory_space<vmem>>) dst(%dma_wait3A_847 : memref<10240x16xf32, #tpu.memory_space<vmem_shared>>)
    %dma_wait3A_850 = arith.constant 5 : i32
    %dma_wait3A_851 = arith.constant 5 : i32
    %dma_wait3A_852 = arith.constant 0 : i32
    %dma_wait3A_853 = arith.constant 0 : i32
    %dma_wait3A_854 = tpu.memref_slice %arg10[%dma_wait3A_850, %dma_wait3A_852, %dma_wait3A_853] : memref<6x128x16xf32, #tpu.memory_space<vmem>> -> memref<1x128x16xf32, #tpu.memory_space<vmem>>
    %dma_wait3A_855 = tpu.memref_squeeze %dma_wait3A_854 : memref<1x128x16xf32, #tpu.memory_space<vmem>> -> memref<128x16xf32, #tpu.memory_space<vmem>>
    %dma_wait3A_856 = arith.constant 0 : i32
    %dma_wait3A_857 = arith.constant 0 : i32
    %dma_wait3A_858 = tpu.memref_slice %dma_wait3A_855[%dma_wait3A_856, %dma_wait3A_857] : memref<128x16xf32, #tpu.memory_space<vmem>> -> memref<128x16xf32, #tpu.memory_space<vmem>>
    %dma_wait3A_859 = arith.constant 9856 : i32
    %dma_wait3A_860 = tpu.memref_slice %arg8[%dma_wait3A_859] : memref<10000xi32, #tpu.memory_space<vmem>> -> memref<128xi32, #tpu.memory_space<vmem>>
    %dma_wait3A_861 = arith.constant 0 : i32
    %dma_wait3A_862 = arith.constant 0 : i32
    %dma_wait3A_863 = tpu.memref_slice %arg17[%dma_wait3A_861, %dma_wait3A_862] : memref<10240x16xf32, #tpu.memory_space<vmem_shared>> -> memref<10240x16xf32, #tpu.memory_space<vmem_shared>>
    %dma_wait3A_864 = tpu.memref_slice %arg20[%dma_wait3A_851] : memref<6x!tpu.dma_semaphore, #tpu.memory_space<semaphore_mem>> -> memref<1x!tpu.dma_semaphore, #tpu.memory_space<semaphore_mem>>
    %dma_wait3A_865 = tpu.memref_squeeze %dma_wait3A_864 : memref<1x!tpu.dma_semaphore, #tpu.memory_space<semaphore_mem>> -> memref<!tpu.dma_semaphore, #tpu.memory_space<semaphore_mem>>
    tpu.wait_indirect_dma semaphore(%dma_wait3A_865 : memref<!tpu.dma_semaphore, #tpu.memory_space<semaphore_mem>>) src(%dma_wait3A_858 : memref<128x16xf32, #tpu.memory_space<vmem>>) dst(%dma_wait3A_863 : memref<10240x16xf32, #tpu.memory_space<vmem_shared>>)
    %dma_start3A_866 = arith.constant 0 : i32
    %dma_start3A_867 = arith.constant 0 : i32
    %dma_start3A_868 = arith.constant 0 : i32
    %dma_start3A_869 = arith.constant 0 : i32
    %dma_start3A_870 = tpu.memref_slice %arg10[%dma_start3A_866, %dma_start3A_868, %dma_start3A_869] : memref<6x128x16xf32, #tpu.memory_space<vmem>> -> memref<1x128x16xf32, #tpu.memory_space<vmem>>
    %dma_start3A_871 = tpu.memref_squeeze %dma_start3A_870 : memref<1x128x16xf32, #tpu.memory_space<vmem>> -> memref<128x16xf32, #tpu.memory_space<vmem>>
    %dma_start3A_872 = arith.constant 0 : i32
    %dma_start3A_873 = arith.constant 0 : i32
    %dma_start3A_874 = tpu.memref_slice %dma_start3A_871[%dma_start3A_872, %dma_start3A_873] : memref<128x16xf32, #tpu.memory_space<vmem>> -> memref<16x16xf32, #tpu.memory_space<vmem>>
    %dma_start3A_875 = arith.constant 9984 : i32
    %dma_start3A_876 = tpu.memref_slice %arg7[%dma_start3A_875] : memref<10000xi32, #tpu.memory_space<vmem>> -> memref<16xi32, #tpu.memory_space<vmem>>
    %dma_start3A_877 = arith.constant 0 : i32
    %dma_start3A_878 = arith.constant 0 : i32
    %dma_start3A_879 = tpu.memref_slice %arg16[%dma_start3A_877, %dma_start3A_878] : memref<10240x16xf32, #tpu.memory_space<vmem_shared>> -> memref<10240x16xf32, #tpu.memory_space<vmem_shared>>
    %dma_start3A_880 = tpu.memref_slice %arg19[%dma_start3A_867] : memref<6x!tpu.dma_semaphore, #tpu.memory_space<semaphore_mem>> -> memref<1x!tpu.dma_semaphore, #tpu.memory_space<semaphore_mem>>
    %dma_start3A_881 = tpu.memref_squeeze %dma_start3A_880 : memref<1x!tpu.dma_semaphore, #tpu.memory_space<semaphore_mem>> -> memref<!tpu.dma_semaphore, #tpu.memory_space<semaphore_mem>>
    tpu.enqueue_indirect_dma source(%dma_start3A_879 : memref<10240x16xf32, #tpu.memory_space<vmem_shared>>) target(%dma_start3A_874 : memref<16x16xf32, #tpu.memory_space<vmem>>) offsets(%dma_start3A_876 : memref<16xi32, #tpu.memory_space<vmem>>) semaphore(%dma_start3A_881 : memref<!tpu.dma_semaphore, #tpu.memory_space<semaphore_mem>>)
    %dma_wait3A_882 = arith.constant 0 : i32
    %dma_wait3A_883 = arith.constant 0 : i32
    %dma_wait3A_884 = arith.constant 0 : i32
    %dma_wait3A_885 = arith.constant 0 : i32
    %dma_wait3A_886 = tpu.memref_slice %arg10[%dma_wait3A_882, %dma_wait3A_884, %dma_wait3A_885] : memref<6x128x16xf32, #tpu.memory_space<vmem>> -> memref<1x128x16xf32, #tpu.memory_space<vmem>>
    %dma_wait3A_887 = tpu.memref_squeeze %dma_wait3A_886 : memref<1x128x16xf32, #tpu.memory_space<vmem>> -> memref<128x16xf32, #tpu.memory_space<vmem>>
    %dma_wait3A_888 = arith.constant 0 : i32
    %dma_wait3A_889 = arith.constant 0 : i32
    %dma_wait3A_890 = tpu.memref_slice %dma_wait3A_887[%dma_wait3A_888, %dma_wait3A_889] : memref<128x16xf32, #tpu.memory_space<vmem>> -> memref<16x16xf32, #tpu.memory_space<vmem>>
    %dma_wait3A_891 = arith.constant 9984 : i32
    %dma_wait3A_892 = tpu.memref_slice %arg7[%dma_wait3A_891] : memref<10000xi32, #tpu.memory_space<vmem>> -> memref<16xi32, #tpu.memory_space<vmem>>
    %dma_wait3A_893 = arith.constant 0 : i32
    %dma_wait3A_894 = arith.constant 0 : i32
    %dma_wait3A_895 = tpu.memref_slice %arg16[%dma_wait3A_893, %dma_wait3A_894] : memref<10240x16xf32, #tpu.memory_space<vmem_shared>> -> memref<10240x16xf32, #tpu.memory_space<vmem_shared>>
    %dma_wait3A_896 = tpu.memref_slice %arg19[%dma_wait3A_883] : memref<6x!tpu.dma_semaphore, #tpu.memory_space<semaphore_mem>> -> memref<1x!tpu.dma_semaphore, #tpu.memory_space<semaphore_mem>>
    %dma_wait3A_897 = tpu.memref_squeeze %dma_wait3A_896 : memref<1x!tpu.dma_semaphore, #tpu.memory_space<semaphore_mem>> -> memref<!tpu.dma_semaphore, #tpu.memory_space<semaphore_mem>>
    tpu.wait_indirect_dma semaphore(%dma_wait3A_897 : memref<!tpu.dma_semaphore, #tpu.memory_space<semaphore_mem>>) src(%dma_wait3A_895 : memref<10240x16xf32, #tpu.memory_space<vmem_shared>>) dst(%dma_wait3A_890 : memref<16x16xf32, #tpu.memory_space<vmem>>)
    %dma_start3A_898 = arith.constant 0 : i32
    %dma_start3A_899 = arith.constant 0 : i32
    %dma_start3A_900 = arith.constant 0 : i32
    %dma_start3A_901 = arith.constant 0 : i32
    %dma_start3A_902 = tpu.memref_slice %arg10[%dma_start3A_898, %dma_start3A_900, %dma_start3A_901] : memref<6x128x16xf32, #tpu.memory_space<vmem>> -> memref<1x128x16xf32, #tpu.memory_space<vmem>>
    %dma_start3A_903 = tpu.memref_squeeze %dma_start3A_902 : memref<1x128x16xf32, #tpu.memory_space<vmem>> -> memref<128x16xf32, #tpu.memory_space<vmem>>
    %dma_start3A_904 = arith.constant 0 : i32
    %dma_start3A_905 = arith.constant 0 : i32
    %dma_start3A_906 = tpu.memref_slice %dma_start3A_903[%dma_start3A_904, %dma_start3A_905] : memref<128x16xf32, #tpu.memory_space<vmem>> -> memref<16x16xf32, #tpu.memory_space<vmem>>
    %dma_start3A_907 = arith.constant 9984 : i32
    %dma_start3A_908 = tpu.memref_slice %arg8[%dma_start3A_907] : memref<10000xi32, #tpu.memory_space<vmem>> -> memref<16xi32, #tpu.memory_space<vmem>>
    %dma_start3A_909 = arith.constant 0 : i32
    %dma_start3A_910 = arith.constant 0 : i32
    %dma_start3A_911 = tpu.memref_slice %arg17[%dma_start3A_909, %dma_start3A_910] : memref<10240x16xf32, #tpu.memory_space<vmem_shared>> -> memref<10240x16xf32, #tpu.memory_space<vmem_shared>>
    %dma_start3A_912 = tpu.memref_slice %arg20[%dma_start3A_899] : memref<6x!tpu.dma_semaphore, #tpu.memory_space<semaphore_mem>> -> memref<1x!tpu.dma_semaphore, #tpu.memory_space<semaphore_mem>>
    %dma_start3A_913 = tpu.memref_squeeze %dma_start3A_912 : memref<1x!tpu.dma_semaphore, #tpu.memory_space<semaphore_mem>> -> memref<!tpu.dma_semaphore, #tpu.memory_space<semaphore_mem>>
    tpu.enqueue_indirect_dma source(%dma_start3A_906 : memref<16x16xf32, #tpu.memory_space<vmem>>) target(%dma_start3A_911 : memref<10240x16xf32, #tpu.memory_space<vmem_shared>>) offsets(%dma_start3A_908 : memref<16xi32, #tpu.memory_space<vmem>>) semaphore(%dma_start3A_913 : memref<!tpu.dma_semaphore, #tpu.memory_space<semaphore_mem>>) {add = true}
    %dma_wait3A_914 = arith.constant 0 : i32
    %dma_wait3A_915 = arith.constant 0 : i32
    %dma_wait3A_916 = arith.constant 0 : i32
    %dma_wait3A_917 = arith.constant 0 : i32
    %dma_wait3A_918 = tpu.memref_slice %arg10[%dma_wait3A_914, %dma_wait3A_916, %dma_wait3A_917] : memref<6x128x16xf32, #tpu.memory_space<vmem>> -> memref<1x128x16xf32, #tpu.memory_space<vmem>>
    %dma_wait3A_919 = tpu.memref_squeeze %dma_wait3A_918 : memref<1x128x16xf32, #tpu.memory_space<vmem>> -> memref<128x16xf32, #tpu.memory_space<vmem>>
    %dma_wait3A_920 = arith.constant 0 : i32
    %dma_wait3A_921 = arith.constant 0 : i32
    %dma_wait3A_922 = tpu.memref_slice %dma_wait3A_919[%dma_wait3A_920, %dma_wait3A_921] : memref<128x16xf32, #tpu.memory_space<vmem>> -> memref<16x16xf32, #tpu.memory_space<vmem>>
    %dma_wait3A_923 = arith.constant 9984 : i32
    %dma_wait3A_924 = tpu.memref_slice %arg8[%dma_wait3A_923] : memref<10000xi32, #tpu.memory_space<vmem>> -> memref<16xi32, #tpu.memory_space<vmem>>
    %dma_wait3A_925 = arith.constant 0 : i32
    %dma_wait3A_926 = arith.constant 0 : i32
    %dma_wait3A_927 = tpu.memref_slice %arg17[%dma_wait3A_925, %dma_wait3A_926] : memref<10240x16xf32, #tpu.memory_space<vmem_shared>> -> memref<10240x16xf32, #tpu.memory_space<vmem_shared>>
    %dma_wait3A_928 = tpu.memref_slice %arg20[%dma_wait3A_915] : memref<6x!tpu.dma_semaphore, #tpu.memory_space<semaphore_mem>> -> memref<1x!tpu.dma_semaphore, #tpu.memory_space<semaphore_mem>>
    %dma_wait3A_929 = tpu.memref_squeeze %dma_wait3A_928 : memref<1x!tpu.dma_semaphore, #tpu.memory_space<semaphore_mem>> -> memref<!tpu.dma_semaphore, #tpu.memory_space<semaphore_mem>>
    tpu.wait_indirect_dma semaphore(%dma_wait3A_929 : memref<!tpu.dma_semaphore, #tpu.memory_space<semaphore_mem>>) src(%dma_wait3A_922 : memref<16x16xf32, #tpu.memory_space<vmem>>) dst(%dma_wait3A_927 : memref<10240x16xf32, #tpu.memory_space<vmem_shared>>)
    %barrier3A_930 = arith.constant 0 : index
    tpu.barrier barrier_id(%barrier3A_930)
    "tpu.region"() ({
      %run_scoped3A_943 = tpu.sem_alloc : memref<!tpu.dma_semaphore, #tpu.memory_space<semaphore_mem>>
      %dma_start3A_944 = arith.constant 0 : i32
      %dma_start3A_945 = tpu.memref_slice %arg17[%mul3A_441, %dma_start3A_944] : memref<10240x16xf32, #tpu.memory_space<vmem_shared>> -> memref<625x16xf32, #tpu.memory_space<vmem_shared>>
      %dma_start3A_946 = arith.constant 0 : i32
      %dma_start3A_947 = tpu.memref_slice %arg17[%mul3A_441, %dma_start3A_946] : memref<10240x16xf32, #tpu.memory_space<vmem_shared>> -> memref<625x16xf32, #tpu.memory_space<vmem_shared>>
      tpu.enqueue_dma source(%dma_start3A_947 : memref<625x16xf32, #tpu.memory_space<vmem_shared>>) target(%arg22 : memref<625x16xf32, #tpu.memory_space<vmem>>) target_semaphore(%run_scoped3A_943 : memref<!tpu.dma_semaphore, #tpu.memory_space<semaphore_mem>>)
      %dma_wait3A_948 = arith.constant 0 : i32
      %dma_wait3A_949 = tpu.memref_slice %arg17[%mul3A_441, %dma_wait3A_948] : memref<10240x16xf32, #tpu.memory_space<vmem_shared>> -> memref<625x16xf32, #tpu.memory_space<vmem_shared>>
      %dma_wait3A_950 = arith.constant 0 : i32
      %dma_wait3A_951 = tpu.memref_slice %arg17[%mul3A_441, %dma_wait3A_950] : memref<10240x16xf32, #tpu.memory_space<vmem_shared>> -> memref<625x16xf32, #tpu.memory_space<vmem_shared>>
      tpu.wait_dma2 semaphore(%run_scoped3A_943 : memref<!tpu.dma_semaphore, #tpu.memory_space<semaphore_mem>>) src(%dma_wait3A_951 : memref<625x16xf32, #tpu.memory_space<vmem_shared>>) dst(%arg22 : memref<625x16xf32, #tpu.memory_space<vmem>>)
      tpu.yield
    }) : () -> ()
    %eq3A = arith.constant 0 : i32
    %eq3A_931 = arith.cmpi eq, %arg0, %eq3A : i32
    %jit3A_932 = arith.constant 1.000000e+00 : f32
    %jit3A_933 = arith.constant 0.000000e+00 : f32
    %select_n3A_934 = arith.select %eq3A_931, %jit3A_932, %jit3A_933 : f32
    %broadcast_in_dim3A_935 = vector.broadcast %select_n3A_934 : f32 to vector<16xf32>
    %scan3A_936 = arith.constant 0 : i32
    %scan3A_937 = arith.constant 0 : i32
    %scan3A_938 = arith.constant 625 : i32
    %scan3A_939 = arith.addi %scan3A_937, %scan3A_938 : i32
    %scan3A_940 = arith.constant 1 : i32
    %scan3A_941 = scf.for %scan3A_943 = %scan3A_937 to %scan3A_939 step %scan3A_940 iter_args(%scan3A_944 = %scan3A_936) -> (i32)  : i32 {
      %get3A_945 = arith.index_cast %scan3A_943 : i32 to index
      %get3A_946 = arith.constant 0 : index
      %get3A_947 = tpu.vector_load %arg25[%get3A_945, %get3A_946] {strides = array<i32>} : memref<625x16xf32, #tpu.memory_space<vmem>>, vector<16xf32>,
      %get3A_948 = arith.index_cast %scan3A_943 : i32 to index
      %get3A_949 = arith.constant 0 : index
      %get3A_950 = tpu.vector_load %arg22[%get3A_948, %get3A_949] {strides = array<i32>} : memref<625x16xf32, #tpu.memory_space<vmem>>, vector<16xf32>,
      %mul3A_951 = arith.mulf %get3A_947, %get3A_950 : vector<16xf32>
      %get3A_952 = arith.index_cast %scan3A_943 : i32 to index
      %get3A_953 = arith.constant 0 : index
      %get3A_954 = tpu.vector_load %arg24[%get3A_952, %get3A_953] {strides = array<i32>} : memref<625x16xf32, #tpu.memory_space<vmem>>, vector<16xf32>,
      %mul3A_955 = arith.mulf %broadcast_in_dim3A_935, %get3A_954 : vector<16xf32>
      %add3A_956 = arith.addf %mul3A_951, %mul3A_955 : vector<16xf32>
      %swap3A_957 = arith.index_cast %scan3A_943 : i32 to index
      %swap3A_958 = arith.constant 0 : index
      %swap3A_959 = tpu.vector_load %arg22[%swap3A_957, %swap3A_958] {strides = array<i32>} : memref<625x16xf32, #tpu.memory_space<vmem>>, vector<16xf32>,
      tpu.vector_store %arg22[%swap3A_957, %swap3A_958], %add3A_956 {strides = array<i32>} : memref<625x16xf32, #tpu.memory_space<vmem>>, vector<16xf32>,
      %scan3A_960 = arith.constant 0 : i32
      scf.yield %scan3A_960 : i32
    }
    %scan3A_942 = arith.constant 625 : i32
    "tpu.region"() ({
      %run_scoped3A_943 = tpu.sem_alloc : memref<!tpu.dma_semaphore, #tpu.memory_space<semaphore_mem>>
      %dma_start3A_944 = arith.constant 0 : i32
      %dma_start3A_945 = arith.constant 0 : i32
      %dma_start3A_946 = tpu.memref_slice %arg6[%arg0, %dma_start3A_944, %dma_start3A_945] : memref<2x10000x16xf32, #tpu.memory_space<hbm>> -> memref<1x10000x16xf32, #tpu.memory_space<hbm>>
      %dma_start3A_947 = tpu.memref_squeeze %dma_start3A_946 : memref<1x10000x16xf32, #tpu.memory_space<hbm>> -> memref<10000x16xf32, #tpu.memory_space<hbm>>
      %dma_start3A_948 = arith.constant 0 : i32
      %dma_start3A_949 = tpu.memref_slice %dma_start3A_947[%mul3A_441, %dma_start3A_948] : memref<10000x16xf32, #tpu.memory_space<hbm>> -> memref<625x16xf32, #tpu.memory_space<hbm>>
      %dma_start3A_950 = arith.constant 0 : i32
      %dma_start3A_951 = arith.constant 0 : i32
      %dma_start3A_952 = tpu.memref_slice %arg6[%arg0, %dma_start3A_950, %dma_start3A_951] : memref<2x10000x16xf32, #tpu.memory_space<hbm>> -> memref<1x10000x16xf32, #tpu.memory_space<hbm>>
      %dma_start3A_953 = tpu.memref_squeeze %dma_start3A_952 : memref<1x10000x16xf32, #tpu.memory_space<hbm>> -> memref<10000x16xf32, #tpu.memory_space<hbm>>
      %dma_start3A_954 = arith.constant 0 : i32
      %dma_start3A_955 = tpu.memref_slice %dma_start3A_953[%mul3A_441, %dma_start3A_954] : memref<10000x16xf32, #tpu.memory_space<hbm>> -> memref<625x16xf32, #tpu.memory_space<hbm>>
      tpu.enqueue_dma source(%arg22 : memref<625x16xf32, #tpu.memory_space<vmem>>) target(%dma_start3A_955 : memref<625x16xf32, #tpu.memory_space<hbm>>) target_semaphore(%run_scoped3A_943 : memref<!tpu.dma_semaphore, #tpu.memory_space<semaphore_mem>>)
      %dma_wait3A_956 = arith.constant 0 : i32
      %dma_wait3A_957 = arith.constant 0 : i32
      %dma_wait3A_958 = tpu.memref_slice %arg6[%arg0, %dma_wait3A_956, %dma_wait3A_957] : memref<2x10000x16xf32, #tpu.memory_space<hbm>> -> memref<1x10000x16xf32, #tpu.memory_space<hbm>>
      %dma_wait3A_959 = tpu.memref_squeeze %dma_wait3A_958 : memref<1x10000x16xf32, #tpu.memory_space<hbm>> -> memref<10000x16xf32, #tpu.memory_space<hbm>>
      %dma_wait3A_960 = arith.constant 0 : i32
      %dma_wait3A_961 = tpu.memref_slice %dma_wait3A_959[%mul3A_441, %dma_wait3A_960] : memref<10000x16xf32, #tpu.memory_space<hbm>> -> memref<625x16xf32, #tpu.memory_space<hbm>>
      %dma_wait3A_962 = arith.constant 0 : i32
      %dma_wait3A_963 = arith.constant 0 : i32
      %dma_wait3A_964 = tpu.memref_slice %arg6[%arg0, %dma_wait3A_962, %dma_wait3A_963] : memref<2x10000x16xf32, #tpu.memory_space<hbm>> -> memref<1x10000x16xf32, #tpu.memory_space<hbm>>
      %dma_wait3A_965 = tpu.memref_squeeze %dma_wait3A_964 : memref<1x10000x16xf32, #tpu.memory_space<hbm>> -> memref<10000x16xf32, #tpu.memory_space<hbm>>
      %dma_wait3A_966 = arith.constant 0 : i32
      %dma_wait3A_967 = tpu.memref_slice %dma_wait3A_965[%mul3A_441, %dma_wait3A_966] : memref<10000x16xf32, #tpu.memory_space<hbm>> -> memref<625x16xf32, #tpu.memory_space<hbm>>
      tpu.wait_dma2 semaphore(%run_scoped3A_943 : memref<!tpu.dma_semaphore, #tpu.memory_space<semaphore_mem>>) src(%arg22 : memref<625x16xf32, #tpu.memory_space<vmem>>) dst(%dma_wait3A_967 : memref<625x16xf32, #tpu.memory_space<hbm>>)
      tpu.yield
    }) : () -> ()
    return
  }
}

module attributes {stable_mosaic.version = 14 : i64} {
  func.func @_tc_matmul1(%arg0: memref<10000x128xf32, #tpu.memory_space<vmem>>, %arg1: memref<128x16xf32, #tpu.memory_space<vmem>>, %arg2: memref<10000x16xf32, #tpu.memory_space<vmem>>) attributes {dimension_semantics = [], scalar_prefetch = 0 : i64, scratch_operands = 0 : i64, tpu.core_type = #tpu.core_type<tc>} {
    %get3A = arith.constant 0 : index
    %get3A_0 = arith.constant 0 : index
    %get3A_1 = vector.load %arg0[%get3A, %get3A_0] : memref<10000x128xf32, #tpu.memory_space<vmem>>, vector<10000x128xf32>
    %get3A_2 = arith.constant 0 : index
    %get3A_3 = arith.constant 0 : index
    %get3A_4 = vector.load %arg1[%get3A_2, %get3A_3] : memref<128x16xf32, #tpu.memory_space<vmem>>, vector<128x16xf32>
    %dot_general3A = arith.constant dense<0.000000e+00> : vector<10000x16xf32>
    %dot_general3A_5 = tpu.matmul %get3A_1, %get3A_4, %dot_general3A {dimension_numbers = #tpu.dot_dimension_numbers<[1], [0], [0], [1], [0, 0, 1, 1], [], []>, transpose_lhs_hint = false} : vector<10000x128xf32>, vector<128x16xf32>, vector<10000x16xf32> -> vector<10000x16xf32>
    %swap3A = arith.constant 0 : index
    %swap3A_6 = arith.constant 0 : index
    %swap3A_7 = vector.load %arg2[%swap3A, %swap3A_6] : memref<10000x16xf32, #tpu.memory_space<vmem>>, vector<10000x16xf32>
    tpu.vector_store %arg2[%swap3A, %swap3A_6], %dot_general3A_5 {strides = array<i32>} : memref<10000x16xf32, #tpu.memory_space<vmem>>, vector<10000x16xf32>,
    return
  }
}

module attributes {stable_mosaic.version = 14 : i64} {
  func.func @_tc_final(%arg0: memref<2x10000x16xf32, #tpu.memory_space<vmem>>, %arg1: memref<16x40xf32, #tpu.memory_space<vmem>>, %arg2: memref<1x40xf32, #tpu.memory_space<vmem>>, %arg3: memref<10000x40xf32, #tpu.memory_space<vmem>>) attributes {dimension_semantics = [], scalar_prefetch = 0 : i64, scratch_operands = 0 : i64, tpu.core_type = #tpu.core_type<tc>} {
    %get3A = arith.constant 0 : index
    %get3A_0 = arith.constant 0 : index
    %get3A_1 = arith.constant 0 : index
    %get3A_2 = vector.load %arg0[%get3A, %get3A_0, %get3A_1] : memref<2x10000x16xf32, #tpu.memory_space<vmem>>, vector<1x10000x16xf32>
    %get3A_3 = vector.shape_cast %get3A_2 : vector<1x10000x16xf32> to vector<10000x16xf32>
    %get3A_4 = arith.constant 1 : index
    %get3A_5 = arith.constant 0 : index
    %get3A_6 = arith.constant 0 : index
    %get3A_7 = vector.load %arg0[%get3A_4, %get3A_5, %get3A_6] : memref<2x10000x16xf32, #tpu.memory_space<vmem>>, vector<1x10000x16xf32>
    %get3A_8 = vector.shape_cast %get3A_7 : vector<1x10000x16xf32> to vector<10000x16xf32>
    %add3A = arith.addf %get3A_3, %get3A_8 : vector<10000x16xf32>
    %get3A_9 = arith.constant 0 : index
    %get3A_10 = arith.constant 0 : index
    %get3A_11 = vector.load %arg1[%get3A_9, %get3A_10] : memref<16x40xf32, #tpu.memory_space<vmem>>, vector<16x40xf32>
    %dot_general3A = arith.constant dense<0.000000e+00> : vector<10000x40xf32>
    %dot_general3A_12 = tpu.matmul %add3A, %get3A_11, %dot_general3A {dimension_numbers = #tpu.dot_dimension_numbers<[1], [0], [0], [1], [0, 0, 1, 1], [], []>, transpose_lhs_hint = false} : vector<10000x16xf32>, vector<16x40xf32>, vector<10000x40xf32> -> vector<10000x40xf32>
    %get3A_13 = arith.constant 0 : index
    %get3A_14 = arith.constant 0 : index
    %get3A_15 = vector.load %arg2[%get3A_13, %get3A_14] : memref<1x40xf32, #tpu.memory_space<vmem>>, vector<1x40xf32>
    %add3A_16 = vector.broadcast %get3A_15 : vector<1x40xf32> to vector<10000x40xf32>
    %add3A_17 = arith.addf %dot_general3A_12, %add3A_16 : vector<10000x40xf32>
    %reduce_max3A = arith.constant dense<0xFF800000> : vector<10000xf32>
    %reduce_max3A_18 = vector.multi_reduction <maximumf>, %add3A_17, %reduce_max3A [1] : vector<10000x40xf32> to vector<10000xf32>
    %broadcast_in_dim3A = vector.shape_cast %reduce_max3A_18 : vector<10000xf32> to vector<10000x1xf32>
    %sub3A = vector.broadcast %broadcast_in_dim3A : vector<10000x1xf32> to vector<10000x40xf32>
    %sub3A_19 = arith.subf %add3A_17, %sub3A : vector<10000x40xf32>
    %exp3A = math.exp %sub3A_19 : vector<10000x40xf32>
    %sub3A_20 = vector.broadcast %broadcast_in_dim3A : vector<10000x1xf32> to vector<10000x40xf32>
    %sub3A_21 = arith.subf %add3A_17, %sub3A_20 : vector<10000x40xf32>
    %reduce_sum3A = arith.constant dense<0.000000e+00> : vector<10000xf32>
    %reduce_sum3A_22 = vector.multi_reduction <add>, %exp3A, %reduce_sum3A [1] : vector<10000x40xf32> to vector<10000xf32>
    %broadcast_in_dim3A_23 = vector.shape_cast %reduce_sum3A_22 : vector<10000xf32> to vector<10000x1xf32>
    %log3A = math.log %broadcast_in_dim3A_23 : vector<10000x1xf32>
    %sub3A_24 = vector.broadcast %log3A : vector<10000x1xf32> to vector<10000x40xf32>
    %sub3A_25 = arith.subf %sub3A_21, %sub3A_24 : vector<10000x40xf32>
    %swap3A = arith.constant 0 : index
    %swap3A_26 = arith.constant 0 : index
    %swap3A_27 = vector.load %arg3[%swap3A, %swap3A_26] : memref<10000x40xf32, #tpu.memory_space<vmem>>, vector<10000x40xf32>
    tpu.vector_store %arg3[%swap3A, %swap3A_26], %sub3A_25 {strides = array<i32>} : memref<10000x40xf32, #tpu.memory_space<vmem>>, vector<10000x40xf32>,
    return
  }
}

</mosaic_0001>

<sc_bundles>
// kernel: kernel.6.cloned.1.call-start
scs
__scs_entry_jumppad:
0x0: {  	(pc) =	sbr.rel $0x88, $3  }
0x1: {  	(tag) =	ssettag $0x0;
	lr =	simm.s32 $0x1  }
0x2: {  	[smem:$0x3F9B] =	sst lr;
	_ =	strace $0xD0000000  }
0x3: {  	_ = 	snop  }
0x4: {  	_ = 	snop  }
0x5: {  	_ = 	snop  }
0x6: {  	_ = 	snop  }
0x7: {  	_ = 	snop  }
__scs_overlays_trampoline_lowered:
0x8: {  	[smem:$0x3FAA] =	sst s0  }
0x9: {  	[smem:$0x3FAB] =	sst s1  }
0xa: {  	[smem:$0x3FAC] =	sst s2  }
0xb: {  	[smem:$0x3FAD] =	sst s3  }
0xc: {  	[smem:$0x3FAE] =	sst s4  }
0xd: {  	[smem:$0x3FAF] =	sst s5  }
0xe: {  	[smem:$0x3FB0] =	sst s6  }
0xf: {  	[smem:$0x3FB1] =	sst s7  }
0x10: {  	[smem:$0x3FB2] =	sst s8  }
0x11: {  	[smem:$0x3FB3] =	sst s9;
	s0 =	simm.s32 @!p0 $0x0  }
0x12: {  	s1 =	sld [smem:$0x3F99];
	s0 =	simm.s32 @p0 $0x1  }
0x13: {  	[smem:$0x3FB4] =	sst s0;
	s0 =	simm.s32 @!p1 $0x0  }
0x14: {  	s2 =	sld [smem:$0x3F98];
	s0 =	simm.s32 @p1 $0x1  }
0x15: {  	[smem:$0x3FB5] =	sst s0;
	s0 =	simm.s32 @!p2 $0x0  }
0x16: {  	s3 =	sld [smem:$0x3FDB];
	s0 =	simm.s32 @p2 $0x1  }
0x17: {  	s4 =	simm.s32 $0x1BF5;
	[smem:$0x3FB7] =	sst s0  }
0x18: {  	s0 =	sld [smem:$0x3F9A];
	_ =	swait.ge [sflag:s4], $0x0  }
0x19: {  	s7 =	sld [smem:$0x3F9B]  }
0x1a: {  	s8 =	sadd.s32 $0xFFFFE003, lr  }
0x1b: {  	s9 =	sadd.s32 $0xFFFFFEF7, lr;
	s5 =	simm.s32 $0xFFFFFFFF;
	p2 =	slt.u32 s8, $0xFFFFF086  }
0x1c: {  	p1 =	slt.u32 s9, $0xF7A;
	s5 =	simm.s32 @!p2 $0x0  }
0x1d: {  	s5 =	simm.s32 @p1 $0x1;
	p0 =	seq.s32 s7, s2  }
0x1e: {  	s7 =	smul.u32 @!p0 $0xF7A, s2;
	p2 =	seq.s32 @!p0 s5, $0x0  }
0x1f: {  	s9 =	smul.u32 $0xF7A, s1;
	s8 =	simm.s32 @!p0 $0x1BF5;
	p2 =	por !p2, p0  }
0x20: {  	[sflag:s8] =	ssyncset.s32 @!p0 $0xFFFFF086;
	s6 =	sadd.s32 @!p0 s3, s7;
	s7 =	simm.s32 @!p0 $0x108  }
0x21: {  	s3 =	sadd.s32 s3, s9;
	s6 =	sadd.s32 @!p0 $0x88, s6;
	s7 =	simm.s32 @p2 $0x1082  }
0x22: {  	[simem:s7], [sflag:s8] =	dma.local @!p0 [hbm:s6], $0xF7A  }
0x23: {  	s9 =	sor.u32 $0xD0000000, s2;
	s6 =	simm.s32 $0x108;
	_ =	swait.ge @!p0 [sflag:s8], $0x0  }
0x24: {  	s3 =	sadd.s32 $0x88, s3;
	s6 =	simm.s32 @!p1 $0x1082;
	[sflag:s4] =	ssyncset.s32 $0xFFFFF086  }
0x25: {  	[simem:s6], [sflag:s4] =	dma.local [hbm:s3], $0xF7A  }
0x26: {  	[smem:$0x3F9B] =	sst s1;
	(tag) =	ssettag s2;
	_ =	strace s9  }
0x27: {  	s1 =	sld [smem:$0x3FAB]  }
0x28: {  	s2 =	sld [smem:$0x3FAC]  }
0x29: {  	s4 =	sld [smem:$0x3FAE]  }
0x2a: {  	p0 =	seq.s32 s5, $0x0;
	s5 =	sld [smem:$0x3FAF]  }
0x2b: {  	s6 =	sld [smem:$0x3FB0]  }
0x2c: {  	s7 =	sld [smem:$0x3FB1]  }
0x2d: {  	s3 =	simm.s32 $0x108;
	s8 =	sld [smem:$0x3FB2]  }
0x2e: {  	s3 =	simm.s32 @!p0 $0x1082;
	s9 =	sld [smem:$0x3FB3]  }
0x2f: {  	lr =	sadd.s32 s0, s3;
	s0 =	sld [smem:$0x3FAA]  }
0x30: {  	s3 =	sld [smem:$0x3FAD]  }
0x31: {  	[smem:$0x3FB6] =	sst s10  }
0x32: {  	s10 =	sld [smem:$0x3FB4];
	_ =	sdelay $0x3  }
0x33: {  	p0 =	seq.s32 s10, $0x1;
	s10 =	sld [smem:$0x3FB6];
	_ =	sdelay $0x3  }
0x34: {  	[smem:$0x3FB6] =	sst s10  }
0x35: {  	s10 =	sld [smem:$0x3FB5];
	_ =	sdelay $0x3  }
0x36: {  	p1 =	seq.s32 s10, $0x1;
	s10 =	sld [smem:$0x3FB6];
	_ =	sdelay $0x3  }
0x37: {  	[smem:$0x3FB6] =	sst s10  }
0x38: {  	s10 =	sld [smem:$0x3FB7]  }
0x39: {  	_ = 	snop;
	(pc) =	sbr.ind lr, $3  }
0x3a: {  	_ = 	snop  }
0x3b: {  	_ = 	snop  }
0x3c: {  	p2 =	seq.s32 s10, $0x1;
	s10 =	sld [smem:$0x3FB6]  }
0x3d: {  	_ =	shalt  }
0x3e: {  	_ =	shalt  }
0x3f: {  	_ =	shalt  }
0x40: {  	_ =	shalt  }
0x41: {  	_ =	shalt  }
0x42: {  	_ =	shalt  }
0x43: {  	_ =	shalt  }
0x44: {  	_ =	shalt  }
0x45: {  	_ =	shalt  }
0x46: {  	_ =	shalt  }
0x47: {  	_ =	shalt  }
0x48: {  	_ =	shalt  }
0x49: {  	_ =	shalt  }
0x4a: {  	_ =	shalt  }
0x4b: {  	_ =	shalt  }
0x4c: {  	_ =	shalt  }
0x4d: {  	_ =	shalt  }
0x4e: {  	_ =	shalt  }
0x4f: {  	_ =	shalt  }
0x50: {  	_ =	shalt  }
0x51: {  	_ =	shalt  }
0x52: {  	_ =	shalt  }
0x53: {  	_ =	shalt  }
0x54: {  	_ =	shalt  }
0x55: {  	_ =	shalt  }
0x56: {  	_ =	shalt  }
0x57: {  	_ =	shalt  }
0x58: {  	_ =	shalt  }
0x59: {  	_ =	shalt  }
0x5a: {  	_ =	shalt  }
0x5b: {  	_ =	shalt  }
0x5c: {  	_ =	shalt  }
0x5d: {  	_ =	shalt  }
0x5e: {  	_ =	shalt  }
0x5f: {  	_ =	shalt  }
0x60: {  	_ =	shalt  }
0x61: {  	_ =	shalt  }
0x62: {  	_ =	shalt  }
0x63: {  	_ =	shalt  }
0x64: {  	_ =	shalt  }
0x65: {  	_ =	shalt  }
0x66: {  	_ =	shalt  }
0x67: {  	_ =	shalt  }
0x68: {  	_ =	shalt  }
0x69: {  	_ =	shalt  }
0x6a: {  	_ =	shalt  }
0x6b: {  	_ =	shalt  }
0x6c: {  	_ =	shalt  }
0x6d: {  	_ =	shalt  }
0x6e: {  	_ =	shalt  }
0x6f: {  	_ =	shalt  }
0x70: {  	_ =	shalt  }
0x71: {  	_ =	shalt  }
0x72: {  	_ =	shalt  }
0x73: {  	_ =	shalt  }
0x74: {  	_ =	shalt  }
0x75: {  	_ =	shalt  }
0x76: {  	_ =	shalt  }
0x77: {  	_ =	shalt  }
0x78: {  	_ =	shalt  }
0x79: {  	_ =	shalt  }
0x7a: {  	_ =	shalt  }
0x7b: {  	_ =	shalt  }
0x7c: {  	_ =	shalt  }
0x7d: {  	_ =	shalt  }
0x7e: {  	_ =	shalt  }
0x7f: {  	_ =	shalt  }
0x80: {  	_ =	shalt  }
0x81: {  	_ =	shalt  }
0x82: {  	_ =	shalt  }
0x83: {  	_ =	shalt  }
0x84: {  	_ =	shalt  }
0x85: {  	_ =	shalt  }
0x86: {  	_ =	shalt  }
0x87: {  	_ =	shalt  }
.Lfunc_end0:
.L_simem_size_0:
called_computation_lowered:
.L_overlay_start_0:
0x88: {  	s2 =	sld [smem:$0x3FD9]  }
0x89: {  	s3 =	sld [smem:$0x3FFE];
	_ =	sdelay $0x1  }
0x8a: {  	s1 =	srdreg.scid  }
0x8b: {  	s0 =	sand.u32 $0x1, s1  }
0x8c: {  	s16 =	sshll.u32 s0, $0xA;
	s2 =	sadd.s32 s3, s2  }
0x8d: {  	s2 =	sadd.s32 s2, s16  }
0x8e: {  	[smem:$0x3FC2] =	sst s2  }
0x8f: {  	_ = 	snop  }
0x90: {  	(tm) =	ssettm $0x1  }
0x91: {  	s17 =	sld [smem:$0x3FFB];
	_ =	sdelay $0x3  }
0x92: {  	_ =	strace s17  }
0x93: {  	s2 =	sld [smem:$0x3FFC];
	_ =	sdelay $0x3  }
0x94: {  	_ =	strace s2  }
0x95: {  	s2 =	sld [smem:$0x3FFD];
	_ =	sdelay $0x3  }
0x96: {  	_ =	strace s2  }
0x97: {  	_ =	strace $0x8FFFFFFF  }
0x98: {  	s18 =	sld [smem:$0x3FDB];
	_ =	sdelay $0x1  }
0x99: {  	s19 =	simm.s32 $_scs_section_size  }
0x9a: {  	s4 =	simm.s32 $_size__tile_overlayer_lowered;
	s5 =	simm.s32 $_tile_overlayer_lowered  }
0x9b: {  	s22 =	simm.s32 $0x1BFF;
	s21 =	sshll.u32 s5, $0x1;
	s2 =	sadd.s32 s19, s18  }
0x9c: {  	s6 =	simm.s32 $0x0;
	s20 =	sshll.u32 s4, $0x1;
	s4 =	sadd.s32 s21, s2  }
0x9d: {  	[timem:s6], [sflag:s22] =	dma.local [hbm:s4], s20  }
0x9e: {  	_ =	swait.ge [sflag:s22], s20  }
0x9f: {  	s3 =	ssub.s32 $0x0, s20;
	[sflag:s22] =	ssyncset.done $0x0  }
0xa0: {  	[sflag:s22] =	ssyncadd.s32 s3;
	_ =	sdelay $0x1  }
0xa1: {  	s23 =	simm.s32 $0x1B8B  }
0xa2: {  	_ =	swait.ge [sflag:s23], $0x1  }
0xa3: {  	[sflag:s23] =	ssyncset.done $0x0  }
0xa4: {  	s25 =	simm.s32 $0x1B8E;
	s24 =	sld [smem:$0x3FFE];
	[sflag:s23] =	ssyncadd.s32 $0xFFFFFFFF  }
0xa5: {  	s26 =	simm.s32 $execute0_lowered;
	[smem:$0x3FD2] =	sst s25  }
0xa6: {  	s4 =	sshll.u32 s26, $0x1;
	_ =	strace $0x80000046;
	[dreg:$0x1] =	wrdreg $0xFFFFFFFF  }
0xa7: {  	s28 =	simm.s32 $_size_execute0_lowered;
	s2 =	sadd.s32 s2, s4;
	[dreg:$0x0] =	wrdreg $0x0  }
0xa8: {  	s4 =	sshll.u32 s28, $0x1;
	[dreg:$0x2] =	wrdreg s2  }
0xa9: {  	[dreg:$0x3] =	wrdreg s4  }
0xaa: {  	[dreg:$0x4] =	wrdreg $0xC0  }
0xab: {  	_ =	task [dreg:s6], $0x5FFFF  }
0xac: {  	[dreg:$0x1] =	wrdreg $0xFFFFFFFF  }
0xad: {  	[dreg:$0x0] =	wrdreg $0x60  }
0xae: {  	[dreg:$0x2] =	wrdreg s24  }
0xaf: {  	[dreg:$0x3] =	wrdreg $0xFFD00  }
0xb0: {  	[dreg:$0x4] =	wrdreg $0x127D00  }
0xb1: {  	[dreg:$0x5] =	wrdreg $0xD7D00  }
0xb2: {  	[dreg:$0x6] =	wrdreg $0x9  }
0xb3: {  	_ =	task.clear_ibuf [dreg:s6], $0x7FFFF;
	_ =	strace $0x90000046  }
0xb4: {  	s29 =	simm.s32 $0x9;
	_ =	strace $0x80000048  }
0xb5: {  	_ =	swait.ge [sflag:s29], $0x1  }
0xb6: {  	[sflag:s29] =	ssyncadd.s32 $0xFFFFFFFF  }
0xb7: {  	_ =	strace $0x90000048  }
0xb8: {  	_ =	sfence  }
0xb9: {  	s30 =	sld [smem:$0x0];
	_ =	sdelay $0x2  }
0xba: {  	s31 =	sshll.u32 s1, $0xD;
	s1 =	sshrl.u32 s1, $0x2  }
0xbb: {  	s3 =	sand.u32 $0x4000, s31;
	s1 =	sadd.s32 s1, s30  }
0xbc: {  	s0 =	sor.u32 s3, s0;
	s1 =	sshll.u32 s1, $0x11  }
0xbd: {  	s0 =	sor.u32 s1, s0  }
0xbe: {  	s0 =	sadd.s32 $0x8F2B, s0  }
0xbf: {  	[sflag:s0] =	ssyncadd.remote.s32 $0x1  }
0xc0: {  	_ =	sfence.sel $0xFFFF  }
0xc1: {  	[dreg:$0x0] =	wrdreg $0xFFFFFFFF;
	(pc) =	sbr.abs _section_cstart, $3  }
0xc2: {  	[dreg:$0x1] =	wrdreg $0xFFFFFFFF  }
0xc3: {  	_ =	task.clear_ibuf [dreg:s6], $0x2FFFF;
	_ =	strace $0x9FFFFFFF  }
0xc4: {  	(tm) =	ssettm $0x7FFFFFFF  }
0xc5: {  	_ =	shalt  }
tec
execute0_lowered:
.L_overlay_start_1:
0x0: {  	(tag) =	ssettag $0x1  }
0x1: {  	s0 =	rddreg [dreg:$0x0]  }
0x2: {  	s1 =	rddreg [dreg:$0x1]  }
0x3: {  	s2 =	srdreg.scid;
	s3 =	rddreg [dreg:$0x2]  }
0x4: {  	s13 =	stileid.u32;
	s4 =	rddreg [dreg:$0x3];
	s17 =	simm.s32 $0x0  }
0x5: {  	s29 =	simm.s32 $0x1;
	s30 =	simm.s32 $0x9530;
	s31 =	simm.s32 $0x9D30  }
0x6: {  	s28 =	simm.s32 $0x0;
	s2 =	sand.u32 $0x1, s2;
	s12 =	smul.u32 $0xA000, s13  }
0x7: {  	[smem:$0x7FF] =	sst s17;
	s26 =	smul.u32 $0x280, s13;
	s14 =	sadd.s32 $0xAA40, s0  }
0x8: {  	s23 =	smul.u32 $0x9C4, s13;
	s5 =	sshll.u32 s2, $0x4;
	_ =	strace $0x80000047  }
0x9: {  	s9 =	smul.u32 $0x4E20, s2;
	s2 =	ssub.s32 $0x2, s2;
	[dreg:$0x7] =	wrdreg s14  }
0xa: {  	s6 =	sor.u32 s13, s5;
	s5 =	ssub.s32 s13, s5;
	s11 =	sshrl.u32 s2, $0x1  }
0xb: {  	s15 =	sshrl.u32 s12, $0x2;
	s16 =	sadd.s32 $0x80, s26;
	s7 =	smul.u32 $0x4E2, s6  }
0xc: {  	s18 =	sadd.s32 s26, s3;
	s20 =	sadd.s32 $0x100, s26;
	s6 =	smul.u32 $0x2710, s13  }
0xd: {  	s22 =	sadd.s32 $0x180, s26;
	s5 =	smul.u32 $0x2710, s5;
	s9 =	sadd.s32 s9, s0  }
0xe: {  	s2 =	ssub.s32 s2, s11;
	[dreg:$0x9] =	wrdreg s18;
	s19 =	sshll.u32 s16, $0x4  }
0xf: {  	s21 =	sshll.u32 s20, $0x4;
	s12 =	sadd.s32 s20, s3;
	s24 =	sshll.u32 s22, $0x4  }
0x10: {  	s20 =	simm.s32 $0x4E20;
	[dreg:$0xd] =	wrdreg s12;
	s12 =	sadd.s32 s24, s1  }
0x11: {  	s2 =	smax.u32 s2, $0x1;
	[dreg:$0x5] =	wrdreg s7;
	s7 =	sadd.s32 s7, s0  }
0x12: {  	s8 =	sshrl.u32 s6, $0x3;
	s11 =	sadd.s32 $0x27100, s5;
	s5 =	sadd.s32 s15, s1  }
0x13: {  	[dreg:$0xe] =	wrdreg s12;
	s12 =	sadd.s32 $0x19800, s9;
	s15 =	sand.u32 $0x7, s13  }
0x14: {  	s24 =	sadd.s32 s6, s4;
	[dreg:$0x16] =	wrdreg s2;
	s2 =	simm.s32 $0x80  }
0x15: {  	s13 =	simm.s32 $0xF;
	s10 =	sadd.s32 s8, s0;
	[dreg:$0x8] =	wrdreg s5  }
0x16: {  	s7 =	sadd.s32 $0xE00, s7;
	s0 =	sshrl.u32 s11, $0x3;
	[dreg:$0x15] =	wrdreg s24  }
0x17: {  	s11 =	sadd.s32 s19, s1;
	s5 =	sadd.s32 s16, s3;
	[dreg:$0x6] =	wrdreg s7  }
0x18: {  	s18 =	sor.u32 $0xAE30, s15;
	s19 =	simm.s32 $0x2710;
	[dreg:$0xa] =	wrdreg s11  }
0x19: {  	s15 =	simm.s32 $0x11;
	s24 =	simm.s32 $0x7530;
	[dreg:$0xb] =	wrdreg s5  }
0x1a: {  	s5 =	sadd.s32 s21, s1;
	s7 =	sadd.s32 $0x200, s26;
	s11 =	sand.u32 $0xFFE0, s23  }
0x1b: {  	s16 =	sadd.s32 $0x14800, s10;
	s0 =	sadd.s32 s0, s14;
	s21 =	simm.s32 $0x2790  }
0x1c: {  	s23 =	simm.s32 $0x2810;
	s10 =	simm.s32 $0x14;
	s14 =	simm.s32 $0x10  }
0x1d: {  	[dreg:$0xc] =	wrdreg s5;
	s25 =	sshll.u32 s7, $0x4;
	s5 =	sadd.s32 s22, s3  }
0x1e: {  	s11 =	sshrl.u32 s11, $0x2;
	s7 =	sadd.s32 s7, s3;
	[dreg:$0x14] =	wrdreg s16  }
0x1f: {  	[dreg:$0x17] =	wrdreg s0;
	s0 =	simm.s32 $0xADB0;
	s16 =	simm.s32 $0x12  }
0x20: {  	s22 =	simm.s32 $0x4E10;
	[dreg:$0xf] =	wrdreg s5;
	s26 =	sadd.s32 s25, s1  }
0x21: {  	v0 =	vmov s18;
	[dreg:$0x11] =	wrdreg s7;
	s5 =	sadd.s32 s11, s3;
	s25 =	sadd.s32 s6, s1  }
0x22: {  	s6 =	simm.s32 $0x13;
	s11 =	simm.s32 $0xD;
	[dreg:$0x10] =	wrdreg s26  }
0x23: {  	[dreg:$0x12] =	wrdreg s5;
	s5 =	sadd.s32 s8, s12;
	s26 =	sshrl.u32 s25, $0x3  }
0x24: {  	s12 =	simm.s32 $0xE;
	s25 =	simm.s32 $0x8D30;
	[dreg:$0x13] =	wrdreg s5  }
0x25: {  	v1 =	vimm.f32 $0.0e+00;
	v2 =	vimm.f32 $1.000000000e+00;
	s8 =	simm.s32 $0x7;
	[dreg:$0x18] =	wrdreg s26;
	s26 =	simm.s32 $0x15  }
.LBB2_1:
0x26: {  	s5 =	rddreg [dreg:$0x6]  }
0x27: {  	[tilespmem:s17], [sflag:$0x15] =	stream.linear.gather [hbm4b:s5+s17], $0x2710, $0x38;
	[tilespmem:$0x12A50] =	vst v63  }
0x28: {  	_ =	swait.ge [sflag:s26], $0x2710  }
0x29: {  	s9 =	rddreg [dreg:$0x5]  }
0x2a: {  	[sflag:s26] =	ssyncset.done $0x0;
	s7 =	rddreg [dreg:$0x7]  }
0x2b: {  	[sflag:s26] =	ssyncadd.s32 $0xFFFFD8F0;
	s5 =	sadd.s32 s9, s7  }
0x2c: {  	[tilespmem:s19], [sflag:$0x15] =	stream.linear.gather [hbm4b:s5+s17], $0x2710, $0x38;
	[tilespmem:$0x12A50] =	vst v63  }
0x2d: {  	_ =	swait.ge [sflag:s26], $0x2710  }
0x2e: {  	[sflag:s26] =	ssyncset.done $0x0  }
0x2f: {  	s18 =	rddreg [dreg:$0x17];
	[sflag:s26] =	ssyncadd.s32 $0xFFFFD8F0  }
0x30: {  	[tilespmem:s20], [sflag:$0x15] =	stream.linear.gather [hbm4b:s18+s17], $0x2710, $0x38;
	[tilespmem:$0x12A50] =	vst v63  }
0x31: {  	_ =	swait.ge [sflag:s26], $0x2710  }
0x32: {  	[sflag:s26] =	ssyncset.done $0x0  }
0x33: {  	s7 =	simm.s32 $0x0;
	s5 =	simm.s32 $0x40;
	[sflag:s26] =	ssyncadd.s32 $0xFFFFD8F0  }
.LBB2_2:
0x34: {  	p0 =	sne.s32 s5, $0x1FC0;
	[tilespmem:s7+$0xA530] =	vst v1;
	s7 =	smov.u32 s5;
	s5 =	sadd.s32 $0x40, s5  }
.Ltmp0:
0x35: {  	(pc) =	sbr.rel @p0 .LBB2_2-.Ltmp0, $2  }
0x36: {  	_ =	sdelay $0x2  }
0x37: {  	s7 =	sshra.s32 s7, $0x2  }
0x38: {  	[tilespmem:s7+$0xA530] =	vst v1  }
0x39: {  	[tilespmem:$0xAD30] =	vst v1  }
0x3a: {  	[tilespmem:$0xAD40] =	vst v1  }
0x3b: {  	[tilespmem:$0xAD50] =	vst v1  }
0x3c: {  	[tilespmem:$0xAD60] =	vst v1  }
0x3d: {  	[tilespmem:$0xAD70] =	vst v1  }
0x3e: {  	[tilespmem:$0xAD80] =	vst v1  }
0x3f: {  	[tilespmem:$0xAD90] =	vst v1  }
0x40: {  	[tilespmem:$0xADA0] =	vst v1  }
0x41: {  	[tilespmem:$0xADB0] =	vst v2  }
0x42: {  	[tilespmem:$0xADC0] =	vst v2  }
0x43: {  	[tilespmem:$0xADD0] =	vst v2  }
0x44: {  	[tilespmem:$0xADE0] =	vst v2  }
0x45: {  	[tilespmem:$0xADF0] =	vst v2  }
0x46: {  	[tilespmem:$0xAE00] =	vst v2  }
0x47: {  	[tilespmem:$0xAE10] =	vst v2  }
0x48: {  	s5 =	rddreg [dreg:$0x8];
	s7 =	simm.s32 $0xA530;
	[tilespmem:$0xAE20] =	vst v2  }
0x49: {  	[spmem:s5] =	stream.linear.scatter [tilespmem:s7], [sflag:$0x15], $0x800, $0x38;
	[tilespmem:$0x12A50] =	vst v63  }
0x4a: {  	_ =	swait.ge [sflag:s26], $0x800  }
0x4b: {  	[sflag:s26] =	ssyncset.done $0x0  }
0x4c: {  	s9 =	simm.s32 $0xAD30;
	s18 =	rddreg [dreg:$0x9];
	[sflag:s26] =	ssyncadd.s32 $0xFFFFF800  }
0x4d: {  	[spmem:s18] =	stream.linear.scatter [tilespmem:s9], [sflag:$0x15], $0x80, $0x38;
	[tilespmem:$0x12A50] =	vst v63  }
0x4e: {  	_ =	swait.ge [sflag:s26], $0x80  }
0x4f: {  	[sflag:s26] =	ssyncset.done $0x0  }
0x50: {  	s18 =	rddreg [dreg:$0xa];
	[sflag:s26] =	ssyncadd.s32 $0xFFFFFF80  }
0x51: {  	[spmem:s18] =	stream.linear.scatter [tilespmem:s7], [sflag:$0x15], $0x800, $0x38;
	[tilespmem:$0x12A50] =	vst v63  }
0x52: {  	_ =	swait.ge [sflag:s26], $0x800  }
0x53: {  	[sflag:s26] =	ssyncset.done $0x0  }
0x54: {  	s18 =	rddreg [dreg:$0xb];
	[sflag:s26] =	ssyncadd.s32 $0xFFFFF800  }
0x55: {  	[spmem:s18] =	stream.linear.scatter [tilespmem:s9], [sflag:$0x15], $0x80, $0x38;
	[tilespmem:$0x12A50] =	vst v63  }
0x56: {  	_ =	swait.ge [sflag:s26], $0x80  }
0x57: {  	[sflag:s26] =	ssyncset.done $0x0  }
0x58: {  	s18 =	rddreg [dreg:$0xc];
	[sflag:s26] =	ssyncadd.s32 $0xFFFFFF80  }
0x59: {  	[spmem:s18] =	stream.linear.scatter [tilespmem:s7], [sflag:$0x15], $0x800, $0x38;
	[tilespmem:$0x12A50] =	vst v63  }
0x5a: {  	_ =	swait.ge [sflag:s26], $0x800  }
0x5b: {  	[sflag:s26] =	ssyncset.done $0x0  }
0x5c: {  	s18 =	rddreg [dreg:$0xd];
	[sflag:s26] =	ssyncadd.s32 $0xFFFFF800  }
0x5d: {  	[spmem:s18] =	stream.linear.scatter [tilespmem:s9], [sflag:$0x15], $0x80, $0x38;
	[tilespmem:$0x12A50] =	vst v63  }
0x5e: {  	_ =	swait.ge [sflag:s26], $0x80  }
0x5f: {  	[sflag:s26] =	ssyncset.done $0x0  }
0x60: {  	s18 =	rddreg [dreg:$0xe];
	[sflag:s26] =	ssyncadd.s32 $0xFFFFFF80  }
0x61: {  	[spmem:s18] =	stream.linear.scatter [tilespmem:s7], [sflag:$0x15], $0x800, $0x38;
	[tilespmem:$0x12A50] =	vst v63  }
0x62: {  	_ =	swait.ge [sflag:s26], $0x800  }
0x63: {  	[sflag:s26] =	ssyncset.done $0x0  }
0x64: {  	s18 =	rddreg [dreg:$0xf];
	[sflag:s26] =	ssyncadd.s32 $0xFFFFF800  }
0x65: {  	[spmem:s18] =	stream.linear.scatter [tilespmem:s9], [sflag:$0x15], $0x80, $0x38;
	[tilespmem:$0x12A50] =	vst v63  }
0x66: {  	_ =	swait.ge [sflag:s26], $0x80  }
0x67: {  	[sflag:s26] =	ssyncset.done $0x0  }
0x68: {  	s18 =	rddreg [dreg:$0x10];
	[sflag:s26] =	ssyncadd.s32 $0xFFFFFF80  }
0x69: {  	[spmem:s18] =	stream.linear.scatter [tilespmem:s7], [sflag:$0x15], $0x800, $0x38;
	[tilespmem:$0x12A50] =	vst v63  }
0x6a: {  	_ =	swait.ge [sflag:s26], $0x800  }
0x6b: {  	[sflag:s26] =	ssyncset.done $0x0  }
0x6c: {  	s7 =	rddreg [dreg:$0x11];
	[sflag:s26] =	ssyncadd.s32 $0xFFFFF800  }
0x6d: {  	[spmem:s7] =	stream.linear.scatter [tilespmem:s9], [sflag:$0x15], $0x80, $0x38;
	[tilespmem:$0x12A50] =	vst v63  }
0x6e: {  	_ =	swait.ge [sflag:s26], $0x80  }
0x6f: {  	[sflag:s26] =	ssyncset.done $0x0  }
0x70: {  	[sflag:s26] =	ssyncadd.s32 $0xFFFFFF80  }
0x71: {  	[bflag:$0x0] =	sbarrier.arrive $0xFFFF  }
0x72: {  	[spmem:s3] =	stream.indirect.scatter.add.f32 [tilespmem:s0], [sflag:$0xD], $0x1, s19, s2, $0xb8;
	[tilespmem:$0x12A50] =	vst v63  }
0x73: {  	_ = 	snop  }
0x74: {  	[spmem:s3] =	stream.indirect.scatter.add.f32 [tilespmem:s0], [sflag:$0xE], $0x1, s21, s2, $0xb8;
	[tilespmem:$0x12A50] =	vst v63  }
0x75: {  	_ = 	snop  }
0x76: {  	[spmem:s3] =	stream.indirect.scatter.add.f32 [tilespmem:s0], [sflag:$0xF], $0x1, s23, s2, $0xb8;
	[tilespmem:$0x12A50] =	vst v63  }
0x77: {  	s18 =	simm.s32 $0x2890  }
0x78: {  	[spmem:s3] =	stream.indirect.scatter.add.f32 [tilespmem:s0], [sflag:$0x10], $0x1, s18, s2, $0xb8;
	[tilespmem:$0x12A50] =	vst v63  }
0x79: {  	s7 =	simm.s32 $0x2910  }
0x7a: {  	[spmem:s3] =	stream.indirect.scatter.add.f32 [tilespmem:s0], [sflag:$0x11], $0x1, s7, s2, $0xb8;
	[tilespmem:$0x12A50] =	vst v63  }
0x7b: {  	s9 =	simm.s32 $0x2990  }
0x7c: {  	[spmem:s3] =	stream.indirect.scatter.add.f32 [tilespmem:s0], [sflag:$0x12], $0x1, s9, s2, $0xb8;
	[tilespmem:$0x12A50] =	vst v63  }
0x7d: {  	s9 =	simm.s32 $0x8  }
0x7e: {  	s18 =	simm.s32 $0x2A10;
	s5 =	sand.u32 $0x7, s9  }
0x7f: {  	[spmem:s3] =	stream.indirect.scatter.add.f32 [tilespmem:s0], [sflag:$0x13], $0x1, s18, s2, $0xb8;
	[tilespmem:$0x12A50] =	vst v63  }
0x80: {  	s7 =	simm.s32 $0x2A90;
	s5 =	sadd.s32 $0xD, s5  }
0x81: {  	[spmem:s3] =	stream.indirect.scatter.add.f32 [tilespmem:s0], [sflag:$0x14], $0x1, s7, s2, $0xb8;
	[tilespmem:$0x12A50] =	vst v63  }
0x82: {  	s18 =	simm.s32 $0x9;
	_ =	swait.ge [sflag:s5], $0x80  }
0x83: {  	s9 =	sand.u32 $0x7, s18;
	[sflag:s5] =	ssyncset.done $0x0  }
0x84: {  	s7 =	simm.s32 $0x2B10;
	s9 =	sadd.s32 $0xD, s9;
	[sflag:s5] =	ssyncadd.s32 $0xFFFFFF80  }
0x85: {  	[spmem:s3] =	stream.indirect.scatter.add.f32 [tilespmem:s0], [sflag:s5], $0x1, s7, s2, $0xb8;
	[tilespmem:$0x12A50] =	vst v63  }
0x86: {  	s5 =	simm.s32 $0xA;
	_ =	swait.ge [sflag:s9], $0x80  }
.LBB2_4:
0x87: {  	s18 =	sand.u32 $0x7, s5  }
0x88: {  	[sflag:s9] =	ssyncset.done $0x0;
	s7 =	sadd.s32 $0x80, s7;
	p0 =	sne.s32 s5, $0x4D  }
.Ltmp1:
0x89: {  	s18 =	sadd.s32 $0xD, s18;
	[sflag:s9] =	ssyncadd.s32 $0xFFFFFF80;
	(pc) =	sbr.rel @p0 .LBB2_4-.Ltmp1, $3  }
0x8a: {  	[spmem:s3] =	stream.indirect.scatter.add.f32 [tilespmem:s0], [sflag:s9], $0x1, s7, s2, $0xb8;
	[tilespmem:$0x12A50] =	vst v63  }
0x8b: {  	s9 =	smov.u32 s18;
	_ =	swait.ge [sflag:s18], $0x80;
	_ =	sdelay $0x1  }
0x8c: {  	s5 =	sadd.s32 $0x1, s5  }
0x8d: {  	[sflag:s9] =	ssyncset.done $0x0  }
0x8e: {  	s5 =	sadd.s32 $0x80, s7;
	[sflag:s9] =	ssyncadd.s32 $0xFFFFFF80  }
0x8f: {  	[spmem:s3] =	stream.indirect.scatter.add.f32 [tilespmem:s0], [sflag:s9], $0x1, s5, s2, $0xb8;
	[tilespmem:$0x12A50] =	vst v63  }
0x90: {  	_ =	swait.ge [sflag:s6], $0x80  }
0x91: {  	[sflag:s6] =	ssyncset.done $0x0  }
0x92: {  	[sflag:s6] =	ssyncadd.s32 $0xFFFFFF80  }
0x93: {  	_ =	swait.ge [sflag:s10], $0x80  }
0x94: {  	[sflag:s10] =	ssyncset.done $0x0  }
0x95: {  	[sflag:s10] =	ssyncadd.s32 $0xFFFFFF80  }
0x96: {  	_ =	swait.ge [sflag:s11], $0x80  }
0x97: {  	[sflag:s11] =	ssyncset.done $0x0  }
0x98: {  	[sflag:s11] =	ssyncadd.s32 $0xFFFFFF80  }
0x99: {  	_ =	swait.ge [sflag:s12], $0x80  }
0x9a: {  	[sflag:s12] =	ssyncset.done $0x0  }
0x9b: {  	[sflag:s12] =	ssyncadd.s32 $0xFFFFFF80  }
0x9c: {  	_ =	swait.ge [sflag:s13], $0x80  }
0x9d: {  	[sflag:s13] =	ssyncset.done $0x0  }
0x9e: {  	[sflag:s13] =	ssyncadd.s32 $0xFFFFFF80  }
0x9f: {  	_ =	swait.ge [sflag:s14], $0x80  }
0xa0: {  	[sflag:s14] =	ssyncset.done $0x0  }
0xa1: {  	[sflag:s14] =	ssyncadd.s32 $0xFFFFFF80  }
0xa2: {  	_ =	swait.ge [sflag:s15], $0x80  }
0xa3: {  	[sflag:s15] =	ssyncset.done $0x0  }
0xa4: {  	[sflag:s15] =	ssyncadd.s32 $0xFFFFFF80  }
0xa5: {  	_ =	swait.ge [sflag:s16], $0x80  }
0xa6: {  	[sflag:s16] =	ssyncset.done $0x0  }
0xa7: {  	[sflag:s16] =	ssyncadd.s32 $0xFFFFFF80  }
0xa8: {  	[spmem:s3] =	stream.indirect.scatter.add.f32 [tilespmem:s0], [sflag:$0x13], $0x1, s22, s14, $0xb8;
	[tilespmem:$0x12A50] =	vst v63  }
0xa9: {  	_ =	swait.ge [sflag:s6], $0x10  }
0xaa: {  	[sflag:s6] =	ssyncset.done $0x0  }
0xab: {  	[sflag:s6] =	ssyncadd.s32 $0xFFFFFFF0  }
0xac: {  	[spmem:s3] =	stream.indirect.scatter.add.f32 [tilespmem:s0], [sflag:$0xD], $0x1, s20, s2, $0xb8;
	[tilespmem:$0x12A50] =	vst v63  }
0xad: {  	s9 =	simm.s32 $0x4EA0  }
0xae: {  	[spmem:s3] =	stream.indirect.scatter.add.f32 [tilespmem:s0], [sflag:$0xE], $0x1, s9, s2, $0xb8;
	[tilespmem:$0x12A50] =	vst v63  }
0xaf: {  	s18 =	simm.s32 $0x4F20  }
0xb0: {  	[spmem:s3] =	stream.indirect.scatter.add.f32 [tilespmem:s0], [sflag:$0xF], $0x1, s18, s2, $0xb8;
	[tilespmem:$0x12A50] =	vst v63  }
0xb1: {  	s20 =	simm.s32 $0x4FA0  }
0xb2: {  	[spmem:s3] =	stream.indirect.scatter.add.f32 [tilespmem:s0], [sflag:$0x10], $0x1, s20, s2, $0xb8;
	[tilespmem:$0x12A50] =	vst v63  }
0xb3: {  	s22 =	simm.s32 $0x5020  }
0xb4: {  	[spmem:s3] =	stream.indirect.scatter.add.f32 [tilespmem:s0], [sflag:$0x11], $0x1, s22, s2, $0xb8;
	[tilespmem:$0x12A50] =	vst v63  }
0xb5: {  	s7 =	simm.s32 $0x50A0;
	s20 =	simm.s32 $0x8  }
0xb6: {  	[spmem:s3] =	stream.indirect.scatter.add.f32 [tilespmem:s0], [sflag:$0x12], $0x1, s7, s2, $0xb8;
	[tilespmem:$0x12A50] =	vst v63  }
0xb7: {  	s9 =	simm.s32 $0x5120;
	s5 =	sand.u32 $0x7, s20  }
0xb8: {  	[spmem:s3] =	stream.indirect.scatter.add.f32 [tilespmem:s0], [sflag:$0x13], $0x1, s9, s2, $0xb8;
	[tilespmem:$0x12A50] =	vst v63  }
0xb9: {  	s18 =	simm.s32 $0x51A0;
	s5 =	sadd.s32 $0xD, s5  }
0xba: {  	[spmem:s3] =	stream.indirect.scatter.add.f32 [tilespmem:s0], [sflag:$0x14], $0x1, s18, s2, $0xb8;
	[tilespmem:$0x12A50] =	vst v63  }
0xbb: {  	s22 =	simm.s32 $0x9;
	_ =	swait.ge [sflag:s5], $0x80  }
0xbc: {  	s9 =	sand.u32 $0x7, s22;
	[sflag:s5] =	ssyncset.done $0x0  }
0xbd: {  	s7 =	simm.s32 $0x5220;
	s9 =	sadd.s32 $0xD, s9;
	[sflag:s5] =	ssyncadd.s32 $0xFFFFFF80  }
0xbe: {  	[spmem:s3] =	stream.indirect.scatter.add.f32 [tilespmem:s0], [sflag:s5], $0x1, s7, s2, $0xb8;
	[tilespmem:$0x12A50] =	vst v63  }
0xbf: {  	s5 =	simm.s32 $0xA;
	_ =	swait.ge [sflag:s9], $0x80  }
.LBB2_6:
0xc0: {  	s18 =	sand.u32 $0x7, s5  }
0xc1: {  	[sflag:s9] =	ssyncset.done $0x0;
	s7 =	sadd.s32 $0x80, s7;
	p0 =	sne.s32 s5, $0x4D  }
.Ltmp2:
0xc2: {  	s18 =	sadd.s32 $0xD, s18;
	[sflag:s9] =	ssyncadd.s32 $0xFFFFFF80;
	(pc) =	sbr.rel @p0 .LBB2_6-.Ltmp2, $3  }
0xc3: {  	[spmem:s3] =	stream.indirect.scatter.add.f32 [tilespmem:s0], [sflag:s9], $0x1, s7, s2, $0xb8;
	[tilespmem:$0x12A50] =	vst v63  }
0xc4: {  	s9 =	smov.u32 s18;
	_ =	swait.ge [sflag:s18], $0x80;
	_ =	sdelay $0x1  }
0xc5: {  	s5 =	sadd.s32 $0x1, s5  }
0xc6: {  	[sflag:s9] =	ssyncset.done $0x0  }
0xc7: {  	s5 =	sadd.s32 $0x80, s7;
	[sflag:s9] =	ssyncadd.s32 $0xFFFFFF80  }
0xc8: {  	[spmem:s3] =	stream.indirect.scatter.add.f32 [tilespmem:s0], [sflag:s9], $0x1, s5, s2, $0xb8;
	[tilespmem:$0x12A50] =	vst v63  }
0xc9: {  	_ =	swait.ge [sflag:s6], $0x80  }
0xca: {  	[sflag:s6] =	ssyncset.done $0x0  }
0xcb: {  	[sflag:s6] =	ssyncadd.s32 $0xFFFFFF80  }
0xcc: {  	_ =	swait.ge [sflag:s10], $0x80  }
0xcd: {  	[sflag:s10] =	ssyncset.done $0x0  }
0xce: {  	[sflag:s10] =	ssyncadd.s32 $0xFFFFFF80  }
0xcf: {  	_ =	swait.ge [sflag:s11], $0x80  }
0xd0: {  	[sflag:s11] =	ssyncset.done $0x0  }
0xd1: {  	[sflag:s11] =	ssyncadd.s32 $0xFFFFFF80  }
0xd2: {  	_ =	swait.ge [sflag:s12], $0x80  }
0xd3: {  	[sflag:s12] =	ssyncset.done $0x0  }
0xd4: {  	[sflag:s12] =	ssyncadd.s32 $0xFFFFFF80  }
0xd5: {  	_ =	swait.ge [sflag:s13], $0x80  }
0xd6: {  	[sflag:s13] =	ssyncset.done $0x0  }
0xd7: {  	[sflag:s13] =	ssyncadd.s32 $0xFFFFFF80  }
0xd8: {  	_ =	swait.ge [sflag:s14], $0x80  }
0xd9: {  	[sflag:s14] =	ssyncset.done $0x0  }
0xda: {  	[sflag:s14] =	ssyncadd.s32 $0xFFFFFF80  }
0xdb: {  	_ =	swait.ge [sflag:s15], $0x80  }
0xdc: {  	[sflag:s15] =	ssyncset.done $0x0  }
0xdd: {  	[sflag:s15] =	ssyncadd.s32 $0xFFFFFF80  }
0xde: {  	_ =	swait.ge [sflag:s16], $0x80  }
0xdf: {  	[sflag:s16] =	ssyncset.done $0x0  }
0xe0: {  	s18 =	simm.s32 $0x7520;
	[sflag:s16] =	ssyncadd.s32 $0xFFFFFF80  }
0xe1: {  	[spmem:s3] =	stream.indirect.scatter.add.f32 [tilespmem:s0], [sflag:$0x13], $0x1, s18, s14, $0xb8;
	[tilespmem:$0x12A50] =	vst v63  }
0xe2: {  	_ =	swait.ge [sflag:s6], $0x10  }
0xe3: {  	[sflag:s6] =	ssyncset.done $0x0  }
0xe4: {  	[sflag:s6] =	ssyncadd.s32 $0xFFFFFFF0  }
0xe5: {  	[bflag:$0x0] =	sbarrier.arrive $0xFFFF  }
0xe6: {  	s22 =	simm.s32 $0xAE30;
	s20 =	rddreg [dreg:$0x12]  }
0xe7: {  	[tilespmem:s22], [sflag:$0x15] =	stream.linear.gather [spmem:s20], $0x280, $0x38;
	[tilespmem:$0x12A50] =	vst v63  }
0xe8: {  	_ =	swait.ge [sflag:s26], $0x280  }
0xe9: {  	s7 =	simm.s32 $0x0;
	[sflag:s26] =	ssyncset.done $0x0  }
0xea: {  	s9 =	simm.s32 $0xB0C0;
	s18 =	rddreg [dreg:$0x14];
	[sflag:s26] =	ssyncadd.s32 $0xFFFFFD80  }
0xeb: {  	[tilespmem:s9], [sflag:$0x15] =	stream.linear.gather [hbm4b:s18+s7], $0x2710, $0x38;
	[tilespmem:$0x12A50] =	vst v63  }
0xec: {  	_ =	swait.ge [sflag:s26], $0x2710  }
0xed: {  	[sflag:s26] =	ssyncset.done $0x0  }
0xee: {  	s20 =	simm.s32 $0x0;
	[sflag:s26] =	ssyncadd.s32 $0xFFFFD8F0  }
0xef: {  	v3 =	vld.idx.msk [tilespmem:v0+s20+$0x0 ss:$0x1], $0xffff;
	_ =	sdelay $0x4  }
0xf0: {  	(v2sf) =	vpush v3, $0x0;
	_ =	sdelay $0xe  }
0xf1: {  	s22 =	spop (v2sf)  }
0xf2: {  	s5 =	sadd.f32 $1.000000000e+00, s22;
	_ =	sdelay $0x1  }
0xf3: {  	v3 =	vmov s5  }
0xf4: {  	v4 =	vshrl.u32 v3, $0x1;
	v3 =	vmul.f32 $5.000000000e-01, v3  }
0xf5: {  	v4 =	vsub.s32 $0x5F3759DF, v4  }
0xf6: {  	v5 =	vmul.f32 v4, v3;
	_ =	sdelay $0x1  }
0xf7: {  	v5 =	vmul.f32 v4, v5;
	_ =	sdelay $0x1  }
0xf8: {  	v5 =	vsub.f32 $1.500000000e+00, v5;
	_ =	sdelay $0x1  }
0xf9: {  	v4 =	vmul.f32 v4, v5;
	_ =	sdelay $0x1  }
0xfa: {  	v3 =	vmul.f32 v4, v3;
	_ =	sdelay $0x1  }
0xfb: {  	v3 =	vmul.f32 v3, v4  }
0xfc: {  	v63 =	vld [tilespmem:s9+$0x0]  }
0xfd: {  	v3 =	vsub.f32 $1.500000000e+00, v3;
	_ =	sdelay $0x1  }
0xfe: {  	v3 =	vmul.f32 v3, v4;
	_ =	sdelay $0x1  }
0xff: {  	v3 =	vmul.f32 v3, v63;
	_ =	sdelay $0x1  }
0x100: {  	s22 =	simm.s32 $0x8;
	s5 =	simm.s32 $0x1;
	[tilespmem:s9+$0x0] =	vst v3  }
.LBB2_8:
0x101: {  	p0 =	sne.s32 s22, $0x9C0;
	v3 =	vld.idx.msk [tilespmem:v0+s5+$0x0 ss:$0x1], $0xffff;
	_ =	sdelay $0x5  }
0x102: {  	(v2sf) =	vpush v3, $0x0;
	_ =	sdelay $0xe  }
0x103: {  	s5 =	spop (v2sf)  }
0x104: {  	s5 =	sadd.f32 $1.000000000e+00, s5;
	_ =	sdelay $0x1  }
0x105: {  	v3 =	vmov s5  }
0x106: {  	v4 =	vshrl.u32 v3, $0x1;
	v3 =	vmul.f32 $5.000000000e-01, v3  }
0x107: {  	v4 =	vsub.s32 $0x5F3759DF, v4  }
0x108: {  	v5 =	vmul.f32 v4, v3;
	_ =	sdelay $0x1  }
0x109: {  	v5 =	vmul.f32 v4, v5;
	_ =	sdelay $0x1  }
0x10a: {  	v5 =	vsub.f32 $1.500000000e+00, v5;
	_ =	sdelay $0x1  }
0x10b: {  	v4 =	vmul.f32 v4, v5;
	_ =	sdelay $0x1  }
0x10c: {  	v3 =	vmul.f32 v4, v3;
	_ =	sdelay $0x1  }
0x10d: {  	s9 =	sadd.s32 $0x10, s9;
	v3 =	vmul.f32 v3, v4  }
0x10e: {  	v5 =	vld [tilespmem:s9+$0x0]  }
0x10f: {  	v3 =	vsub.f32 $1.500000000e+00, v3;
	_ =	sdelay $0x1  }
.Ltmp3:
0x110: {  	v3 =	vmul.f32 v3, v4;
	(pc) =	sbr.rel @p0 .LBB2_8-.Ltmp3, $3  }
0x111: {  	_ = 	snop  }
0x112: {  	v3 =	vmul.f32 v3, v5;
	_ =	sdelay $0x1  }
0x113: {  	s5 =	sshra.s32 s22, $0x2;
	s22 =	sadd.s32 $0x4, s22;
	[tilespmem:s9+$0x0] =	vst v3  }
0x114: {  	_ =	sdelay $0x3  }
0x115: {  	v3 =	vld.idx.msk [tilespmem:v0+s5+$0x0 ss:$0x1], $0xffff;
	_ =	sdelay $0x4  }
0x116: {  	(v2sf) =	vpush v3, $0x0;
	_ =	sdelay $0xe  }
0x117: {  	s7 =	spop (v2sf)  }
0x118: {  	s5 =	sadd.f32 $1.000000000e+00, s7;
	_ =	sdelay $0x1  }
0x119: {  	v3 =	vmov s5  }
0x11a: {  	v4 =	vshrl.u32 v3, $0x1;
	v3 =	vmul.f32 $5.000000000e-01, v3  }
0x11b: {  	v4 =	vsub.s32 $0x5F3759DF, v4  }
0x11c: {  	v5 =	vmul.f32 v4, v3;
	_ =	sdelay $0x1  }
0x11d: {  	v5 =	vmul.f32 v4, v5;
	_ =	sdelay $0x1  }
0x11e: {  	v5 =	vsub.f32 $1.500000000e+00, v5;
	_ =	sdelay $0x1  }
0x11f: {  	v4 =	vmul.f32 v4, v5;
	_ =	sdelay $0x1  }
0x120: {  	v3 =	vmul.f32 v4, v3;
	_ =	sdelay $0x1  }
0x121: {  	s9 =	sadd.s32 $0x10, s9;
	v3 =	vmul.f32 v3, v4  }
0x122: {  	v63 =	vld [tilespmem:s9+$0x0]  }
0x123: {  	v3 =	vsub.f32 $1.500000000e+00, v3;
	_ =	sdelay $0x1  }
0x124: {  	v3 =	vmul.f32 v3, v4;
	_ =	sdelay $0x1  }
0x125: {  	v3 =	vmul.f32 v3, v63;
	_ =	sdelay $0x1  }
0x126: {  	s18 =	rddreg [dreg:$0x15];
	s7 =	simm.s32 $0xB0C0;
	[tilespmem:s9+$0x0] =	vst v3  }
0x127: {  	[spmem:s18] =	stream.linear.scatter [tilespmem:s7], [sflag:$0x15], $0x2710, $0x38;
	[tilespmem:$0x12A50] =	vst v63  }
0x128: {  	_ =	swait.ge [sflag:s26], $0x2710  }
0x129: {  	[sflag:s26] =	ssyncset.done $0x0  }
0x12a: {  	[sflag:s26] =	ssyncadd.s32 $0xFFFFD8F0  }
0x12b: {  	[bflag:$0x0] =	sbarrier.arrive $0xFFFF  }
0x12c: {  	[tilespmem:s24], [sflag:$0x1] =	stream.indirect.gather [spmem:s4], $0x10, s17, s2, $0xb8;
	[tilespmem:$0x12A50] =	vst v63  }
0x12d: {  	s20 =	simm.s32 $0x7D30  }
0x12e: {  	[tilespmem:s20], [sflag:$0x2] =	stream.indirect.gather [spmem:s4], $0x10, s2, s2, $0xb8;
	[tilespmem:$0x12A50] =	vst v63  }
0x12f: {  	s22 =	simm.s32 $0x100;
	s9 =	simm.s32 $0x8530  }
0x130: {  	[tilespmem:s9], [sflag:$0x3] =	stream.indirect.gather [spmem:s4], $0x10, s22, s2, $0xb8;
	[tilespmem:$0x12A50] =	vst v63  }
0x131: {  	s17 =	simm.s32 $0x180  }
0x132: {  	[tilespmem:s25], [sflag:$0x4] =	stream.indirect.gather [spmem:s4], $0x10, s17, s2, $0xb8;
	[tilespmem:$0x12A50] =	vst v63  }
0x133: {  	_ =	swait.ge [sflag:s29], $0x800  }
0x134: {  	[sflag:s29] =	ssyncset.done $0x0  }
0x135: {  	[sflag:s29] =	ssyncadd.s32 $0xFFFFF800  }
0x136: {  	[spmem:s1] =	stream.indirect.scatter.add.f32 [tilespmem:s24], [sflag:$0x7], $0x10, s19, s2, $0xb8;
	[tilespmem:$0x12A50] =	vst v63  }
0x137: {  	s18 =	simm.s32 $0x200;
	s22 =	simm.s32 $0x0;
	s19 =	simm.s32 $0x2  }
0x138: {  	[tilespmem:s30], [sflag:$0x5] =	stream.indirect.gather [spmem:s4], $0x10, s18, s2, $0xb8;
	[tilespmem:$0x12A50] =	vst v63  }
0x139: {  	s5 =	smul.u32 $0x2B, s22;
	_ =	swait.ge [sflag:s19], $0x800  }
0x13a: {  	[sflag:s19] =	ssyncset.done $0x0  }
0x13b: {  	s24 =	sshrl.u32 s5, $0x1F;
	s5 =	sshrl.u32 s5, $0x8;
	[sflag:s19] =	ssyncadd.s32 $0xFFFFF800  }
0x13c: {  	[spmem:s1] =	stream.indirect.scatter.add.f32 [tilespmem:s20], [sflag:$0x8], $0x10, s21, s2, $0xb8;
	[tilespmem:$0x12A50] =	vst v63  }
0x13d: {  	s5 =	sadd.s32 s24, s5;
	s20 =	simm.s32 $0x280;
	s21 =	simm.s32 $0x3  }
0x13e: {  	[tilespmem:s31], [sflag:$0x6] =	stream.indirect.gather [spmem:s4], $0x10, s20, s2, $0xb8;
	[tilespmem:$0x12A50] =	vst v63  }
0x13f: {  	s5 =	smul.u32 $0x6, s5;
	_ =	swait.ge [sflag:s21], $0x800  }
0x140: {  	s22 =	simm.s32 $0x7;
	s25 =	simm.s32 $0x3;
	[sflag:s21] =	ssyncset.done $0x0  }
0x141: {  	s24 =	simm.s32 $0x2890;
	s5 =	ssub.s32 $0x0, s5;
	[sflag:s21] =	ssyncadd.s32 $0xFFFFF800  }
0x142: {  	[spmem:s1] =	stream.indirect.scatter.add.f32 [tilespmem:s9], [sflag:$0x9], $0x10, s23, s2, $0xb8;
	[tilespmem:$0x12A50] =	vst v63  }
0x143: {  	s5 =	sshll.u32 s5, $0x18;
	s23 =	simm.s32 $0x6;
	s9 =	smul.u32 $0x2B, s25  }
0x144: {  	s18 =	simm.s32 $0x300;
	s5 =	sshra.s32 s5, $0x18;
	s7 =	smul.u32 $0xAB, s23  }
0x145: {  	p0 =	slt.s32 s5, $0x0;
	s30 =	sshrl.u32 s9, $0x1F;
	s9 =	sshrl.u32 s9, $0x8  }
0x146: {  	s19 =	sadd.s32 $0x6, s5;
	s7 =	sshrl.u32 s7, $0xA;
	s9 =	sadd.s32 s30, s9  }
0x147: {  	s5 =	smov.u32 @p0 s19;
	s7 =	sand.u32 $0x3F, s7;
	s9 =	smul.u32 $0x6, s9  }
0x148: {  	s5 =	sadd.s32 $0x7, s5;
	s25 =	simm.s32 $0x8;
	s7 =	smul.u32 $0x6, s7  }
0x149: {  	_ =	swait.ge [sflag:s5], $0x800;
	s23 =	simm.s32 $0x2910;
	s9 =	ssub.s32 $0x3, s9  }
0x14a: {  	[sflag:s5] =	ssyncset.done $0x0;
	s7 =	ssub.s32 $0x6, s7;
	s9 =	sshll.u32 s9, $0x18  }
0x14b: {  	[sflag:s5] =	ssyncadd.s32 $0xFFFFF800;
	s7 =	sand.u32 $0xFF, s7;
	s21 =	sshra.s32 s9, $0x18  }
0x14c: {  	s31 =	sshll.u32 s7, $0xB;
	p0 =	slt.s32 s21, $0x0;
	s5 =	sadd.s32 $0x6, s21  }
0x14d: {  	s7 =	sadd.s32 $0x1, s7;
	s19 =	sadd.s32 $0x7530, s31;
	s21 =	smov.u32 @p0 s5  }
0x14e: {  	[tilespmem:s19], [sflag:s7] =	stream.indirect.gather [spmem:s4], $0x10, s18, s2, $0xb8;
	[tilespmem:$0x12A50] =	vst v63  }
0x14f: {  	s9 =	simm.s32 $0x380;
	s7 =	sadd.s32 $0x1, s21;
	s5 =	sshll.u32 s21, $0xD  }
0x150: {  	s19 =	simm.s32 $0x1;
	_ =	swait.ge [sflag:s7], $0x800;
	s5 =	sshra.s32 s5, $0x2  }
.LBB2_10:
0x151: {  	s17 =	sshll.u32 s19, $0x18;
	s21 =	sadd.s32 $0x7, s21  }
0x152: {  	s30 =	smov.u32 s25;
	s20 =	sadd.s32 $0x1, s25;
	s18 =	smov.u32 s9  }
0x153: {  	s5 =	sadd.s32 $0x7530, s5;
	s17 =	sshra.s32 s17, $0x18;
	[sflag:s7] =	ssyncset.done $0x0  }
0x154: {  	s31 =	sadd.s32 $0xFFFFFFFD, s22;
	s17 =	smul.u32 $0x2B, s17;
	[sflag:s7] =	ssyncadd.s32 $0xFFFFF800  }
0x155: {  	[spmem:s1] =	stream.indirect.scatter.add.f32 [tilespmem:s5], [sflag:s21], $0x10, s24, s2, $0xb8;
	[tilespmem:$0x12A50] =	vst v63  }
0x156: {  	s5 =	sshrl.u32 s17, $0x1F;
	s7 =	sshrl.u32 s17, $0x8  }
0x157: {  	s17 =	sshll.u32 s31, $0x18;
	s5 =	sadd.s32 s5, s7;
	s7 =	smul.u32 $0xAB, s22  }
0x158: {  	s17 =	sshra.s32 s17, $0x18;
	s5 =	smul.u32 $0x6, s5  }
0x159: {  	p0 =	sne.s32 s25, $0x4D;
	s24 =	smov.u32 s23;
	s17 =	smul.u32 $0x2B, s17  }
0x15a: {  	s7 =	sshrl.u32 s7, $0xA;
	s5 =	ssub.s32 s19, s5  }
0x15b: {  	s7 =	sand.u32 $0x3F, s7;
	s19 =	sshrl.u32 s17, $0x1F;
	s17 =	sshrl.u32 s17, $0x8  }
0x15c: {  	s5 =	sshll.u32 s5, $0x18;
	s7 =	smul.u32 $0x6, s7;
	s17 =	sadd.s32 s19, s17  }
0x15d: {  	s9 =	sadd.s32 $0x80, s9;
	s5 =	sshra.s32 s5, $0x18;
	s17 =	smul.u32 $0x6, s17  }
0x15e: {  	p1 =	slt.s32 s5, $0x0;
	s19 =	sadd.s32 $0x6, s5;
	s7 =	ssub.s32 s22, s7  }
0x15f: {  	s22 =	smov.u32 s30;
	s5 =	smov.u32 @p1 s19;
	s17 =	ssub.s32 s31, s17  }
0x160: {  	s7 =	sand.u32 $0xFF, s7;
	s5 =	sadd.s32 $0x7, s5;
	s17 =	sshll.u32 s17, $0x18  }
0x161: {  	s19 =	sshll.u32 s7, $0xB;
	_ =	swait.ge [sflag:s5], $0x800;
	s21 =	sshra.s32 s17, $0x18  }
0x162: {  	s19 =	sadd.s32 $0x7530, s19;
	[sflag:s5] =	ssyncset.done $0x0;
	p1 =	slt.s32 s21, $0x0  }
.Ltmp4:
0x163: {  	[sflag:s5] =	ssyncadd.s32 $0xFFFFF800;
	s5 =	sadd.s32 $0x6, s21;
	(pc) =	sbr.rel @p0 .LBB2_10-.Ltmp4, $4  }
0x164: {  	s25 =	smov.u32 s20;
	s7 =	sadd.s32 $0x1, s7;
	s21 =	smov.u32 @p1 s5  }
0x165: {  	[tilespmem:s19], [sflag:s7] =	stream.indirect.gather [spmem:s4], $0x10, s18, s2, $0xb8;
	[tilespmem:$0x12A50] =	vst v63  }
0x166: {  	s23 =	sadd.s32 $0x80, s23;
	s7 =	sadd.s32 $0x1, s21;
	s5 =	sshll.u32 s21, $0xD  }
0x167: {  	s19 =	sadd.s32 $0xFFFFFFFA, s22;
	s5 =	sshra.s32 s5, $0x2;
	_ =	swait.ge [sflag:s7], $0x800  }
0x168: {  	s17 =	sshll.u32 s19, $0x18  }
0x169: {  	[sflag:s7] =	ssyncset.done $0x0;
	s21 =	sadd.s32 $0x7, s21;
	s20 =	sshra.s32 s17, $0x18  }
0x16a: {  	s5 =	sadd.s32 $0x7530, s5;
	[sflag:s7] =	ssyncadd.s32 $0xFFFFF800;
	s7 =	smul.u32 $0x2B, s20  }
0x16b: {  	[spmem:s1] =	stream.indirect.scatter.add.f32 [tilespmem:s5], [sflag:s21], $0x10, s24, s2, $0xb8;
	[tilespmem:$0x12A50] =	vst v63  }
0x16c: {  	s24 =	sshrl.u32 s7, $0x1F;
	s7 =	sshrl.u32 s7, $0x8  }
0x16d: {  	s5 =	sadd.s32 s24, s7  }
0x16e: {  	s5 =	smul.u32 $0x6, s5  }
0x16f: {  	s25 =	sadd.s32 $0xFFFFFFFD, s22;
	s18 =	smul.u32 $0xAB, s22  }
0x170: {  	s20 =	sshll.u32 s25, $0x18;
	s5 =	ssub.s32 s19, s5  }
0x171: {  	s18 =	sshrl.u32 s18, $0xA;
	s17 =	sshra.s32 s20, $0x18;
	s5 =	sshll.u32 s5, $0x18  }
0x172: {  	s18 =	sand.u32 $0x3F, s18;
	s17 =	smul.u32 $0x2B, s17;
	s5 =	sshra.s32 s5, $0x18  }
0x173: {  	s18 =	smul.u32 $0x6, s18;
	p0 =	slt.s32 s5, $0x0;
	s19 =	sadd.s32 $0x6, s5  }
0x174: {  	s21 =	sshrl.u32 s17, $0x1F;
	s17 =	sshrl.u32 s17, $0x8;
	s5 =	smov.u32 @p0 s19  }
0x175: {  	s18 =	ssub.s32 s22, s18;
	s17 =	sadd.s32 s21, s17;
	s5 =	sadd.s32 $0x7, s5  }
0x176: {  	s18 =	sand.u32 $0xFF, s18;
	s17 =	smul.u32 $0x6, s17;
	_ =	swait.ge [sflag:s5], $0x800  }
0x177: {  	s22 =	sshll.u32 s18, $0xB;
	s18 =	sadd.s32 $0x1, s18;
	[sflag:s5] =	ssyncset.done $0x0  }
0x178: {  	s24 =	ssub.s32 s25, s17;
	[sflag:s5] =	ssyncadd.s32 $0xFFFFF800;
	s5 =	sadd.s32 $0x7530, s22  }
0x179: {  	[tilespmem:s5], [sflag:s18] =	stream.indirect.gather [spmem:s4], $0x10, s9, s2, $0xb8;
	[tilespmem:$0x12A50] =	vst v63  }
0x17a: {  	s5 =	sshll.u32 s24, $0x18  }
0x17b: {  	s5 =	sshra.s32 s5, $0x18  }
0x17c: {  	p0 =	slt.s32 s5, $0x0;
	s7 =	sadd.s32 $0x6, s5  }
0x17d: {  	s5 =	smov.u32 @p0 s7  }
0x17e: {  	s7 =	sadd.s32 $0x1, s5  }
0x17f: {  	s25 =	sshll.u32 s5, $0xD;
	_ =	swait.ge [sflag:s7], $0x800  }
0x180: {  	s17 =	simm.s32 $0x4;
	s9 =	sshra.s32 s25, $0x2;
	[sflag:s7] =	ssyncset.done $0x0  }
0x181: {  	s5 =	sadd.s32 $0x7, s5;
	s9 =	sadd.s32 $0x7530, s9;
	[sflag:s7] =	ssyncadd.s32 $0xFFFFF800  }
0x182: {  	[spmem:s1] =	stream.indirect.scatter.add.f32 [tilespmem:s9], [sflag:s5], $0x10, s23, s2, $0xb8;
	[tilespmem:$0x12A50] =	vst v63  }
0x183: {  	_ =	swait.ge [sflag:s17], $0x800  }
0x184: {  	s19 =	simm.s32 $0x5;
	[sflag:s17] =	ssyncset.done $0x0  }
0x185: {  	s18 =	simm.s32 $0x4C90;
	s25 =	simm.s32 $0x8D30;
	[sflag:s17] =	ssyncadd.s32 $0xFFFFF800  }
0x186: {  	[spmem:s1] =	stream.indirect.scatter.add.f32 [tilespmem:s25], [sflag:$0xA], $0x10, s18, s2, $0xb8;
	[tilespmem:$0x12A50] =	vst v63  }
0x187: {  	_ =	swait.ge [sflag:s19], $0x800  }
0x188: {  	s30 =	simm.s32 $0x9530;
	[sflag:s19] =	ssyncset.done $0x0  }
0x189: {  	s20 =	simm.s32 $0x4D10;
	s21 =	simm.s32 $0x6;
	[sflag:s19] =	ssyncadd.s32 $0xFFFFF800  }
0x18a: {  	[spmem:s1] =	stream.indirect.scatter.add.f32 [tilespmem:s30], [sflag:$0xB], $0x10, s20, s2, $0xb8;
	[tilespmem:$0x12A50] =	vst v63  }
0x18b: {  	_ =	swait.ge [sflag:s21], $0x800  }
0x18c: {  	[sflag:s21] =	ssyncset.done $0x0  }
0x18d: {  	s31 =	simm.s32 $0x9D30;
	s22 =	simm.s32 $0x4D90;
	[sflag:s21] =	ssyncadd.s32 $0xFFFFF800  }
0x18e: {  	[spmem:s1] =	stream.indirect.scatter.add.f32 [tilespmem:s31], [sflag:$0xC], $0x10, s22, s2, $0xb8;
	[tilespmem:$0x12A50] =	vst v63  }
0x18f: {  	_ =	swait.ge [sflag:s8], $0x800  }
0x190: {  	[sflag:s8] =	ssyncset.done $0x0  }
0x191: {  	s23 =	simm.s32 $0x8;
	[sflag:s8] =	ssyncadd.s32 $0xFFFFF800  }
0x192: {  	_ =	swait.ge [sflag:s23], $0x800  }
0x193: {  	[sflag:s23] =	ssyncset.done $0x0  }
0x194: {  	s24 =	simm.s32 $0x9;
	[sflag:s23] =	ssyncadd.s32 $0xFFFFF800  }
0x195: {  	_ =	swait.ge [sflag:s24], $0x800  }
0x196: {  	[sflag:s24] =	ssyncset.done $0x0  }
0x197: {  	s7 =	simm.s32 $0xA;
	[sflag:s24] =	ssyncadd.s32 $0xFFFFF800  }
0x198: {  	_ =	swait.ge [sflag:s7], $0x800  }
0x199: {  	[sflag:s7] =	ssyncset.done $0x0  }
0x19a: {  	s9 =	simm.s32 $0xB;
	[sflag:s7] =	ssyncadd.s32 $0xFFFFF800  }
0x19b: {  	_ =	swait.ge [sflag:s9], $0x800  }
0x19c: {  	[sflag:s9] =	ssyncset.done $0x0  }
0x19d: {  	s17 =	simm.s32 $0xC;
	[sflag:s9] =	ssyncadd.s32 $0xFFFFF800  }
0x19e: {  	_ =	swait.ge [sflag:s17], $0x800  }
0x19f: {  	[sflag:s17] =	ssyncset.done $0x0  }
0x1a0: {  	s18 =	simm.s32 $0x2700;
	s24 =	simm.s32 $0x7530;
	[sflag:s17] =	ssyncadd.s32 $0xFFFFF800  }
0x1a1: {  	[tilespmem:s24], [sflag:$0x1] =	stream.indirect.gather [spmem:s4], $0x10, s18, s14, $0xb8;
	[tilespmem:$0x12A50] =	vst v63  }
0x1a2: {  	_ =	swait.ge [sflag:s29], $0x100  }
0x1a3: {  	[sflag:s29] =	ssyncset.done $0x0  }
0x1a4: {  	s22 =	simm.s32 $0x4E10;
	[sflag:s29] =	ssyncadd.s32 $0xFFFFFF00  }
0x1a5: {  	[spmem:s1] =	stream.indirect.scatter.add.f32 [tilespmem:s24], [sflag:$0x7], $0x10, s22, s14, $0xb8;
	[tilespmem:$0x12A50] =	vst v63  }
0x1a6: {  	_ =	swait.ge [sflag:s8], $0x100  }
0x1a7: {  	[sflag:s8] =	ssyncset.done $0x0  }
0x1a8: {  	[sflag:s8] =	ssyncadd.s32 $0xFFFFFF00  }
0x1a9: {  	s19 =	stileid.u32;
	[bflag:$0x0] =	sbarrier.arrive $0xFFFF  }
0x1aa: {  	s5 =	sshll.u32 s19, $0x6;
	s20 =	rddreg [dreg:$0x13]  }
0x1ab: {  	s5 =	sor.u32 $0x1C15, s5;
	s21 =	rddreg [dreg:$0x18]  }
0x1ac: {  	[hbm:s20], [sflag:s5] =	dma.local [spmem:s21], $0x4E2  }
0x1ad: {  	_ =	swait.ge [sflag:s26], $0x4E2  }
0x1ae: {  	s28 =	sadd.s32 $0x1, s28;
	s23 =	rddreg [dreg:$0x16]  }
0x1af: {  	p0 =	sne.s32 s28, s23  }
.Ltmp5:
0x1b0: {  	_ = 	snop;
	(pc) =	sbr.rel @p0 .LBB2_1-.Ltmp5, $4  }
0x1b1: {  	_ = 	snop  }
0x1b2: {  	s19 =	simm.s32 $0x2710  }
0x1b3: {  	s17 =	simm.s32 $0x0;
	s20 =	simm.s32 $0x4E20;
	[sflag:s26] =	ssyncset.done $0x0  }
0x1b4: {  	s21 =	simm.s32 $0x2790;
	[sflag:s26] =	ssyncadd.s32 $0xFFFFFB1E;
	s23 =	simm.s32 $0x2810  }
0x1b5: {  	_ =	sfence.sel $0x180000  }
0x1b6: {  	[bflag:$0x0] =	sbarrier.arrive $0xFFFF  }
0x1b7: {  	_ =	strace $0x90000047  }
0x1b8: {  	s0 =	stileid.u32;
	[bflag:$0x2] =	sbarrier.arrive $0xFFFF  }
0x1b9: {  	p0 =	sne.s32 s0, $0x0;
	s0 =	rddreg [dreg:$0x4]  }
0x1ba: {  	s0 =	sadd.s32 @!p0 $0x100000, s0  }
0x1bb: {  	[sflag:s0] =	ssyncadd.tile.s32 @!p0 $0x1;
	_ =	shalt  }
.Lfunc_end2:
_tile_overlayer_lowered:
.L_overlay_start_2:
0x1bc: {  	(tag) =	ssettag $0x2  }
0x1bd: {  	s0 =	rddreg [dreg:$0x0];
	s2 =	stileid.u32  }
0x1be: {  	s1 =	rddreg [dreg:$0x1];
	p0 =	sne.s32 s2, $0x0  }
0x1bf: {  	s3 =	rddreg [dreg:$0x2];
	[bflag:$0x3] =	sbarrier.arrive $0xFFFF;
	s2 =	simm.s32 @!p0 $0x1C15  }
0x1c0: {  	[timem:s3], [sflag:s2] =	dma.local @!p0 [hbm:s0], s1  }
0x1c1: {  	s0 =	simm.s32 @!p0 $0x15  }
0x1c2: {  	_ =	swait.ge @!p0 [sflag:s0], s1  }
0x1c3: {  	s1 =	ssub.s32 @!p0 $0x0, s1;
	[sflag:s0] =	ssyncset.done @!p0 $0x0  }
0x1c4: {  	[sflag:s0] =	ssyncadd.s32 @!p0 s1  }
0x1c5: {  	[bflag:$0x3] =	sbarrier.arrive $0xFFFF  }
0x1c6: {  	_ =	shalt  }

// kernel: kernel.9.cloned.1.call-start
scs
__scs_entry_jumppad:
0x0: {  	(pc) =	sbr.rel $0x88, $3  }
0x1: {  	(tag) =	ssettag $0x0;
	lr =	simm.s32 $0x1  }
0x2: {  	[smem:$0x3F9B] =	sst lr;
	_ =	strace $0xD0000000  }
0x3: {  	_ = 	snop  }
0x4: {  	_ = 	snop  }
0x5: {  	_ = 	snop  }
0x6: {  	_ = 	snop  }
0x7: {  	_ = 	snop  }
__scs_overlays_trampoline_lowered:
0x8: {  	[smem:$0x3FAA] =	sst s0  }
0x9: {  	[smem:$0x3FAB] =	sst s1  }
0xa: {  	[smem:$0x3FAC] =	sst s2  }
0xb: {  	[smem:$0x3FAD] =	sst s3  }
0xc: {  	[smem:$0x3FAE] =	sst s4  }
0xd: {  	[smem:$0x3FAF] =	sst s5  }
0xe: {  	[smem:$0x3FB0] =	sst s6  }
0xf: {  	[smem:$0x3FB1] =	sst s7  }
0x10: {  	[smem:$0x3FB2] =	sst s8  }
0x11: {  	[smem:$0x3FB3] =	sst s9;
	s0 =	simm.s32 @!p0 $0x0  }
0x12: {  	s1 =	sld [smem:$0x3F99];
	s0 =	simm.s32 @p0 $0x1  }
0x13: {  	[smem:$0x3FB4] =	sst s0;
	s0 =	simm.s32 @!p1 $0x0  }
0x14: {  	s2 =	sld [smem:$0x3F98];
	s0 =	simm.s32 @p1 $0x1  }
0x15: {  	[smem:$0x3FB5] =	sst s0;
	s0 =	simm.s32 @!p2 $0x0  }
0x16: {  	s3 =	sld [smem:$0x3FDB];
	s0 =	simm.s32 @p2 $0x1  }
0x17: {  	s4 =	simm.s32 $0x1BF5;
	[smem:$0x3FB7] =	sst s0  }
0x18: {  	s0 =	sld [smem:$0x3F9A];
	_ =	swait.ge [sflag:s4], $0x0  }
0x19: {  	s7 =	sld [smem:$0x3F9B]  }
0x1a: {  	s8 =	sadd.s32 $0xFFFFE003, lr  }
0x1b: {  	s9 =	sadd.s32 $0xFFFFFEF7, lr;
	s5 =	simm.s32 $0xFFFFFFFF;
	p2 =	slt.u32 s8, $0xFFFFF086  }
0x1c: {  	p1 =	slt.u32 s9, $0xF7A;
	s5 =	simm.s32 @!p2 $0x0  }
0x1d: {  	s5 =	simm.s32 @p1 $0x1;
	p0 =	seq.s32 s7, s2  }
0x1e: {  	s7 =	smul.u32 @!p0 $0xF7A, s2;
	p2 =	seq.s32 @!p0 s5, $0x0  }
0x1f: {  	s9 =	smul.u32 $0xF7A, s1;
	s8 =	simm.s32 @!p0 $0x1BF5;
	p2 =	por !p2, p0  }
0x20: {  	[sflag:s8] =	ssyncset.s32 @!p0 $0xFFFFF086;
	s6 =	sadd.s32 @!p0 s3, s7;
	s7 =	simm.s32 @!p0 $0x108  }
0x21: {  	s3 =	sadd.s32 s3, s9;
	s6 =	sadd.s32 @!p0 $0x88, s6;
	s7 =	simm.s32 @p2 $0x1082  }
0x22: {  	[simem:s7], [sflag:s8] =	dma.local @!p0 [hbm:s6], $0xF7A  }
0x23: {  	s9 =	sor.u32 $0xD0000000, s2;
	s6 =	simm.s32 $0x108;
	_ =	swait.ge @!p0 [sflag:s8], $0x0  }
0x24: {  	s3 =	sadd.s32 $0x88, s3;
	s6 =	simm.s32 @!p1 $0x1082;
	[sflag:s4] =	ssyncset.s32 $0xFFFFF086  }
0x25: {  	[simem:s6], [sflag:s4] =	dma.local [hbm:s3], $0xF7A  }
0x26: {  	[smem:$0x3F9B] =	sst s1;
	(tag) =	ssettag s2;
	_ =	strace s9  }
0x27: {  	s1 =	sld [smem:$0x3FAB]  }
0x28: {  	s2 =	sld [smem:$0x3FAC]  }
0x29: {  	s4 =	sld [smem:$0x3FAE]  }
0x2a: {  	p0 =	seq.s32 s5, $0x0;
	s5 =	sld [smem:$0x3FAF]  }
0x2b: {  	s6 =	sld [smem:$0x3FB0]  }
0x2c: {  	s7 =	sld [smem:$0x3FB1]  }
0x2d: {  	s3 =	simm.s32 $0x108;
	s8 =	sld [smem:$0x3FB2]  }
0x2e: {  	s3 =	simm.s32 @!p0 $0x1082;
	s9 =	sld [smem:$0x3FB3]  }
0x2f: {  	lr =	sadd.s32 s0, s3;
	s0 =	sld [smem:$0x3FAA]  }
0x30: {  	s3 =	sld [smem:$0x3FAD]  }
0x31: {  	[smem:$0x3FB6] =	sst s10  }
0x32: {  	s10 =	sld [smem:$0x3FB4];
	_ =	sdelay $0x3  }
0x33: {  	p0 =	seq.s32 s10, $0x1;
	s10 =	sld [smem:$0x3FB6];
	_ =	sdelay $0x3  }
0x34: {  	[smem:$0x3FB6] =	sst s10  }
0x35: {  	s10 =	sld [smem:$0x3FB5];
	_ =	sdelay $0x3  }
0x36: {  	p1 =	seq.s32 s10, $0x1;
	s10 =	sld [smem:$0x3FB6];
	_ =	sdelay $0x3  }
0x37: {  	[smem:$0x3FB6] =	sst s10  }
0x38: {  	s10 =	sld [smem:$0x3FB7]  }
0x39: {  	_ = 	snop;
	(pc) =	sbr.ind lr, $3  }
0x3a: {  	_ = 	snop  }
0x3b: {  	_ = 	snop  }
0x3c: {  	p2 =	seq.s32 s10, $0x1;
	s10 =	sld [smem:$0x3FB6]  }
0x3d: {  	_ =	shalt  }
0x3e: {  	_ =	shalt  }
0x3f: {  	_ =	shalt  }
0x40: {  	_ =	shalt  }
0x41: {  	_ =	shalt  }
0x42: {  	_ =	shalt  }
0x43: {  	_ =	shalt  }
0x44: {  	_ =	shalt  }
0x45: {  	_ =	shalt  }
0x46: {  	_ =	shalt  }
0x47: {  	_ =	shalt  }
0x48: {  	_ =	shalt  }
0x49: {  	_ =	shalt  }
0x4a: {  	_ =	shalt  }
0x4b: {  	_ =	shalt  }
0x4c: {  	_ =	shalt  }
0x4d: {  	_ =	shalt  }
0x4e: {  	_ =	shalt  }
0x4f: {  	_ =	shalt  }
0x50: {  	_ =	shalt  }
0x51: {  	_ =	shalt  }
0x52: {  	_ =	shalt  }
0x53: {  	_ =	shalt  }
0x54: {  	_ =	shalt  }
0x55: {  	_ =	shalt  }
0x56: {  	_ =	shalt  }
0x57: {  	_ =	shalt  }
0x58: {  	_ =	shalt  }
0x59: {  	_ =	shalt  }
0x5a: {  	_ =	shalt  }
0x5b: {  	_ =	shalt  }
0x5c: {  	_ =	shalt  }
0x5d: {  	_ =	shalt  }
0x5e: {  	_ =	shalt  }
0x5f: {  	_ =	shalt  }
0x60: {  	_ =	shalt  }
0x61: {  	_ =	shalt  }
0x62: {  	_ =	shalt  }
0x63: {  	_ =	shalt  }
0x64: {  	_ =	shalt  }
0x65: {  	_ =	shalt  }
0x66: {  	_ =	shalt  }
0x67: {  	_ =	shalt  }
0x68: {  	_ =	shalt  }
0x69: {  	_ =	shalt  }
0x6a: {  	_ =	shalt  }
0x6b: {  	_ =	shalt  }
0x6c: {  	_ =	shalt  }
0x6d: {  	_ =	shalt  }
0x6e: {  	_ =	shalt  }
0x6f: {  	_ =	shalt  }
0x70: {  	_ =	shalt  }
0x71: {  	_ =	shalt  }
0x72: {  	_ =	shalt  }
0x73: {  	_ =	shalt  }
0x74: {  	_ =	shalt  }
0x75: {  	_ =	shalt  }
0x76: {  	_ =	shalt  }
0x77: {  	_ =	shalt  }
0x78: {  	_ =	shalt  }
0x79: {  	_ =	shalt  }
0x7a: {  	_ =	shalt  }
0x7b: {  	_ =	shalt  }
0x7c: {  	_ =	shalt  }
0x7d: {  	_ =	shalt  }
0x7e: {  	_ =	shalt  }
0x7f: {  	_ =	shalt  }
0x80: {  	_ =	shalt  }
0x81: {  	_ =	shalt  }
0x82: {  	_ =	shalt  }
0x83: {  	_ =	shalt  }
0x84: {  	_ =	shalt  }
0x85: {  	_ =	shalt  }
0x86: {  	_ =	shalt  }
0x87: {  	_ =	shalt  }
.Lfunc_end0:
.L_simem_size_0:
called_computation.1_lowered:
.L_overlay_start_0:
0x88: {  	s2 =	sld [smem:$0x3FD9]  }
0x89: {  	s3 =	sld [smem:$0x3FFE];
	_ =	sdelay $0x1  }
0x8a: {  	s1 =	srdreg.scid  }
0x8b: {  	s0 =	sand.u32 $0x1, s1  }
0x8c: {  	s17 =	sshll.u32 s0, $0xA;
	s2 =	sadd.s32 s3, s2  }
0x8d: {  	s2 =	sadd.s32 s2, s17  }
0x8e: {  	[smem:$0x3FC2] =	sst s2  }
0x8f: {  	_ = 	snop  }
0x90: {  	s2 =	sld [smem:$0x3FC6]  }
0x91: {  	s18 =	sld [smem:$0x3FD0];
	(tm) =	ssettm $0x1  }
0x92: {  	s4 =	sld [smem:$0x3FFB];
	_ =	sdelay $0x3  }
0x93: {  	_ =	strace s4  }
0x94: {  	s4 =	sld [smem:$0x3FFC];
	_ =	sdelay $0x3  }
0x95: {  	_ =	strace s4  }
0x96: {  	s4 =	sld [smem:$0x3FFD];
	_ =	sdelay $0x3  }
0x97: {  	_ =	strace s4  }
0x98: {  	_ =	strace $0x8FFFFFFF  }
0x99: {  	s19 =	sld [smem:$0x3FDB];
	_ =	sdelay $0x1  }
0x9a: {  	s5 =	simm.s32 $_scs_section_size  }
0x9b: {  	s6 =	simm.s32 $_size__tile_overlayer_lowered;
	s7 =	simm.s32 $_tile_overlayer_lowered  }
0x9c: {  	s22 =	simm.s32 $0x1BFF;
	s21 =	sshll.u32 s7, $0x1;
	s4 =	sadd.s32 s5, s19  }
0x9d: {  	s8 =	simm.s32 $0x0;
	s20 =	sshll.u32 s6, $0x1;
	s6 =	sadd.s32 s21, s4  }
0x9e: {  	[timem:s8], [sflag:s22] =	dma.local [hbm:s6], s20  }
0x9f: {  	_ =	swait.ge [sflag:s22], s20  }
0xa0: {  	s5 =	ssub.s32 $0x0, s20;
	[sflag:s22] =	ssyncset.done $0x0  }
0xa1: {  	[sflag:s22] =	ssyncadd.s32 s5;
	_ =	sdelay $0x1  }
0xa2: {  	s23 =	simm.s32 $0x1B8B  }
0xa3: {  	_ =	swait.ge [sflag:s23], $0x1  }
0xa4: {  	[sflag:s23] =	ssyncset.done $0x0  }
0xa5: {  	s25 =	simm.s32 $0x1B8E;
	s24 =	sld [smem:$0x3FFE];
	[sflag:s23] =	ssyncadd.s32 $0xFFFFFFFF  }
0xa6: {  	s26 =	simm.s32 $execute0_lowered;
	[smem:$0x3FD2] =	sst s25  }
0xa7: {  	s6 =	sshll.u32 s26, $0x1;
	_ =	strace $0x80000049;
	[dreg:$0x1] =	wrdreg $0xFFFFFFFF  }
0xa8: {  	s28 =	simm.s32 $_size_execute0_lowered;
	s4 =	sadd.s32 s4, s6;
	[dreg:$0x0] =	wrdreg $0x0  }
0xa9: {  	s6 =	sshll.u32 s28, $0x1;
	[dreg:$0x2] =	wrdreg s4  }
0xaa: {  	[dreg:$0x3] =	wrdreg s6  }
0xab: {  	[dreg:$0x4] =	wrdreg $0xC0  }
0xac: {  	_ =	task [dreg:s8], $0x5FFFF  }
0xad: {  	[dreg:$0x1] =	wrdreg $0xFFFFFFFF  }
0xae: {  	[dreg:$0x0] =	wrdreg $0x60  }
0xaf: {  	[dreg:$0x2] =	wrdreg s24  }
0xb0: {  	[dreg:$0x3] =	wrdreg s2  }
0xb1: {  	[dreg:$0x4] =	wrdreg s18  }
0xb2: {  	[dreg:$0x5] =	wrdreg $0xFFD00  }
0xb3: {  	[dreg:$0x6] =	wrdreg $0x127D00  }
0xb4: {  	[dreg:$0x7] =	wrdreg $0xD7D00  }
0xb5: {  	[dreg:$0x8] =	wrdreg $0x9  }
0xb6: {  	_ =	task.clear_ibuf [dreg:s8], $0x9FFFF;
	_ =	strace $0x90000049  }
0xb7: {  	s29 =	simm.s32 $0x9;
	_ =	strace $0x8000004B  }
0xb8: {  	_ =	swait.ge [sflag:s29], $0x1  }
0xb9: {  	[sflag:s29] =	ssyncadd.s32 $0xFFFFFFFF  }
0xba: {  	_ =	strace $0x9000004B  }
0xbb: {  	_ =	sfence  }
0xbc: {  	s30 =	sld [smem:$0x0];
	_ =	sdelay $0x2  }
0xbd: {  	s31 =	sshll.u32 s1, $0xD;
	s1 =	sshrl.u32 s1, $0x2  }
0xbe: {  	s3 =	sand.u32 $0x4000, s31;
	s1 =	sadd.s32 s1, s30  }
0xbf: {  	s0 =	sor.u32 s3, s0;
	s1 =	sshll.u32 s1, $0x11  }
0xc0: {  	s0 =	sor.u32 s1, s0  }
0xc1: {  	s0 =	sadd.s32 $0x8F2B, s0  }
0xc2: {  	[sflag:s0] =	ssyncadd.remote.s32 $0x1  }
0xc3: {  	_ =	sfence.sel $0xFFFF  }
0xc4: {  	[dreg:$0x0] =	wrdreg $0xFFFFFFFF;
	(pc) =	sbr.abs _section_cstart, $3  }
0xc5: {  	[dreg:$0x1] =	wrdreg $0xFFFFFFFF  }
0xc6: {  	_ =	task.clear_ibuf [dreg:s8], $0x2FFFF;
	_ =	strace $0x9FFFFFFF  }
0xc7: {  	(tm) =	ssettm $0x7FFFFFFF  }
tec
execute0_lowered:
.L_overlay_start_1:
0x0: {  	(tag) =	ssettag $0x1  }
0x1: {  	s0 =	rddreg [dreg:$0x0]  }
0x2: {  	s1 =	rddreg [dreg:$0x2]  }
0x3: {  	s2 =	rddreg [dreg:$0x3]  }
0x4: {  	s3 =	srdreg.scid;
	s4 =	rddreg [dreg:$0x4]  }
0x5: {  	s6 =	stileid.u32;
	s5 =	rddreg [dreg:$0x5];
	s22 =	simm.s32 $0x0  }
0x6: {  	s31 =	simm.s32 $0x15;
	s29 =	simm.s32 $0xB0C0;
	s30 =	simm.s32 $0x7530  }
0x7: {  	s28 =	simm.s32 $0x1;
	s3 =	sand.u32 $0x1, s3;
	s14 =	smul.u32 $0xA000, s6  }
0x8: {  	[smem:$0x7FF] =	sst s22;
	s16 =	sadd.s32 $0xAA40, s0;
	s26 =	smul.u32 $0x9C4, s6  }
0x9: {  	s7 =	sshll.u32 s3, $0x4;
	_ =	strace $0x8000004A;
	s11 =	ssub.s32 $0x2, s3  }
0xa: {  	s24 =	smul.u32 $0x4E20, s3;
	p0 =	seq.s32 s3, $0x0;
	s8 =	sor.u32 s6, s7  }
0xb: {  	[dreg:$0x9] =	wrdreg s16;
	s15 =	sshrl.u32 s14, $0x2;
	s9 =	smul.u32 $0x4E2, s8  }
0xc: {  	s7 =	ssub.s32 s6, s7;
	s8 =	smul.u32 $0x2710, s6;
	s17 =	sadd.s32 s15, s2  }
0xd: {  	s13 =	sshrl.u32 s11, $0x1;
	s7 =	smul.u32 $0x2710, s7;
	[dreg:$0xa] =	wrdreg s17  }
0xe: {  	s11 =	ssub.s32 s11, s13;
	s1 =	sadd.s32 s1, s24;
	[dreg:$0x7] =	wrdreg s9  }
0xf: {  	s9 =	sadd.s32 s9, s0;
	s10 =	sshrl.u32 s8, $0x3;
	s7 =	sadd.s32 $0x27100, s7  }
0x10: {  	s24 =	sadd.s32 s8, s2;
	s12 =	sadd.s32 s10, s0;
	s9 =	sadd.s32 $0xE00, s9  }
0x11: {  	s14 =	sshrl.u32 s7, $0x3;
	s0 =	sadd.s32 $0x1E620, s0;
	[dreg:$0x1b] =	wrdreg s24  }
0x12: {  	s1 =	sadd.s32 s10, s1;
	[dreg:$0x8] =	wrdreg s9;
	s9 =	smul.u32 $0x280, s6  }
0x13: {  	s24 =	simm.s32 $0x7;
	s0 =	sadd.s32 s10, s0;
	[dreg:$0x11] =	wrdreg s1  }
0x14: {  	[dreg:$0x10] =	wrdreg s0;
	s18 =	sadd.s32 $0x80, s9;
	s19 =	sadd.s32 s9, s4  }
0x15: {  	s15 =	sadd.s32 $0x100, s9;
	s25 =	sadd.s32 $0x180, s9;
	[dreg:$0xb] =	wrdreg s19  }
0x16: {  	s20 =	sshll.u32 s18, $0x4;
	s7 =	sadd.s32 s18, s4;
	s21 =	sshll.u32 s15, $0x4  }
0x17: {  	s23 =	sadd.s32 s15, s4;
	s10 =	sshll.u32 s25, $0x4;
	s15 =	sand.u32 $0xFFE0, s26  }
0x18: {  	s3 =	sadd.s32 s25, s4;
	s19 =	sand.u32 $0x7, s6;
	[dreg:$0xd] =	wrdreg s7  }
0x19: {  	s25 =	smax.u32 s11, $0x1;
	s26 =	sadd.s32 s14, s16;
	[dreg:$0xf] =	wrdreg s23  }
0x1a: {  	s6 =	simm.s32 $0x2710;
	s11 =	simm.s32 $0xADB0;
	[dreg:$0x13] =	wrdreg s3  }
0x1b: {  	s14 =	simm.s32 $0x14;
	s16 =	simm.s32 $0xE;
	[dreg:$0x1c] =	wrdreg s25  }
0x1c: {  	s13 =	sadd.s32 s20, s2;
	s7 =	sadd.s32 s21, s2;
	[dreg:$0x1d] =	wrdreg s26  }
0x1d: {  	s0 =	sadd.s32 s10, s2;
	s20 =	sadd.s32 $0x14800, s12;
	[dreg:$0xc] =	wrdreg s13  }
0x1e: {  	s21 =	sadd.s32 $0x19800, s12;
	s23 =	sadd.s32 s8, s5;
	[dreg:$0xe] =	wrdreg s7  }
0x1f: {  	s8 =	simm.s32 $0x4E20;
	s10 =	simm.s32 $0x80;
	[dreg:$0x12] =	wrdreg s0  }
0x20: {  	s25 =	simm.s32 $0x2790;
	s26 =	simm.s32 $0x2810;
	[dreg:$0x17] =	wrdreg s20  }
0x21: {  	s13 =	sadd.s32 $0x200, s9;
	s0 =	sshrl.u32 s15, $0x2;
	[dreg:$0x18] =	wrdreg s21  }
0x22: {  	[dreg:$0x1a] =	wrdreg s23;
	s7 =	simm.f32 $1.000000000e+00;
	s15 =	simm.s32 $0xD  }
0x23: {  	s9 =	simm.s32 $0x11;
	s21 =	simm.s32 $0x4E10;
	s23 =	simm.s32 $0x12A50  }
0x24: {  	s17 =	sshll.u32 s13, $0x4;
	s1 =	sadd.s32 s13, s4;
	s0 =	sadd.s32 s0, s4  }
0x25: {  	s7 =	simm.s32 @!p0 $0x0;
	s13 =	simm.s32 $0x13;
	[dreg:$0x15] =	wrdreg s1  }
0x26: {  	s18 =	sadd.s32 s17, s2;
	[dreg:$0x16] =	wrdreg s0;
	s0 =	sor.u32 $0xAE30, s19  }
0x27: {  	s17 =	simm.s32 $0xF;
	s19 =	simm.s32 $0x12;
	[dreg:$0x14] =	wrdreg s18  }
0x28: {  	v1 =	vimm.f32 $0.0e+00;
	v2 =	vimm.f32 $1.000000000e+00;
	v0 =	vmov s7;
	s7 =	simm.s32 $0x0;
	[dreg:$0x19] =	wrdreg s0;
	s18 =	simm.s32 $0x10  }
.LBB2_1:
0x29: {  	s0 =	rddreg [dreg:$0x8]  }
0x2a: {  	[tilespmem:s22], [sflag:$0x15] =	stream.linear.gather [hbm4b:s0+s22], $0x2710, $0x38;
	[tilespmem:$0x1C6A0] =	vst v63  }
0x2b: {  	_ =	swait.ge [sflag:s31], $0x2710  }
0x2c: {  	s12 =	rddreg [dreg:$0x7]  }
0x2d: {  	[sflag:s31] =	ssyncset.done $0x0;
	s1 =	rddreg [dreg:$0x9]  }
0x2e: {  	[sflag:s31] =	ssyncadd.s32 $0xFFFFD8F0;
	s1 =	sadd.s32 s12, s1  }
0x2f: {  	[tilespmem:s6], [sflag:$0x15] =	stream.linear.gather [hbm4b:s1+s22], $0x2710, $0x38;
	[tilespmem:$0x1C6A0] =	vst v63  }
0x30: {  	_ =	swait.ge [sflag:s31], $0x2710  }
0x31: {  	[sflag:s31] =	ssyncset.done $0x0  }
0x32: {  	s20 =	rddreg [dreg:$0x1d];
	[sflag:s31] =	ssyncadd.s32 $0xFFFFD8F0  }
0x33: {  	[tilespmem:s8], [sflag:$0x15] =	stream.linear.gather [hbm4b:s20+s22], $0x2710, $0x38;
	[tilespmem:$0x1C6A0] =	vst v63  }
0x34: {  	_ =	swait.ge [sflag:s31], $0x2710  }
0x35: {  	[sflag:s31] =	ssyncset.done $0x0  }
0x36: {  	s3 =	simm.s32 $0x0;
	s1 =	simm.s32 $0x40;
	[sflag:s31] =	ssyncadd.s32 $0xFFFFD8F0  }
.LBB2_2:
0x37: {  	p0 =	sne.s32 s1, $0x1FC0;
	[tilespmem:s3+$0xA530] =	vst v1;
	s3 =	smov.u32 s1;
	s1 =	sadd.s32 $0x40, s1  }
.Ltmp0:
0x38: {  	(pc) =	sbr.rel @p0 .LBB2_2-.Ltmp0, $2  }
0x39: {  	_ =	sdelay $0x2  }
0x3a: {  	s3 =	sshra.s32 s3, $0x2  }
0x3b: {  	[tilespmem:s3+$0xA530] =	vst v1  }
0x3c: {  	[tilespmem:$0xAD30] =	vst v1  }
0x3d: {  	[tilespmem:$0xAD40] =	vst v1  }
0x3e: {  	[tilespmem:$0xAD50] =	vst v1  }
0x3f: {  	[tilespmem:$0xAD60] =	vst v1  }
0x40: {  	[tilespmem:$0xAD70] =	vst v1  }
0x41: {  	[tilespmem:$0xAD80] =	vst v1  }
0x42: {  	[tilespmem:$0xAD90] =	vst v1  }
0x43: {  	[tilespmem:$0xADA0] =	vst v1  }
0x44: {  	[tilespmem:$0xADB0] =	vst v2  }
0x45: {  	[tilespmem:$0xADC0] =	vst v2  }
0x46: {  	[tilespmem:$0xADD0] =	vst v2  }
0x47: {  	[tilespmem:$0xADE0] =	vst v2  }
0x48: {  	[tilespmem:$0xADF0] =	vst v2  }
0x49: {  	[tilespmem:$0xAE00] =	vst v2  }
0x4a: {  	[tilespmem:$0xAE10] =	vst v2  }
0x4b: {  	s0 =	rddreg [dreg:$0xa];
	s1 =	simm.s32 $0xA530;
	[tilespmem:$0xAE20] =	vst v2  }
0x4c: {  	[spmem:s0] =	stream.linear.scatter [tilespmem:s1], [sflag:$0x15], $0x800, $0x38;
	[tilespmem:$0x1C6A0] =	vst v63  }
0x4d: {  	_ =	swait.ge [sflag:s31], $0x800  }
0x4e: {  	[sflag:s31] =	ssyncset.done $0x0  }
0x4f: {  	s3 =	simm.s32 $0xAD30;
	s12 =	rddreg [dreg:$0xb];
	[sflag:s31] =	ssyncadd.s32 $0xFFFFF800  }
0x50: {  	[spmem:s12] =	stream.linear.scatter [tilespmem:s3], [sflag:$0x15], $0x80, $0x38;
	[tilespmem:$0x1C6A0] =	vst v63  }
0x51: {  	_ =	swait.ge [sflag:s31], $0x80  }
0x52: {  	[sflag:s31] =	ssyncset.done $0x0  }
0x53: {  	s20 =	rddreg [dreg:$0xc];
	[sflag:s31] =	ssyncadd.s32 $0xFFFFFF80  }
0x54: {  	[spmem:s20] =	stream.linear.scatter [tilespmem:s1], [sflag:$0x15], $0x800, $0x38;
	[tilespmem:$0x1C6A0] =	vst v63  }
0x55: {  	_ =	swait.ge [sflag:s31], $0x800  }
0x56: {  	[sflag:s31] =	ssyncset.done $0x0  }
0x57: {  	s12 =	rddreg [dreg:$0xd];
	[sflag:s31] =	ssyncadd.s32 $0xFFFFF800  }
0x58: {  	[spmem:s12] =	stream.linear.scatter [tilespmem:s3], [sflag:$0x15], $0x80, $0x38;
	[tilespmem:$0x1C6A0] =	vst v63  }
0x59: {  	_ =	swait.ge [sflag:s31], $0x80  }
0x5a: {  	[sflag:s31] =	ssyncset.done $0x0  }
0x5b: {  	s20 =	rddreg [dreg:$0xe];
	[sflag:s31] =	ssyncadd.s32 $0xFFFFFF80  }
0x5c: {  	[spmem:s20] =	stream.linear.scatter [tilespmem:s1], [sflag:$0x15], $0x800, $0x38;
	[tilespmem:$0x1C6A0] =	vst v63  }
0x5d: {  	_ =	swait.ge [sflag:s31], $0x800  }
0x5e: {  	[sflag:s31] =	ssyncset.done $0x0  }
0x5f: {  	s12 =	rddreg [dreg:$0xf];
	[sflag:s31] =	ssyncadd.s32 $0xFFFFF800  }
0x60: {  	[spmem:s12] =	stream.linear.scatter [tilespmem:s3], [sflag:$0x15], $0x80, $0x38;
	[tilespmem:$0x1C6A0] =	vst v63  }
0x61: {  	_ =	swait.ge [sflag:s31], $0x80  }
0x62: {  	[sflag:s31] =	ssyncset.done $0x0  }
0x63: {  	s20 =	rddreg [dreg:$0x12];
	[sflag:s31] =	ssyncadd.s32 $0xFFFFFF80  }
0x64: {  	[spmem:s20] =	stream.linear.scatter [tilespmem:s1], [sflag:$0x15], $0x800, $0x38;
	[tilespmem:$0x1C6A0] =	vst v63  }
0x65: {  	_ =	swait.ge [sflag:s31], $0x800  }
0x66: {  	[sflag:s31] =	ssyncset.done $0x0  }
0x67: {  	s12 =	rddreg [dreg:$0x13];
	[sflag:s31] =	ssyncadd.s32 $0xFFFFF800  }
0x68: {  	[spmem:s12] =	stream.linear.scatter [tilespmem:s3], [sflag:$0x15], $0x80, $0x38;
	[tilespmem:$0x1C6A0] =	vst v63  }
0x69: {  	_ =	swait.ge [sflag:s31], $0x80  }
0x6a: {  	[sflag:s31] =	ssyncset.done $0x0  }
0x6b: {  	s20 =	rddreg [dreg:$0x14];
	[sflag:s31] =	ssyncadd.s32 $0xFFFFFF80  }
0x6c: {  	[spmem:s20] =	stream.linear.scatter [tilespmem:s1], [sflag:$0x15], $0x800, $0x38;
	[tilespmem:$0x1C6A0] =	vst v63  }
0x6d: {  	_ =	swait.ge [sflag:s31], $0x800  }
0x6e: {  	[sflag:s31] =	ssyncset.done $0x0  }
0x6f: {  	s1 =	rddreg [dreg:$0x15];
	[sflag:s31] =	ssyncadd.s32 $0xFFFFF800  }
0x70: {  	[spmem:s1] =	stream.linear.scatter [tilespmem:s3], [sflag:$0x15], $0x80, $0x38;
	[tilespmem:$0x1C6A0] =	vst v63  }
0x71: {  	_ =	swait.ge [sflag:s31], $0x80  }
0x72: {  	[sflag:s31] =	ssyncset.done $0x0  }
0x73: {  	[sflag:s31] =	ssyncadd.s32 $0xFFFFFF80  }
0x74: {  	[bflag:$0x0] =	sbarrier.arrive $0xFFFF  }
0x75: {  	[spmem:s4] =	stream.indirect.scatter.add.f32 [tilespmem:s11], [sflag:$0xD], $0x1, s6, s10, $0xb8;
	[tilespmem:$0x1C6A0] =	vst v63  }
0x76: {  	_ = 	snop  }
0x77: {  	[spmem:s4] =	stream.indirect.scatter.add.f32 [tilespmem:s11], [sflag:$0xE], $0x1, s25, s10, $0xb8;
	[tilespmem:$0x1C6A0] =	vst v63  }
0x78: {  	_ = 	snop  }
0x79: {  	[spmem:s4] =	stream.indirect.scatter.add.f32 [tilespmem:s11], [sflag:$0xF], $0x1, s26, s10, $0xb8;
	[tilespmem:$0x1C6A0] =	vst v63  }
0x7a: {  	s12 =	simm.s32 $0x2890  }
0x7b: {  	[spmem:s4] =	stream.indirect.scatter.add.f32 [tilespmem:s11], [sflag:$0x10], $0x1, s12, s10, $0xb8;
	[tilespmem:$0x1C6A0] =	vst v63  }
0x7c: {  	s20 =	simm.s32 $0x2910  }
0x7d: {  	[spmem:s4] =	stream.indirect.scatter.add.f32 [tilespmem:s11], [sflag:$0x11], $0x1, s20, s10, $0xb8;
	[tilespmem:$0x1C6A0] =	vst v63  }
0x7e: {  	s1 =	simm.s32 $0x2990;
	s20 =	simm.s32 $0x8  }
0x7f: {  	[spmem:s4] =	stream.indirect.scatter.add.f32 [tilespmem:s11], [sflag:$0x12], $0x1, s1, s10, $0xb8;
	[tilespmem:$0x1C6A0] =	vst v63  }
0x80: {  	s3 =	simm.s32 $0x2A10;
	s1 =	sand.u32 $0x7, s20  }
0x81: {  	[spmem:s4] =	stream.indirect.scatter.add.f32 [tilespmem:s11], [sflag:$0x13], $0x1, s3, s10, $0xb8;
	[tilespmem:$0x1C6A0] =	vst v63  }
0x82: {  	s12 =	simm.s32 $0x2A90;
	s1 =	sadd.s32 $0xD, s1  }
0x83: {  	[spmem:s4] =	stream.indirect.scatter.add.f32 [tilespmem:s11], [sflag:$0x14], $0x1, s12, s10, $0xb8;
	[tilespmem:$0x1C6A0] =	vst v63  }
0x84: {  	s12 =	simm.s32 $0x9;
	_ =	swait.ge [sflag:s1], $0x80  }
0x85: {  	s12 =	sand.u32 $0x7, s12;
	[sflag:s1] =	ssyncset.done $0x0  }
0x86: {  	s3 =	simm.s32 $0x2B10;
	s12 =	sadd.s32 $0xD, s12;
	[sflag:s1] =	ssyncadd.s32 $0xFFFFFF80  }
0x87: {  	[spmem:s4] =	stream.indirect.scatter.add.f32 [tilespmem:s11], [sflag:s1], $0x1, s3, s10, $0xb8;
	[tilespmem:$0x1C6A0] =	vst v63  }
0x88: {  	s1 =	simm.s32 $0xA;
	_ =	swait.ge [sflag:s12], $0x80  }
.LBB2_4:
0x89: {  	s20 =	sand.u32 $0x7, s1  }
0x8a: {  	[sflag:s12] =	ssyncset.done $0x0;
	s3 =	sadd.s32 $0x80, s3;
	p0 =	sne.s32 s1, $0x4D  }
.Ltmp1:
0x8b: {  	s20 =	sadd.s32 $0xD, s20;
	[sflag:s12] =	ssyncadd.s32 $0xFFFFFF80;
	(pc) =	sbr.rel @p0 .LBB2_4-.Ltmp1, $3  }
0x8c: {  	[spmem:s4] =	stream.indirect.scatter.add.f32 [tilespmem:s11], [sflag:s12], $0x1, s3, s10, $0xb8;
	[tilespmem:$0x1C6A0] =	vst v63  }
0x8d: {  	s12 =	smov.u32 s20;
	_ =	swait.ge [sflag:s20], $0x80;
	_ =	sdelay $0x1  }
0x8e: {  	s1 =	sadd.s32 $0x1, s1  }
0x8f: {  	[sflag:s12] =	ssyncset.done $0x0  }
0x90: {  	s1 =	sadd.s32 $0x80, s3;
	[sflag:s12] =	ssyncadd.s32 $0xFFFFFF80  }
0x91: {  	[spmem:s4] =	stream.indirect.scatter.add.f32 [tilespmem:s11], [sflag:s12], $0x1, s1, s10, $0xb8;
	[tilespmem:$0x1C6A0] =	vst v63  }
0x92: {  	_ =	swait.ge [sflag:s13], $0x80  }
0x93: {  	[sflag:s13] =	ssyncset.done $0x0  }
0x94: {  	[sflag:s13] =	ssyncadd.s32 $0xFFFFFF80  }
0x95: {  	_ =	swait.ge [sflag:s14], $0x80  }
0x96: {  	[sflag:s14] =	ssyncset.done $0x0  }
0x97: {  	[sflag:s14] =	ssyncadd.s32 $0xFFFFFF80  }
0x98: {  	_ =	swait.ge [sflag:s15], $0x80  }
0x99: {  	[sflag:s15] =	ssyncset.done $0x0  }
0x9a: {  	[sflag:s15] =	ssyncadd.s32 $0xFFFFFF80  }
0x9b: {  	_ =	swait.ge [sflag:s16], $0x80  }
0x9c: {  	[sflag:s16] =	ssyncset.done $0x0  }
0x9d: {  	[sflag:s16] =	ssyncadd.s32 $0xFFFFFF80  }
0x9e: {  	_ =	swait.ge [sflag:s17], $0x80  }
0x9f: {  	[sflag:s17] =	ssyncset.done $0x0  }
0xa0: {  	[sflag:s17] =	ssyncadd.s32 $0xFFFFFF80  }
0xa1: {  	_ =	swait.ge [sflag:s18], $0x80  }
0xa2: {  	[sflag:s18] =	ssyncset.done $0x0  }
0xa3: {  	[sflag:s18] =	ssyncadd.s32 $0xFFFFFF80  }
0xa4: {  	_ =	swait.ge [sflag:s9], $0x80  }
0xa5: {  	[sflag:s9] =	ssyncset.done $0x0  }
0xa6: {  	[sflag:s9] =	ssyncadd.s32 $0xFFFFFF80  }
0xa7: {  	_ =	swait.ge [sflag:s19], $0x80  }
0xa8: {  	[sflag:s19] =	ssyncset.done $0x0  }
0xa9: {  	[sflag:s19] =	ssyncadd.s32 $0xFFFFFF80  }
0xaa: {  	[spmem:s4] =	stream.indirect.scatter.add.f32 [tilespmem:s11], [sflag:$0x13], $0x1, s21, s18, $0xb8;
	[tilespmem:$0x1C6A0] =	vst v63  }
0xab: {  	_ =	swait.ge [sflag:s13], $0x10  }
0xac: {  	[sflag:s13] =	ssyncset.done $0x0  }
0xad: {  	[sflag:s13] =	ssyncadd.s32 $0xFFFFFFF0  }
0xae: {  	[spmem:s4] =	stream.indirect.scatter.add.f32 [tilespmem:s11], [sflag:$0xD], $0x1, s8, s10, $0xb8;
	[tilespmem:$0x1C6A0] =	vst v63  }
0xaf: {  	s0 =	simm.s32 $0x4EA0  }
0xb0: {  	[spmem:s4] =	stream.indirect.scatter.add.f32 [tilespmem:s11], [sflag:$0xE], $0x1, s0, s10, $0xb8;
	[tilespmem:$0x1C6A0] =	vst v63  }
0xb1: {  	s20 =	simm.s32 $0x4F20  }
0xb2: {  	[spmem:s4] =	stream.indirect.scatter.add.f32 [tilespmem:s11], [sflag:$0xF], $0x1, s20, s10, $0xb8;
	[tilespmem:$0x1C6A0] =	vst v63  }
0xb3: {  	s21 =	simm.s32 $0x4FA0  }
0xb4: {  	[spmem:s4] =	stream.indirect.scatter.add.f32 [tilespmem:s11], [sflag:$0x10], $0x1, s21, s10, $0xb8;
	[tilespmem:$0x1C6A0] =	vst v63  }
0xb5: {  	s1 =	simm.s32 $0x5020  }
0xb6: {  	[spmem:s4] =	stream.indirect.scatter.add.f32 [tilespmem:s11], [sflag:$0x11], $0x1, s1, s10, $0xb8;
	[tilespmem:$0x1C6A0] =	vst v63  }
0xb7: {  	s3 =	simm.s32 $0x50A0;
	s20 =	simm.s32 $0x8  }
0xb8: {  	[spmem:s4] =	stream.indirect.scatter.add.f32 [tilespmem:s11], [sflag:$0x12], $0x1, s3, s10, $0xb8;
	[tilespmem:$0x1C6A0] =	vst v63  }
0xb9: {  	s8 =	simm.s32 $0x5120;
	s1 =	sand.u32 $0x7, s20  }
0xba: {  	[spmem:s4] =	stream.indirect.scatter.add.f32 [tilespmem:s11], [sflag:$0x13], $0x1, s8, s10, $0xb8;
	[tilespmem:$0x1C6A0] =	vst v63  }
0xbb: {  	s12 =	simm.s32 $0x51A0;
	s1 =	sadd.s32 $0xD, s1  }
0xbc: {  	[spmem:s4] =	stream.indirect.scatter.add.f32 [tilespmem:s11], [sflag:$0x14], $0x1, s12, s10, $0xb8;
	[tilespmem:$0x1C6A0] =	vst v63  }
0xbd: {  	s21 =	simm.s32 $0x9;
	_ =	swait.ge [sflag:s1], $0x80  }
0xbe: {  	s12 =	sand.u32 $0x7, s21;
	[sflag:s1] =	ssyncset.done $0x0  }
0xbf: {  	s3 =	simm.s32 $0x5220;
	s12 =	sadd.s32 $0xD, s12;
	[sflag:s1] =	ssyncadd.s32 $0xFFFFFF80  }
0xc0: {  	[spmem:s4] =	stream.indirect.scatter.add.f32 [tilespmem:s11], [sflag:s1], $0x1, s3, s10, $0xb8;
	[tilespmem:$0x1C6A0] =	vst v63  }
0xc1: {  	s1 =	simm.s32 $0xA;
	_ =	swait.ge [sflag:s12], $0x80  }
.LBB2_6:
0xc2: {  	s20 =	sand.u32 $0x7, s1  }
0xc3: {  	[sflag:s12] =	ssyncset.done $0x0;
	s3 =	sadd.s32 $0x80, s3;
	p0 =	sne.s32 s1, $0x4D  }
.Ltmp2:
0xc4: {  	s20 =	sadd.s32 $0xD, s20;
	[sflag:s12] =	ssyncadd.s32 $0xFFFFFF80;
	(pc) =	sbr.rel @p0 .LBB2_6-.Ltmp2, $3  }
0xc5: {  	[spmem:s4] =	stream.indirect.scatter.add.f32 [tilespmem:s11], [sflag:s12], $0x1, s3, s10, $0xb8;
	[tilespmem:$0x1C6A0] =	vst v63  }
0xc6: {  	s12 =	smov.u32 s20;
	_ =	swait.ge [sflag:s20], $0x80;
	_ =	sdelay $0x1  }
0xc7: {  	s1 =	sadd.s32 $0x1, s1  }
0xc8: {  	[sflag:s12] =	ssyncset.done $0x0  }
0xc9: {  	s1 =	sadd.s32 $0x80, s3;
	[sflag:s12] =	ssyncadd.s32 $0xFFFFFF80  }
0xca: {  	[spmem:s4] =	stream.indirect.scatter.add.f32 [tilespmem:s11], [sflag:s12], $0x1, s1, s10, $0xb8;
	[tilespmem:$0x1C6A0] =	vst v63  }
0xcb: {  	_ =	swait.ge [sflag:s13], $0x80  }
0xcc: {  	[sflag:s13] =	ssyncset.done $0x0  }
0xcd: {  	[sflag:s13] =	ssyncadd.s32 $0xFFFFFF80  }
0xce: {  	_ =	swait.ge [sflag:s14], $0x80  }
0xcf: {  	[sflag:s14] =	ssyncset.done $0x0  }
0xd0: {  	[sflag:s14] =	ssyncadd.s32 $0xFFFFFF80  }
0xd1: {  	_ =	swait.ge [sflag:s15], $0x80  }
0xd2: {  	[sflag:s15] =	ssyncset.done $0x0  }
0xd3: {  	[sflag:s15] =	ssyncadd.s32 $0xFFFFFF80  }
0xd4: {  	_ =	swait.ge [sflag:s16], $0x80  }
0xd5: {  	[sflag:s16] =	ssyncset.done $0x0  }
0xd6: {  	[sflag:s16] =	ssyncadd.s32 $0xFFFFFF80  }
0xd7: {  	_ =	swait.ge [sflag:s17], $0x80  }
0xd8: {  	[sflag:s17] =	ssyncset.done $0x0  }
0xd9: {  	[sflag:s17] =	ssyncadd.s32 $0xFFFFFF80  }
0xda: {  	_ =	swait.ge [sflag:s18], $0x80  }
0xdb: {  	[sflag:s18] =	ssyncset.done $0x0  }
0xdc: {  	[sflag:s18] =	ssyncadd.s32 $0xFFFFFF80  }
0xdd: {  	_ =	swait.ge [sflag:s9], $0x80  }
0xde: {  	[sflag:s9] =	ssyncset.done $0x0  }
0xdf: {  	[sflag:s9] =	ssyncadd.s32 $0xFFFFFF80  }
0xe0: {  	_ =	swait.ge [sflag:s19], $0x80  }
0xe1: {  	[sflag:s19] =	ssyncset.done $0x0  }
0xe2: {  	s0 =	simm.s32 $0x7520;
	[sflag:s19] =	ssyncadd.s32 $0xFFFFFF80  }
0xe3: {  	[spmem:s4] =	stream.indirect.scatter.add.f32 [tilespmem:s11], [sflag:$0x13], $0x1, s0, s18, $0xb8;
	[tilespmem:$0x1C6A0] =	vst v63  }
0xe4: {  	_ =	swait.ge [sflag:s13], $0x10  }
0xe5: {  	[sflag:s13] =	ssyncset.done $0x0  }
0xe6: {  	[sflag:s13] =	ssyncadd.s32 $0xFFFFFFF0  }
0xe7: {  	[bflag:$0x0] =	sbarrier.arrive $0xFFFF  }
0xe8: {  	s21 =	simm.s32 $0xAE30;
	s20 =	rddreg [dreg:$0x16]  }
0xe9: {  	[tilespmem:s21], [sflag:$0x15] =	stream.linear.gather [spmem:s20], $0x280, $0x38;
	[tilespmem:$0x1C6A0] =	vst v63  }
0xea: {  	_ =	swait.ge [sflag:s31], $0x280  }
0xeb: {  	[sflag:s31] =	ssyncset.done $0x0  }
0xec: {  	s20 =	simm.s32 $0x0;
	s1 =	rddreg [dreg:$0x17];
	[sflag:s31] =	ssyncadd.s32 $0xFFFFFD80  }
0xed: {  	[tilespmem:s29], [sflag:$0x15] =	stream.linear.gather [hbm4b:s1+s20], $0x2710, $0x38;
	[tilespmem:$0x1C6A0] =	vst v63  }
0xee: {  	_ =	swait.ge [sflag:s31], $0x2710  }
0xef: {  	[sflag:s31] =	ssyncset.done $0x0  }
0xf0: {  	s3 =	rddreg [dreg:$0x18];
	[sflag:s31] =	ssyncadd.s32 $0xFFFFD8F0  }
0xf1: {  	[tilespmem:s23], [sflag:$0x15] =	stream.linear.gather [hbm4b:s3+s20], $0x2710, $0x38;
	[tilespmem:$0x1C6A0] =	vst v63  }
0xf2: {  	_ =	swait.ge [sflag:s31], $0x2710  }
0xf3: {  	[sflag:s31] =	ssyncset.done $0x0  }
0xf4: {  	s12 =	simm.s32 $0x15160;
	s8 =	rddreg [dreg:$0x10];
	[sflag:s31] =	ssyncadd.s32 $0xFFFFD8F0  }
0xf5: {  	[tilespmem:s12], [sflag:$0x15] =	stream.linear.gather [hbm4b:s8+s20], $0x2710, $0x38;
	[tilespmem:$0x1C6A0] =	vst v63  }
0xf6: {  	_ =	swait.ge [sflag:s31], $0x2710  }
0xf7: {  	[sflag:s31] =	ssyncset.done $0x0  }
0xf8: {  	[sflag:s31] =	ssyncadd.s32 $0xFFFFD8F0  }
0xf9: {  	s23 =	simm.s32 $0x1C690;
	s21 =	rddreg [dreg:$0x1]  }
0xfa: {  	[tilespmem:s23], [sflag:$0x15] =	stream.linear.gather [hbm4b:s21+s20], $0x10, $0x38;
	[tilespmem:$0x1C6A0] =	vst v63  }
0xfb: {  	_ =	swait.ge [sflag:s31], $0x10  }
0xfc: {  	[sflag:s31] =	ssyncset.done $0x0  }
0xfd: {  	[sflag:s31] =	ssyncadd.s32 $0xFFFFFFF0  }
0xfe: {  	s23 =	rddreg [dreg:$0x19];
	v3 =	vld [tilespmem:$0x1C690]  }
0xff: {  	s21 =	simm.s32 $0x40;
	v4 =	vld [tilespmem:s23+$0x0]  }
.LBB2_8:
0x100: {  	p0 =	sne.s32 s21, $0x9C00;
	_ =	sdelay $0x3  }
0x101: {  	(v2sf) =	vpush v4, $0x0;
	_ =	sdelay $0xe  }
0x102: {  	s1 =	spop (v2sf)  }
0x103: {  	s1 =	sadd.f32 $1.000000000e+00, s1;
	_ =	sdelay $0x1  }
0x104: {  	v4 =	vmov s1  }
0x105: {  	v5 =	vshrl.u32 v4, $0x1;
	v4 =	vmul.f32 $5.000000000e-01, v4  }
0x106: {  	v5 =	vsub.s32 $0x5F3759DF, v5  }
0x107: {  	v6 =	vmul.f32 v5, v4;
	_ =	sdelay $0x1  }
0x108: {  	v6 =	vmul.f32 v5, v6;
	_ =	sdelay $0x1  }
0x109: {  	v6 =	vsub.f32 $1.500000000e+00, v6;
	_ =	sdelay $0x1  }
0x10a: {  	v5 =	vmul.f32 v5, v6;
	_ =	sdelay $0x1  }
0x10b: {  	v4 =	vmul.f32 v5, v4  }
0x10c: {  	s1 =	sshra.s32 s20, $0x2;
	s20 =	smov.u32 s21  }
0x10d: {  	v4 =	vmul.f32 v4, v5;
	v6 =	vld [tilespmem:s1+$0x12A50]  }
0x10e: {  	v7 =	vld [tilespmem:s1+$0x15160]  }
0x10f: {  	v4 =	vsub.f32 $1.500000000e+00, v4  }
0x110: {  	v8 =	vld [tilespmem:s1+$0xB0C0]  }
0x111: {  	v4 =	vmul.f32 v4, v5;
	_ =	sdelay $0x1  }
0x112: {  	v5 =	vadd.f32 v7, v6;
	v6 =	vmul.f32 v4, v4;
	[tilespmem:s1+$0x19F80] =	vst v4;
	_ =	sdelay $0x1  }
0x113: {  	v5 =	vmul.f32 v4, v5;
	v6 =	vmul.f32 v6, v8;
	_ =	sdelay $0x1  }
0x114: {  	v5 =	vadd.f32 v6, v5;
	_ =	sdelay $0x1  }
0x115: {  	v5 =	vadd.f32 v5, v3;
	_ =	sdelay $0x1  }
0x116: {  	v5 =	vmax.f32 v5, $0.0e+00  }
0x117: {  	v5 =	vmul.f32 v5, v4  }
.Ltmp3:
0x118: {  	(pc) =	sbr.rel @p0 .LBB2_8-.Ltmp3, $3  }
0x119: {  	[tilespmem:s1+$0xB0C0] =	vst v5;
	v4 =	vmul.f32 v5, v4;
	_ =	sdelay $0x1  }
0x11a: {  	s23 =	sadd.s32 $0x1, s23;
	[tilespmem:s1+$0x17870] =	vst v4  }
0x11b: {  	s21 =	sadd.s32 $0x40, s21;
	v4 =	vld [tilespmem:s23+$0x0]  }
0x11c: {  	_ =	sdelay $0x3  }
0x11d: {  	(v2sf) =	vpush v4, $0x0;
	_ =	sdelay $0xe  }
0x11e: {  	s1 =	spop (v2sf)  }
0x11f: {  	s1 =	sadd.f32 $1.000000000e+00, s1;
	_ =	sdelay $0x1  }
0x120: {  	v60 =	vmov s1  }
0x121: {  	v5 =	vshrl.u32 v60, $0x1;
	v4 =	vmul.f32 $5.000000000e-01, v60  }
0x122: {  	v5 =	vsub.s32 $0x5F3759DF, v5  }
0x123: {  	v6 =	vmul.f32 v5, v4;
	_ =	sdelay $0x1  }
0x124: {  	v6 =	vmul.f32 v5, v6;
	_ =	sdelay $0x1  }
0x125: {  	v6 =	vsub.f32 $1.500000000e+00, v6;
	_ =	sdelay $0x1  }
0x126: {  	v5 =	vmul.f32 v5, v6;
	_ =	sdelay $0x1  }
0x127: {  	v4 =	vmul.f32 v5, v4  }
0x128: {  	s20 =	sshra.s32 s20, $0x2  }
0x129: {  	v61 =	vld [tilespmem:s20+$0x12A50];
	v4 =	vmul.f32 v4, v5  }
0x12a: {  	v7 =	vld [tilespmem:s20+$0x15160]  }
0x12b: {  	v4 =	vsub.f32 $1.500000000e+00, v4  }
0x12c: {  	v8 =	vld [tilespmem:s20+$0xB0C0]  }
0x12d: {  	v4 =	vmul.f32 v4, v5;
	_ =	sdelay $0x1  }
0x12e: {  	v62 =	vadd.f32 v7, v61;
	v63 =	vmul.f32 v4, v4;
	_ =	sdelay $0x1  }
0x12f: {  	v5 =	vmul.f32 v4, v62;
	v6 =	vmul.f32 v63, v8;
	_ =	sdelay $0x1  }
0x130: {  	v5 =	vadd.f32 v6, v5;
	_ =	sdelay $0x1  }
0x131: {  	v3 =	vadd.f32 v5, v3;
	_ =	sdelay $0x1  }
0x132: {  	v3 =	vmax.f32 v3, $0.0e+00  }
0x133: {  	v3 =	vmul.f32 v3, v4;
	_ =	sdelay $0x1  }
0x134: {  	[tilespmem:s20+$0x19F80] =	vst v4;
	v4 =	vmul.f32 v3, v4  }
0x135: {  	[tilespmem:s20+$0xB0C0] =	vst v3  }
0x136: {  	s0 =	rddreg [dreg:$0x1a];
	[tilespmem:s20+$0x17870] =	vst v4  }
0x137: {  	[spmem:s0] =	stream.linear.scatter [tilespmem:s29], [sflag:$0x15], $0x2710, $0x38;
	[tilespmem:$0x1C6A0] =	vst v63  }
0x138: {  	_ =	swait.ge [sflag:s31], $0x2710  }
0x139: {  	[sflag:s31] =	ssyncset.done $0x0  }
0x13a: {  	[sflag:s31] =	ssyncadd.s32 $0xFFFFD8F0  }
0x13b: {  	[bflag:$0x0] =	sbarrier.arrive $0xFFFF  }
0x13c: {  	[tilespmem:s30], [sflag:$0x1] =	stream.indirect.gather [spmem:s5], $0x10, s22, s10, $0xb8;
	[tilespmem:$0x1C6A0] =	vst v63  }
0x13d: {  	s21 =	simm.s32 $0x7D30  }
0x13e: {  	[tilespmem:s21], [sflag:$0x2] =	stream.indirect.gather [spmem:s5], $0x10, s10, s10, $0xb8;
	[tilespmem:$0x1C6A0] =	vst v63  }
0x13f: {  	s3 =	simm.s32 $0x8530;
	s22 =	simm.s32 $0x100  }
0x140: {  	[tilespmem:s3], [sflag:$0x3] =	stream.indirect.gather [spmem:s5], $0x10, s22, s10, $0xb8;
	[tilespmem:$0x1C6A0] =	vst v63  }
0x141: {  	s23 =	simm.s32 $0x180;
	s8 =	simm.s32 $0x8D30  }
0x142: {  	[tilespmem:s8], [sflag:$0x4] =	stream.indirect.gather [spmem:s5], $0x10, s23, s10, $0xb8;
	[tilespmem:$0x1C6A0] =	vst v63  }
0x143: {  	_ =	swait.ge [sflag:s28], $0x800  }
0x144: {  	[sflag:s28] =	ssyncset.done $0x0  }
0x145: {  	s12 =	simm.s32 $0x2;
	[sflag:s28] =	ssyncadd.s32 $0xFFFFF800  }
0x146: {  	[spmem:s2] =	stream.indirect.scatter.add.f32 [tilespmem:s30], [sflag:$0x7], $0x10, s6, s10, $0xb8;
	[tilespmem:$0x1C6A0] =	vst v63  }
0x147: {  	s8 =	simm.s32 $0x9530;
	s23 =	simm.s32 $0x0;
	s6 =	simm.s32 $0x200  }
0x148: {  	[tilespmem:s8], [sflag:$0x5] =	stream.indirect.gather [spmem:s5], $0x10, s6, s10, $0xb8;
	[tilespmem:$0x1C6A0] =	vst v63  }
0x149: {  	s1 =	smul.u32 $0x2B, s23;
	_ =	swait.ge [sflag:s12], $0x800  }
0x14a: {  	s20 =	simm.s32 $0x280;
	[sflag:s12] =	ssyncset.done $0x0  }
0x14b: {  	[sflag:s12] =	ssyncadd.s32 $0xFFFFF800;
	s12 =	sshrl.u32 s1, $0x1F;
	s1 =	sshrl.u32 s1, $0x8  }
0x14c: {  	[spmem:s2] =	stream.indirect.scatter.add.f32 [tilespmem:s21], [sflag:$0x8], $0x10, s25, s10, $0xb8;
	[tilespmem:$0x1C6A0] =	vst v63  }
0x14d: {  	s22 =	simm.s32 $0x3;
	s21 =	simm.s32 $0x9D30;
	s1 =	sadd.s32 s12, s1  }
0x14e: {  	[tilespmem:s21], [sflag:$0x6] =	stream.indirect.gather [spmem:s5], $0x10, s20, s10, $0xb8;
	[tilespmem:$0x1C6A0] =	vst v63  }
0x14f: {  	s1 =	smul.u32 $0x6, s1;
	_ =	swait.ge [sflag:s22], $0x800  }
0x150: {  	[sflag:s22] =	ssyncset.done $0x0  }
0x151: {  	s25 =	simm.s32 $0x6;
	s1 =	ssub.s32 $0x0, s1;
	[sflag:s22] =	ssyncadd.s32 $0xFFFFF800  }
0x152: {  	[spmem:s2] =	stream.indirect.scatter.add.f32 [tilespmem:s3], [sflag:$0x9], $0x10, s26, s10, $0xb8;
	[tilespmem:$0x1C6A0] =	vst v63  }
0x153: {  	s1 =	sshll.u32 s1, $0x18;
	s3 =	smul.u32 $0xAB, s25;
	s26 =	simm.s32 $0x3  }
0x154: {  	s1 =	sshra.s32 s1, $0x18;
	s12 =	smul.u32 $0x2B, s26  }
0x155: {  	s0 =	simm.s32 $0x300;
	p0 =	slt.s32 s1, $0x0;
	s3 =	sshrl.u32 s3, $0xA  }
0x156: {  	s3 =	sand.u32 $0x3F, s3;
	s21 =	sshrl.u32 s12, $0x1F;
	s12 =	sshrl.u32 s12, $0x8  }
0x157: {  	s3 =	smul.u32 $0x6, s3;
	s12 =	sadd.s32 s21, s12;
	s21 =	sadd.s32 $0x6, s1  }
0x158: {  	s29 =	simm.s32 $0x1;
	s12 =	smul.u32 $0x6, s12;
	s1 =	smov.u32 @p0 s21  }
0x159: {  	s23 =	simm.s32 $0x2890;
	s3 =	ssub.s32 $0x6, s3;
	s1 =	sadd.s32 $0x7, s1  }
0x15a: {  	s3 =	sand.u32 $0xFF, s3;
	s12 =	ssub.s32 $0x3, s12;
	_ =	swait.ge [sflag:s1], $0x800  }
0x15b: {  	s6 =	sshll.u32 s3, $0xB;
	s12 =	sshll.u32 s12, $0x18;
	[sflag:s1] =	ssyncset.done $0x0  }
0x15c: {  	s3 =	sadd.s32 $0x1, s3;
	s8 =	sadd.s32 $0x7530, s6;
	s22 =	sshra.s32 s12, $0x18  }
0x15d: {  	[sflag:s1] =	ssyncadd.s32 $0xFFFFF800;
	p0 =	slt.s32 s22, $0x0;
	s1 =	sadd.s32 $0x6, s22  }
0x15e: {  	[tilespmem:s8], [sflag:s3] =	stream.indirect.gather [spmem:s5], $0x10, s0, s10, $0xb8;
	[tilespmem:$0x1C6A0] =	vst v63  }
0x15f: {  	s30 =	simm.s32 $0x7;
	s20 =	simm.s32 $0x2910;
	s22 =	smov.u32 @p0 s1  }
0x160: {  	s26 =	simm.s32 $0x8;
	s25 =	sadd.s32 $0x1, s22;
	s1 =	sshll.u32 s22, $0xD  }
0x161: {  	s21 =	simm.s32 $0x380;
	_ =	swait.ge [sflag:s25], $0x800;
	s1 =	sshra.s32 s1, $0x2  }
.LBB2_10:
0x162: {  	s6 =	sshll.u32 s29, $0x18;
	s22 =	sadd.s32 $0x7, s22  }
0x163: {  	s0 =	smov.u32 s26;
	s3 =	sadd.s32 $0x1, s26;
	s12 =	smov.u32 s21  }
0x164: {  	s1 =	sadd.s32 $0x7530, s1;
	s6 =	sshra.s32 s6, $0x18;
	[sflag:s25] =	ssyncset.done $0x0  }
0x165: {  	s8 =	sadd.s32 $0xFFFFFFFD, s30;
	s6 =	smul.u32 $0x2B, s6;
	[sflag:s25] =	ssyncadd.s32 $0xFFFFF800  }
0x166: {  	[spmem:s2] =	stream.indirect.scatter.add.f32 [tilespmem:s1], [sflag:s22], $0x10, s23, s10, $0xb8;
	[tilespmem:$0x1C6A0] =	vst v63  }
0x167: {  	s22 =	sshll.u32 s8, $0x18;
	s1 =	sshrl.u32 s6, $0x1F;
	s6 =	sshrl.u32 s6, $0x8  }
0x168: {  	s22 =	sshra.s32 s22, $0x18;
	s1 =	sadd.s32 s1, s6;
	s6 =	smul.u32 $0xAB, s30  }
0x169: {  	p0 =	sne.s32 s26, $0x4D;
	s23 =	smov.u32 s20;
	s1 =	smul.u32 $0x6, s1  }
0x16a: {  	s22 =	smul.u32 $0x2B, s22;
	s6 =	sshrl.u32 s6, $0xA  }
0x16b: {  	s1 =	ssub.s32 s29, s1;
	s6 =	sand.u32 $0x3F, s6  }
0x16c: {  	s25 =	sshrl.u32 s22, $0x1F;
	s22 =	sshrl.u32 s22, $0x8;
	s1 =	sshll.u32 s1, $0x18  }
0x16d: {  	s22 =	sadd.s32 s25, s22;
	s6 =	smul.u32 $0x6, s6;
	s1 =	sshra.s32 s1, $0x18  }
0x16e: {  	s22 =	smul.u32 $0x6, s22;
	p1 =	slt.s32 s1, $0x0;
	s25 =	sadd.s32 $0x6, s1  }
0x16f: {  	s6 =	ssub.s32 s30, s6;
	s30 =	smov.u32 s0;
	s1 =	smov.u32 @p1 s25  }
0x170: {  	s0 =	sadd.s32 $0x7, s1;
	s1 =	sand.u32 $0xFF, s6;
	s6 =	ssub.s32 s8, s22  }
0x171: {  	_ =	swait.ge [sflag:s0], $0x800;
	s8 =	sshll.u32 s1, $0xB;
	s6 =	sshll.u32 s6, $0x18  }
0x172: {  	[sflag:s0] =	ssyncset.done $0x0;
	s8 =	sadd.s32 $0x7530, s8;
	s22 =	sshra.s32 s6, $0x18  }
0x173: {  	s21 =	sadd.s32 $0x80, s21;
	[sflag:s0] =	ssyncadd.s32 $0xFFFFF800  }
.Ltmp4:
0x174: {  	p1 =	slt.s32 s22, $0x0;
	s0 =	sadd.s32 $0x6, s22;
	(pc) =	sbr.rel @p0 .LBB2_10-.Ltmp4, $4  }
0x175: {  	s26 =	smov.u32 s3;
	s1 =	sadd.s32 $0x1, s1;
	s22 =	smov.u32 @p1 s0  }
0x176: {  	[tilespmem:s8], [sflag:s1] =	stream.indirect.gather [spmem:s5], $0x10, s12, s10, $0xb8;
	[tilespmem:$0x1C6A0] =	vst v63  }
0x177: {  	s20 =	sadd.s32 $0x80, s20;
	s25 =	sadd.s32 $0x1, s22;
	s0 =	sshll.u32 s22, $0xD  }
0x178: {  	s29 =	sadd.s32 $0xFFFFFFFA, s30;
	s1 =	sshra.s32 s0, $0x2;
	_ =	swait.ge [sflag:s25], $0x800  }
0x179: {  	s0 =	sshll.u32 s29, $0x18  }
0x17a: {  	[sflag:s25] =	ssyncset.done $0x0;
	s3 =	sadd.s32 $0x7, s22;
	s0 =	sshra.s32 s0, $0x18  }
0x17b: {  	s1 =	sadd.s32 $0x7530, s1;
	[sflag:s25] =	ssyncadd.s32 $0xFFFFF800;
	s0 =	smul.u32 $0x2B, s0  }
0x17c: {  	[spmem:s2] =	stream.indirect.scatter.add.f32 [tilespmem:s1], [sflag:s3], $0x10, s23, s10, $0xb8;
	[tilespmem:$0x1C6A0] =	vst v63  }
0x17d: {  	s23 =	sshrl.u32 s0, $0x1F;
	s0 =	sshrl.u32 s0, $0x8  }
0x17e: {  	s0 =	sadd.s32 s23, s0  }
0x17f: {  	s0 =	smul.u32 $0x6, s0  }
0x180: {  	s6 =	smul.u32 $0xAB, s30;
	s25 =	sadd.s32 $0xFFFFFFFD, s30  }
0x181: {  	s26 =	sshll.u32 s25, $0x18;
	s0 =	ssub.s32 s29, s0  }
0x182: {  	s6 =	sshrl.u32 s6, $0xA;
	s3 =	sshra.s32 s26, $0x18;
	s0 =	sshll.u32 s0, $0x18  }
0x183: {  	s6 =	sand.u32 $0x3F, s6;
	s3 =	smul.u32 $0x2B, s3;
	s0 =	sshra.s32 s0, $0x18  }
0x184: {  	s6 =	smul.u32 $0x6, s6;
	p0 =	slt.s32 s0, $0x0;
	s8 =	sadd.s32 $0x6, s0  }
0x185: {  	s29 =	sshrl.u32 s3, $0x1F;
	s3 =	sshrl.u32 s3, $0x8;
	s0 =	smov.u32 @p0 s8  }
0x186: {  	s6 =	ssub.s32 s30, s6;
	s3 =	sadd.s32 s29, s3;
	s0 =	sadd.s32 $0x7, s0  }
0x187: {  	s6 =	sand.u32 $0xFF, s6;
	s3 =	smul.u32 $0x6, s3;
	_ =	swait.ge [sflag:s0], $0x800  }
0x188: {  	s8 =	sshll.u32 s6, $0xB;
	s6 =	sadd.s32 $0x1, s6;
	[sflag:s0] =	ssyncset.done $0x0  }
0x189: {  	s12 =	ssub.s32 s25, s3;
	[sflag:s0] =	ssyncadd.s32 $0xFFFFF800;
	s0 =	sadd.s32 $0x7530, s8  }
0x18a: {  	[tilespmem:s0], [sflag:s6] =	stream.indirect.gather [spmem:s5], $0x10, s21, s10, $0xb8;
	[tilespmem:$0x1C6A0] =	vst v63  }
0x18b: {  	s0 =	sshll.u32 s12, $0x18  }
0x18c: {  	s0 =	sshra.s32 s0, $0x18  }
0x18d: {  	p0 =	slt.s32 s0, $0x0;
	s1 =	sadd.s32 $0x6, s0  }
0x18e: {  	s0 =	smov.u32 @p0 s1  }
0x18f: {  	s1 =	sadd.s32 $0x1, s0  }
0x190: {  	s21 =	sshll.u32 s0, $0xD;
	_ =	swait.ge [sflag:s1], $0x800  }
0x191: {  	s23 =	simm.s32 $0x4;
	s3 =	sshra.s32 s21, $0x2;
	[sflag:s1] =	ssyncset.done $0x0  }
0x192: {  	s0 =	sadd.s32 $0x7, s0;
	s22 =	sadd.s32 $0x7530, s3;
	[sflag:s1] =	ssyncadd.s32 $0xFFFFF800  }
0x193: {  	[spmem:s2] =	stream.indirect.scatter.add.f32 [tilespmem:s22], [sflag:s0], $0x10, s20, s10, $0xb8;
	[tilespmem:$0x1C6A0] =	vst v63  }
0x194: {  	_ =	swait.ge [sflag:s23], $0x800  }
0x195: {  	s26 =	simm.s32 $0x4C90;
	[sflag:s23] =	ssyncset.done $0x0  }
0x196: {  	s29 =	simm.s32 $0x5;
	s25 =	simm.s32 $0x8D30;
	[sflag:s23] =	ssyncadd.s32 $0xFFFFF800  }
0x197: {  	[spmem:s2] =	stream.indirect.scatter.add.f32 [tilespmem:s25], [sflag:$0xA], $0x10, s26, s10, $0xb8;
	[tilespmem:$0x1C6A0] =	vst v63  }
0x198: {  	_ =	swait.ge [sflag:s29], $0x800  }
0x199: {  	s6 =	simm.s32 $0x6;
	[sflag:s29] =	ssyncset.done $0x0  }
0x19a: {  	s3 =	simm.s32 $0x4D10;
	s1 =	simm.s32 $0x9530;
	[sflag:s29] =	ssyncadd.s32 $0xFFFFF800  }
0x19b: {  	[spmem:s2] =	stream.indirect.scatter.add.f32 [tilespmem:s1], [sflag:$0xB], $0x10, s3, s10, $0xb8;
	[tilespmem:$0x1C6A0] =	vst v63  }
0x19c: {  	_ =	swait.ge [sflag:s6], $0x800  }
0x19d: {  	[sflag:s6] =	ssyncset.done $0x0  }
0x19e: {  	s8 =	simm.s32 $0x9D30;
	s12 =	simm.s32 $0x4D90;
	[sflag:s6] =	ssyncadd.s32 $0xFFFFF800  }
0x19f: {  	[spmem:s2] =	stream.indirect.scatter.add.f32 [tilespmem:s8], [sflag:$0xC], $0x10, s12, s10, $0xb8;
	[tilespmem:$0x1C6A0] =	vst v63  }
0x1a0: {  	_ =	swait.ge [sflag:s24], $0x800  }
0x1a1: {  	[sflag:s24] =	ssyncset.done $0x0  }
0x1a2: {  	s20 =	simm.s32 $0x8;
	[sflag:s24] =	ssyncadd.s32 $0xFFFFF800  }
0x1a3: {  	_ =	swait.ge [sflag:s20], $0x800  }
0x1a4: {  	[sflag:s20] =	ssyncset.done $0x0  }
0x1a5: {  	s21 =	simm.s32 $0x9;
	[sflag:s20] =	ssyncadd.s32 $0xFFFFF800  }
0x1a6: {  	_ =	swait.ge [sflag:s21], $0x800  }
0x1a7: {  	[sflag:s21] =	ssyncset.done $0x0  }
0x1a8: {  	s22 =	simm.s32 $0xA;
	[sflag:s21] =	ssyncadd.s32 $0xFFFFF800  }
0x1a9: {  	_ =	swait.ge [sflag:s22], $0x800  }
0x1aa: {  	[sflag:s22] =	ssyncset.done $0x0  }
0x1ab: {  	s23 =	simm.s32 $0xB;
	[sflag:s22] =	ssyncadd.s32 $0xFFFFF800  }
0x1ac: {  	_ =	swait.ge [sflag:s23], $0x800  }
0x1ad: {  	[sflag:s23] =	ssyncset.done $0x0  }
0x1ae: {  	s25 =	simm.s32 $0xC;
	[sflag:s23] =	ssyncadd.s32 $0xFFFFF800  }
0x1af: {  	_ =	swait.ge [sflag:s25], $0x800  }
0x1b0: {  	[sflag:s25] =	ssyncset.done $0x0  }
0x1b1: {  	s30 =	simm.s32 $0x7530;
	s26 =	simm.s32 $0x2700;
	[sflag:s25] =	ssyncadd.s32 $0xFFFFF800  }
0x1b2: {  	[tilespmem:s30], [sflag:$0x1] =	stream.indirect.gather [spmem:s5], $0x10, s26, s18, $0xb8;
	[tilespmem:$0x1C6A0] =	vst v63  }
0x1b3: {  	_ =	swait.ge [sflag:s28], $0x100  }
0x1b4: {  	[sflag:s28] =	ssyncset.done $0x0  }
0x1b5: {  	s21 =	simm.s32 $0x4E10;
	[sflag:s28] =	ssyncadd.s32 $0xFFFFFF00  }
0x1b6: {  	[spmem:s2] =	stream.indirect.scatter.add.f32 [tilespmem:s30], [sflag:$0x7], $0x10, s21, s18, $0xb8;
	[tilespmem:$0x1C6A0] =	vst v63  }
0x1b7: {  	_ =	swait.ge [sflag:s24], $0x100  }
0x1b8: {  	[sflag:s24] =	ssyncset.done $0x0  }
0x1b9: {  	[sflag:s24] =	ssyncadd.s32 $0xFFFFFF00  }
0x1ba: {  	[bflag:$0x0] =	sbarrier.arrive $0xFFFF  }
0x1bb: {  	s23 =	simm.s32 $0x12A50;
	s29 =	rddreg [dreg:$0x1b]  }
0x1bc: {  	[tilespmem:s23], [sflag:$0x15] =	stream.linear.gather [spmem:s29], $0x2710, $0x38;
	[tilespmem:$0x1C6A0] =	vst v63  }
0x1bd: {  	_ =	swait.ge [sflag:s31], $0x2710  }
0x1be: {  	[sflag:s31] =	ssyncset.done $0x0  }
0x1bf: {  	s3 =	simm.s32 $0x0;
	[sflag:s31] =	ssyncadd.s32 $0xFFFFD8F0  }
0x1c0: {  	v3 =	vld [tilespmem:s3+$0x19F80]  }
0x1c1: {  	s12 =	simm.s32 $0x40;
	v4 =	vld [tilespmem:s3+$0x17870]  }
.LBB2_12:
0x1c2: {  	p0 =	sne.s32 s12, $0x9C00;
	v5 =	vld [tilespmem:s3+$0x12A50];
	_ =	sdelay $0x4  }
.Ltmp5:
0x1c3: {  	v4 =	vmul.f32 v4, v0;
	v3 =	vmul.f32 v5, v3;
	(pc) =	sbr.rel @p0 .LBB2_12-.Ltmp5, $4  }
0x1c4: {  	_ = 	snop  }
0x1c5: {  	s0 =	sshra.s32 s12, $0x2;
	v5 =	vadd.f32 v4, v3  }
0x1c6: {  	v3 =	vld [tilespmem:s0+$0x19F80]  }
0x1c7: {  	s12 =	sadd.s32 $0x40, s12;
	v4 =	vld [tilespmem:s0+$0x17870];
	[tilespmem:s3+$0x12A50] =	vst v5;
	s3 =	smov.u32 s0  }
0x1c8: {  	v5 =	vld [tilespmem:s3+$0x12A50];
	_ =	sdelay $0x4  }
0x1c9: {  	v4 =	vmul.f32 v4, v0;
	v3 =	vmul.f32 v5, v3;
	_ =	sdelay $0x1  }
0x1ca: {  	v3 =	vadd.f32 v4, v3;
	_ =	sdelay $0x1  }
0x1cb: {  	s22 =	simm.s32 $0x0;
	s0 =	rddreg [dreg:$0x11];
	[tilespmem:s3+$0x12A50] =	vst v3  }
0x1cc: {  	[hbm4b:s0+s22] =	stream.linear.scatter [tilespmem:s23], [sflag:$0x15], $0x2710, $0x38;
	[tilespmem:$0x1C6A0] =	vst v63  }
0x1cd: {  	_ =	swait.ge [sflag:s31], $0x2710  }
0x1ce: {  	s7 =	sadd.s32 $0x1, s7;
	s26 =	rddreg [dreg:$0x1c]  }
0x1cf: {  	p0 =	sne.s32 s7, s26  }
.Ltmp6:
0x1d0: {  	_ = 	snop;
	(pc) =	sbr.rel @p0 .LBB2_1-.Ltmp6, $4  }
0x1d1: {  	_ = 	snop  }
0x1d2: {  	s6 =	simm.s32 $0x2710  }
0x1d3: {  	s8 =	simm.s32 $0x4E20;
	s25 =	simm.s32 $0x2790;
	[sflag:s31] =	ssyncset.done $0x0  }
0x1d4: {  	s29 =	simm.s32 $0xB0C0;
	[sflag:s31] =	ssyncadd.s32 $0xFFFFD8F0;
	s26 =	simm.s32 $0x2810  }
0x1d5: {  	_ =	sfence.sel $0x180000  }
0x1d6: {  	[bflag:$0x0] =	sbarrier.arrive $0xFFFF  }
0x1d7: {  	_ =	strace $0x9000004A  }
0x1d8: {  	s0 =	stileid.u32;
	[bflag:$0x2] =	sbarrier.arrive $0xFFFF  }
0x1d9: {  	p0 =	sne.s32 s0, $0x0;
	s0 =	rddreg [dreg:$0x6]  }
0x1da: {  	s0 =	sadd.s32 @!p0 $0x100000, s0  }
0x1db: {  	[sflag:s0] =	ssyncadd.tile.s32 @!p0 $0x1;
	_ =	shalt  }
.Lfunc_end2:
_tile_overlayer_lowered:
.L_overlay_start_2:
0x1dc: {  	(tag) =	ssettag $0x2  }
0x1dd: {  	s0 =	rddreg [dreg:$0x0];
	s2 =	stileid.u32  }
0x1de: {  	s1 =	rddreg [dreg:$0x1];
	p0 =	sne.s32 s2, $0x0  }
0x1df: {  	s3 =	rddreg [dreg:$0x2];
	[bflag:$0x3] =	sbarrier.arrive $0xFFFF;
	s2 =	simm.s32 @!p0 $0x1C15  }
0x1e0: {  	[timem:s3], [sflag:s2] =	dma.local @!p0 [hbm:s0], s1  }
0x1e1: {  	s0 =	simm.s32 @!p0 $0x15  }
0x1e2: {  	_ =	swait.ge @!p0 [sflag:s0], s1  }
0x1e3: {  	s1 =	ssub.s32 @!p0 $0x0, s1;
	[sflag:s0] =	ssyncset.done @!p0 $0x0  }
0x1e4: {  	[sflag:s0] =	ssyncadd.s32 @!p0 s1  }
0x1e5: {  	[bflag:$0x3] =	sbarrier.arrive $0xFFFF  }
0x1e6: {  	_ =	shalt  }

</sc_bundles>
